<compile_context>
chip_gen: v7x
topology: tpu7x:2x2x1
jax: 0.10.2.dev20260603
libtpu: 0.0.44.dev20260713+nightly
codegen_flags: <defaults>
</compile_context>

<pallas_src>
import dataclasses

import jax
import jax.numpy as jnp
from jax import lax
from jax.experimental import pallas as pl
from jax.experimental.pallas import tpu as pltpu
from jax.experimental.pallas import tpu_sc as plsc

_N = 10000
_D = 128
_E = 320000
_NCLS = 64

_NC = 2
_NS = 16
_NW = _NC * _NS
_CHUNK = 64
_NBUF = 4
_CW = 160
_STAGE = 64
_EPAD = _NW * _CW * _CHUNK
_NACC = 10112
_RPT = _NACC // _NS

_MESH = plsc.VectorSubcoreMesh(core_axis_name="c", subcore_axis_name="s")


def _stream_edges(h_hbm, src_hbm, dst_hbm, wid, src_v, dst_v, rows, acc,
                  sems):
    for off in range(0, _CW, _STAGE):
        stage = min(_STAGE, _CW - off)
        pltpu.sync_copy(src_hbm.at[wid].at[pl.ds(off, stage)],
                        src_v.at[pl.ds(0, stage)])
        pltpu.sync_copy(dst_hbm.at[wid].at[pl.ds(off, stage)],
                        dst_v.at[pl.ds(0, stage)])
        for b in range(_NBUF):
            pltpu.async_copy(h_hbm.at[src_v.at[b]], rows[b], sems[b])

        @pl.loop(0, stage, step=_NBUF)
        def _(j):
            for b in range(_NBUF):
                pltpu.make_async_copy(h_hbm.at[src_v.at[j + b]], rows[b],
                                      sems[b]).wait()
                pltpu.sync_copy(rows[b], acc.at[dst_v.at[j + b]], add=True)

                @pl.when(j + _NBUF + b < stage)
                def _():
                    pltpu.async_copy(h_hbm.at[src_v.at[j + _NBUF + b]],
                                     rows[b], sems[b])



def _sc_pass(h, src_w, dst_w):

    def body(h_hbm, src_hbm, dst_hbm, agg_hbm, src_v, dst_v, *rest):
        rows = rest[:_NBUF]
        acc = rest[_NBUF]
        sems = rest[_NBUF + 1:]
        cid = lax.axis_index("c")
        sid = lax.axis_index("s")
        wid = sid * _NC + cid
        base = sid * _RPT

        @pl.loop(0, _CHUNK)
        def _(r):
            @pl.loop(0, _D // 16)
            def _(c):
                rows[0][r, pl.ds(c * 16, 16)] = jnp.zeros((16,), jnp.float32)

        nfull = _RPT // _CHUNK
        rem = _RPT - nfull * _CHUNK

        @pl.loop(0, nfull)
        def _(k):
            pltpu.sync_copy(rows[0], acc.at[pl.ds(base + k * _CHUNK, _CHUNK)])

        if rem:
            pltpu.sync_copy(rows[0].at[pl.ds(0, rem)],
                            acc.at[pl.ds(base + nfull * _CHUNK, rem)])

        plsc.subcore_barrier()

        _stream_edges(h_hbm, src_hbm, dst_hbm, wid, src_v, dst_v,
                      rows, acc, sems)

        plsc.subcore_barrier()
        pltpu.sync_copy(acc.at[pl.ds(base, _RPT)],
                        agg_hbm.at[cid].at[pl.ds(base, _RPT)])

    f = pl.kernel(
        body,
        out_type=jax.ShapeDtypeStruct((_NC, _NACC, _D), jnp.float32),
        mesh=_MESH,
        scratch_types=(
            [pltpu.VMEM((_STAGE, _CHUNK), jnp.int32),
             pltpu.VMEM((_STAGE, _CHUNK), jnp.int32)]
            + [pltpu.VMEM((_CHUNK, _D), jnp.float32)
               for _ in range(_NBUF)]
            + [pltpu.VMEM_SHARED((_NACC, _D), jnp.float32)]
            + [pltpu.SemaphoreType.DMA for _ in range(_NBUF)]
        ),
    )
    return f(h, src_w, dst_w)


def _sc_deg(dst_flat):
    epw = _CW * _CHUNK

    def body(dst_hbm, deg_hbm, dst_v, hist):
        cid = lax.axis_index("c")
        sid = lax.axis_index("s")
        wid = sid * _NC + cid

        pltpu.sync_copy(dst_hbm.at[wid], dst_v)

        @pl.loop(0, _NACC // 16)
        def _(k):
            hist[pl.ds(k * 16, 16)] = jnp.zeros((16,), jnp.float32)

        @pl.loop(0, epw // 16)
        def _(i):
            vals = dst_v[pl.ds(i * 16, 16)]
            plsc.addupdate_scatter(hist, [vals], jnp.ones((16,), jnp.float32))

        pltpu.sync_copy(hist, deg_hbm.at[wid])

    cp = pltpu.CompilerParams()
    if "needs_layout_passes" in pltpu.CompilerParams.__dataclass_fields__:
        cp = dataclasses.replace(cp, needs_layout_passes=False)
    f = pl.kernel(
        body,
        out_type=jax.ShapeDtypeStruct((_NW, _NACC), jnp.float32),
        mesh=_MESH,
        scratch_types=[
            pltpu.VMEM((epw,), jnp.int32),
            pltpu.VMEM((_NACC,), jnp.float32),
        ],
        compiler_params=cp,
    )
    return f(dst_flat)


_BLK = 2000


def _tc_layer(h, agg_p, deg_p, w_self, w_neigh, b, fc_w=None, fc_b=None):
    n_out = _NCLS if fc_w is not None else _D
    in_specs = [
        pl.BlockSpec((_BLK, _D), lambda i: (i, 0)),
        pl.BlockSpec((_NC, _BLK, _D), lambda i: (0, i, 0)),
        pl.BlockSpec((_BLK, _NW), lambda i: (i, 0)),
        pl.BlockSpec((_D, _D), lambda i: (0, 0)),
        pl.BlockSpec((_D, _D), lambda i: (0, 0)),
        pl.BlockSpec((1, _D), lambda i: (0, 0)),
    ]
    args = [h, agg_p, deg_p, w_self, w_neigh, b.reshape(1, _D)]
    if fc_w is not None:
        in_specs += [pl.BlockSpec((_D, _NCLS), lambda i: (0, 0)),
                     pl.BlockSpec((1, _NCLS), lambda i: (0, 0))]
        args += [fc_w, fc_b.reshape(1, _NCLS)]

    def body(h_ref, p_ref, d_ref, ws_ref, wn_ref, b_ref, *rest):
        if fc_w is not None:
            fw_ref, fb_ref, o_ref = rest
        else:
            (o_ref,) = rest
        agg = p_ref[0] + p_ref[1]
        deg = jnp.sum(d_ref[...], axis=1)[:, None]
        hn = agg / jnp.maximum(deg, 1.0)
        y = jnp.dot(h_ref[...], ws_ref[...], preferred_element_type=jnp.float32)
        y = y + jnp.dot(hn, wn_ref[...], preferred_element_type=jnp.float32)
        y = y + b_ref[...]
        if fc_w is not None:
            y = jnp.dot(y, fw_ref[...], preferred_element_type=jnp.float32)
            y = y + fb_ref[...]
        o_ref[...] = y

    return pl.pallas_call(
        body,
        grid=(_N // _BLK,),
        in_specs=in_specs,
        out_specs=pl.BlockSpec((_BLK, n_out), lambda i: (i, 0)),
        out_shape=jax.ShapeDtypeStruct((_N, n_out), jnp.float32),
    )(*args)


def kernel(x, edge_index, W_self_0, W_neigh_0, b_0, W_self_1, W_neigh_1, b_1,
           W_self_2, W_neigh_2, b_2, fc1_W, fc1_b):
    src = edge_index[0]
    dst = edge_index[1]
    pad = _EPAD - _E
    pad_iota = lax.iota(jnp.int32, pad)
    src_p = jnp.concatenate([src, pad_iota % _N])
    dst_p = jnp.concatenate([dst, _N + pad_iota % (_NACC - _N)])
    src_w = src_p.reshape(_NW, _CW, _CHUNK)
    dst_w = dst_p.reshape(_NW, _CW, _CHUNK)

    degp = _sc_deg(dst_p.reshape(_NW, _CW * _CHUNK))
    degp = jnp.transpose(degp)
    p0 = _sc_pass(x, src_w, dst_w)
    h1 = _tc_layer(x, p0, degp, W_self_0, W_neigh_0, b_0)
    p1 = _sc_pass(h1, src_w, dst_w)
    h2 = _tc_layer(h1, p1, degp, W_self_1, W_neigh_1, b_1)
    p2 = _sc_pass(h2, src_w, dst_w)
    out = _tc_layer(h2, p2, degp, W_self_2, W_neigh_2, b_2, fc1_W, fc1_b)
    return out

# --- scband reference (transcript-rebuilt; emitter-appended) ---
"""Pipeline reference for scband-sage-46961172414795 (READ-ONLY COPY).

The authoritative reference and input builder live on the scoring server;
editing this copy changes nothing except your own understanding.
"""

import jax, jax.numpy as jnp
import numpy as np

N = 10000
E = 320000
D_IN = 128
D_H = 128
N_CLS = 64


def setup_inputs(seed: int = 0) -> dict:
    key = jax.random.key(seed)
    ks = jax.random.split(key, 16)
    x = jax.random.normal(ks[0], (N, D_IN), dtype=jnp.float32)
    edge_index = jax.random.randint(ks[1], (2, E), 0, N, dtype=jnp.int32)
    def glorot(k, shape):
        scale = np.sqrt(2.0 / (shape[0] + shape[1]))
        return jax.random.normal(k, shape, dtype=jnp.float32) * scale
    inp = {
        "x": x,
        "edge_index": edge_index,
        "W_self_0": glorot(ks[2], (D_IN, D_H)),
        "W_neigh_0": glorot(ks[3], (D_IN, D_H)),
        "b_0": jnp.zeros((D_H,), dtype=jnp.float32),
        "W_self_1": glorot(ks[4], (D_H, D_H)),
        "W_neigh_1": glorot(ks[5], (D_H, D_H)),
        "b_1": jnp.zeros((D_H,), dtype=jnp.float32),
        "W_self_2": glorot(ks[6], (D_H, D_H)),
        "W_neigh_2": glorot(ks[7], (D_H, D_H)),
        "b_2": jnp.zeros((D_H,), dtype=jnp.float32),
        "fc1_W": glorot(ks[8], (D_H, N_CLS)),
        "fc1_b": jnp.zeros((N_CLS,), dtype=jnp.float32),
    }
    return inp


def _sage_conv_mean(h, src, dst, W_self, W_neigh, b):
    # DGL SAGEConv(aggregator_type='mean'):
    #   h_neigh = mean over incoming-edge source features
    #   rst = fc_self(h_dst) + fc_neigh(h_neigh) + bias
    msg = jnp.take(h, src, axis=0)                                   # gather [E, d]
    agg = jax.ops.segment_sum(msg, dst, num_segments=N)              # scatter-add [N, d]
    deg = jax.ops.segment_sum(jnp.ones((src.shape[0],), dtype=h.dtype), dst, num_segments=N)
    h_neigh = agg / jnp.clip(deg, 1.0)[:, None]
    return h @ W_self + h_neigh @ W_neigh + b


def reference(x, edge_index, W_self_0, W_neigh_0, b_0, W_self_1, W_neigh_1, b_1, W_self_2, W_neigh_2, b_2, fc1_W, fc1_b):
    src = edge_index[0]
    dst = edge_index[1]
    h = x
    # forward() applies SAGE layers (no inter-layer activation in forward path),
    # dropout (eval / p=0.0 -> identity), then fc1.
    h = _sage_conv_mean(h, src, dst, W_self_0, W_neigh_0, b_0)
    h = _sage_conv_mean(h, src, dst, W_self_1, W_neigh_1, b_1)
    h = _sage_conv_mean(h, src, dst, W_self_2, W_neigh_2, b_2)
    out = h @ fc1_W + fc1_b
    return out

if __name__ == "__main__":
    import jax
    _d = setup_inputs()
    print(jax.jit(kernel)(*tuple(_d.values())))

</pallas_src>

<mosaic_0001>
#map = affine_map<(d0, d1) -> (0, 0)>
#map1 = affine_map<(d0, d1) -> (0, 0, 0)>
module attributes {stable_mosaic.version = 14 : i64} {
  func.func @body(%arg0: i32, %arg1: i32, %arg2: memref<10000x128xf32, #tpu.memory_space<hbm>>, %arg3: memref<32x160x64xi32, #tpu.memory_space<hbm>>, %arg4: memref<32x160x64xi32, #tpu.memory_space<hbm>>, %arg5: memref<2x10112x128xf32, #tpu.memory_space<hbm>>, %arg6: memref<64x64xi32, #tpu.memory_space<vmem>>, %arg7: memref<64x64xi32, #tpu.memory_space<vmem>>, %arg8: memref<64x128xf32, #tpu.memory_space<vmem>>, %arg9: memref<64x128xf32, #tpu.memory_space<vmem>>, %arg10: memref<64x128xf32, #tpu.memory_space<vmem>>, %arg11: memref<64x128xf32, #tpu.memory_space<vmem>>, %arg12: memref<10112x128xf32, #tpu.memory_space<vmem_shared>>, %arg13: memref<!tpu.dma_semaphore, #tpu.memory_space<semaphore_mem>>, %arg14: memref<!tpu.dma_semaphore, #tpu.memory_space<semaphore_mem>>, %arg15: memref<!tpu.dma_semaphore, #tpu.memory_space<semaphore_mem>>, %arg16: memref<!tpu.dma_semaphore, #tpu.memory_space<semaphore_mem>>) attributes {dimension_semantics = [#tpu.dimension_semantics<core_parallel>, #tpu.dimension_semantics<subcore_parallel>], iteration_bounds = array<i64: 2, 16>, scalar_prefetch = 0 : i64, scratch_operands = 11 : i64, tpu.core_type = #tpu.core_type<sc_vector_subcore>, window_params = [{transform_indices = #map}, {transform_indices = #map1}, {transform_indices = #map1}, {transform_indices = #map1}]} {
    %mul3A = arith.constant 2 : i32
    %mul3A_0 = arith.muli %arg1, %mul3A : i32
    %add3A = arith.addi %mul3A_0, %arg0 : i32
    %mul3A_1 = arith.constant 632 : i32
    %mul3A_2 = arith.muli %arg1, %mul3A_1 : i32
    %scan3A = arith.constant 0 : i32
    %scan3A_3 = arith.constant 64 : i32
    %scan3A_4 = arith.addi %scan3A, %scan3A_3 : i32
    %scan3A_5 = arith.constant 1 : i32
    scf.for %scan3A_113 = %scan3A to %scan3A_4 step %scan3A_5  : i32 {
      %mul3A_114 = arith.constant 1 : i32
      %mul3A_115 = arith.muli %scan3A_113, %mul3A_114 : i32
      %add3A_116 = arith.constant 0 : i32
      %add3A_117 = arith.addi %add3A_116, %mul3A_115 : i32
      %scan3A_118 = arith.constant 0 : i32
      %scan3A_119 = arith.constant 8 : i32
      %scan3A_120 = arith.addi %scan3A_118, %scan3A_119 : i32
      %scan3A_121 = arith.constant 1 : i32
      scf.for %scan3A_123 = %scan3A_118 to %scan3A_120 step %scan3A_121  : i32 {
        %mul3A_124 = arith.constant 1 : i32
        %mul3A_125 = arith.muli %scan3A_123, %mul3A_124 : i32
        %add3A_126 = arith.constant 0 : i32
        %add3A_127 = arith.addi %add3A_126, %mul3A_125 : i32
        %broadcast_in_dim3A = arith.constant 0.000000e+00 : f32
        %broadcast_in_dim3A_128 = vector.broadcast %broadcast_in_dim3A : f32 to vector<16xf32>
        %mul3A_129 = arith.constant 16 : i32
        %mul3A_130 = arith.muli %add3A_127, %mul3A_129 : i32
        %swap3A = arith.index_cast %add3A_117 : i32 to index
        %swap3A_131 = arith.index_cast %mul3A_130 : i32 to index
        %swap3A_132 = tpu.vector_load %arg8[%swap3A, %swap3A_131] {strides = array<i32>} : memref<64x128xf32, #tpu.memory_space<vmem>>, vector<1x16xf32>,
        %swap3A_133 = vector.shape_cast %swap3A_132 : vector<1x16xf32> to vector<16xf32>
        %swap3A_134 = vector.shape_cast %broadcast_in_dim3A_128 : vector<16xf32> to vector<1x16xf32>
        tpu.vector_store %arg8[%swap3A, %swap3A_131], %swap3A_134 {strides = array<i32>} : memref<64x128xf32, #tpu.memory_space<vmem>>, vector<1x16xf32>,
      }
      %scan3A_122 = arith.constant 8 : i32
    }
    %scan3A_6 = arith.constant 64 : i32
    %scan3A_7 = arith.constant 0 : i32
    %scan3A_8 = arith.constant 9 : i32
    %scan3A_9 = arith.addi %scan3A_7, %scan3A_8 : i32
    %scan3A_10 = arith.constant 1 : i32
    scf.for %scan3A_113 = %scan3A_7 to %scan3A_9 step %scan3A_10  : i32 {
      %mul3A_114 = arith.constant 1 : i32
      %mul3A_115 = arith.muli %scan3A_113, %mul3A_114 : i32
      %add3A_116 = arith.constant 0 : i32
      %add3A_117 = arith.addi %add3A_116, %mul3A_115 : i32
      %mul3A_118 = arith.constant 64 : i32
      %mul3A_119 = arith.muli %add3A_117, %mul3A_118 : i32
      %add3A_120 = arith.addi %mul3A_2, %mul3A_119 : i32
      "tpu.region"() ({
        %run_scoped3A = tpu.sem_alloc : memref<!tpu.dma_semaphore, #tpu.memory_space<semaphore_mem>>
        %dma_start3A_121 = arith.constant 0 : i32
        %dma_start3A_122 = tpu.memref_slice %arg12[%add3A_120, %dma_start3A_121] : memref<10112x128xf32, #tpu.memory_space<vmem_shared>> -> memref<64x128xf32, #tpu.memory_space<vmem_shared>>
        %dma_start3A_123 = arith.constant 0 : i32
        %dma_start3A_124 = tpu.memref_slice %arg12[%add3A_120, %dma_start3A_123] : memref<10112x128xf32, #tpu.memory_space<vmem_shared>> -> memref<64x128xf32, #tpu.memory_space<vmem_shared>>
        tpu.enqueue_dma source(%arg8 : memref<64x128xf32, #tpu.memory_space<vmem>>) target(%dma_start3A_124 : memref<64x128xf32, #tpu.memory_space<vmem_shared>>) target_semaphore(%run_scoped3A : memref<!tpu.dma_semaphore, #tpu.memory_space<semaphore_mem>>)
        %dma_wait3A = arith.constant 0 : i32
        %dma_wait3A_125 = tpu.memref_slice %arg12[%add3A_120, %dma_wait3A] : memref<10112x128xf32, #tpu.memory_space<vmem_shared>> -> memref<64x128xf32, #tpu.memory_space<vmem_shared>>
        %dma_wait3A_126 = arith.constant 0 : i32
        %dma_wait3A_127 = tpu.memref_slice %arg12[%add3A_120, %dma_wait3A_126] : memref<10112x128xf32, #tpu.memory_space<vmem_shared>> -> memref<64x128xf32, #tpu.memory_space<vmem_shared>>
        tpu.wait_dma2 semaphore(%run_scoped3A : memref<!tpu.dma_semaphore, #tpu.memory_space<semaphore_mem>>) src(%arg8 : memref<64x128xf32, #tpu.memory_space<vmem>>) dst(%dma_wait3A_127 : memref<64x128xf32, #tpu.memory_space<vmem_shared>>)
        tpu.yield
      }) : () -> ()
    }
    %scan3A_11 = arith.constant 9 : i32
    %add3A_12 = arith.constant 576 : i32
    %add3A_13 = arith.addi %mul3A_2, %add3A_12 : i32
    "tpu.region"() ({
      %run_scoped3A = tpu.sem_alloc : memref<!tpu.dma_semaphore, #tpu.memory_space<semaphore_mem>>
      %dma_start3A_113 = arith.constant 0 : i32
      %dma_start3A_114 = arith.constant 0 : i32
      %dma_start3A_115 = tpu.memref_slice %arg8[%dma_start3A_113, %dma_start3A_114] : memref<64x128xf32, #tpu.memory_space<vmem>> -> memref<56x128xf32, #tpu.memory_space<vmem>>
      %dma_start3A_116 = arith.constant 0 : i32
      %dma_start3A_117 = tpu.memref_slice %arg12[%add3A_13, %dma_start3A_116] : memref<10112x128xf32, #tpu.memory_space<vmem_shared>> -> memref<56x128xf32, #tpu.memory_space<vmem_shared>>
      %dma_start3A_118 = arith.constant 0 : i32
      %dma_start3A_119 = tpu.memref_slice %arg12[%add3A_13, %dma_start3A_118] : memref<10112x128xf32, #tpu.memory_space<vmem_shared>> -> memref<56x128xf32, #tpu.memory_space<vmem_shared>>
      %dma_start3A_120 = arith.constant 0 : i32
      %dma_start3A_121 = arith.constant 0 : i32
      %dma_start3A_122 = tpu.memref_slice %arg8[%dma_start3A_120, %dma_start3A_121] : memref<64x128xf32, #tpu.memory_space<vmem>> -> memref<56x128xf32, #tpu.memory_space<vmem>>
      tpu.enqueue_dma source(%dma_start3A_122 : memref<56x128xf32, #tpu.memory_space<vmem>>) target(%dma_start3A_119 : memref<56x128xf32, #tpu.memory_space<vmem_shared>>) target_semaphore(%run_scoped3A : memref<!tpu.dma_semaphore, #tpu.memory_space<semaphore_mem>>)
      %dma_wait3A = arith.constant 0 : i32
      %dma_wait3A_123 = arith.constant 0 : i32
      %dma_wait3A_124 = tpu.memref_slice %arg8[%dma_wait3A, %dma_wait3A_123] : memref<64x128xf32, #tpu.memory_space<vmem>> -> memref<56x128xf32, #tpu.memory_space<vmem>>
      %dma_wait3A_125 = arith.constant 0 : i32
      %dma_wait3A_126 = tpu.memref_slice %arg12[%add3A_13, %dma_wait3A_125] : memref<10112x128xf32, #tpu.memory_space<vmem_shared>> -> memref<56x128xf32, #tpu.memory_space<vmem_shared>>
      %dma_wait3A_127 = arith.constant 0 : i32
      %dma_wait3A_128 = tpu.memref_slice %arg12[%add3A_13, %dma_wait3A_127] : memref<10112x128xf32, #tpu.memory_space<vmem_shared>> -> memref<56x128xf32, #tpu.memory_space<vmem_shared>>
      %dma_wait3A_129 = arith.constant 0 : i32
      %dma_wait3A_130 = arith.constant 0 : i32
      %dma_wait3A_131 = tpu.memref_slice %arg8[%dma_wait3A_129, %dma_wait3A_130] : memref<64x128xf32, #tpu.memory_space<vmem>> -> memref<56x128xf32, #tpu.memory_space<vmem>>
      tpu.wait_dma2 semaphore(%run_scoped3A : memref<!tpu.dma_semaphore, #tpu.memory_space<semaphore_mem>>) src(%dma_wait3A_131 : memref<56x128xf32, #tpu.memory_space<vmem>>) dst(%dma_wait3A_128 : memref<56x128xf32, #tpu.memory_space<vmem_shared>>)
      tpu.yield
    }) : () -> ()
    %barrier3A = arith.constant 0 : index
    tpu.barrier barrier_id(%barrier3A)
    "tpu.region"() ({
      %run_scoped3A = tpu.sem_alloc : memref<!tpu.dma_semaphore, #tpu.memory_space<semaphore_mem>>
      %dma_start3A_113 = arith.constant 0 : i32
      %dma_start3A_114 = arith.constant 0 : i32
      %dma_start3A_115 = tpu.memref_slice %arg6[%dma_start3A_113, %dma_start3A_114] : memref<64x64xi32, #tpu.memory_space<vmem>> -> memref<64x64xi32, #tpu.memory_space<vmem>>
      %dma_start3A_116 = arith.constant 0 : i32
      %dma_start3A_117 = arith.constant 0 : i32
      %dma_start3A_118 = tpu.memref_slice %arg3[%add3A, %dma_start3A_116, %dma_start3A_117] : memref<32x160x64xi32, #tpu.memory_space<hbm>> -> memref<1x160x64xi32, #tpu.memory_space<hbm>>
      %dma_start3A_119 = tpu.memref_squeeze %dma_start3A_118 : memref<1x160x64xi32, #tpu.memory_space<hbm>> -> memref<160x64xi32, #tpu.memory_space<hbm>>
      %dma_start3A_120 = arith.constant 0 : i32
      %dma_start3A_121 = arith.constant 0 : i32
      %dma_start3A_122 = tpu.memref_slice %dma_start3A_119[%dma_start3A_120, %dma_start3A_121] : memref<160x64xi32, #tpu.memory_space<hbm>> -> memref<64x64xi32, #tpu.memory_space<hbm>>
      %dma_start3A_123 = arith.constant 0 : i32
      %dma_start3A_124 = arith.constant 0 : i32
      %dma_start3A_125 = tpu.memref_slice %arg6[%dma_start3A_123, %dma_start3A_124] : memref<64x64xi32, #tpu.memory_space<vmem>> -> memref<64x64xi32, #tpu.memory_space<vmem>>
      %dma_start3A_126 = arith.constant 0 : i32
      %dma_start3A_127 = arith.constant 0 : i32
      %dma_start3A_128 = tpu.memref_slice %arg3[%add3A, %dma_start3A_126, %dma_start3A_127] : memref<32x160x64xi32, #tpu.memory_space<hbm>> -> memref<1x160x64xi32, #tpu.memory_space<hbm>>
      %dma_start3A_129 = tpu.memref_squeeze %dma_start3A_128 : memref<1x160x64xi32, #tpu.memory_space<hbm>> -> memref<160x64xi32, #tpu.memory_space<hbm>>
      %dma_start3A_130 = arith.constant 0 : i32
      %dma_start3A_131 = arith.constant 0 : i32
      %dma_start3A_132 = tpu.memref_slice %dma_start3A_129[%dma_start3A_130, %dma_start3A_131] : memref<160x64xi32, #tpu.memory_space<hbm>> -> memref<64x64xi32, #tpu.memory_space<hbm>>
      tpu.enqueue_dma source(%dma_start3A_132 : memref<64x64xi32, #tpu.memory_space<hbm>>) target(%dma_start3A_125 : memref<64x64xi32, #tpu.memory_space<vmem>>) target_semaphore(%run_scoped3A : memref<!tpu.dma_semaphore, #tpu.memory_space<semaphore_mem>>)
      %dma_wait3A = arith.constant 0 : i32
      %dma_wait3A_133 = arith.constant 0 : i32
      %dma_wait3A_134 = tpu.memref_slice %arg6[%dma_wait3A, %dma_wait3A_133] : memref<64x64xi32, #tpu.memory_space<vmem>> -> memref<64x64xi32, #tpu.memory_space<vmem>>
      %dma_wait3A_135 = arith.constant 0 : i32
      %dma_wait3A_136 = arith.constant 0 : i32
      %dma_wait3A_137 = tpu.memref_slice %arg3[%add3A, %dma_wait3A_135, %dma_wait3A_136] : memref<32x160x64xi32, #tpu.memory_space<hbm>> -> memref<1x160x64xi32, #tpu.memory_space<hbm>>
      %dma_wait3A_138 = tpu.memref_squeeze %dma_wait3A_137 : memref<1x160x64xi32, #tpu.memory_space<hbm>> -> memref<160x64xi32, #tpu.memory_space<hbm>>
      %dma_wait3A_139 = arith.constant 0 : i32
      %dma_wait3A_140 = arith.constant 0 : i32
      %dma_wait3A_141 = tpu.memref_slice %dma_wait3A_138[%dma_wait3A_139, %dma_wait3A_140] : memref<160x64xi32, #tpu.memory_space<hbm>> -> memref<64x64xi32, #tpu.memory_space<hbm>>
      %dma_wait3A_142 = arith.constant 0 : i32
      %dma_wait3A_143 = arith.constant 0 : i32
      %dma_wait3A_144 = tpu.memref_slice %arg6[%dma_wait3A_142, %dma_wait3A_143] : memref<64x64xi32, #tpu.memory_space<vmem>> -> memref<64x64xi32, #tpu.memory_space<vmem>>
      %dma_wait3A_145 = arith.constant 0 : i32
      %dma_wait3A_146 = arith.constant 0 : i32
      %dma_wait3A_147 = tpu.memref_slice %arg3[%add3A, %dma_wait3A_145, %dma_wait3A_146] : memref<32x160x64xi32, #tpu.memory_space<hbm>> -> memref<1x160x64xi32, #tpu.memory_space<hbm>>
      %dma_wait3A_148 = tpu.memref_squeeze %dma_wait3A_147 : memref<1x160x64xi32, #tpu.memory_space<hbm>> -> memref<160x64xi32, #tpu.memory_space<hbm>>
      %dma_wait3A_149 = arith.constant 0 : i32
      %dma_wait3A_150 = arith.constant 0 : i32
      %dma_wait3A_151 = tpu.memref_slice %dma_wait3A_148[%dma_wait3A_149, %dma_wait3A_150] : memref<160x64xi32, #tpu.memory_space<hbm>> -> memref<64x64xi32, #tpu.memory_space<hbm>>
      tpu.wait_dma2 semaphore(%run_scoped3A : memref<!tpu.dma_semaphore, #tpu.memory_space<semaphore_mem>>) src(%dma_wait3A_151 : memref<64x64xi32, #tpu.memory_space<hbm>>) dst(%dma_wait3A_144 : memref<64x64xi32, #tpu.memory_space<vmem>>)
      tpu.yield
    }) : () -> ()
    "tpu.region"() ({
      %run_scoped3A = tpu.sem_alloc : memref<!tpu.dma_semaphore, #tpu.memory_space<semaphore_mem>>
      %dma_start3A_113 = arith.constant 0 : i32
      %dma_start3A_114 = arith.constant 0 : i32
      %dma_start3A_115 = tpu.memref_slice %arg7[%dma_start3A_113, %dma_start3A_114] : memref<64x64xi32, #tpu.memory_space<vmem>> -> memref<64x64xi32, #tpu.memory_space<vmem>>
      %dma_start3A_116 = arith.constant 0 : i32
      %dma_start3A_117 = arith.constant 0 : i32
      %dma_start3A_118 = tpu.memref_slice %arg4[%add3A, %dma_start3A_116, %dma_start3A_117] : memref<32x160x64xi32, #tpu.memory_space<hbm>> -> memref<1x160x64xi32, #tpu.memory_space<hbm>>
      %dma_start3A_119 = tpu.memref_squeeze %dma_start3A_118 : memref<1x160x64xi32, #tpu.memory_space<hbm>> -> memref<160x64xi32, #tpu.memory_space<hbm>>
      %dma_start3A_120 = arith.constant 0 : i32
      %dma_start3A_121 = arith.constant 0 : i32
      %dma_start3A_122 = tpu.memref_slice %dma_start3A_119[%dma_start3A_120, %dma_start3A_121] : memref<160x64xi32, #tpu.memory_space<hbm>> -> memref<64x64xi32, #tpu.memory_space<hbm>>
      %dma_start3A_123 = arith.constant 0 : i32
      %dma_start3A_124 = arith.constant 0 : i32
      %dma_start3A_125 = tpu.memref_slice %arg7[%dma_start3A_123, %dma_start3A_124] : memref<64x64xi32, #tpu.memory_space<vmem>> -> memref<64x64xi32, #tpu.memory_space<vmem>>
      %dma_start3A_126 = arith.constant 0 : i32
      %dma_start3A_127 = arith.constant 0 : i32
      %dma_start3A_128 = tpu.memref_slice %arg4[%add3A, %dma_start3A_126, %dma_start3A_127] : memref<32x160x64xi32, #tpu.memory_space<hbm>> -> memref<1x160x64xi32, #tpu.memory_space<hbm>>
      %dma_start3A_129 = tpu.memref_squeeze %dma_start3A_128 : memref<1x160x64xi32, #tpu.memory_space<hbm>> -> memref<160x64xi32, #tpu.memory_space<hbm>>
      %dma_start3A_130 = arith.constant 0 : i32
      %dma_start3A_131 = arith.constant 0 : i32
      %dma_start3A_132 = tpu.memref_slice %dma_start3A_129[%dma_start3A_130, %dma_start3A_131] : memref<160x64xi32, #tpu.memory_space<hbm>> -> memref<64x64xi32, #tpu.memory_space<hbm>>
      tpu.enqueue_dma source(%dma_start3A_132 : memref<64x64xi32, #tpu.memory_space<hbm>>) target(%dma_start3A_125 : memref<64x64xi32, #tpu.memory_space<vmem>>) target_semaphore(%run_scoped3A : memref<!tpu.dma_semaphore, #tpu.memory_space<semaphore_mem>>)
      %dma_wait3A = arith.constant 0 : i32
      %dma_wait3A_133 = arith.constant 0 : i32
      %dma_wait3A_134 = tpu.memref_slice %arg7[%dma_wait3A, %dma_wait3A_133] : memref<64x64xi32, #tpu.memory_space<vmem>> -> memref<64x64xi32, #tpu.memory_space<vmem>>
      %dma_wait3A_135 = arith.constant 0 : i32
      %dma_wait3A_136 = arith.constant 0 : i32
      %dma_wait3A_137 = tpu.memref_slice %arg4[%add3A, %dma_wait3A_135, %dma_wait3A_136] : memref<32x160x64xi32, #tpu.memory_space<hbm>> -> memref<1x160x64xi32, #tpu.memory_space<hbm>>
      %dma_wait3A_138 = tpu.memref_squeeze %dma_wait3A_137 : memref<1x160x64xi32, #tpu.memory_space<hbm>> -> memref<160x64xi32, #tpu.memory_space<hbm>>
      %dma_wait3A_139 = arith.constant 0 : i32
      %dma_wait3A_140 = arith.constant 0 : i32
      %dma_wait3A_141 = tpu.memref_slice %dma_wait3A_138[%dma_wait3A_139, %dma_wait3A_140] : memref<160x64xi32, #tpu.memory_space<hbm>> -> memref<64x64xi32, #tpu.memory_space<hbm>>
      %dma_wait3A_142 = arith.constant 0 : i32
      %dma_wait3A_143 = arith.constant 0 : i32
      %dma_wait3A_144 = tpu.memref_slice %arg7[%dma_wait3A_142, %dma_wait3A_143] : memref<64x64xi32, #tpu.memory_space<vmem>> -> memref<64x64xi32, #tpu.memory_space<vmem>>
      %dma_wait3A_145 = arith.constant 0 : i32
      %dma_wait3A_146 = arith.constant 0 : i32
      %dma_wait3A_147 = tpu.memref_slice %arg4[%add3A, %dma_wait3A_145, %dma_wait3A_146] : memref<32x160x64xi32, #tpu.memory_space<hbm>> -> memref<1x160x64xi32, #tpu.memory_space<hbm>>
      %dma_wait3A_148 = tpu.memref_squeeze %dma_wait3A_147 : memref<1x160x64xi32, #tpu.memory_space<hbm>> -> memref<160x64xi32, #tpu.memory_space<hbm>>
      %dma_wait3A_149 = arith.constant 0 : i32
      %dma_wait3A_150 = arith.constant 0 : i32
      %dma_wait3A_151 = tpu.memref_slice %dma_wait3A_148[%dma_wait3A_149, %dma_wait3A_150] : memref<160x64xi32, #tpu.memory_space<hbm>> -> memref<64x64xi32, #tpu.memory_space<hbm>>
      tpu.wait_dma2 semaphore(%run_scoped3A : memref<!tpu.dma_semaphore, #tpu.memory_space<semaphore_mem>>) src(%dma_wait3A_151 : memref<64x64xi32, #tpu.memory_space<hbm>>) dst(%dma_wait3A_144 : memref<64x64xi32, #tpu.memory_space<vmem>>)
      tpu.yield
    }) : () -> ()
    %dma_start3A = arith.constant 0 : i32
    %dma_start3A_14 = arith.constant 0 : i32
    %dma_start3A_15 = tpu.memref_slice %arg6[%dma_start3A, %dma_start3A_14] : memref<64x64xi32, #tpu.memory_space<vmem>> -> memref<1x64xi32, #tpu.memory_space<vmem>>
    %dma_start3A_16 = tpu.memref_squeeze %dma_start3A_15 : memref<1x64xi32, #tpu.memory_space<vmem>> -> memref<64xi32, #tpu.memory_space<vmem>>
    %dma_start3A_17 = arith.constant 0 : i32
    %dma_start3A_18 = arith.constant 0 : i32
    %dma_start3A_19 = tpu.memref_slice %arg2[%dma_start3A_17, %dma_start3A_18] : memref<10000x128xf32, #tpu.memory_space<hbm>> -> memref<10000x128xf32, #tpu.memory_space<hbm>>
    tpu.enqueue_indirect_dma source(%dma_start3A_19 : memref<10000x128xf32, #tpu.memory_space<hbm>>) target(%arg8 : memref<64x128xf32, #tpu.memory_space<vmem>>) offsets(%dma_start3A_16 : memref<64xi32, #tpu.memory_space<vmem>>) semaphore(%arg13 : memref<!tpu.dma_semaphore, #tpu.memory_space<semaphore_mem>>)
    %dma_start3A_20 = arith.constant 1 : i32
    %dma_start3A_21 = arith.constant 0 : i32
    %dma_start3A_22 = tpu.memref_slice %arg6[%dma_start3A_20, %dma_start3A_21] : memref<64x64xi32, #tpu.memory_space<vmem>> -> memref<1x64xi32, #tpu.memory_space<vmem>>
    %dma_start3A_23 = tpu.memref_squeeze %dma_start3A_22 : memref<1x64xi32, #tpu.memory_space<vmem>> -> memref<64xi32, #tpu.memory_space<vmem>>
    %dma_start3A_24 = arith.constant 0 : i32
    %dma_start3A_25 = arith.constant 0 : i32
    %dma_start3A_26 = tpu.memref_slice %arg2[%dma_start3A_24, %dma_start3A_25] : memref<10000x128xf32, #tpu.memory_space<hbm>> -> memref<10000x128xf32, #tpu.memory_space<hbm>>
    tpu.enqueue_indirect_dma source(%dma_start3A_26 : memref<10000x128xf32, #tpu.memory_space<hbm>>) target(%arg9 : memref<64x128xf32, #tpu.memory_space<vmem>>) offsets(%dma_start3A_23 : memref<64xi32, #tpu.memory_space<vmem>>) semaphore(%arg14 : memref<!tpu.dma_semaphore, #tpu.memory_space<semaphore_mem>>)
    %dma_start3A_27 = arith.constant 2 : i32
    %dma_start3A_28 = arith.constant 0 : i32
    %dma_start3A_29 = tpu.memref_slice %arg6[%dma_start3A_27, %dma_start3A_28] : memref<64x64xi32, #tpu.memory_space<vmem>> -> memref<1x64xi32, #tpu.memory_space<vmem>>
    %dma_start3A_30 = tpu.memref_squeeze %dma_start3A_29 : memref<1x64xi32, #tpu.memory_space<vmem>> -> memref<64xi32, #tpu.memory_space<vmem>>
    %dma_start3A_31 = arith.constant 0 : i32
    %dma_start3A_32 = arith.constant 0 : i32
    %dma_start3A_33 = tpu.memref_slice %arg2[%dma_start3A_31, %dma_start3A_32] : memref<10000x128xf32, #tpu.memory_space<hbm>> -> memref<10000x128xf32, #tpu.memory_space<hbm>>
    tpu.enqueue_indirect_dma source(%dma_start3A_33 : memref<10000x128xf32, #tpu.memory_space<hbm>>) target(%arg10 : memref<64x128xf32, #tpu.memory_space<vmem>>) offsets(%dma_start3A_30 : memref<64xi32, #tpu.memory_space<vmem>>) semaphore(%arg15 : memref<!tpu.dma_semaphore, #tpu.memory_space<semaphore_mem>>)
    %dma_start3A_34 = arith.constant 3 : i32
    %dma_start3A_35 = arith.constant 0 : i32
    %dma_start3A_36 = tpu.memref_slice %arg6[%dma_start3A_34, %dma_start3A_35] : memref<64x64xi32, #tpu.memory_space<vmem>> -> memref<1x64xi32, #tpu.memory_space<vmem>>
    %dma_start3A_37 = tpu.memref_squeeze %dma_start3A_36 : memref<1x64xi32, #tpu.memory_space<vmem>> -> memref<64xi32, #tpu.memory_space<vmem>>
    %dma_start3A_38 = arith.constant 0 : i32
    %dma_start3A_39 = arith.constant 0 : i32
    %dma_start3A_40 = tpu.memref_slice %arg2[%dma_start3A_38, %dma_start3A_39] : memref<10000x128xf32, #tpu.memory_space<hbm>> -> memref<10000x128xf32, #tpu.memory_space<hbm>>
    tpu.enqueue_indirect_dma source(%dma_start3A_40 : memref<10000x128xf32, #tpu.memory_space<hbm>>) target(%arg11 : memref<64x128xf32, #tpu.memory_space<vmem>>) offsets(%dma_start3A_37 : memref<64xi32, #tpu.memory_space<vmem>>) semaphore(%arg16 : memref<!tpu.dma_semaphore, #tpu.memory_space<semaphore_mem>>)
    %scan3A_41 = arith.constant 0 : i32
    %scan3A_42 = arith.constant 16 : i32
    %scan3A_43 = arith.addi %scan3A_41, %scan3A_42 : i32
    %scan3A_44 = arith.constant 1 : i32
    scf.for %scan3A_113 = %scan3A_41 to %scan3A_43 step %scan3A_44  : i32 {
      %mul3A_114 = arith.constant 4 : i32
      %mul3A_115 = arith.muli %scan3A_113, %mul3A_114 : i32
      %add3A_116 = arith.constant 0 : i32
      %add3A_117 = arith.addi %add3A_116, %mul3A_115 : i32
      %add3A_118 = arith.constant 0 : i32
      %add3A_119 = arith.addi %add3A_117, %add3A_118 : i32
      %dma_wait3A = arith.constant 0 : i32
      %dma_wait3A_120 = tpu.memref_slice %arg6[%add3A_119, %dma_wait3A] : memref<64x64xi32, #tpu.memory_space<vmem>> -> memref<1x64xi32, #tpu.memory_space<vmem>>
      %dma_wait3A_121 = tpu.memref_squeeze %dma_wait3A_120 : memref<1x64xi32, #tpu.memory_space<vmem>> -> memref<64xi32, #tpu.memory_space<vmem>>
      %dma_wait3A_122 = arith.constant 0 : i32
      %dma_wait3A_123 = arith.constant 0 : i32
      %dma_wait3A_124 = tpu.memref_slice %arg2[%dma_wait3A_122, %dma_wait3A_123] : memref<10000x128xf32, #tpu.memory_space<hbm>> -> memref<10000x128xf32, #tpu.memory_space<hbm>>
      tpu.wait_indirect_dma semaphore(%arg13 : memref<!tpu.dma_semaphore, #tpu.memory_space<semaphore_mem>>) src(%dma_wait3A_124 : memref<10000x128xf32, #tpu.memory_space<hbm>>) dst(%arg8 : memref<64x128xf32, #tpu.memory_space<vmem>>)
      %add3A_125 = arith.constant 0 : i32
      %add3A_126 = arith.addi %add3A_117, %add3A_125 : i32
      "tpu.region"() ({
        %run_scoped3A = tpu.sem_alloc : memref<!tpu.dma_semaphore, #tpu.memory_space<semaphore_mem>>
        %dma_start3A_190 = arith.constant 0 : i32
        %dma_start3A_191 = tpu.memref_slice %arg7[%add3A_126, %dma_start3A_190] : memref<64x64xi32, #tpu.memory_space<vmem>> -> memref<1x64xi32, #tpu.memory_space<vmem>>
        %dma_start3A_192 = tpu.memref_squeeze %dma_start3A_191 : memref<1x64xi32, #tpu.memory_space<vmem>> -> memref<64xi32, #tpu.memory_space<vmem>>
        %dma_start3A_193 = arith.constant 0 : i32
        %dma_start3A_194 = arith.constant 0 : i32
        %dma_start3A_195 = tpu.memref_slice %arg12[%dma_start3A_193, %dma_start3A_194] : memref<10112x128xf32, #tpu.memory_space<vmem_shared>> -> memref<10112x128xf32, #tpu.memory_space<vmem_shared>>
        tpu.enqueue_indirect_dma source(%arg8 : memref<64x128xf32, #tpu.memory_space<vmem>>) target(%dma_start3A_195 : memref<10112x128xf32, #tpu.memory_space<vmem_shared>>) offsets(%dma_start3A_192 : memref<64xi32, #tpu.memory_space<vmem>>) semaphore(%run_scoped3A : memref<!tpu.dma_semaphore, #tpu.memory_space<semaphore_mem>>) {add = true}
        %dma_wait3A_196 = arith.constant 0 : i32
        %dma_wait3A_197 = tpu.memref_slice %arg7[%add3A_126, %dma_wait3A_196] : memref<64x64xi32, #tpu.memory_space<vmem>> -> memref<1x64xi32, #tpu.memory_space<vmem>>
        %dma_wait3A_198 = tpu.memref_squeeze %dma_wait3A_197 : memref<1x64xi32, #tpu.memory_space<vmem>> -> memref<64xi32, #tpu.memory_space<vmem>>
        %dma_wait3A_199 = arith.constant 0 : i32
        %dma_wait3A_200 = arith.constant 0 : i32
        %dma_wait3A_201 = tpu.memref_slice %arg12[%dma_wait3A_199, %dma_wait3A_200] : memref<10112x128xf32, #tpu.memory_space<vmem_shared>> -> memref<10112x128xf32, #tpu.memory_space<vmem_shared>>
        tpu.wait_indirect_dma semaphore(%run_scoped3A : memref<!tpu.dma_semaphore, #tpu.memory_space<semaphore_mem>>) src(%arg8 : memref<64x128xf32, #tpu.memory_space<vmem>>) dst(%dma_wait3A_201 : memref<10112x128xf32, #tpu.memory_space<vmem_shared>>)
        tpu.yield
      }) : () -> ()
      %add3A_127 = arith.constant 4 : i32
      %add3A_128 = arith.addi %add3A_117, %add3A_127 : i32
      %add3A_129 = arith.constant 0 : i32
      %add3A_130 = arith.addi %add3A_128, %add3A_129 : i32
      %lt3A = arith.constant 64 : i32
      %lt3A_131 = arith.cmpi slt, %add3A_130, %lt3A : i32
      %convert_element_type3A = arith.extui %lt3A_131 : i1 to i32
      %cond3A = arith.constant 0 : i32
      %cond3A_132 = arith.cmpi ne, %convert_element_type3A, %cond3A : i32
      scf.if %cond3A_132 {
        %add3A_190 = arith.constant 4 : i32
        %add3A_191 = arith.addi %add3A_117, %add3A_190 : i32
        %add3A_192 = arith.constant 0 : i32
        %add3A_193 = arith.addi %add3A_191, %add3A_192 : i32
        %dma_start3A_194 = arith.constant 0 : i32
        %dma_start3A_195 = tpu.memref_slice %arg6[%add3A_193, %dma_start3A_194] : memref<64x64xi32, #tpu.memory_space<vmem>> -> memref<1x64xi32, #tpu.memory_space<vmem>>
        %dma_start3A_196 = tpu.memref_squeeze %dma_start3A_195 : memref<1x64xi32, #tpu.memory_space<vmem>> -> memref<64xi32, #tpu.memory_space<vmem>>
        %dma_start3A_197 = arith.constant 0 : i32
        %dma_start3A_198 = arith.constant 0 : i32
        %dma_start3A_199 = tpu.memref_slice %arg2[%dma_start3A_197, %dma_start3A_198] : memref<10000x128xf32, #tpu.memory_space<hbm>> -> memref<10000x128xf32, #tpu.memory_space<hbm>>
        tpu.enqueue_indirect_dma source(%dma_start3A_199 : memref<10000x128xf32, #tpu.memory_space<hbm>>) target(%arg8 : memref<64x128xf32, #tpu.memory_space<vmem>>) offsets(%dma_start3A_196 : memref<64xi32, #tpu.memory_space<vmem>>) semaphore(%arg13 : memref<!tpu.dma_semaphore, #tpu.memory_space<semaphore_mem>>)
      } else {
      }
      %add3A_133 = arith.constant 1 : i32
      %add3A_134 = arith.addi %add3A_117, %add3A_133 : i32
      %dma_wait3A_135 = arith.constant 0 : i32
      %dma_wait3A_136 = tpu.memref_slice %arg6[%add3A_134, %dma_wait3A_135] : memref<64x64xi32, #tpu.memory_space<vmem>> -> memref<1x64xi32, #tpu.memory_space<vmem>>
      %dma_wait3A_137 = tpu.memref_squeeze %dma_wait3A_136 : memref<1x64xi32, #tpu.memory_space<vmem>> -> memref<64xi32, #tpu.memory_space<vmem>>
      %dma_wait3A_138 = arith.constant 0 : i32
      %dma_wait3A_139 = arith.constant 0 : i32
      %dma_wait3A_140 = tpu.memref_slice %arg2[%dma_wait3A_138, %dma_wait3A_139] : memref<10000x128xf32, #tpu.memory_space<hbm>> -> memref<10000x128xf32, #tpu.memory_space<hbm>>
      tpu.wait_indirect_dma semaphore(%arg14 : memref<!tpu.dma_semaphore, #tpu.memory_space<semaphore_mem>>) src(%dma_wait3A_140 : memref<10000x128xf32, #tpu.memory_space<hbm>>) dst(%arg9 : memref<64x128xf32, #tpu.memory_space<vmem>>)
      %add3A_141 = arith.constant 1 : i32
      %add3A_142 = arith.addi %add3A_117, %add3A_141 : i32
      "tpu.region"() ({
        %run_scoped3A = tpu.sem_alloc : memref<!tpu.dma_semaphore, #tpu.memory_space<semaphore_mem>>
        %dma_start3A_190 = arith.constant 0 : i32
        %dma_start3A_191 = tpu.memref_slice %arg7[%add3A_142, %dma_start3A_190] : memref<64x64xi32, #tpu.memory_space<vmem>> -> memref<1x64xi32, #tpu.memory_space<vmem>>
        %dma_start3A_192 = tpu.memref_squeeze %dma_start3A_191 : memref<1x64xi32, #tpu.memory_space<vmem>> -> memref<64xi32, #tpu.memory_space<vmem>>
        %dma_start3A_193 = arith.constant 0 : i32
        %dma_start3A_194 = arith.constant 0 : i32
        %dma_start3A_195 = tpu.memref_slice %arg12[%dma_start3A_193, %dma_start3A_194] : memref<10112x128xf32, #tpu.memory_space<vmem_shared>> -> memref<10112x128xf32, #tpu.memory_space<vmem_shared>>
        tpu.enqueue_indirect_dma source(%arg9 : memref<64x128xf32, #tpu.memory_space<vmem>>) target(%dma_start3A_195 : memref<10112x128xf32, #tpu.memory_space<vmem_shared>>) offsets(%dma_start3A_192 : memref<64xi32, #tpu.memory_space<vmem>>) semaphore(%run_scoped3A : memref<!tpu.dma_semaphore, #tpu.memory_space<semaphore_mem>>) {add = true}
        %dma_wait3A_196 = arith.constant 0 : i32
        %dma_wait3A_197 = tpu.memref_slice %arg7[%add3A_142, %dma_wait3A_196] : memref<64x64xi32, #tpu.memory_space<vmem>> -> memref<1x64xi32, #tpu.memory_space<vmem>>
        %dma_wait3A_198 = tpu.memref_squeeze %dma_wait3A_197 : memref<1x64xi32, #tpu.memory_space<vmem>> -> memref<64xi32, #tpu.memory_space<vmem>>
        %dma_wait3A_199 = arith.constant 0 : i32
        %dma_wait3A_200 = arith.constant 0 : i32
        %dma_wait3A_201 = tpu.memref_slice %arg12[%dma_wait3A_199, %dma_wait3A_200] : memref<10112x128xf32, #tpu.memory_space<vmem_shared>> -> memref<10112x128xf32, #tpu.memory_space<vmem_shared>>
        tpu.wait_indirect_dma semaphore(%run_scoped3A : memref<!tpu.dma_semaphore, #tpu.memory_space<semaphore_mem>>) src(%arg9 : memref<64x128xf32, #tpu.memory_space<vmem>>) dst(%dma_wait3A_201 : memref<10112x128xf32, #tpu.memory_space<vmem_shared>>)
        tpu.yield
      }) : () -> ()
      %add3A_143 = arith.constant 4 : i32
      %add3A_144 = arith.addi %add3A_117, %add3A_143 : i32
      %add3A_145 = arith.constant 1 : i32
      %add3A_146 = arith.addi %add3A_144, %add3A_145 : i32
      %lt3A_147 = arith.constant 64 : i32
      %lt3A_148 = arith.cmpi slt, %add3A_146, %lt3A_147 : i32
      %convert_element_type3A_149 = arith.extui %lt3A_148 : i1 to i32
      %cond3A_150 = arith.constant 0 : i32
      %cond3A_151 = arith.cmpi ne, %convert_element_type3A_149, %cond3A_150 : i32
      scf.if %cond3A_151 {
        %add3A_190 = arith.constant 4 : i32
        %add3A_191 = arith.addi %add3A_117, %add3A_190 : i32
        %add3A_192 = arith.constant 1 : i32
        %add3A_193 = arith.addi %add3A_191, %add3A_192 : i32
        %dma_start3A_194 = arith.constant 0 : i32
        %dma_start3A_195 = tpu.memref_slice %arg6[%add3A_193, %dma_start3A_194] : memref<64x64xi32, #tpu.memory_space<vmem>> -> memref<1x64xi32, #tpu.memory_space<vmem>>
        %dma_start3A_196 = tpu.memref_squeeze %dma_start3A_195 : memref<1x64xi32, #tpu.memory_space<vmem>> -> memref<64xi32, #tpu.memory_space<vmem>>
        %dma_start3A_197 = arith.constant 0 : i32
        %dma_start3A_198 = arith.constant 0 : i32
        %dma_start3A_199 = tpu.memref_slice %arg2[%dma_start3A_197, %dma_start3A_198] : memref<10000x128xf32, #tpu.memory_space<hbm>> -> memref<10000x128xf32, #tpu.memory_space<hbm>>
        tpu.enqueue_indirect_dma source(%dma_start3A_199 : memref<10000x128xf32, #tpu.memory_space<hbm>>) target(%arg9 : memref<64x128xf32, #tpu.memory_space<vmem>>) offsets(%dma_start3A_196 : memref<64xi32, #tpu.memory_space<vmem>>) semaphore(%arg14 : memref<!tpu.dma_semaphore, #tpu.memory_space<semaphore_mem>>)
      } else {
      }
      %add3A_152 = arith.constant 2 : i32
      %add3A_153 = arith.addi %add3A_117, %add3A_152 : i32
      %dma_wait3A_154 = arith.constant 0 : i32
      %dma_wait3A_155 = tpu.memref_slice %arg6[%add3A_153, %dma_wait3A_154] : memref<64x64xi32, #tpu.memory_space<vmem>> -> memref<1x64xi32, #tpu.memory_space<vmem>>
      %dma_wait3A_156 = tpu.memref_squeeze %dma_wait3A_155 : memref<1x64xi32, #tpu.memory_space<vmem>> -> memref<64xi32, #tpu.memory_space<vmem>>
      %dma_wait3A_157 = arith.constant 0 : i32
      %dma_wait3A_158 = arith.constant 0 : i32
      %dma_wait3A_159 = tpu.memref_slice %arg2[%dma_wait3A_157, %dma_wait3A_158] : memref<10000x128xf32, #tpu.memory_space<hbm>> -> memref<10000x128xf32, #tpu.memory_space<hbm>>
      tpu.wait_indirect_dma semaphore(%arg15 : memref<!tpu.dma_semaphore, #tpu.memory_space<semaphore_mem>>) src(%dma_wait3A_159 : memref<10000x128xf32, #tpu.memory_space<hbm>>) dst(%arg10 : memref<64x128xf32, #tpu.memory_space<vmem>>)
      %add3A_160 = arith.constant 2 : i32
      %add3A_161 = arith.addi %add3A_117, %add3A_160 : i32
      "tpu.region"() ({
        %run_scoped3A = tpu.sem_alloc : memref<!tpu.dma_semaphore, #tpu.memory_space<semaphore_mem>>
        %dma_start3A_190 = arith.constant 0 : i32
        %dma_start3A_191 = tpu.memref_slice %arg7[%add3A_161, %dma_start3A_190] : memref<64x64xi32, #tpu.memory_space<vmem>> -> memref<1x64xi32, #tpu.memory_space<vmem>>
        %dma_start3A_192 = tpu.memref_squeeze %dma_start3A_191 : memref<1x64xi32, #tpu.memory_space<vmem>> -> memref<64xi32, #tpu.memory_space<vmem>>
        %dma_start3A_193 = arith.constant 0 : i32
        %dma_start3A_194 = arith.constant 0 : i32
        %dma_start3A_195 = tpu.memref_slice %arg12[%dma_start3A_193, %dma_start3A_194] : memref<10112x128xf32, #tpu.memory_space<vmem_shared>> -> memref<10112x128xf32, #tpu.memory_space<vmem_shared>>
        tpu.enqueue_indirect_dma source(%arg10 : memref<64x128xf32, #tpu.memory_space<vmem>>) target(%dma_start3A_195 : memref<10112x128xf32, #tpu.memory_space<vmem_shared>>) offsets(%dma_start3A_192 : memref<64xi32, #tpu.memory_space<vmem>>) semaphore(%run_scoped3A : memref<!tpu.dma_semaphore, #tpu.memory_space<semaphore_mem>>) {add = true}
        %dma_wait3A_196 = arith.constant 0 : i32
        %dma_wait3A_197 = tpu.memref_slice %arg7[%add3A_161, %dma_wait3A_196] : memref<64x64xi32, #tpu.memory_space<vmem>> -> memref<1x64xi32, #tpu.memory_space<vmem>>
        %dma_wait3A_198 = tpu.memref_squeeze %dma_wait3A_197 : memref<1x64xi32, #tpu.memory_space<vmem>> -> memref<64xi32, #tpu.memory_space<vmem>>
        %dma_wait3A_199 = arith.constant 0 : i32
        %dma_wait3A_200 = arith.constant 0 : i32
        %dma_wait3A_201 = tpu.memref_slice %arg12[%dma_wait3A_199, %dma_wait3A_200] : memref<10112x128xf32, #tpu.memory_space<vmem_shared>> -> memref<10112x128xf32, #tpu.memory_space<vmem_shared>>
        tpu.wait_indirect_dma semaphore(%run_scoped3A : memref<!tpu.dma_semaphore, #tpu.memory_space<semaphore_mem>>) src(%arg10 : memref<64x128xf32, #tpu.memory_space<vmem>>) dst(%dma_wait3A_201 : memref<10112x128xf32, #tpu.memory_space<vmem_shared>>)
        tpu.yield
      }) : () -> ()
      %add3A_162 = arith.constant 4 : i32
      %add3A_163 = arith.addi %add3A_117, %add3A_162 : i32
      %add3A_164 = arith.constant 2 : i32
      %add3A_165 = arith.addi %add3A_163, %add3A_164 : i32
      %lt3A_166 = arith.constant 64 : i32
      %lt3A_167 = arith.cmpi slt, %add3A_165, %lt3A_166 : i32
      %convert_element_type3A_168 = arith.extui %lt3A_167 : i1 to i32
      %cond3A_169 = arith.constant 0 : i32
      %cond3A_170 = arith.cmpi ne, %convert_element_type3A_168, %cond3A_169 : i32
      scf.if %cond3A_170 {
        %add3A_190 = arith.constant 4 : i32
        %add3A_191 = arith.addi %add3A_117, %add3A_190 : i32
        %add3A_192 = arith.constant 2 : i32
        %add3A_193 = arith.addi %add3A_191, %add3A_192 : i32
        %dma_start3A_194 = arith.constant 0 : i32
        %dma_start3A_195 = tpu.memref_slice %arg6[%add3A_193, %dma_start3A_194] : memref<64x64xi32, #tpu.memory_space<vmem>> -> memref<1x64xi32, #tpu.memory_space<vmem>>
        %dma_start3A_196 = tpu.memref_squeeze %dma_start3A_195 : memref<1x64xi32, #tpu.memory_space<vmem>> -> memref<64xi32, #tpu.memory_space<vmem>>
        %dma_start3A_197 = arith.constant 0 : i32
        %dma_start3A_198 = arith.constant 0 : i32
        %dma_start3A_199 = tpu.memref_slice %arg2[%dma_start3A_197, %dma_start3A_198] : memref<10000x128xf32, #tpu.memory_space<hbm>> -> memref<10000x128xf32, #tpu.memory_space<hbm>>
        tpu.enqueue_indirect_dma source(%dma_start3A_199 : memref<10000x128xf32, #tpu.memory_space<hbm>>) target(%arg10 : memref<64x128xf32, #tpu.memory_space<vmem>>) offsets(%dma_start3A_196 : memref<64xi32, #tpu.memory_space<vmem>>) semaphore(%arg15 : memref<!tpu.dma_semaphore, #tpu.memory_space<semaphore_mem>>)
      } else {
      }
      %add3A_171 = arith.constant 3 : i32
      %add3A_172 = arith.addi %add3A_117, %add3A_171 : i32
      %dma_wait3A_173 = arith.constant 0 : i32
      %dma_wait3A_174 = tpu.memref_slice %arg6[%add3A_172, %dma_wait3A_173] : memref<64x64xi32, #tpu.memory_space<vmem>> -> memref<1x64xi32, #tpu.memory_space<vmem>>
      %dma_wait3A_175 = tpu.memref_squeeze %dma_wait3A_174 : memref<1x64xi32, #tpu.memory_space<vmem>> -> memref<64xi32, #tpu.memory_space<vmem>>
      %dma_wait3A_176 = arith.constant 0 : i32
      %dma_wait3A_177 = arith.constant 0 : i32
      %dma_wait3A_178 = tpu.memref_slice %arg2[%dma_wait3A_176, %dma_wait3A_177] : memref<10000x128xf32, #tpu.memory_space<hbm>> -> memref<10000x128xf32, #tpu.memory_space<hbm>>
      tpu.wait_indirect_dma semaphore(%arg16 : memref<!tpu.dma_semaphore, #tpu.memory_space<semaphore_mem>>) src(%dma_wait3A_178 : memref<10000x128xf32, #tpu.memory_space<hbm>>) dst(%arg11 : memref<64x128xf32, #tpu.memory_space<vmem>>)
      %add3A_179 = arith.constant 3 : i32
      %add3A_180 = arith.addi %add3A_117, %add3A_179 : i32
      "tpu.region"() ({
        %run_scoped3A = tpu.sem_alloc : memref<!tpu.dma_semaphore, #tpu.memory_space<semaphore_mem>>
        %dma_start3A_190 = arith.constant 0 : i32
        %dma_start3A_191 = tpu.memref_slice %arg7[%add3A_180, %dma_start3A_190] : memref<64x64xi32, #tpu.memory_space<vmem>> -> memref<1x64xi32, #tpu.memory_space<vmem>>
        %dma_start3A_192 = tpu.memref_squeeze %dma_start3A_191 : memref<1x64xi32, #tpu.memory_space<vmem>> -> memref<64xi32, #tpu.memory_space<vmem>>
        %dma_start3A_193 = arith.constant 0 : i32
        %dma_start3A_194 = arith.constant 0 : i32
        %dma_start3A_195 = tpu.memref_slice %arg12[%dma_start3A_193, %dma_start3A_194] : memref<10112x128xf32, #tpu.memory_space<vmem_shared>> -> memref<10112x128xf32, #tpu.memory_space<vmem_shared>>
        tpu.enqueue_indirect_dma source(%arg11 : memref<64x128xf32, #tpu.memory_space<vmem>>) target(%dma_start3A_195 : memref<10112x128xf32, #tpu.memory_space<vmem_shared>>) offsets(%dma_start3A_192 : memref<64xi32, #tpu.memory_space<vmem>>) semaphore(%run_scoped3A : memref<!tpu.dma_semaphore, #tpu.memory_space<semaphore_mem>>) {add = true}
        %dma_wait3A_196 = arith.constant 0 : i32
        %dma_wait3A_197 = tpu.memref_slice %arg7[%add3A_180, %dma_wait3A_196] : memref<64x64xi32, #tpu.memory_space<vmem>> -> memref<1x64xi32, #tpu.memory_space<vmem>>
        %dma_wait3A_198 = tpu.memref_squeeze %dma_wait3A_197 : memref<1x64xi32, #tpu.memory_space<vmem>> -> memref<64xi32, #tpu.memory_space<vmem>>
        %dma_wait3A_199 = arith.constant 0 : i32
        %dma_wait3A_200 = arith.constant 0 : i32
        %dma_wait3A_201 = tpu.memref_slice %arg12[%dma_wait3A_199, %dma_wait3A_200] : memref<10112x128xf32, #tpu.memory_space<vmem_shared>> -> memref<10112x128xf32, #tpu.memory_space<vmem_shared>>
        tpu.wait_indirect_dma semaphore(%run_scoped3A : memref<!tpu.dma_semaphore, #tpu.memory_space<semaphore_mem>>) src(%arg11 : memref<64x128xf32, #tpu.memory_space<vmem>>) dst(%dma_wait3A_201 : memref<10112x128xf32, #tpu.memory_space<vmem_shared>>)
        tpu.yield
      }) : () -> ()
      %add3A_181 = arith.constant 4 : i32
      %add3A_182 = arith.addi %add3A_117, %add3A_181 : i32
      %add3A_183 = arith.constant 3 : i32
      %add3A_184 = arith.addi %add3A_182, %add3A_183 : i32
      %lt3A_185 = arith.constant 64 : i32
      %lt3A_186 = arith.cmpi slt, %add3A_184, %lt3A_185 : i32
      %convert_element_type3A_187 = arith.extui %lt3A_186 : i1 to i32
      %cond3A_188 = arith.constant 0 : i32
      %cond3A_189 = arith.cmpi ne, %convert_element_type3A_187, %cond3A_188 : i32
      scf.if %cond3A_189 {
        %add3A_190 = arith.constant 4 : i32
        %add3A_191 = arith.addi %add3A_117, %add3A_190 : i32
        %add3A_192 = arith.constant 3 : i32
        %add3A_193 = arith.addi %add3A_191, %add3A_192 : i32
        %dma_start3A_194 = arith.constant 0 : i32
        %dma_start3A_195 = tpu.memref_slice %arg6[%add3A_193, %dma_start3A_194] : memref<64x64xi32, #tpu.memory_space<vmem>> -> memref<1x64xi32, #tpu.memory_space<vmem>>
        %dma_start3A_196 = tpu.memref_squeeze %dma_start3A_195 : memref<1x64xi32, #tpu.memory_space<vmem>> -> memref<64xi32, #tpu.memory_space<vmem>>
        %dma_start3A_197 = arith.constant 0 : i32
        %dma_start3A_198 = arith.constant 0 : i32
        %dma_start3A_199 = tpu.memref_slice %arg2[%dma_start3A_197, %dma_start3A_198] : memref<10000x128xf32, #tpu.memory_space<hbm>> -> memref<10000x128xf32, #tpu.memory_space<hbm>>
        tpu.enqueue_indirect_dma source(%dma_start3A_199 : memref<10000x128xf32, #tpu.memory_space<hbm>>) target(%arg11 : memref<64x128xf32, #tpu.memory_space<vmem>>) offsets(%dma_start3A_196 : memref<64xi32, #tpu.memory_space<vmem>>) semaphore(%arg16 : memref<!tpu.dma_semaphore, #tpu.memory_space<semaphore_mem>>)
      } else {
      }
    }
    %scan3A_45 = arith.constant 16 : i32
    "tpu.region"() ({
      %run_scoped3A = tpu.sem_alloc : memref<!tpu.dma_semaphore, #tpu.memory_space<semaphore_mem>>
      %dma_start3A_113 = arith.constant 0 : i32
      %dma_start3A_114 = arith.constant 0 : i32
      %dma_start3A_115 = tpu.memref_slice %arg6[%dma_start3A_113, %dma_start3A_114] : memref<64x64xi32, #tpu.memory_space<vmem>> -> memref<64x64xi32, #tpu.memory_space<vmem>>
      %dma_start3A_116 = arith.constant 0 : i32
      %dma_start3A_117 = arith.constant 0 : i32
      %dma_start3A_118 = tpu.memref_slice %arg3[%add3A, %dma_start3A_116, %dma_start3A_117] : memref<32x160x64xi32, #tpu.memory_space<hbm>> -> memref<1x160x64xi32, #tpu.memory_space<hbm>>
      %dma_start3A_119 = tpu.memref_squeeze %dma_start3A_118 : memref<1x160x64xi32, #tpu.memory_space<hbm>> -> memref<160x64xi32, #tpu.memory_space<hbm>>
      %dma_start3A_120 = arith.constant 64 : i32
      %dma_start3A_121 = arith.constant 0 : i32
      %dma_start3A_122 = tpu.memref_slice %dma_start3A_119[%dma_start3A_120, %dma_start3A_121] : memref<160x64xi32, #tpu.memory_space<hbm>> -> memref<64x64xi32, #tpu.memory_space<hbm>>
      %dma_start3A_123 = arith.constant 0 : i32
      %dma_start3A_124 = arith.constant 0 : i32
      %dma_start3A_125 = tpu.memref_slice %arg6[%dma_start3A_123, %dma_start3A_124] : memref<64x64xi32, #tpu.memory_space<vmem>> -> memref<64x64xi32, #tpu.memory_space<vmem>>
      %dma_start3A_126 = arith.constant 0 : i32
      %dma_start3A_127 = arith.constant 0 : i32
      %dma_start3A_128 = tpu.memref_slice %arg3[%add3A, %dma_start3A_126, %dma_start3A_127] : memref<32x160x64xi32, #tpu.memory_space<hbm>> -> memref<1x160x64xi32, #tpu.memory_space<hbm>>
      %dma_start3A_129 = tpu.memref_squeeze %dma_start3A_128 : memref<1x160x64xi32, #tpu.memory_space<hbm>> -> memref<160x64xi32, #tpu.memory_space<hbm>>
      %dma_start3A_130 = arith.constant 64 : i32
      %dma_start3A_131 = arith.constant 0 : i32
      %dma_start3A_132 = tpu.memref_slice %dma_start3A_129[%dma_start3A_130, %dma_start3A_131] : memref<160x64xi32, #tpu.memory_space<hbm>> -> memref<64x64xi32, #tpu.memory_space<hbm>>
      tpu.enqueue_dma source(%dma_start3A_132 : memref<64x64xi32, #tpu.memory_space<hbm>>) target(%dma_start3A_125 : memref<64x64xi32, #tpu.memory_space<vmem>>) target_semaphore(%run_scoped3A : memref<!tpu.dma_semaphore, #tpu.memory_space<semaphore_mem>>)
      %dma_wait3A = arith.constant 0 : i32
      %dma_wait3A_133 = arith.constant 0 : i32
      %dma_wait3A_134 = tpu.memref_slice %arg6[%dma_wait3A, %dma_wait3A_133] : memref<64x64xi32, #tpu.memory_space<vmem>> -> memref<64x64xi32, #tpu.memory_space<vmem>>
      %dma_wait3A_135 = arith.constant 0 : i32
      %dma_wait3A_136 = arith.constant 0 : i32
      %dma_wait3A_137 = tpu.memref_slice %arg3[%add3A, %dma_wait3A_135, %dma_wait3A_136] : memref<32x160x64xi32, #tpu.memory_space<hbm>> -> memref<1x160x64xi32, #tpu.memory_space<hbm>>
      %dma_wait3A_138 = tpu.memref_squeeze %dma_wait3A_137 : memref<1x160x64xi32, #tpu.memory_space<hbm>> -> memref<160x64xi32, #tpu.memory_space<hbm>>
      %dma_wait3A_139 = arith.constant 64 : i32
      %dma_wait3A_140 = arith.constant 0 : i32
      %dma_wait3A_141 = tpu.memref_slice %dma_wait3A_138[%dma_wait3A_139, %dma_wait3A_140] : memref<160x64xi32, #tpu.memory_space<hbm>> -> memref<64x64xi32, #tpu.memory_space<hbm>>
      %dma_wait3A_142 = arith.constant 0 : i32
      %dma_wait3A_143 = arith.constant 0 : i32
      %dma_wait3A_144 = tpu.memref_slice %arg6[%dma_wait3A_142, %dma_wait3A_143] : memref<64x64xi32, #tpu.memory_space<vmem>> -> memref<64x64xi32, #tpu.memory_space<vmem>>
      %dma_wait3A_145 = arith.constant 0 : i32
      %dma_wait3A_146 = arith.constant 0 : i32
      %dma_wait3A_147 = tpu.memref_slice %arg3[%add3A, %dma_wait3A_145, %dma_wait3A_146] : memref<32x160x64xi32, #tpu.memory_space<hbm>> -> memref<1x160x64xi32, #tpu.memory_space<hbm>>
      %dma_wait3A_148 = tpu.memref_squeeze %dma_wait3A_147 : memref<1x160x64xi32, #tpu.memory_space<hbm>> -> memref<160x64xi32, #tpu.memory_space<hbm>>
      %dma_wait3A_149 = arith.constant 64 : i32
      %dma_wait3A_150 = arith.constant 0 : i32
      %dma_wait3A_151 = tpu.memref_slice %dma_wait3A_148[%dma_wait3A_149, %dma_wait3A_150] : memref<160x64xi32, #tpu.memory_space<hbm>> -> memref<64x64xi32, #tpu.memory_space<hbm>>
      tpu.wait_dma2 semaphore(%run_scoped3A : memref<!tpu.dma_semaphore, #tpu.memory_space<semaphore_mem>>) src(%dma_wait3A_151 : memref<64x64xi32, #tpu.memory_space<hbm>>) dst(%dma_wait3A_144 : memref<64x64xi32, #tpu.memory_space<vmem>>)
      tpu.yield
    }) : () -> ()
    "tpu.region"() ({
      %run_scoped3A = tpu.sem_alloc : memref<!tpu.dma_semaphore, #tpu.memory_space<semaphore_mem>>
      %dma_start3A_113 = arith.constant 0 : i32
      %dma_start3A_114 = arith.constant 0 : i32
      %dma_start3A_115 = tpu.memref_slice %arg7[%dma_start3A_113, %dma_start3A_114] : memref<64x64xi32, #tpu.memory_space<vmem>> -> memref<64x64xi32, #tpu.memory_space<vmem>>
      %dma_start3A_116 = arith.constant 0 : i32
      %dma_start3A_117 = arith.constant 0 : i32
      %dma_start3A_118 = tpu.memref_slice %arg4[%add3A, %dma_start3A_116, %dma_start3A_117] : memref<32x160x64xi32, #tpu.memory_space<hbm>> -> memref<1x160x64xi32, #tpu.memory_space<hbm>>
      %dma_start3A_119 = tpu.memref_squeeze %dma_start3A_118 : memref<1x160x64xi32, #tpu.memory_space<hbm>> -> memref<160x64xi32, #tpu.memory_space<hbm>>
      %dma_start3A_120 = arith.constant 64 : i32
      %dma_start3A_121 = arith.constant 0 : i32
      %dma_start3A_122 = tpu.memref_slice %dma_start3A_119[%dma_start3A_120, %dma_start3A_121] : memref<160x64xi32, #tpu.memory_space<hbm>> -> memref<64x64xi32, #tpu.memory_space<hbm>>
      %dma_start3A_123 = arith.constant 0 : i32
      %dma_start3A_124 = arith.constant 0 : i32
      %dma_start3A_125 = tpu.memref_slice %arg7[%dma_start3A_123, %dma_start3A_124] : memref<64x64xi32, #tpu.memory_space<vmem>> -> memref<64x64xi32, #tpu.memory_space<vmem>>
      %dma_start3A_126 = arith.constant 0 : i32
      %dma_start3A_127 = arith.constant 0 : i32
      %dma_start3A_128 = tpu.memref_slice %arg4[%add3A, %dma_start3A_126, %dma_start3A_127] : memref<32x160x64xi32, #tpu.memory_space<hbm>> -> memref<1x160x64xi32, #tpu.memory_space<hbm>>
      %dma_start3A_129 = tpu.memref_squeeze %dma_start3A_128 : memref<1x160x64xi32, #tpu.memory_space<hbm>> -> memref<160x64xi32, #tpu.memory_space<hbm>>
      %dma_start3A_130 = arith.constant 64 : i32
      %dma_start3A_131 = arith.constant 0 : i32
      %dma_start3A_132 = tpu.memref_slice %dma_start3A_129[%dma_start3A_130, %dma_start3A_131] : memref<160x64xi32, #tpu.memory_space<hbm>> -> memref<64x64xi32, #tpu.memory_space<hbm>>
      tpu.enqueue_dma source(%dma_start3A_132 : memref<64x64xi32, #tpu.memory_space<hbm>>) target(%dma_start3A_125 : memref<64x64xi32, #tpu.memory_space<vmem>>) target_semaphore(%run_scoped3A : memref<!tpu.dma_semaphore, #tpu.memory_space<semaphore_mem>>)
      %dma_wait3A = arith.constant 0 : i32
      %dma_wait3A_133 = arith.constant 0 : i32
      %dma_wait3A_134 = tpu.memref_slice %arg7[%dma_wait3A, %dma_wait3A_133] : memref<64x64xi32, #tpu.memory_space<vmem>> -> memref<64x64xi32, #tpu.memory_space<vmem>>
      %dma_wait3A_135 = arith.constant 0 : i32
      %dma_wait3A_136 = arith.constant 0 : i32
      %dma_wait3A_137 = tpu.memref_slice %arg4[%add3A, %dma_wait3A_135, %dma_wait3A_136] : memref<32x160x64xi32, #tpu.memory_space<hbm>> -> memref<1x160x64xi32, #tpu.memory_space<hbm>>
      %dma_wait3A_138 = tpu.memref_squeeze %dma_wait3A_137 : memref<1x160x64xi32, #tpu.memory_space<hbm>> -> memref<160x64xi32, #tpu.memory_space<hbm>>
      %dma_wait3A_139 = arith.constant 64 : i32
      %dma_wait3A_140 = arith.constant 0 : i32
      %dma_wait3A_141 = tpu.memref_slice %dma_wait3A_138[%dma_wait3A_139, %dma_wait3A_140] : memref<160x64xi32, #tpu.memory_space<hbm>> -> memref<64x64xi32, #tpu.memory_space<hbm>>
      %dma_wait3A_142 = arith.constant 0 : i32
      %dma_wait3A_143 = arith.constant 0 : i32
      %dma_wait3A_144 = tpu.memref_slice %arg7[%dma_wait3A_142, %dma_wait3A_143] : memref<64x64xi32, #tpu.memory_space<vmem>> -> memref<64x64xi32, #tpu.memory_space<vmem>>
      %dma_wait3A_145 = arith.constant 0 : i32
      %dma_wait3A_146 = arith.constant 0 : i32
      %dma_wait3A_147 = tpu.memref_slice %arg4[%add3A, %dma_wait3A_145, %dma_wait3A_146] : memref<32x160x64xi32, #tpu.memory_space<hbm>> -> memref<1x160x64xi32, #tpu.memory_space<hbm>>
      %dma_wait3A_148 = tpu.memref_squeeze %dma_wait3A_147 : memref<1x160x64xi32, #tpu.memory_space<hbm>> -> memref<160x64xi32, #tpu.memory_space<hbm>>
      %dma_wait3A_149 = arith.constant 64 : i32
      %dma_wait3A_150 = arith.constant 0 : i32
      %dma_wait3A_151 = tpu.memref_slice %dma_wait3A_148[%dma_wait3A_149, %dma_wait3A_150] : memref<160x64xi32, #tpu.memory_space<hbm>> -> memref<64x64xi32, #tpu.memory_space<hbm>>
      tpu.wait_dma2 semaphore(%run_scoped3A : memref<!tpu.dma_semaphore, #tpu.memory_space<semaphore_mem>>) src(%dma_wait3A_151 : memref<64x64xi32, #tpu.memory_space<hbm>>) dst(%dma_wait3A_144 : memref<64x64xi32, #tpu.memory_space<vmem>>)
      tpu.yield
    }) : () -> ()
    %dma_start3A_46 = arith.constant 0 : i32
    %dma_start3A_47 = arith.constant 0 : i32
    %dma_start3A_48 = tpu.memref_slice %arg6[%dma_start3A_46, %dma_start3A_47] : memref<64x64xi32, #tpu.memory_space<vmem>> -> memref<1x64xi32, #tpu.memory_space<vmem>>
    %dma_start3A_49 = tpu.memref_squeeze %dma_start3A_48 : memref<1x64xi32, #tpu.memory_space<vmem>> -> memref<64xi32, #tpu.memory_space<vmem>>
    %dma_start3A_50 = arith.constant 0 : i32
    %dma_start3A_51 = arith.constant 0 : i32
    %dma_start3A_52 = tpu.memref_slice %arg2[%dma_start3A_50, %dma_start3A_51] : memref<10000x128xf32, #tpu.memory_space<hbm>> -> memref<10000x128xf32, #tpu.memory_space<hbm>>
    tpu.enqueue_indirect_dma source(%dma_start3A_52 : memref<10000x128xf32, #tpu.memory_space<hbm>>) target(%arg8 : memref<64x128xf32, #tpu.memory_space<vmem>>) offsets(%dma_start3A_49 : memref<64xi32, #tpu.memory_space<vmem>>) semaphore(%arg13 : memref<!tpu.dma_semaphore, #tpu.memory_space<semaphore_mem>>)
    %dma_start3A_53 = arith.constant 1 : i32
    %dma_start3A_54 = arith.constant 0 : i32
    %dma_start3A_55 = tpu.memref_slice %arg6[%dma_start3A_53, %dma_start3A_54] : memref<64x64xi32, #tpu.memory_space<vmem>> -> memref<1x64xi32, #tpu.memory_space<vmem>>
    %dma_start3A_56 = tpu.memref_squeeze %dma_start3A_55 : memref<1x64xi32, #tpu.memory_space<vmem>> -> memref<64xi32, #tpu.memory_space<vmem>>
    %dma_start3A_57 = arith.constant 0 : i32
    %dma_start3A_58 = arith.constant 0 : i32
    %dma_start3A_59 = tpu.memref_slice %arg2[%dma_start3A_57, %dma_start3A_58] : memref<10000x128xf32, #tpu.memory_space<hbm>> -> memref<10000x128xf32, #tpu.memory_space<hbm>>
    tpu.enqueue_indirect_dma source(%dma_start3A_59 : memref<10000x128xf32, #tpu.memory_space<hbm>>) target(%arg9 : memref<64x128xf32, #tpu.memory_space<vmem>>) offsets(%dma_start3A_56 : memref<64xi32, #tpu.memory_space<vmem>>) semaphore(%arg14 : memref<!tpu.dma_semaphore, #tpu.memory_space<semaphore_mem>>)
    %dma_start3A_60 = arith.constant 2 : i32
    %dma_start3A_61 = arith.constant 0 : i32
    %dma_start3A_62 = tpu.memref_slice %arg6[%dma_start3A_60, %dma_start3A_61] : memref<64x64xi32, #tpu.memory_space<vmem>> -> memref<1x64xi32, #tpu.memory_space<vmem>>
    %dma_start3A_63 = tpu.memref_squeeze %dma_start3A_62 : memref<1x64xi32, #tpu.memory_space<vmem>> -> memref<64xi32, #tpu.memory_space<vmem>>
    %dma_start3A_64 = arith.constant 0 : i32
    %dma_start3A_65 = arith.constant 0 : i32
    %dma_start3A_66 = tpu.memref_slice %arg2[%dma_start3A_64, %dma_start3A_65] : memref<10000x128xf32, #tpu.memory_space<hbm>> -> memref<10000x128xf32, #tpu.memory_space<hbm>>
    tpu.enqueue_indirect_dma source(%dma_start3A_66 : memref<10000x128xf32, #tpu.memory_space<hbm>>) target(%arg10 : memref<64x128xf32, #tpu.memory_space<vmem>>) offsets(%dma_start3A_63 : memref<64xi32, #tpu.memory_space<vmem>>) semaphore(%arg15 : memref<!tpu.dma_semaphore, #tpu.memory_space<semaphore_mem>>)
    %dma_start3A_67 = arith.constant 3 : i32
    %dma_start3A_68 = arith.constant 0 : i32
    %dma_start3A_69 = tpu.memref_slice %arg6[%dma_start3A_67, %dma_start3A_68] : memref<64x64xi32, #tpu.memory_space<vmem>> -> memref<1x64xi32, #tpu.memory_space<vmem>>
    %dma_start3A_70 = tpu.memref_squeeze %dma_start3A_69 : memref<1x64xi32, #tpu.memory_space<vmem>> -> memref<64xi32, #tpu.memory_space<vmem>>
    %dma_start3A_71 = arith.constant 0 : i32
    %dma_start3A_72 = arith.constant 0 : i32
    %dma_start3A_73 = tpu.memref_slice %arg2[%dma_start3A_71, %dma_start3A_72] : memref<10000x128xf32, #tpu.memory_space<hbm>> -> memref<10000x128xf32, #tpu.memory_space<hbm>>
    tpu.enqueue_indirect_dma source(%dma_start3A_73 : memref<10000x128xf32, #tpu.memory_space<hbm>>) target(%arg11 : memref<64x128xf32, #tpu.memory_space<vmem>>) offsets(%dma_start3A_70 : memref<64xi32, #tpu.memory_space<vmem>>) semaphore(%arg16 : memref<!tpu.dma_semaphore, #tpu.memory_space<semaphore_mem>>)
    %scan3A_74 = arith.constant 0 : i32
    %scan3A_75 = arith.constant 16 : i32
    %scan3A_76 = arith.addi %scan3A_74, %scan3A_75 : i32
    %scan3A_77 = arith.constant 1 : i32
    scf.for %scan3A_113 = %scan3A_74 to %scan3A_76 step %scan3A_77  : i32 {
      %mul3A_114 = arith.constant 4 : i32
      %mul3A_115 = arith.muli %scan3A_113, %mul3A_114 : i32
      %add3A_116 = arith.constant 0 : i32
      %add3A_117 = arith.addi %add3A_116, %mul3A_115 : i32
      %add3A_118 = arith.constant 0 : i32
      %add3A_119 = arith.addi %add3A_117, %add3A_118 : i32
      %dma_wait3A = arith.constant 0 : i32
      %dma_wait3A_120 = tpu.memref_slice %arg6[%add3A_119, %dma_wait3A] : memref<64x64xi32, #tpu.memory_space<vmem>> -> memref<1x64xi32, #tpu.memory_space<vmem>>
      %dma_wait3A_121 = tpu.memref_squeeze %dma_wait3A_120 : memref<1x64xi32, #tpu.memory_space<vmem>> -> memref<64xi32, #tpu.memory_space<vmem>>
      %dma_wait3A_122 = arith.constant 0 : i32
      %dma_wait3A_123 = arith.constant 0 : i32
      %dma_wait3A_124 = tpu.memref_slice %arg2[%dma_wait3A_122, %dma_wait3A_123] : memref<10000x128xf32, #tpu.memory_space<hbm>> -> memref<10000x128xf32, #tpu.memory_space<hbm>>
      tpu.wait_indirect_dma semaphore(%arg13 : memref<!tpu.dma_semaphore, #tpu.memory_space<semaphore_mem>>) src(%dma_wait3A_124 : memref<10000x128xf32, #tpu.memory_space<hbm>>) dst(%arg8 : memref<64x128xf32, #tpu.memory_space<vmem>>)
      %add3A_125 = arith.constant 0 : i32
      %add3A_126 = arith.addi %add3A_117, %add3A_125 : i32
      "tpu.region"() ({
        %run_scoped3A = tpu.sem_alloc : memref<!tpu.dma_semaphore, #tpu.memory_space<semaphore_mem>>
        %dma_start3A_190 = arith.constant 0 : i32
        %dma_start3A_191 = tpu.memref_slice %arg7[%add3A_126, %dma_start3A_190] : memref<64x64xi32, #tpu.memory_space<vmem>> -> memref<1x64xi32, #tpu.memory_space<vmem>>
        %dma_start3A_192 = tpu.memref_squeeze %dma_start3A_191 : memref<1x64xi32, #tpu.memory_space<vmem>> -> memref<64xi32, #tpu.memory_space<vmem>>
        %dma_start3A_193 = arith.constant 0 : i32
        %dma_start3A_194 = arith.constant 0 : i32
        %dma_start3A_195 = tpu.memref_slice %arg12[%dma_start3A_193, %dma_start3A_194] : memref<10112x128xf32, #tpu.memory_space<vmem_shared>> -> memref<10112x128xf32, #tpu.memory_space<vmem_shared>>
        tpu.enqueue_indirect_dma source(%arg8 : memref<64x128xf32, #tpu.memory_space<vmem>>) target(%dma_start3A_195 : memref<10112x128xf32, #tpu.memory_space<vmem_shared>>) offsets(%dma_start3A_192 : memref<64xi32, #tpu.memory_space<vmem>>) semaphore(%run_scoped3A : memref<!tpu.dma_semaphore, #tpu.memory_space<semaphore_mem>>) {add = true}
        %dma_wait3A_196 = arith.constant 0 : i32
        %dma_wait3A_197 = tpu.memref_slice %arg7[%add3A_126, %dma_wait3A_196] : memref<64x64xi32, #tpu.memory_space<vmem>> -> memref<1x64xi32, #tpu.memory_space<vmem>>
        %dma_wait3A_198 = tpu.memref_squeeze %dma_wait3A_197 : memref<1x64xi32, #tpu.memory_space<vmem>> -> memref<64xi32, #tpu.memory_space<vmem>>
        %dma_wait3A_199 = arith.constant 0 : i32
        %dma_wait3A_200 = arith.constant 0 : i32
        %dma_wait3A_201 = tpu.memref_slice %arg12[%dma_wait3A_199, %dma_wait3A_200] : memref<10112x128xf32, #tpu.memory_space<vmem_shared>> -> memref<10112x128xf32, #tpu.memory_space<vmem_shared>>
        tpu.wait_indirect_dma semaphore(%run_scoped3A : memref<!tpu.dma_semaphore, #tpu.memory_space<semaphore_mem>>) src(%arg8 : memref<64x128xf32, #tpu.memory_space<vmem>>) dst(%dma_wait3A_201 : memref<10112x128xf32, #tpu.memory_space<vmem_shared>>)
        tpu.yield
      }) : () -> ()
      %add3A_127 = arith.constant 4 : i32
      %add3A_128 = arith.addi %add3A_117, %add3A_127 : i32
      %add3A_129 = arith.constant 0 : i32
      %add3A_130 = arith.addi %add3A_128, %add3A_129 : i32
      %lt3A = arith.constant 64 : i32
      %lt3A_131 = arith.cmpi slt, %add3A_130, %lt3A : i32
      %convert_element_type3A = arith.extui %lt3A_131 : i1 to i32
      %cond3A = arith.constant 0 : i32
      %cond3A_132 = arith.cmpi ne, %convert_element_type3A, %cond3A : i32
      scf.if %cond3A_132 {
        %add3A_190 = arith.constant 4 : i32
        %add3A_191 = arith.addi %add3A_117, %add3A_190 : i32
        %add3A_192 = arith.constant 0 : i32
        %add3A_193 = arith.addi %add3A_191, %add3A_192 : i32
        %dma_start3A_194 = arith.constant 0 : i32
        %dma_start3A_195 = tpu.memref_slice %arg6[%add3A_193, %dma_start3A_194] : memref<64x64xi32, #tpu.memory_space<vmem>> -> memref<1x64xi32, #tpu.memory_space<vmem>>
        %dma_start3A_196 = tpu.memref_squeeze %dma_start3A_195 : memref<1x64xi32, #tpu.memory_space<vmem>> -> memref<64xi32, #tpu.memory_space<vmem>>
        %dma_start3A_197 = arith.constant 0 : i32
        %dma_start3A_198 = arith.constant 0 : i32
        %dma_start3A_199 = tpu.memref_slice %arg2[%dma_start3A_197, %dma_start3A_198] : memref<10000x128xf32, #tpu.memory_space<hbm>> -> memref<10000x128xf32, #tpu.memory_space<hbm>>
        tpu.enqueue_indirect_dma source(%dma_start3A_199 : memref<10000x128xf32, #tpu.memory_space<hbm>>) target(%arg8 : memref<64x128xf32, #tpu.memory_space<vmem>>) offsets(%dma_start3A_196 : memref<64xi32, #tpu.memory_space<vmem>>) semaphore(%arg13 : memref<!tpu.dma_semaphore, #tpu.memory_space<semaphore_mem>>)
      } else {
      }
      %add3A_133 = arith.constant 1 : i32
      %add3A_134 = arith.addi %add3A_117, %add3A_133 : i32
      %dma_wait3A_135 = arith.constant 0 : i32
      %dma_wait3A_136 = tpu.memref_slice %arg6[%add3A_134, %dma_wait3A_135] : memref<64x64xi32, #tpu.memory_space<vmem>> -> memref<1x64xi32, #tpu.memory_space<vmem>>
      %dma_wait3A_137 = tpu.memref_squeeze %dma_wait3A_136 : memref<1x64xi32, #tpu.memory_space<vmem>> -> memref<64xi32, #tpu.memory_space<vmem>>
      %dma_wait3A_138 = arith.constant 0 : i32
      %dma_wait3A_139 = arith.constant 0 : i32
      %dma_wait3A_140 = tpu.memref_slice %arg2[%dma_wait3A_138, %dma_wait3A_139] : memref<10000x128xf32, #tpu.memory_space<hbm>> -> memref<10000x128xf32, #tpu.memory_space<hbm>>
      tpu.wait_indirect_dma semaphore(%arg14 : memref<!tpu.dma_semaphore, #tpu.memory_space<semaphore_mem>>) src(%dma_wait3A_140 : memref<10000x128xf32, #tpu.memory_space<hbm>>) dst(%arg9 : memref<64x128xf32, #tpu.memory_space<vmem>>)
      %add3A_141 = arith.constant 1 : i32
      %add3A_142 = arith.addi %add3A_117, %add3A_141 : i32
      "tpu.region"() ({
        %run_scoped3A = tpu.sem_alloc : memref<!tpu.dma_semaphore, #tpu.memory_space<semaphore_mem>>
        %dma_start3A_190 = arith.constant 0 : i32
        %dma_start3A_191 = tpu.memref_slice %arg7[%add3A_142, %dma_start3A_190] : memref<64x64xi32, #tpu.memory_space<vmem>> -> memref<1x64xi32, #tpu.memory_space<vmem>>
        %dma_start3A_192 = tpu.memref_squeeze %dma_start3A_191 : memref<1x64xi32, #tpu.memory_space<vmem>> -> memref<64xi32, #tpu.memory_space<vmem>>
        %dma_start3A_193 = arith.constant 0 : i32
        %dma_start3A_194 = arith.constant 0 : i32
        %dma_start3A_195 = tpu.memref_slice %arg12[%dma_start3A_193, %dma_start3A_194] : memref<10112x128xf32, #tpu.memory_space<vmem_shared>> -> memref<10112x128xf32, #tpu.memory_space<vmem_shared>>
        tpu.enqueue_indirect_dma source(%arg9 : memref<64x128xf32, #tpu.memory_space<vmem>>) target(%dma_start3A_195 : memref<10112x128xf32, #tpu.memory_space<vmem_shared>>) offsets(%dma_start3A_192 : memref<64xi32, #tpu.memory_space<vmem>>) semaphore(%run_scoped3A : memref<!tpu.dma_semaphore, #tpu.memory_space<semaphore_mem>>) {add = true}
        %dma_wait3A_196 = arith.constant 0 : i32
        %dma_wait3A_197 = tpu.memref_slice %arg7[%add3A_142, %dma_wait3A_196] : memref<64x64xi32, #tpu.memory_space<vmem>> -> memref<1x64xi32, #tpu.memory_space<vmem>>
        %dma_wait3A_198 = tpu.memref_squeeze %dma_wait3A_197 : memref<1x64xi32, #tpu.memory_space<vmem>> -> memref<64xi32, #tpu.memory_space<vmem>>
        %dma_wait3A_199 = arith.constant 0 : i32
        %dma_wait3A_200 = arith.constant 0 : i32
        %dma_wait3A_201 = tpu.memref_slice %arg12[%dma_wait3A_199, %dma_wait3A_200] : memref<10112x128xf32, #tpu.memory_space<vmem_shared>> -> memref<10112x128xf32, #tpu.memory_space<vmem_shared>>
        tpu.wait_indirect_dma semaphore(%run_scoped3A : memref<!tpu.dma_semaphore, #tpu.memory_space<semaphore_mem>>) src(%arg9 : memref<64x128xf32, #tpu.memory_space<vmem>>) dst(%dma_wait3A_201 : memref<10112x128xf32, #tpu.memory_space<vmem_shared>>)
        tpu.yield
      }) : () -> ()
      %add3A_143 = arith.constant 4 : i32
      %add3A_144 = arith.addi %add3A_117, %add3A_143 : i32
      %add3A_145 = arith.constant 1 : i32
      %add3A_146 = arith.addi %add3A_144, %add3A_145 : i32
      %lt3A_147 = arith.constant 64 : i32
      %lt3A_148 = arith.cmpi slt, %add3A_146, %lt3A_147 : i32
      %convert_element_type3A_149 = arith.extui %lt3A_148 : i1 to i32
      %cond3A_150 = arith.constant 0 : i32
      %cond3A_151 = arith.cmpi ne, %convert_element_type3A_149, %cond3A_150 : i32
      scf.if %cond3A_151 {
        %add3A_190 = arith.constant 4 : i32
        %add3A_191 = arith.addi %add3A_117, %add3A_190 : i32
        %add3A_192 = arith.constant 1 : i32
        %add3A_193 = arith.addi %add3A_191, %add3A_192 : i32
        %dma_start3A_194 = arith.constant 0 : i32
        %dma_start3A_195 = tpu.memref_slice %arg6[%add3A_193, %dma_start3A_194] : memref<64x64xi32, #tpu.memory_space<vmem>> -> memref<1x64xi32, #tpu.memory_space<vmem>>
        %dma_start3A_196 = tpu.memref_squeeze %dma_start3A_195 : memref<1x64xi32, #tpu.memory_space<vmem>> -> memref<64xi32, #tpu.memory_space<vmem>>
        %dma_start3A_197 = arith.constant 0 : i32
        %dma_start3A_198 = arith.constant 0 : i32
        %dma_start3A_199 = tpu.memref_slice %arg2[%dma_start3A_197, %dma_start3A_198] : memref<10000x128xf32, #tpu.memory_space<hbm>> -> memref<10000x128xf32, #tpu.memory_space<hbm>>
        tpu.enqueue_indirect_dma source(%dma_start3A_199 : memref<10000x128xf32, #tpu.memory_space<hbm>>) target(%arg9 : memref<64x128xf32, #tpu.memory_space<vmem>>) offsets(%dma_start3A_196 : memref<64xi32, #tpu.memory_space<vmem>>) semaphore(%arg14 : memref<!tpu.dma_semaphore, #tpu.memory_space<semaphore_mem>>)
      } else {
      }
      %add3A_152 = arith.constant 2 : i32
      %add3A_153 = arith.addi %add3A_117, %add3A_152 : i32
      %dma_wait3A_154 = arith.constant 0 : i32
      %dma_wait3A_155 = tpu.memref_slice %arg6[%add3A_153, %dma_wait3A_154] : memref<64x64xi32, #tpu.memory_space<vmem>> -> memref<1x64xi32, #tpu.memory_space<vmem>>
      %dma_wait3A_156 = tpu.memref_squeeze %dma_wait3A_155 : memref<1x64xi32, #tpu.memory_space<vmem>> -> memref<64xi32, #tpu.memory_space<vmem>>
      %dma_wait3A_157 = arith.constant 0 : i32
      %dma_wait3A_158 = arith.constant 0 : i32
      %dma_wait3A_159 = tpu.memref_slice %arg2[%dma_wait3A_157, %dma_wait3A_158] : memref<10000x128xf32, #tpu.memory_space<hbm>> -> memref<10000x128xf32, #tpu.memory_space<hbm>>
      tpu.wait_indirect_dma semaphore(%arg15 : memref<!tpu.dma_semaphore, #tpu.memory_space<semaphore_mem>>) src(%dma_wait3A_159 : memref<10000x128xf32, #tpu.memory_space<hbm>>) dst(%arg10 : memref<64x128xf32, #tpu.memory_space<vmem>>)
      %add3A_160 = arith.constant 2 : i32
      %add3A_161 = arith.addi %add3A_117, %add3A_160 : i32
      "tpu.region"() ({
        %run_scoped3A = tpu.sem_alloc : memref<!tpu.dma_semaphore, #tpu.memory_space<semaphore_mem>>
        %dma_start3A_190 = arith.constant 0 : i32
        %dma_start3A_191 = tpu.memref_slice %arg7[%add3A_161, %dma_start3A_190] : memref<64x64xi32, #tpu.memory_space<vmem>> -> memref<1x64xi32, #tpu.memory_space<vmem>>
        %dma_start3A_192 = tpu.memref_squeeze %dma_start3A_191 : memref<1x64xi32, #tpu.memory_space<vmem>> -> memref<64xi32, #tpu.memory_space<vmem>>
        %dma_start3A_193 = arith.constant 0 : i32
        %dma_start3A_194 = arith.constant 0 : i32
        %dma_start3A_195 = tpu.memref_slice %arg12[%dma_start3A_193, %dma_start3A_194] : memref<10112x128xf32, #tpu.memory_space<vmem_shared>> -> memref<10112x128xf32, #tpu.memory_space<vmem_shared>>
        tpu.enqueue_indirect_dma source(%arg10 : memref<64x128xf32, #tpu.memory_space<vmem>>) target(%dma_start3A_195 : memref<10112x128xf32, #tpu.memory_space<vmem_shared>>) offsets(%dma_start3A_192 : memref<64xi32, #tpu.memory_space<vmem>>) semaphore(%run_scoped3A : memref<!tpu.dma_semaphore, #tpu.memory_space<semaphore_mem>>) {add = true}
        %dma_wait3A_196 = arith.constant 0 : i32
        %dma_wait3A_197 = tpu.memref_slice %arg7[%add3A_161, %dma_wait3A_196] : memref<64x64xi32, #tpu.memory_space<vmem>> -> memref<1x64xi32, #tpu.memory_space<vmem>>
        %dma_wait3A_198 = tpu.memref_squeeze %dma_wait3A_197 : memref<1x64xi32, #tpu.memory_space<vmem>> -> memref<64xi32, #tpu.memory_space<vmem>>
        %dma_wait3A_199 = arith.constant 0 : i32
        %dma_wait3A_200 = arith.constant 0 : i32
        %dma_wait3A_201 = tpu.memref_slice %arg12[%dma_wait3A_199, %dma_wait3A_200] : memref<10112x128xf32, #tpu.memory_space<vmem_shared>> -> memref<10112x128xf32, #tpu.memory_space<vmem_shared>>
        tpu.wait_indirect_dma semaphore(%run_scoped3A : memref<!tpu.dma_semaphore, #tpu.memory_space<semaphore_mem>>) src(%arg10 : memref<64x128xf32, #tpu.memory_space<vmem>>) dst(%dma_wait3A_201 : memref<10112x128xf32, #tpu.memory_space<vmem_shared>>)
        tpu.yield
      }) : () -> ()
      %add3A_162 = arith.constant 4 : i32
      %add3A_163 = arith.addi %add3A_117, %add3A_162 : i32
      %add3A_164 = arith.constant 2 : i32
      %add3A_165 = arith.addi %add3A_163, %add3A_164 : i32
      %lt3A_166 = arith.constant 64 : i32
      %lt3A_167 = arith.cmpi slt, %add3A_165, %lt3A_166 : i32
      %convert_element_type3A_168 = arith.extui %lt3A_167 : i1 to i32
      %cond3A_169 = arith.constant 0 : i32
      %cond3A_170 = arith.cmpi ne, %convert_element_type3A_168, %cond3A_169 : i32
      scf.if %cond3A_170 {
        %add3A_190 = arith.constant 4 : i32
        %add3A_191 = arith.addi %add3A_117, %add3A_190 : i32
        %add3A_192 = arith.constant 2 : i32
        %add3A_193 = arith.addi %add3A_191, %add3A_192 : i32
        %dma_start3A_194 = arith.constant 0 : i32
        %dma_start3A_195 = tpu.memref_slice %arg6[%add3A_193, %dma_start3A_194] : memref<64x64xi32, #tpu.memory_space<vmem>> -> memref<1x64xi32, #tpu.memory_space<vmem>>
        %dma_start3A_196 = tpu.memref_squeeze %dma_start3A_195 : memref<1x64xi32, #tpu.memory_space<vmem>> -> memref<64xi32, #tpu.memory_space<vmem>>
        %dma_start3A_197 = arith.constant 0 : i32
        %dma_start3A_198 = arith.constant 0 : i32
        %dma_start3A_199 = tpu.memref_slice %arg2[%dma_start3A_197, %dma_start3A_198] : memref<10000x128xf32, #tpu.memory_space<hbm>> -> memref<10000x128xf32, #tpu.memory_space<hbm>>
        tpu.enqueue_indirect_dma source(%dma_start3A_199 : memref<10000x128xf32, #tpu.memory_space<hbm>>) target(%arg10 : memref<64x128xf32, #tpu.memory_space<vmem>>) offsets(%dma_start3A_196 : memref<64xi32, #tpu.memory_space<vmem>>) semaphore(%arg15 : memref<!tpu.dma_semaphore, #tpu.memory_space<semaphore_mem>>)
      } else {
      }
      %add3A_171 = arith.constant 3 : i32
      %add3A_172 = arith.addi %add3A_117, %add3A_171 : i32
      %dma_wait3A_173 = arith.constant 0 : i32
      %dma_wait3A_174 = tpu.memref_slice %arg6[%add3A_172, %dma_wait3A_173] : memref<64x64xi32, #tpu.memory_space<vmem>> -> memref<1x64xi32, #tpu.memory_space<vmem>>
      %dma_wait3A_175 = tpu.memref_squeeze %dma_wait3A_174 : memref<1x64xi32, #tpu.memory_space<vmem>> -> memref<64xi32, #tpu.memory_space<vmem>>
      %dma_wait3A_176 = arith.constant 0 : i32
      %dma_wait3A_177 = arith.constant 0 : i32
      %dma_wait3A_178 = tpu.memref_slice %arg2[%dma_wait3A_176, %dma_wait3A_177] : memref<10000x128xf32, #tpu.memory_space<hbm>> -> memref<10000x128xf32, #tpu.memory_space<hbm>>
      tpu.wait_indirect_dma semaphore(%arg16 : memref<!tpu.dma_semaphore, #tpu.memory_space<semaphore_mem>>) src(%dma_wait3A_178 : memref<10000x128xf32, #tpu.memory_space<hbm>>) dst(%arg11 : memref<64x128xf32, #tpu.memory_space<vmem>>)
      %add3A_179 = arith.constant 3 : i32
      %add3A_180 = arith.addi %add3A_117, %add3A_179 : i32
      "tpu.region"() ({
        %run_scoped3A = tpu.sem_alloc : memref<!tpu.dma_semaphore, #tpu.memory_space<semaphore_mem>>
        %dma_start3A_190 = arith.constant 0 : i32
        %dma_start3A_191 = tpu.memref_slice %arg7[%add3A_180, %dma_start3A_190] : memref<64x64xi32, #tpu.memory_space<vmem>> -> memref<1x64xi32, #tpu.memory_space<vmem>>
        %dma_start3A_192 = tpu.memref_squeeze %dma_start3A_191 : memref<1x64xi32, #tpu.memory_space<vmem>> -> memref<64xi32, #tpu.memory_space<vmem>>
        %dma_start3A_193 = arith.constant 0 : i32
        %dma_start3A_194 = arith.constant 0 : i32
        %dma_start3A_195 = tpu.memref_slice %arg12[%dma_start3A_193, %dma_start3A_194] : memref<10112x128xf32, #tpu.memory_space<vmem_shared>> -> memref<10112x128xf32, #tpu.memory_space<vmem_shared>>
        tpu.enqueue_indirect_dma source(%arg11 : memref<64x128xf32, #tpu.memory_space<vmem>>) target(%dma_start3A_195 : memref<10112x128xf32, #tpu.memory_space<vmem_shared>>) offsets(%dma_start3A_192 : memref<64xi32, #tpu.memory_space<vmem>>) semaphore(%run_scoped3A : memref<!tpu.dma_semaphore, #tpu.memory_space<semaphore_mem>>) {add = true}
        %dma_wait3A_196 = arith.constant 0 : i32
        %dma_wait3A_197 = tpu.memref_slice %arg7[%add3A_180, %dma_wait3A_196] : memref<64x64xi32, #tpu.memory_space<vmem>> -> memref<1x64xi32, #tpu.memory_space<vmem>>
        %dma_wait3A_198 = tpu.memref_squeeze %dma_wait3A_197 : memref<1x64xi32, #tpu.memory_space<vmem>> -> memref<64xi32, #tpu.memory_space<vmem>>
        %dma_wait3A_199 = arith.constant 0 : i32
        %dma_wait3A_200 = arith.constant 0 : i32
        %dma_wait3A_201 = tpu.memref_slice %arg12[%dma_wait3A_199, %dma_wait3A_200] : memref<10112x128xf32, #tpu.memory_space<vmem_shared>> -> memref<10112x128xf32, #tpu.memory_space<vmem_shared>>
        tpu.wait_indirect_dma semaphore(%run_scoped3A : memref<!tpu.dma_semaphore, #tpu.memory_space<semaphore_mem>>) src(%arg11 : memref<64x128xf32, #tpu.memory_space<vmem>>) dst(%dma_wait3A_201 : memref<10112x128xf32, #tpu.memory_space<vmem_shared>>)
        tpu.yield
      }) : () -> ()
      %add3A_181 = arith.constant 4 : i32
      %add3A_182 = arith.addi %add3A_117, %add3A_181 : i32
      %add3A_183 = arith.constant 3 : i32
      %add3A_184 = arith.addi %add3A_182, %add3A_183 : i32
      %lt3A_185 = arith.constant 64 : i32
      %lt3A_186 = arith.cmpi slt, %add3A_184, %lt3A_185 : i32
      %convert_element_type3A_187 = arith.extui %lt3A_186 : i1 to i32
      %cond3A_188 = arith.constant 0 : i32
      %cond3A_189 = arith.cmpi ne, %convert_element_type3A_187, %cond3A_188 : i32
      scf.if %cond3A_189 {
        %add3A_190 = arith.constant 4 : i32
        %add3A_191 = arith.addi %add3A_117, %add3A_190 : i32
        %add3A_192 = arith.constant 3 : i32
        %add3A_193 = arith.addi %add3A_191, %add3A_192 : i32
        %dma_start3A_194 = arith.constant 0 : i32
        %dma_start3A_195 = tpu.memref_slice %arg6[%add3A_193, %dma_start3A_194] : memref<64x64xi32, #tpu.memory_space<vmem>> -> memref<1x64xi32, #tpu.memory_space<vmem>>
        %dma_start3A_196 = tpu.memref_squeeze %dma_start3A_195 : memref<1x64xi32, #tpu.memory_space<vmem>> -> memref<64xi32, #tpu.memory_space<vmem>>
        %dma_start3A_197 = arith.constant 0 : i32
        %dma_start3A_198 = arith.constant 0 : i32
        %dma_start3A_199 = tpu.memref_slice %arg2[%dma_start3A_197, %dma_start3A_198] : memref<10000x128xf32, #tpu.memory_space<hbm>> -> memref<10000x128xf32, #tpu.memory_space<hbm>>
        tpu.enqueue_indirect_dma source(%dma_start3A_199 : memref<10000x128xf32, #tpu.memory_space<hbm>>) target(%arg11 : memref<64x128xf32, #tpu.memory_space<vmem>>) offsets(%dma_start3A_196 : memref<64xi32, #tpu.memory_space<vmem>>) semaphore(%arg16 : memref<!tpu.dma_semaphore, #tpu.memory_space<semaphore_mem>>)
      } else {
      }
    }
    %scan3A_78 = arith.constant 16 : i32
    "tpu.region"() ({
      %run_scoped3A = tpu.sem_alloc : memref<!tpu.dma_semaphore, #tpu.memory_space<semaphore_mem>>
      %dma_start3A_113 = arith.constant 0 : i32
      %dma_start3A_114 = arith.constant 0 : i32
      %dma_start3A_115 = tpu.memref_slice %arg6[%dma_start3A_113, %dma_start3A_114] : memref<64x64xi32, #tpu.memory_space<vmem>> -> memref<32x64xi32, #tpu.memory_space<vmem>>
      %dma_start3A_116 = arith.constant 0 : i32
      %dma_start3A_117 = arith.constant 0 : i32
      %dma_start3A_118 = tpu.memref_slice %arg3[%add3A, %dma_start3A_116, %dma_start3A_117] : memref<32x160x64xi32, #tpu.memory_space<hbm>> -> memref<1x160x64xi32, #tpu.memory_space<hbm>>
      %dma_start3A_119 = tpu.memref_squeeze %dma_start3A_118 : memref<1x160x64xi32, #tpu.memory_space<hbm>> -> memref<160x64xi32, #tpu.memory_space<hbm>>
      %dma_start3A_120 = arith.constant 128 : i32
      %dma_start3A_121 = arith.constant 0 : i32
      %dma_start3A_122 = tpu.memref_slice %dma_start3A_119[%dma_start3A_120, %dma_start3A_121] : memref<160x64xi32, #tpu.memory_space<hbm>> -> memref<32x64xi32, #tpu.memory_space<hbm>>
      %dma_start3A_123 = arith.constant 0 : i32
      %dma_start3A_124 = arith.constant 0 : i32
      %dma_start3A_125 = tpu.memref_slice %arg6[%dma_start3A_123, %dma_start3A_124] : memref<64x64xi32, #tpu.memory_space<vmem>> -> memref<32x64xi32, #tpu.memory_space<vmem>>
      %dma_start3A_126 = arith.constant 0 : i32
      %dma_start3A_127 = arith.constant 0 : i32
      %dma_start3A_128 = tpu.memref_slice %arg3[%add3A, %dma_start3A_126, %dma_start3A_127] : memref<32x160x64xi32, #tpu.memory_space<hbm>> -> memref<1x160x64xi32, #tpu.memory_space<hbm>>
      %dma_start3A_129 = tpu.memref_squeeze %dma_start3A_128 : memref<1x160x64xi32, #tpu.memory_space<hbm>> -> memref<160x64xi32, #tpu.memory_space<hbm>>
      %dma_start3A_130 = arith.constant 128 : i32
      %dma_start3A_131 = arith.constant 0 : i32
      %dma_start3A_132 = tpu.memref_slice %dma_start3A_129[%dma_start3A_130, %dma_start3A_131] : memref<160x64xi32, #tpu.memory_space<hbm>> -> memref<32x64xi32, #tpu.memory_space<hbm>>
      tpu.enqueue_dma source(%dma_start3A_132 : memref<32x64xi32, #tpu.memory_space<hbm>>) target(%dma_start3A_125 : memref<32x64xi32, #tpu.memory_space<vmem>>) target_semaphore(%run_scoped3A : memref<!tpu.dma_semaphore, #tpu.memory_space<semaphore_mem>>)
      %dma_wait3A = arith.constant 0 : i32
      %dma_wait3A_133 = arith.constant 0 : i32
      %dma_wait3A_134 = tpu.memref_slice %arg6[%dma_wait3A, %dma_wait3A_133] : memref<64x64xi32, #tpu.memory_space<vmem>> -> memref<32x64xi32, #tpu.memory_space<vmem>>
      %dma_wait3A_135 = arith.constant 0 : i32
      %dma_wait3A_136 = arith.constant 0 : i32
      %dma_wait3A_137 = tpu.memref_slice %arg3[%add3A, %dma_wait3A_135, %dma_wait3A_136] : memref<32x160x64xi32, #tpu.memory_space<hbm>> -> memref<1x160x64xi32, #tpu.memory_space<hbm>>
      %dma_wait3A_138 = tpu.memref_squeeze %dma_wait3A_137 : memref<1x160x64xi32, #tpu.memory_space<hbm>> -> memref<160x64xi32, #tpu.memory_space<hbm>>
      %dma_wait3A_139 = arith.constant 128 : i32
      %dma_wait3A_140 = arith.constant 0 : i32
      %dma_wait3A_141 = tpu.memref_slice %dma_wait3A_138[%dma_wait3A_139, %dma_wait3A_140] : memref<160x64xi32, #tpu.memory_space<hbm>> -> memref<32x64xi32, #tpu.memory_space<hbm>>
      %dma_wait3A_142 = arith.constant 0 : i32
      %dma_wait3A_143 = arith.constant 0 : i32
      %dma_wait3A_144 = tpu.memref_slice %arg6[%dma_wait3A_142, %dma_wait3A_143] : memref<64x64xi32, #tpu.memory_space<vmem>> -> memref<32x64xi32, #tpu.memory_space<vmem>>
      %dma_wait3A_145 = arith.constant 0 : i32
      %dma_wait3A_146 = arith.constant 0 : i32
      %dma_wait3A_147 = tpu.memref_slice %arg3[%add3A, %dma_wait3A_145, %dma_wait3A_146] : memref<32x160x64xi32, #tpu.memory_space<hbm>> -> memref<1x160x64xi32, #tpu.memory_space<hbm>>
      %dma_wait3A_148 = tpu.memref_squeeze %dma_wait3A_147 : memref<1x160x64xi32, #tpu.memory_space<hbm>> -> memref<160x64xi32, #tpu.memory_space<hbm>>
      %dma_wait3A_149 = arith.constant 128 : i32
      %dma_wait3A_150 = arith.constant 0 : i32
      %dma_wait3A_151 = tpu.memref_slice %dma_wait3A_148[%dma_wait3A_149, %dma_wait3A_150] : memref<160x64xi32, #tpu.memory_space<hbm>> -> memref<32x64xi32, #tpu.memory_space<hbm>>
      tpu.wait_dma2 semaphore(%run_scoped3A : memref<!tpu.dma_semaphore, #tpu.memory_space<semaphore_mem>>) src(%dma_wait3A_151 : memref<32x64xi32, #tpu.memory_space<hbm>>) dst(%dma_wait3A_144 : memref<32x64xi32, #tpu.memory_space<vmem>>)
      tpu.yield
    }) : () -> ()
    "tpu.region"() ({
      %run_scoped3A = tpu.sem_alloc : memref<!tpu.dma_semaphore, #tpu.memory_space<semaphore_mem>>
      %dma_start3A_113 = arith.constant 0 : i32
      %dma_start3A_114 = arith.constant 0 : i32
      %dma_start3A_115 = tpu.memref_slice %arg7[%dma_start3A_113, %dma_start3A_114] : memref<64x64xi32, #tpu.memory_space<vmem>> -> memref<32x64xi32, #tpu.memory_space<vmem>>
      %dma_start3A_116 = arith.constant 0 : i32
      %dma_start3A_117 = arith.constant 0 : i32
      %dma_start3A_118 = tpu.memref_slice %arg4[%add3A, %dma_start3A_116, %dma_start3A_117] : memref<32x160x64xi32, #tpu.memory_space<hbm>> -> memref<1x160x64xi32, #tpu.memory_space<hbm>>
      %dma_start3A_119 = tpu.memref_squeeze %dma_start3A_118 : memref<1x160x64xi32, #tpu.memory_space<hbm>> -> memref<160x64xi32, #tpu.memory_space<hbm>>
      %dma_start3A_120 = arith.constant 128 : i32
      %dma_start3A_121 = arith.constant 0 : i32
      %dma_start3A_122 = tpu.memref_slice %dma_start3A_119[%dma_start3A_120, %dma_start3A_121] : memref<160x64xi32, #tpu.memory_space<hbm>> -> memref<32x64xi32, #tpu.memory_space<hbm>>
      %dma_start3A_123 = arith.constant 0 : i32
      %dma_start3A_124 = arith.constant 0 : i32
      %dma_start3A_125 = tpu.memref_slice %arg7[%dma_start3A_123, %dma_start3A_124] : memref<64x64xi32, #tpu.memory_space<vmem>> -> memref<32x64xi32, #tpu.memory_space<vmem>>
      %dma_start3A_126 = arith.constant 0 : i32
      %dma_start3A_127 = arith.constant 0 : i32
      %dma_start3A_128 = tpu.memref_slice %arg4[%add3A, %dma_start3A_126, %dma_start3A_127] : memref<32x160x64xi32, #tpu.memory_space<hbm>> -> memref<1x160x64xi32, #tpu.memory_space<hbm>>
      %dma_start3A_129 = tpu.memref_squeeze %dma_start3A_128 : memref<1x160x64xi32, #tpu.memory_space<hbm>> -> memref<160x64xi32, #tpu.memory_space<hbm>>
      %dma_start3A_130 = arith.constant 128 : i32
      %dma_start3A_131 = arith.constant 0 : i32
      %dma_start3A_132 = tpu.memref_slice %dma_start3A_129[%dma_start3A_130, %dma_start3A_131] : memref<160x64xi32, #tpu.memory_space<hbm>> -> memref<32x64xi32, #tpu.memory_space<hbm>>
      tpu.enqueue_dma source(%dma_start3A_132 : memref<32x64xi32, #tpu.memory_space<hbm>>) target(%dma_start3A_125 : memref<32x64xi32, #tpu.memory_space<vmem>>) target_semaphore(%run_scoped3A : memref<!tpu.dma_semaphore, #tpu.memory_space<semaphore_mem>>)
      %dma_wait3A = arith.constant 0 : i32
      %dma_wait3A_133 = arith.constant 0 : i32
      %dma_wait3A_134 = tpu.memref_slice %arg7[%dma_wait3A, %dma_wait3A_133] : memref<64x64xi32, #tpu.memory_space<vmem>> -> memref<32x64xi32, #tpu.memory_space<vmem>>
      %dma_wait3A_135 = arith.constant 0 : i32
      %dma_wait3A_136 = arith.constant 0 : i32
      %dma_wait3A_137 = tpu.memref_slice %arg4[%add3A, %dma_wait3A_135, %dma_wait3A_136] : memref<32x160x64xi32, #tpu.memory_space<hbm>> -> memref<1x160x64xi32, #tpu.memory_space<hbm>>
      %dma_wait3A_138 = tpu.memref_squeeze %dma_wait3A_137 : memref<1x160x64xi32, #tpu.memory_space<hbm>> -> memref<160x64xi32, #tpu.memory_space<hbm>>
      %dma_wait3A_139 = arith.constant 128 : i32
      %dma_wait3A_140 = arith.constant 0 : i32
      %dma_wait3A_141 = tpu.memref_slice %dma_wait3A_138[%dma_wait3A_139, %dma_wait3A_140] : memref<160x64xi32, #tpu.memory_space<hbm>> -> memref<32x64xi32, #tpu.memory_space<hbm>>
      %dma_wait3A_142 = arith.constant 0 : i32
      %dma_wait3A_143 = arith.constant 0 : i32
      %dma_wait3A_144 = tpu.memref_slice %arg7[%dma_wait3A_142, %dma_wait3A_143] : memref<64x64xi32, #tpu.memory_space<vmem>> -> memref<32x64xi32, #tpu.memory_space<vmem>>
      %dma_wait3A_145 = arith.constant 0 : i32
      %dma_wait3A_146 = arith.constant 0 : i32
      %dma_wait3A_147 = tpu.memref_slice %arg4[%add3A, %dma_wait3A_145, %dma_wait3A_146] : memref<32x160x64xi32, #tpu.memory_space<hbm>> -> memref<1x160x64xi32, #tpu.memory_space<hbm>>
      %dma_wait3A_148 = tpu.memref_squeeze %dma_wait3A_147 : memref<1x160x64xi32, #tpu.memory_space<hbm>> -> memref<160x64xi32, #tpu.memory_space<hbm>>
      %dma_wait3A_149 = arith.constant 128 : i32
      %dma_wait3A_150 = arith.constant 0 : i32
      %dma_wait3A_151 = tpu.memref_slice %dma_wait3A_148[%dma_wait3A_149, %dma_wait3A_150] : memref<160x64xi32, #tpu.memory_space<hbm>> -> memref<32x64xi32, #tpu.memory_space<hbm>>
      tpu.wait_dma2 semaphore(%run_scoped3A : memref<!tpu.dma_semaphore, #tpu.memory_space<semaphore_mem>>) src(%dma_wait3A_151 : memref<32x64xi32, #tpu.memory_space<hbm>>) dst(%dma_wait3A_144 : memref<32x64xi32, #tpu.memory_space<vmem>>)
      tpu.yield
    }) : () -> ()
    %dma_start3A_79 = arith.constant 0 : i32
    %dma_start3A_80 = arith.constant 0 : i32
    %dma_start3A_81 = tpu.memref_slice %arg6[%dma_start3A_79, %dma_start3A_80] : memref<64x64xi32, #tpu.memory_space<vmem>> -> memref<1x64xi32, #tpu.memory_space<vmem>>
    %dma_start3A_82 = tpu.memref_squeeze %dma_start3A_81 : memref<1x64xi32, #tpu.memory_space<vmem>> -> memref<64xi32, #tpu.memory_space<vmem>>
    %dma_start3A_83 = arith.constant 0 : i32
    %dma_start3A_84 = arith.constant 0 : i32
    %dma_start3A_85 = tpu.memref_slice %arg2[%dma_start3A_83, %dma_start3A_84] : memref<10000x128xf32, #tpu.memory_space<hbm>> -> memref<10000x128xf32, #tpu.memory_space<hbm>>
    tpu.enqueue_indirect_dma source(%dma_start3A_85 : memref<10000x128xf32, #tpu.memory_space<hbm>>) target(%arg8 : memref<64x128xf32, #tpu.memory_space<vmem>>) offsets(%dma_start3A_82 : memref<64xi32, #tpu.memory_space<vmem>>) semaphore(%arg13 : memref<!tpu.dma_semaphore, #tpu.memory_space<semaphore_mem>>)
    %dma_start3A_86 = arith.constant 1 : i32
    %dma_start3A_87 = arith.constant 0 : i32
    %dma_start3A_88 = tpu.memref_slice %arg6[%dma_start3A_86, %dma_start3A_87] : memref<64x64xi32, #tpu.memory_space<vmem>> -> memref<1x64xi32, #tpu.memory_space<vmem>>
    %dma_start3A_89 = tpu.memref_squeeze %dma_start3A_88 : memref<1x64xi32, #tpu.memory_space<vmem>> -> memref<64xi32, #tpu.memory_space<vmem>>
    %dma_start3A_90 = arith.constant 0 : i32
    %dma_start3A_91 = arith.constant 0 : i32
    %dma_start3A_92 = tpu.memref_slice %arg2[%dma_start3A_90, %dma_start3A_91] : memref<10000x128xf32, #tpu.memory_space<hbm>> -> memref<10000x128xf32, #tpu.memory_space<hbm>>
    tpu.enqueue_indirect_dma source(%dma_start3A_92 : memref<10000x128xf32, #tpu.memory_space<hbm>>) target(%arg9 : memref<64x128xf32, #tpu.memory_space<vmem>>) offsets(%dma_start3A_89 : memref<64xi32, #tpu.memory_space<vmem>>) semaphore(%arg14 : memref<!tpu.dma_semaphore, #tpu.memory_space<semaphore_mem>>)
    %dma_start3A_93 = arith.constant 2 : i32
    %dma_start3A_94 = arith.constant 0 : i32
    %dma_start3A_95 = tpu.memref_slice %arg6[%dma_start3A_93, %dma_start3A_94] : memref<64x64xi32, #tpu.memory_space<vmem>> -> memref<1x64xi32, #tpu.memory_space<vmem>>
    %dma_start3A_96 = tpu.memref_squeeze %dma_start3A_95 : memref<1x64xi32, #tpu.memory_space<vmem>> -> memref<64xi32, #tpu.memory_space<vmem>>
    %dma_start3A_97 = arith.constant 0 : i32
    %dma_start3A_98 = arith.constant 0 : i32
    %dma_start3A_99 = tpu.memref_slice %arg2[%dma_start3A_97, %dma_start3A_98] : memref<10000x128xf32, #tpu.memory_space<hbm>> -> memref<10000x128xf32, #tpu.memory_space<hbm>>
    tpu.enqueue_indirect_dma source(%dma_start3A_99 : memref<10000x128xf32, #tpu.memory_space<hbm>>) target(%arg10 : memref<64x128xf32, #tpu.memory_space<vmem>>) offsets(%dma_start3A_96 : memref<64xi32, #tpu.memory_space<vmem>>) semaphore(%arg15 : memref<!tpu.dma_semaphore, #tpu.memory_space<semaphore_mem>>)
    %dma_start3A_100 = arith.constant 3 : i32
    %dma_start3A_101 = arith.constant 0 : i32
    %dma_start3A_102 = tpu.memref_slice %arg6[%dma_start3A_100, %dma_start3A_101] : memref<64x64xi32, #tpu.memory_space<vmem>> -> memref<1x64xi32, #tpu.memory_space<vmem>>
    %dma_start3A_103 = tpu.memref_squeeze %dma_start3A_102 : memref<1x64xi32, #tpu.memory_space<vmem>> -> memref<64xi32, #tpu.memory_space<vmem>>
    %dma_start3A_104 = arith.constant 0 : i32
    %dma_start3A_105 = arith.constant 0 : i32
    %dma_start3A_106 = tpu.memref_slice %arg2[%dma_start3A_104, %dma_start3A_105] : memref<10000x128xf32, #tpu.memory_space<hbm>> -> memref<10000x128xf32, #tpu.memory_space<hbm>>
    tpu.enqueue_indirect_dma source(%dma_start3A_106 : memref<10000x128xf32, #tpu.memory_space<hbm>>) target(%arg11 : memref<64x128xf32, #tpu.memory_space<vmem>>) offsets(%dma_start3A_103 : memref<64xi32, #tpu.memory_space<vmem>>) semaphore(%arg16 : memref<!tpu.dma_semaphore, #tpu.memory_space<semaphore_mem>>)
    %scan3A_107 = arith.constant 0 : i32
    %scan3A_108 = arith.constant 8 : i32
    %scan3A_109 = arith.addi %scan3A_107, %scan3A_108 : i32
    %scan3A_110 = arith.constant 1 : i32
    scf.for %scan3A_113 = %scan3A_107 to %scan3A_109 step %scan3A_110  : i32 {
      %mul3A_114 = arith.constant 4 : i32
      %mul3A_115 = arith.muli %scan3A_113, %mul3A_114 : i32
      %add3A_116 = arith.constant 0 : i32
      %add3A_117 = arith.addi %add3A_116, %mul3A_115 : i32
      %add3A_118 = arith.constant 0 : i32
      %add3A_119 = arith.addi %add3A_117, %add3A_118 : i32
      %dma_wait3A = arith.constant 0 : i32
      %dma_wait3A_120 = tpu.memref_slice %arg6[%add3A_119, %dma_wait3A] : memref<64x64xi32, #tpu.memory_space<vmem>> -> memref<1x64xi32, #tpu.memory_space<vmem>>
      %dma_wait3A_121 = tpu.memref_squeeze %dma_wait3A_120 : memref<1x64xi32, #tpu.memory_space<vmem>> -> memref<64xi32, #tpu.memory_space<vmem>>
      %dma_wait3A_122 = arith.constant 0 : i32
      %dma_wait3A_123 = arith.constant 0 : i32
      %dma_wait3A_124 = tpu.memref_slice %arg2[%dma_wait3A_122, %dma_wait3A_123] : memref<10000x128xf32, #tpu.memory_space<hbm>> -> memref<10000x128xf32, #tpu.memory_space<hbm>>
      tpu.wait_indirect_dma semaphore(%arg13 : memref<!tpu.dma_semaphore, #tpu.memory_space<semaphore_mem>>) src(%dma_wait3A_124 : memref<10000x128xf32, #tpu.memory_space<hbm>>) dst(%arg8 : memref<64x128xf32, #tpu.memory_space<vmem>>)
      %add3A_125 = arith.constant 0 : i32
      %add3A_126 = arith.addi %add3A_117, %add3A_125 : i32
      "tpu.region"() ({
        %run_scoped3A = tpu.sem_alloc : memref<!tpu.dma_semaphore, #tpu.memory_space<semaphore_mem>>
        %dma_start3A_190 = arith.constant 0 : i32
        %dma_start3A_191 = tpu.memref_slice %arg7[%add3A_126, %dma_start3A_190] : memref<64x64xi32, #tpu.memory_space<vmem>> -> memref<1x64xi32, #tpu.memory_space<vmem>>
        %dma_start3A_192 = tpu.memref_squeeze %dma_start3A_191 : memref<1x64xi32, #tpu.memory_space<vmem>> -> memref<64xi32, #tpu.memory_space<vmem>>
        %dma_start3A_193 = arith.constant 0 : i32
        %dma_start3A_194 = arith.constant 0 : i32
        %dma_start3A_195 = tpu.memref_slice %arg12[%dma_start3A_193, %dma_start3A_194] : memref<10112x128xf32, #tpu.memory_space<vmem_shared>> -> memref<10112x128xf32, #tpu.memory_space<vmem_shared>>
        tpu.enqueue_indirect_dma source(%arg8 : memref<64x128xf32, #tpu.memory_space<vmem>>) target(%dma_start3A_195 : memref<10112x128xf32, #tpu.memory_space<vmem_shared>>) offsets(%dma_start3A_192 : memref<64xi32, #tpu.memory_space<vmem>>) semaphore(%run_scoped3A : memref<!tpu.dma_semaphore, #tpu.memory_space<semaphore_mem>>) {add = true}
        %dma_wait3A_196 = arith.constant 0 : i32
        %dma_wait3A_197 = tpu.memref_slice %arg7[%add3A_126, %dma_wait3A_196] : memref<64x64xi32, #tpu.memory_space<vmem>> -> memref<1x64xi32, #tpu.memory_space<vmem>>
        %dma_wait3A_198 = tpu.memref_squeeze %dma_wait3A_197 : memref<1x64xi32, #tpu.memory_space<vmem>> -> memref<64xi32, #tpu.memory_space<vmem>>
        %dma_wait3A_199 = arith.constant 0 : i32
        %dma_wait3A_200 = arith.constant 0 : i32
        %dma_wait3A_201 = tpu.memref_slice %arg12[%dma_wait3A_199, %dma_wait3A_200] : memref<10112x128xf32, #tpu.memory_space<vmem_shared>> -> memref<10112x128xf32, #tpu.memory_space<vmem_shared>>
        tpu.wait_indirect_dma semaphore(%run_scoped3A : memref<!tpu.dma_semaphore, #tpu.memory_space<semaphore_mem>>) src(%arg8 : memref<64x128xf32, #tpu.memory_space<vmem>>) dst(%dma_wait3A_201 : memref<10112x128xf32, #tpu.memory_space<vmem_shared>>)
        tpu.yield
      }) : () -> ()
      %add3A_127 = arith.constant 4 : i32
      %add3A_128 = arith.addi %add3A_117, %add3A_127 : i32
      %add3A_129 = arith.constant 0 : i32
      %add3A_130 = arith.addi %add3A_128, %add3A_129 : i32
      %lt3A = arith.constant 32 : i32
      %lt3A_131 = arith.cmpi slt, %add3A_130, %lt3A : i32
      %convert_element_type3A = arith.extui %lt3A_131 : i1 to i32
      %cond3A = arith.constant 0 : i32
      %cond3A_132 = arith.cmpi ne, %convert_element_type3A, %cond3A : i32
      scf.if %cond3A_132 {
        %add3A_190 = arith.constant 4 : i32
        %add3A_191 = arith.addi %add3A_117, %add3A_190 : i32
        %add3A_192 = arith.constant 0 : i32
        %add3A_193 = arith.addi %add3A_191, %add3A_192 : i32
        %dma_start3A_194 = arith.constant 0 : i32
        %dma_start3A_195 = tpu.memref_slice %arg6[%add3A_193, %dma_start3A_194] : memref<64x64xi32, #tpu.memory_space<vmem>> -> memref<1x64xi32, #tpu.memory_space<vmem>>
        %dma_start3A_196 = tpu.memref_squeeze %dma_start3A_195 : memref<1x64xi32, #tpu.memory_space<vmem>> -> memref<64xi32, #tpu.memory_space<vmem>>
        %dma_start3A_197 = arith.constant 0 : i32
        %dma_start3A_198 = arith.constant 0 : i32
        %dma_start3A_199 = tpu.memref_slice %arg2[%dma_start3A_197, %dma_start3A_198] : memref<10000x128xf32, #tpu.memory_space<hbm>> -> memref<10000x128xf32, #tpu.memory_space<hbm>>
        tpu.enqueue_indirect_dma source(%dma_start3A_199 : memref<10000x128xf32, #tpu.memory_space<hbm>>) target(%arg8 : memref<64x128xf32, #tpu.memory_space<vmem>>) offsets(%dma_start3A_196 : memref<64xi32, #tpu.memory_space<vmem>>) semaphore(%arg13 : memref<!tpu.dma_semaphore, #tpu.memory_space<semaphore_mem>>)
      } else {
      }
      %add3A_133 = arith.constant 1 : i32
      %add3A_134 = arith.addi %add3A_117, %add3A_133 : i32
      %dma_wait3A_135 = arith.constant 0 : i32
      %dma_wait3A_136 = tpu.memref_slice %arg6[%add3A_134, %dma_wait3A_135] : memref<64x64xi32, #tpu.memory_space<vmem>> -> memref<1x64xi32, #tpu.memory_space<vmem>>
      %dma_wait3A_137 = tpu.memref_squeeze %dma_wait3A_136 : memref<1x64xi32, #tpu.memory_space<vmem>> -> memref<64xi32, #tpu.memory_space<vmem>>
      %dma_wait3A_138 = arith.constant 0 : i32
      %dma_wait3A_139 = arith.constant 0 : i32
      %dma_wait3A_140 = tpu.memref_slice %arg2[%dma_wait3A_138, %dma_wait3A_139] : memref<10000x128xf32, #tpu.memory_space<hbm>> -> memref<10000x128xf32, #tpu.memory_space<hbm>>
      tpu.wait_indirect_dma semaphore(%arg14 : memref<!tpu.dma_semaphore, #tpu.memory_space<semaphore_mem>>) src(%dma_wait3A_140 : memref<10000x128xf32, #tpu.memory_space<hbm>>) dst(%arg9 : memref<64x128xf32, #tpu.memory_space<vmem>>)
      %add3A_141 = arith.constant 1 : i32
      %add3A_142 = arith.addi %add3A_117, %add3A_141 : i32
      "tpu.region"() ({
        %run_scoped3A = tpu.sem_alloc : memref<!tpu.dma_semaphore, #tpu.memory_space<semaphore_mem>>
        %dma_start3A_190 = arith.constant 0 : i32
        %dma_start3A_191 = tpu.memref_slice %arg7[%add3A_142, %dma_start3A_190] : memref<64x64xi32, #tpu.memory_space<vmem>> -> memref<1x64xi32, #tpu.memory_space<vmem>>
        %dma_start3A_192 = tpu.memref_squeeze %dma_start3A_191 : memref<1x64xi32, #tpu.memory_space<vmem>> -> memref<64xi32, #tpu.memory_space<vmem>>
        %dma_start3A_193 = arith.constant 0 : i32
        %dma_start3A_194 = arith.constant 0 : i32
        %dma_start3A_195 = tpu.memref_slice %arg12[%dma_start3A_193, %dma_start3A_194] : memref<10112x128xf32, #tpu.memory_space<vmem_shared>> -> memref<10112x128xf32, #tpu.memory_space<vmem_shared>>
        tpu.enqueue_indirect_dma source(%arg9 : memref<64x128xf32, #tpu.memory_space<vmem>>) target(%dma_start3A_195 : memref<10112x128xf32, #tpu.memory_space<vmem_shared>>) offsets(%dma_start3A_192 : memref<64xi32, #tpu.memory_space<vmem>>) semaphore(%run_scoped3A : memref<!tpu.dma_semaphore, #tpu.memory_space<semaphore_mem>>) {add = true}
        %dma_wait3A_196 = arith.constant 0 : i32
        %dma_wait3A_197 = tpu.memref_slice %arg7[%add3A_142, %dma_wait3A_196] : memref<64x64xi32, #tpu.memory_space<vmem>> -> memref<1x64xi32, #tpu.memory_space<vmem>>
        %dma_wait3A_198 = tpu.memref_squeeze %dma_wait3A_197 : memref<1x64xi32, #tpu.memory_space<vmem>> -> memref<64xi32, #tpu.memory_space<vmem>>
        %dma_wait3A_199 = arith.constant 0 : i32
        %dma_wait3A_200 = arith.constant 0 : i32
        %dma_wait3A_201 = tpu.memref_slice %arg12[%dma_wait3A_199, %dma_wait3A_200] : memref<10112x128xf32, #tpu.memory_space<vmem_shared>> -> memref<10112x128xf32, #tpu.memory_space<vmem_shared>>
        tpu.wait_indirect_dma semaphore(%run_scoped3A : memref<!tpu.dma_semaphore, #tpu.memory_space<semaphore_mem>>) src(%arg9 : memref<64x128xf32, #tpu.memory_space<vmem>>) dst(%dma_wait3A_201 : memref<10112x128xf32, #tpu.memory_space<vmem_shared>>)
        tpu.yield
      }) : () -> ()
      %add3A_143 = arith.constant 4 : i32
      %add3A_144 = arith.addi %add3A_117, %add3A_143 : i32
      %add3A_145 = arith.constant 1 : i32
      %add3A_146 = arith.addi %add3A_144, %add3A_145 : i32
      %lt3A_147 = arith.constant 32 : i32
      %lt3A_148 = arith.cmpi slt, %add3A_146, %lt3A_147 : i32
      %convert_element_type3A_149 = arith.extui %lt3A_148 : i1 to i32
      %cond3A_150 = arith.constant 0 : i32
      %cond3A_151 = arith.cmpi ne, %convert_element_type3A_149, %cond3A_150 : i32
      scf.if %cond3A_151 {
        %add3A_190 = arith.constant 4 : i32
        %add3A_191 = arith.addi %add3A_117, %add3A_190 : i32
        %add3A_192 = arith.constant 1 : i32
        %add3A_193 = arith.addi %add3A_191, %add3A_192 : i32
        %dma_start3A_194 = arith.constant 0 : i32
        %dma_start3A_195 = tpu.memref_slice %arg6[%add3A_193, %dma_start3A_194] : memref<64x64xi32, #tpu.memory_space<vmem>> -> memref<1x64xi32, #tpu.memory_space<vmem>>
        %dma_start3A_196 = tpu.memref_squeeze %dma_start3A_195 : memref<1x64xi32, #tpu.memory_space<vmem>> -> memref<64xi32, #tpu.memory_space<vmem>>
        %dma_start3A_197 = arith.constant 0 : i32
        %dma_start3A_198 = arith.constant 0 : i32
        %dma_start3A_199 = tpu.memref_slice %arg2[%dma_start3A_197, %dma_start3A_198] : memref<10000x128xf32, #tpu.memory_space<hbm>> -> memref<10000x128xf32, #tpu.memory_space<hbm>>
        tpu.enqueue_indirect_dma source(%dma_start3A_199 : memref<10000x128xf32, #tpu.memory_space<hbm>>) target(%arg9 : memref<64x128xf32, #tpu.memory_space<vmem>>) offsets(%dma_start3A_196 : memref<64xi32, #tpu.memory_space<vmem>>) semaphore(%arg14 : memref<!tpu.dma_semaphore, #tpu.memory_space<semaphore_mem>>)
      } else {
      }
      %add3A_152 = arith.constant 2 : i32
      %add3A_153 = arith.addi %add3A_117, %add3A_152 : i32
      %dma_wait3A_154 = arith.constant 0 : i32
      %dma_wait3A_155 = tpu.memref_slice %arg6[%add3A_153, %dma_wait3A_154] : memref<64x64xi32, #tpu.memory_space<vmem>> -> memref<1x64xi32, #tpu.memory_space<vmem>>
      %dma_wait3A_156 = tpu.memref_squeeze %dma_wait3A_155 : memref<1x64xi32, #tpu.memory_space<vmem>> -> memref<64xi32, #tpu.memory_space<vmem>>
      %dma_wait3A_157 = arith.constant 0 : i32
      %dma_wait3A_158 = arith.constant 0 : i32
      %dma_wait3A_159 = tpu.memref_slice %arg2[%dma_wait3A_157, %dma_wait3A_158] : memref<10000x128xf32, #tpu.memory_space<hbm>> -> memref<10000x128xf32, #tpu.memory_space<hbm>>
      tpu.wait_indirect_dma semaphore(%arg15 : memref<!tpu.dma_semaphore, #tpu.memory_space<semaphore_mem>>) src(%dma_wait3A_159 : memref<10000x128xf32, #tpu.memory_space<hbm>>) dst(%arg10 : memref<64x128xf32, #tpu.memory_space<vmem>>)
      %add3A_160 = arith.constant 2 : i32
      %add3A_161 = arith.addi %add3A_117, %add3A_160 : i32
      "tpu.region"() ({
        %run_scoped3A = tpu.sem_alloc : memref<!tpu.dma_semaphore, #tpu.memory_space<semaphore_mem>>
        %dma_start3A_190 = arith.constant 0 : i32
        %dma_start3A_191 = tpu.memref_slice %arg7[%add3A_161, %dma_start3A_190] : memref<64x64xi32, #tpu.memory_space<vmem>> -> memref<1x64xi32, #tpu.memory_space<vmem>>
        %dma_start3A_192 = tpu.memref_squeeze %dma_start3A_191 : memref<1x64xi32, #tpu.memory_space<vmem>> -> memref<64xi32, #tpu.memory_space<vmem>>
        %dma_start3A_193 = arith.constant 0 : i32
        %dma_start3A_194 = arith.constant 0 : i32
        %dma_start3A_195 = tpu.memref_slice %arg12[%dma_start3A_193, %dma_start3A_194] : memref<10112x128xf32, #tpu.memory_space<vmem_shared>> -> memref<10112x128xf32, #tpu.memory_space<vmem_shared>>
        tpu.enqueue_indirect_dma source(%arg10 : memref<64x128xf32, #tpu.memory_space<vmem>>) target(%dma_start3A_195 : memref<10112x128xf32, #tpu.memory_space<vmem_shared>>) offsets(%dma_start3A_192 : memref<64xi32, #tpu.memory_space<vmem>>) semaphore(%run_scoped3A : memref<!tpu.dma_semaphore, #tpu.memory_space<semaphore_mem>>) {add = true}
        %dma_wait3A_196 = arith.constant 0 : i32
        %dma_wait3A_197 = tpu.memref_slice %arg7[%add3A_161, %dma_wait3A_196] : memref<64x64xi32, #tpu.memory_space<vmem>> -> memref<1x64xi32, #tpu.memory_space<vmem>>
        %dma_wait3A_198 = tpu.memref_squeeze %dma_wait3A_197 : memref<1x64xi32, #tpu.memory_space<vmem>> -> memref<64xi32, #tpu.memory_space<vmem>>
        %dma_wait3A_199 = arith.constant 0 : i32
        %dma_wait3A_200 = arith.constant 0 : i32
        %dma_wait3A_201 = tpu.memref_slice %arg12[%dma_wait3A_199, %dma_wait3A_200] : memref<10112x128xf32, #tpu.memory_space<vmem_shared>> -> memref<10112x128xf32, #tpu.memory_space<vmem_shared>>
        tpu.wait_indirect_dma semaphore(%run_scoped3A : memref<!tpu.dma_semaphore, #tpu.memory_space<semaphore_mem>>) src(%arg10 : memref<64x128xf32, #tpu.memory_space<vmem>>) dst(%dma_wait3A_201 : memref<10112x128xf32, #tpu.memory_space<vmem_shared>>)
        tpu.yield
      }) : () -> ()
      %add3A_162 = arith.constant 4 : i32
      %add3A_163 = arith.addi %add3A_117, %add3A_162 : i32
      %add3A_164 = arith.constant 2 : i32
      %add3A_165 = arith.addi %add3A_163, %add3A_164 : i32
      %lt3A_166 = arith.constant 32 : i32
      %lt3A_167 = arith.cmpi slt, %add3A_165, %lt3A_166 : i32
      %convert_element_type3A_168 = arith.extui %lt3A_167 : i1 to i32
      %cond3A_169 = arith.constant 0 : i32
      %cond3A_170 = arith.cmpi ne, %convert_element_type3A_168, %cond3A_169 : i32
      scf.if %cond3A_170 {
        %add3A_190 = arith.constant 4 : i32
        %add3A_191 = arith.addi %add3A_117, %add3A_190 : i32
        %add3A_192 = arith.constant 2 : i32
        %add3A_193 = arith.addi %add3A_191, %add3A_192 : i32
        %dma_start3A_194 = arith.constant 0 : i32
        %dma_start3A_195 = tpu.memref_slice %arg6[%add3A_193, %dma_start3A_194] : memref<64x64xi32, #tpu.memory_space<vmem>> -> memref<1x64xi32, #tpu.memory_space<vmem>>
        %dma_start3A_196 = tpu.memref_squeeze %dma_start3A_195 : memref<1x64xi32, #tpu.memory_space<vmem>> -> memref<64xi32, #tpu.memory_space<vmem>>
        %dma_start3A_197 = arith.constant 0 : i32
        %dma_start3A_198 = arith.constant 0 : i32
        %dma_start3A_199 = tpu.memref_slice %arg2[%dma_start3A_197, %dma_start3A_198] : memref<10000x128xf32, #tpu.memory_space<hbm>> -> memref<10000x128xf32, #tpu.memory_space<hbm>>
        tpu.enqueue_indirect_dma source(%dma_start3A_199 : memref<10000x128xf32, #tpu.memory_space<hbm>>) target(%arg10 : memref<64x128xf32, #tpu.memory_space<vmem>>) offsets(%dma_start3A_196 : memref<64xi32, #tpu.memory_space<vmem>>) semaphore(%arg15 : memref<!tpu.dma_semaphore, #tpu.memory_space<semaphore_mem>>)
      } else {
      }
      %add3A_171 = arith.constant 3 : i32
      %add3A_172 = arith.addi %add3A_117, %add3A_171 : i32
      %dma_wait3A_173 = arith.constant 0 : i32
      %dma_wait3A_174 = tpu.memref_slice %arg6[%add3A_172, %dma_wait3A_173] : memref<64x64xi32, #tpu.memory_space<vmem>> -> memref<1x64xi32, #tpu.memory_space<vmem>>
      %dma_wait3A_175 = tpu.memref_squeeze %dma_wait3A_174 : memref<1x64xi32, #tpu.memory_space<vmem>> -> memref<64xi32, #tpu.memory_space<vmem>>
      %dma_wait3A_176 = arith.constant 0 : i32
      %dma_wait3A_177 = arith.constant 0 : i32
      %dma_wait3A_178 = tpu.memref_slice %arg2[%dma_wait3A_176, %dma_wait3A_177] : memref<10000x128xf32, #tpu.memory_space<hbm>> -> memref<10000x128xf32, #tpu.memory_space<hbm>>
      tpu.wait_indirect_dma semaphore(%arg16 : memref<!tpu.dma_semaphore, #tpu.memory_space<semaphore_mem>>) src(%dma_wait3A_178 : memref<10000x128xf32, #tpu.memory_space<hbm>>) dst(%arg11 : memref<64x128xf32, #tpu.memory_space<vmem>>)
      %add3A_179 = arith.constant 3 : i32
      %add3A_180 = arith.addi %add3A_117, %add3A_179 : i32
      "tpu.region"() ({
        %run_scoped3A = tpu.sem_alloc : memref<!tpu.dma_semaphore, #tpu.memory_space<semaphore_mem>>
        %dma_start3A_190 = arith.constant 0 : i32
        %dma_start3A_191 = tpu.memref_slice %arg7[%add3A_180, %dma_start3A_190] : memref<64x64xi32, #tpu.memory_space<vmem>> -> memref<1x64xi32, #tpu.memory_space<vmem>>
        %dma_start3A_192 = tpu.memref_squeeze %dma_start3A_191 : memref<1x64xi32, #tpu.memory_space<vmem>> -> memref<64xi32, #tpu.memory_space<vmem>>
        %dma_start3A_193 = arith.constant 0 : i32
        %dma_start3A_194 = arith.constant 0 : i32
        %dma_start3A_195 = tpu.memref_slice %arg12[%dma_start3A_193, %dma_start3A_194] : memref<10112x128xf32, #tpu.memory_space<vmem_shared>> -> memref<10112x128xf32, #tpu.memory_space<vmem_shared>>
        tpu.enqueue_indirect_dma source(%arg11 : memref<64x128xf32, #tpu.memory_space<vmem>>) target(%dma_start3A_195 : memref<10112x128xf32, #tpu.memory_space<vmem_shared>>) offsets(%dma_start3A_192 : memref<64xi32, #tpu.memory_space<vmem>>) semaphore(%run_scoped3A : memref<!tpu.dma_semaphore, #tpu.memory_space<semaphore_mem>>) {add = true}
        %dma_wait3A_196 = arith.constant 0 : i32
        %dma_wait3A_197 = tpu.memref_slice %arg7[%add3A_180, %dma_wait3A_196] : memref<64x64xi32, #tpu.memory_space<vmem>> -> memref<1x64xi32, #tpu.memory_space<vmem>>
        %dma_wait3A_198 = tpu.memref_squeeze %dma_wait3A_197 : memref<1x64xi32, #tpu.memory_space<vmem>> -> memref<64xi32, #tpu.memory_space<vmem>>
        %dma_wait3A_199 = arith.constant 0 : i32
        %dma_wait3A_200 = arith.constant 0 : i32
        %dma_wait3A_201 = tpu.memref_slice %arg12[%dma_wait3A_199, %dma_wait3A_200] : memref<10112x128xf32, #tpu.memory_space<vmem_shared>> -> memref<10112x128xf32, #tpu.memory_space<vmem_shared>>
        tpu.wait_indirect_dma semaphore(%run_scoped3A : memref<!tpu.dma_semaphore, #tpu.memory_space<semaphore_mem>>) src(%arg11 : memref<64x128xf32, #tpu.memory_space<vmem>>) dst(%dma_wait3A_201 : memref<10112x128xf32, #tpu.memory_space<vmem_shared>>)
        tpu.yield
      }) : () -> ()
      %add3A_181 = arith.constant 4 : i32
      %add3A_182 = arith.addi %add3A_117, %add3A_181 : i32
      %add3A_183 = arith.constant 3 : i32
      %add3A_184 = arith.addi %add3A_182, %add3A_183 : i32
      %lt3A_185 = arith.constant 32 : i32
      %lt3A_186 = arith.cmpi slt, %add3A_184, %lt3A_185 : i32
      %convert_element_type3A_187 = arith.extui %lt3A_186 : i1 to i32
      %cond3A_188 = arith.constant 0 : i32
      %cond3A_189 = arith.cmpi ne, %convert_element_type3A_187, %cond3A_188 : i32
      scf.if %cond3A_189 {
        %add3A_190 = arith.constant 4 : i32
        %add3A_191 = arith.addi %add3A_117, %add3A_190 : i32
        %add3A_192 = arith.constant 3 : i32
        %add3A_193 = arith.addi %add3A_191, %add3A_192 : i32
        %dma_start3A_194 = arith.constant 0 : i32
        %dma_start3A_195 = tpu.memref_slice %arg6[%add3A_193, %dma_start3A_194] : memref<64x64xi32, #tpu.memory_space<vmem>> -> memref<1x64xi32, #tpu.memory_space<vmem>>
        %dma_start3A_196 = tpu.memref_squeeze %dma_start3A_195 : memref<1x64xi32, #tpu.memory_space<vmem>> -> memref<64xi32, #tpu.memory_space<vmem>>
        %dma_start3A_197 = arith.constant 0 : i32
        %dma_start3A_198 = arith.constant 0 : i32
        %dma_start3A_199 = tpu.memref_slice %arg2[%dma_start3A_197, %dma_start3A_198] : memref<10000x128xf32, #tpu.memory_space<hbm>> -> memref<10000x128xf32, #tpu.memory_space<hbm>>
        tpu.enqueue_indirect_dma source(%dma_start3A_199 : memref<10000x128xf32, #tpu.memory_space<hbm>>) target(%arg11 : memref<64x128xf32, #tpu.memory_space<vmem>>) offsets(%dma_start3A_196 : memref<64xi32, #tpu.memory_space<vmem>>) semaphore(%arg16 : memref<!tpu.dma_semaphore, #tpu.memory_space<semaphore_mem>>)
      } else {
      }
    }
    %scan3A_111 = arith.constant 8 : i32
    %barrier3A_112 = arith.constant 0 : index
    tpu.barrier barrier_id(%barrier3A_112)
    "tpu.region"() ({
      %run_scoped3A = tpu.sem_alloc : memref<!tpu.dma_semaphore, #tpu.memory_space<semaphore_mem>>
      %dma_start3A_113 = arith.constant 0 : i32
      %dma_start3A_114 = arith.constant 0 : i32
      %dma_start3A_115 = tpu.memref_slice %arg5[%arg0, %dma_start3A_113, %dma_start3A_114] : memref<2x10112x128xf32, #tpu.memory_space<hbm>> -> memref<1x10112x128xf32, #tpu.memory_space<hbm>>
      %dma_start3A_116 = tpu.memref_squeeze %dma_start3A_115 : memref<1x10112x128xf32, #tpu.memory_space<hbm>> -> memref<10112x128xf32, #tpu.memory_space<hbm>>
      %dma_start3A_117 = arith.constant 0 : i32
      %dma_start3A_118 = tpu.memref_slice %dma_start3A_116[%mul3A_2, %dma_start3A_117] : memref<10112x128xf32, #tpu.memory_space<hbm>> -> memref<632x128xf32, #tpu.memory_space<hbm>>
      %dma_start3A_119 = arith.constant 0 : i32
      %dma_start3A_120 = tpu.memref_slice %arg12[%mul3A_2, %dma_start3A_119] : memref<10112x128xf32, #tpu.memory_space<vmem_shared>> -> memref<632x128xf32, #tpu.memory_space<vmem_shared>>
      tpu.enqueue_dma source(%dma_start3A_120 : memref<632x128xf32, #tpu.memory_space<vmem_shared>>) target(%dma_start3A_118 : memref<632x128xf32, #tpu.memory_space<hbm>>) target_semaphore(%run_scoped3A : memref<!tpu.dma_semaphore, #tpu.memory_space<semaphore_mem>>)
      %dma_wait3A = arith.constant 0 : i32
      %dma_wait3A_121 = arith.constant 0 : i32
      %dma_wait3A_122 = tpu.memref_slice %arg5[%arg0, %dma_wait3A, %dma_wait3A_121] : memref<2x10112x128xf32, #tpu.memory_space<hbm>> -> memref<1x10112x128xf32, #tpu.memory_space<hbm>>
      %dma_wait3A_123 = tpu.memref_squeeze %dma_wait3A_122 : memref<1x10112x128xf32, #tpu.memory_space<hbm>> -> memref<10112x128xf32, #tpu.memory_space<hbm>>
      %dma_wait3A_124 = arith.constant 0 : i32
      %dma_wait3A_125 = tpu.memref_slice %dma_wait3A_123[%mul3A_2, %dma_wait3A_124] : memref<10112x128xf32, #tpu.memory_space<hbm>> -> memref<632x128xf32, #tpu.memory_space<hbm>>
      %dma_wait3A_126 = arith.constant 0 : i32
      %dma_wait3A_127 = tpu.memref_slice %arg12[%mul3A_2, %dma_wait3A_126] : memref<10112x128xf32, #tpu.memory_space<vmem_shared>> -> memref<632x128xf32, #tpu.memory_space<vmem_shared>>
      tpu.wait_dma2 semaphore(%run_scoped3A : memref<!tpu.dma_semaphore, #tpu.memory_space<semaphore_mem>>) src(%dma_wait3A_127 : memref<632x128xf32, #tpu.memory_space<vmem_shared>>) dst(%dma_wait3A_125 : memref<632x128xf32, #tpu.memory_space<hbm>>)
      tpu.yield
    }) : () -> ()
    return
  }
}

#map = affine_map<(d0, d1) -> (0, 0)>
module attributes {stable_mosaic.version = 14 : i64} {
  func.func @body(%arg0: i32, %arg1: i32, %arg2: memref<32x10240xi32, #tpu.memory_space<hbm>>, %arg3: memref<32x10112xf32, #tpu.memory_space<hbm>>, %arg4: memref<10240xi32, #tpu.memory_space<vmem>>, %arg5: memref<10112xf32, #tpu.memory_space<vmem>>) attributes {dimension_semantics = [#tpu.dimension_semantics<core_parallel>, #tpu.dimension_semantics<subcore_parallel>], iteration_bounds = array<i64: 2, 16>, scalar_prefetch = 0 : i64, scratch_operands = 2 : i64, tpu.core_type = #tpu.core_type<sc_vector_subcore>, window_params = [{transform_indices = #map}, {transform_indices = #map}]} {
    %mul3A = arith.constant 2 : i32
    %mul3A_0 = arith.muli %arg1, %mul3A : i32
    %add3A = arith.addi %mul3A_0, %arg0 : i32
    "tpu.region"() ({
      %run_scoped3A = tpu.sem_alloc : memref<!tpu.dma_semaphore, #tpu.memory_space<semaphore_mem>>
      %dma_start3A = arith.constant 0 : i32
      %dma_start3A_10 = tpu.memref_slice %arg2[%add3A, %dma_start3A] : memref<32x10240xi32, #tpu.memory_space<hbm>> -> memref<1x10240xi32, #tpu.memory_space<hbm>>
      %dma_start3A_11 = tpu.memref_squeeze %dma_start3A_10 : memref<1x10240xi32, #tpu.memory_space<hbm>> -> memref<10240xi32, #tpu.memory_space<hbm>>
      %dma_start3A_12 = arith.constant 0 : i32
      %dma_start3A_13 = tpu.memref_slice %arg2[%add3A, %dma_start3A_12] : memref<32x10240xi32, #tpu.memory_space<hbm>> -> memref<1x10240xi32, #tpu.memory_space<hbm>>
      %dma_start3A_14 = tpu.memref_squeeze %dma_start3A_13 : memref<1x10240xi32, #tpu.memory_space<hbm>> -> memref<10240xi32, #tpu.memory_space<hbm>>
      tpu.enqueue_dma source(%dma_start3A_14 : memref<10240xi32, #tpu.memory_space<hbm>>) target(%arg4 : memref<10240xi32, #tpu.memory_space<vmem>>) target_semaphore(%run_scoped3A : memref<!tpu.dma_semaphore, #tpu.memory_space<semaphore_mem>>)
      %dma_wait3A = arith.constant 0 : i32
      %dma_wait3A_15 = tpu.memref_slice %arg2[%add3A, %dma_wait3A] : memref<32x10240xi32, #tpu.memory_space<hbm>> -> memref<1x10240xi32, #tpu.memory_space<hbm>>
      %dma_wait3A_16 = tpu.memref_squeeze %dma_wait3A_15 : memref<1x10240xi32, #tpu.memory_space<hbm>> -> memref<10240xi32, #tpu.memory_space<hbm>>
      %dma_wait3A_17 = arith.constant 0 : i32
      %dma_wait3A_18 = tpu.memref_slice %arg2[%add3A, %dma_wait3A_17] : memref<32x10240xi32, #tpu.memory_space<hbm>> -> memref<1x10240xi32, #tpu.memory_space<hbm>>
      %dma_wait3A_19 = tpu.memref_squeeze %dma_wait3A_18 : memref<1x10240xi32, #tpu.memory_space<hbm>> -> memref<10240xi32, #tpu.memory_space<hbm>>
      tpu.wait_dma2 semaphore(%run_scoped3A : memref<!tpu.dma_semaphore, #tpu.memory_space<semaphore_mem>>) src(%dma_wait3A_19 : memref<10240xi32, #tpu.memory_space<hbm>>) dst(%arg4 : memref<10240xi32, #tpu.memory_space<vmem>>)
      tpu.yield
    }) : () -> ()
    %scan3A = arith.constant 0 : i32
    %scan3A_1 = arith.constant 632 : i32
    %scan3A_2 = arith.addi %scan3A, %scan3A_1 : i32
    %scan3A_3 = arith.constant 1 : i32
    scf.for %scan3A_10 = %scan3A to %scan3A_2 step %scan3A_3  : i32 {
      %mul3A_11 = arith.constant 1 : i32
      %mul3A_12 = arith.muli %scan3A_10, %mul3A_11 : i32
      %add3A_13 = arith.constant 0 : i32
      %add3A_14 = arith.addi %add3A_13, %mul3A_12 : i32
      %broadcast_in_dim3A = arith.constant 0.000000e+00 : f32
      %broadcast_in_dim3A_15 = vector.broadcast %broadcast_in_dim3A : f32 to vector<16xf32>
      %mul3A_16 = arith.constant 16 : i32
      %mul3A_17 = arith.muli %add3A_14, %mul3A_16 : i32
      %swap3A = arith.index_cast %mul3A_17 : i32 to index
      %swap3A_18 = tpu.vector_load %arg5[%swap3A] {strides = array<i32>} : memref<10112xf32, #tpu.memory_space<vmem>>, vector<16xf32>,
      tpu.vector_store %arg5[%swap3A], %broadcast_in_dim3A_15 {strides = array<i32>} : memref<10112xf32, #tpu.memory_space<vmem>>, vector<16xf32>,
    }
    %scan3A_4 = arith.constant 632 : i32
    %scan3A_5 = arith.constant 0 : i32
    %scan3A_6 = arith.constant 640 : i32
    %scan3A_7 = arith.addi %scan3A_5, %scan3A_6 : i32
    %scan3A_8 = arith.constant 1 : i32
    scf.for %scan3A_10 = %scan3A_5 to %scan3A_7 step %scan3A_8  : i32 {
      %mul3A_11 = arith.constant 1 : i32
      %mul3A_12 = arith.muli %scan3A_10, %mul3A_11 : i32
      %add3A_13 = arith.constant 0 : i32
      %add3A_14 = arith.addi %add3A_13, %mul3A_12 : i32
      %mul3A_15 = arith.constant 16 : i32
      %mul3A_16 = arith.muli %add3A_14, %mul3A_15 : i32
      %get3A = arith.index_cast %mul3A_16 : i32 to index
      %get3A_17 = tpu.vector_load %arg4[%get3A] {strides = array<i32>} : memref<10240xi32, #tpu.memory_space<vmem>>, vector<16xi32>,
      %broadcast_in_dim3A = arith.constant 1.000000e+00 : f32
      %broadcast_in_dim3A_18 = vector.broadcast %broadcast_in_dim3A : f32 to vector<16xf32>
      tpu.vector_store_idx %arg5[%get3A_17], %broadcast_in_dim3A_18 {add = true} : memref<10112xf32, #tpu.memory_space<vmem>>[vector<16xi32>], vector<16xf32>,
    }
    %scan3A_9 = arith.constant 640 : i32
    "tpu.region"() ({
      %run_scoped3A = tpu.sem_alloc : memref<!tpu.dma_semaphore, #tpu.memory_space<semaphore_mem>>
      %dma_start3A = arith.constant 0 : i32
      %dma_start3A_10 = tpu.memref_slice %arg3[%add3A, %dma_start3A] : memref<32x10112xf32, #tpu.memory_space<hbm>> -> memref<1x10112xf32, #tpu.memory_space<hbm>>
      %dma_start3A_11 = tpu.memref_squeeze %dma_start3A_10 : memref<1x10112xf32, #tpu.memory_space<hbm>> -> memref<10112xf32, #tpu.memory_space<hbm>>
      %dma_start3A_12 = arith.constant 0 : i32
      %dma_start3A_13 = tpu.memref_slice %arg3[%add3A, %dma_start3A_12] : memref<32x10112xf32, #tpu.memory_space<hbm>> -> memref<1x10112xf32, #tpu.memory_space<hbm>>
      %dma_start3A_14 = tpu.memref_squeeze %dma_start3A_13 : memref<1x10112xf32, #tpu.memory_space<hbm>> -> memref<10112xf32, #tpu.memory_space<hbm>>
      tpu.enqueue_dma source(%arg5 : memref<10112xf32, #tpu.memory_space<vmem>>) target(%dma_start3A_14 : memref<10112xf32, #tpu.memory_space<hbm>>) target_semaphore(%run_scoped3A : memref<!tpu.dma_semaphore, #tpu.memory_space<semaphore_mem>>)
      %dma_wait3A = arith.constant 0 : i32
      %dma_wait3A_15 = tpu.memref_slice %arg3[%add3A, %dma_wait3A] : memref<32x10112xf32, #tpu.memory_space<hbm>> -> memref<1x10112xf32, #tpu.memory_space<hbm>>
      %dma_wait3A_16 = tpu.memref_squeeze %dma_wait3A_15 : memref<1x10112xf32, #tpu.memory_space<hbm>> -> memref<10112xf32, #tpu.memory_space<hbm>>
      %dma_wait3A_17 = arith.constant 0 : i32
      %dma_wait3A_18 = tpu.memref_slice %arg3[%add3A, %dma_wait3A_17] : memref<32x10112xf32, #tpu.memory_space<hbm>> -> memref<1x10112xf32, #tpu.memory_space<hbm>>
      %dma_wait3A_19 = tpu.memref_squeeze %dma_wait3A_18 : memref<1x10112xf32, #tpu.memory_space<hbm>> -> memref<10112xf32, #tpu.memory_space<hbm>>
      tpu.wait_dma2 semaphore(%run_scoped3A : memref<!tpu.dma_semaphore, #tpu.memory_space<semaphore_mem>>) src(%arg5 : memref<10112xf32, #tpu.memory_space<vmem>>) dst(%dma_wait3A_19 : memref<10112xf32, #tpu.memory_space<hbm>>)
      tpu.yield
    }) : () -> ()
    return
  }
}

#map = affine_map<(d0, d1) -> (0, 0)>
#map1 = affine_map<(d0, d1) -> (0, 0, 0)>
module attributes {stable_mosaic.version = 14 : i64} {
  func.func @body(%arg0: i32, %arg1: i32, %arg2: memref<10000x128xf32, #tpu.memory_space<hbm>>, %arg3: memref<32x160x64xi32, #tpu.memory_space<hbm>>, %arg4: memref<32x160x64xi32, #tpu.memory_space<hbm>>, %arg5: memref<2x10112x128xf32, #tpu.memory_space<hbm>>, %arg6: memref<64x64xi32, #tpu.memory_space<vmem>>, %arg7: memref<64x64xi32, #tpu.memory_space<vmem>>, %arg8: memref<64x128xf32, #tpu.memory_space<vmem>>, %arg9: memref<64x128xf32, #tpu.memory_space<vmem>>, %arg10: memref<64x128xf32, #tpu.memory_space<vmem>>, %arg11: memref<64x128xf32, #tpu.memory_space<vmem>>, %arg12: memref<10112x128xf32, #tpu.memory_space<vmem_shared>>, %arg13: memref<!tpu.dma_semaphore, #tpu.memory_space<semaphore_mem>>, %arg14: memref<!tpu.dma_semaphore, #tpu.memory_space<semaphore_mem>>, %arg15: memref<!tpu.dma_semaphore, #tpu.memory_space<semaphore_mem>>, %arg16: memref<!tpu.dma_semaphore, #tpu.memory_space<semaphore_mem>>) attributes {dimension_semantics = [#tpu.dimension_semantics<core_parallel>, #tpu.dimension_semantics<subcore_parallel>], iteration_bounds = array<i64: 2, 16>, scalar_prefetch = 0 : i64, scratch_operands = 11 : i64, tpu.core_type = #tpu.core_type<sc_vector_subcore>, window_params = [{transform_indices = #map}, {transform_indices = #map1}, {transform_indices = #map1}, {transform_indices = #map1}]} {
    %mul3A = arith.constant 2 : i32
    %mul3A_0 = arith.muli %arg1, %mul3A : i32
    %add3A = arith.addi %mul3A_0, %arg0 : i32
    %mul3A_1 = arith.constant 632 : i32
    %mul3A_2 = arith.muli %arg1, %mul3A_1 : i32
    %scan3A = arith.constant 0 : i32
    %scan3A_3 = arith.constant 64 : i32
    %scan3A_4 = arith.addi %scan3A, %scan3A_3 : i32
    %scan3A_5 = arith.constant 1 : i32
    scf.for %scan3A_113 = %scan3A to %scan3A_4 step %scan3A_5  : i32 {
      %mul3A_114 = arith.constant 1 : i32
      %mul3A_115 = arith.muli %scan3A_113, %mul3A_114 : i32
      %add3A_116 = arith.constant 0 : i32
      %add3A_117 = arith.addi %add3A_116, %mul3A_115 : i32
      %scan3A_118 = arith.constant 0 : i32
      %scan3A_119 = arith.constant 8 : i32
      %scan3A_120 = arith.addi %scan3A_118, %scan3A_119 : i32
      %scan3A_121 = arith.constant 1 : i32
      scf.for %scan3A_123 = %scan3A_118 to %scan3A_120 step %scan3A_121  : i32 {
        %mul3A_124 = arith.constant 1 : i32
        %mul3A_125 = arith.muli %scan3A_123, %mul3A_124 : i32
        %add3A_126 = arith.constant 0 : i32
        %add3A_127 = arith.addi %add3A_126, %mul3A_125 : i32
        %broadcast_in_dim3A = arith.constant 0.000000e+00 : f32
        %broadcast_in_dim3A_128 = vector.broadcast %broadcast_in_dim3A : f32 to vector<16xf32>
        %mul3A_129 = arith.constant 16 : i32
        %mul3A_130 = arith.muli %add3A_127, %mul3A_129 : i32
        %swap3A = arith.index_cast %add3A_117 : i32 to index
        %swap3A_131 = arith.index_cast %mul3A_130 : i32 to index
        %swap3A_132 = tpu.vector_load %arg8[%swap3A, %swap3A_131] {strides = array<i32>} : memref<64x128xf32, #tpu.memory_space<vmem>>, vector<1x16xf32>,
        %swap3A_133 = vector.shape_cast %swap3A_132 : vector<1x16xf32> to vector<16xf32>
        %swap3A_134 = vector.shape_cast %broadcast_in_dim3A_128 : vector<16xf32> to vector<1x16xf32>
        tpu.vector_store %arg8[%swap3A, %swap3A_131], %swap3A_134 {strides = array<i32>} : memref<64x128xf32, #tpu.memory_space<vmem>>, vector<1x16xf32>,
      }
      %scan3A_122 = arith.constant 8 : i32
    }
    %scan3A_6 = arith.constant 64 : i32
    %scan3A_7 = arith.constant 0 : i32
    %scan3A_8 = arith.constant 9 : i32
    %scan3A_9 = arith.addi %scan3A_7, %scan3A_8 : i32
    %scan3A_10 = arith.constant 1 : i32
    scf.for %scan3A_113 = %scan3A_7 to %scan3A_9 step %scan3A_10  : i32 {
      %mul3A_114 = arith.constant 1 : i32
      %mul3A_115 = arith.muli %scan3A_113, %mul3A_114 : i32
      %add3A_116 = arith.constant 0 : i32
      %add3A_117 = arith.addi %add3A_116, %mul3A_115 : i32
      %mul3A_118 = arith.constant 64 : i32
      %mul3A_119 = arith.muli %add3A_117, %mul3A_118 : i32
      %add3A_120 = arith.addi %mul3A_2, %mul3A_119 : i32
      "tpu.region"() ({
        %run_scoped3A = tpu.sem_alloc : memref<!tpu.dma_semaphore, #tpu.memory_space<semaphore_mem>>
        %dma_start3A_121 = arith.constant 0 : i32
        %dma_start3A_122 = tpu.memref_slice %arg12[%add3A_120, %dma_start3A_121] : memref<10112x128xf32, #tpu.memory_space<vmem_shared>> -> memref<64x128xf32, #tpu.memory_space<vmem_shared>>
        %dma_start3A_123 = arith.constant 0 : i32
        %dma_start3A_124 = tpu.memref_slice %arg12[%add3A_120, %dma_start3A_123] : memref<10112x128xf32, #tpu.memory_space<vmem_shared>> -> memref<64x128xf32, #tpu.memory_space<vmem_shared>>
        tpu.enqueue_dma source(%arg8 : memref<64x128xf32, #tpu.memory_space<vmem>>) target(%dma_start3A_124 : memref<64x128xf32, #tpu.memory_space<vmem_shared>>) target_semaphore(%run_scoped3A : memref<!tpu.dma_semaphore, #tpu.memory_space<semaphore_mem>>)
        %dma_wait3A = arith.constant 0 : i32
        %dma_wait3A_125 = tpu.memref_slice %arg12[%add3A_120, %dma_wait3A] : memref<10112x128xf32, #tpu.memory_space<vmem_shared>> -> memref<64x128xf32, #tpu.memory_space<vmem_shared>>
        %dma_wait3A_126 = arith.constant 0 : i32
        %dma_wait3A_127 = tpu.memref_slice %arg12[%add3A_120, %dma_wait3A_126] : memref<10112x128xf32, #tpu.memory_space<vmem_shared>> -> memref<64x128xf32, #tpu.memory_space<vmem_shared>>
        tpu.wait_dma2 semaphore(%run_scoped3A : memref<!tpu.dma_semaphore, #tpu.memory_space<semaphore_mem>>) src(%arg8 : memref<64x128xf32, #tpu.memory_space<vmem>>) dst(%dma_wait3A_127 : memref<64x128xf32, #tpu.memory_space<vmem_shared>>)
        tpu.yield
      }) : () -> ()
    }
    %scan3A_11 = arith.constant 9 : i32
    %add3A_12 = arith.constant 576 : i32
    %add3A_13 = arith.addi %mul3A_2, %add3A_12 : i32
    "tpu.region"() ({
      %run_scoped3A = tpu.sem_alloc : memref<!tpu.dma_semaphore, #tpu.memory_space<semaphore_mem>>
      %dma_start3A_113 = arith.constant 0 : i32
      %dma_start3A_114 = arith.constant 0 : i32
      %dma_start3A_115 = tpu.memref_slice %arg8[%dma_start3A_113, %dma_start3A_114] : memref<64x128xf32, #tpu.memory_space<vmem>> -> memref<56x128xf32, #tpu.memory_space<vmem>>
      %dma_start3A_116 = arith.constant 0 : i32
      %dma_start3A_117 = tpu.memref_slice %arg12[%add3A_13, %dma_start3A_116] : memref<10112x128xf32, #tpu.memory_space<vmem_shared>> -> memref<56x128xf32, #tpu.memory_space<vmem_shared>>
      %dma_start3A_118 = arith.constant 0 : i32
      %dma_start3A_119 = tpu.memref_slice %arg12[%add3A_13, %dma_start3A_118] : memref<10112x128xf32, #tpu.memory_space<vmem_shared>> -> memref<56x128xf32, #tpu.memory_space<vmem_shared>>
      %dma_start3A_120 = arith.constant 0 : i32
      %dma_start3A_121 = arith.constant 0 : i32
      %dma_start3A_122 = tpu.memref_slice %arg8[%dma_start3A_120, %dma_start3A_121] : memref<64x128xf32, #tpu.memory_space<vmem>> -> memref<56x128xf32, #tpu.memory_space<vmem>>
      tpu.enqueue_dma source(%dma_start3A_122 : memref<56x128xf32, #tpu.memory_space<vmem>>) target(%dma_start3A_119 : memref<56x128xf32, #tpu.memory_space<vmem_shared>>) target_semaphore(%run_scoped3A : memref<!tpu.dma_semaphore, #tpu.memory_space<semaphore_mem>>)
      %dma_wait3A = arith.constant 0 : i32
      %dma_wait3A_123 = arith.constant 0 : i32
      %dma_wait3A_124 = tpu.memref_slice %arg8[%dma_wait3A, %dma_wait3A_123] : memref<64x128xf32, #tpu.memory_space<vmem>> -> memref<56x128xf32, #tpu.memory_space<vmem>>
      %dma_wait3A_125 = arith.constant 0 : i32
      %dma_wait3A_126 = tpu.memref_slice %arg12[%add3A_13, %dma_wait3A_125] : memref<10112x128xf32, #tpu.memory_space<vmem_shared>> -> memref<56x128xf32, #tpu.memory_space<vmem_shared>>
      %dma_wait3A_127 = arith.constant 0 : i32
      %dma_wait3A_128 = tpu.memref_slice %arg12[%add3A_13, %dma_wait3A_127] : memref<10112x128xf32, #tpu.memory_space<vmem_shared>> -> memref<56x128xf32, #tpu.memory_space<vmem_shared>>
      %dma_wait3A_129 = arith.constant 0 : i32
      %dma_wait3A_130 = arith.constant 0 : i32
      %dma_wait3A_131 = tpu.memref_slice %arg8[%dma_wait3A_129, %dma_wait3A_130] : memref<64x128xf32, #tpu.memory_space<vmem>> -> memref<56x128xf32, #tpu.memory_space<vmem>>
      tpu.wait_dma2 semaphore(%run_scoped3A : memref<!tpu.dma_semaphore, #tpu.memory_space<semaphore_mem>>) src(%dma_wait3A_131 : memref<56x128xf32, #tpu.memory_space<vmem>>) dst(%dma_wait3A_128 : memref<56x128xf32, #tpu.memory_space<vmem_shared>>)
      tpu.yield
    }) : () -> ()
    %barrier3A = arith.constant 0 : index
    tpu.barrier barrier_id(%barrier3A)
    "tpu.region"() ({
      %run_scoped3A = tpu.sem_alloc : memref<!tpu.dma_semaphore, #tpu.memory_space<semaphore_mem>>
      %dma_start3A_113 = arith.constant 0 : i32
      %dma_start3A_114 = arith.constant 0 : i32
      %dma_start3A_115 = tpu.memref_slice %arg6[%dma_start3A_113, %dma_start3A_114] : memref<64x64xi32, #tpu.memory_space<vmem>> -> memref<64x64xi32, #tpu.memory_space<vmem>>
      %dma_start3A_116 = arith.constant 0 : i32
      %dma_start3A_117 = arith.constant 0 : i32
      %dma_start3A_118 = tpu.memref_slice %arg3[%add3A, %dma_start3A_116, %dma_start3A_117] : memref<32x160x64xi32, #tpu.memory_space<hbm>> -> memref<1x160x64xi32, #tpu.memory_space<hbm>>
      %dma_start3A_119 = tpu.memref_squeeze %dma_start3A_118 : memref<1x160x64xi32, #tpu.memory_space<hbm>> -> memref<160x64xi32, #tpu.memory_space<hbm>>
      %dma_start3A_120 = arith.constant 0 : i32
      %dma_start3A_121 = arith.constant 0 : i32
      %dma_start3A_122 = tpu.memref_slice %dma_start3A_119[%dma_start3A_120, %dma_start3A_121] : memref<160x64xi32, #tpu.memory_space<hbm>> -> memref<64x64xi32, #tpu.memory_space<hbm>>
      %dma_start3A_123 = arith.constant 0 : i32
      %dma_start3A_124 = arith.constant 0 : i32
      %dma_start3A_125 = tpu.memref_slice %arg6[%dma_start3A_123, %dma_start3A_124] : memref<64x64xi32, #tpu.memory_space<vmem>> -> memref<64x64xi32, #tpu.memory_space<vmem>>
      %dma_start3A_126 = arith.constant 0 : i32
      %dma_start3A_127 = arith.constant 0 : i32
      %dma_start3A_128 = tpu.memref_slice %arg3[%add3A, %dma_start3A_126, %dma_start3A_127] : memref<32x160x64xi32, #tpu.memory_space<hbm>> -> memref<1x160x64xi32, #tpu.memory_space<hbm>>
      %dma_start3A_129 = tpu.memref_squeeze %dma_start3A_128 : memref<1x160x64xi32, #tpu.memory_space<hbm>> -> memref<160x64xi32, #tpu.memory_space<hbm>>
      %dma_start3A_130 = arith.constant 0 : i32
      %dma_start3A_131 = arith.constant 0 : i32
      %dma_start3A_132 = tpu.memref_slice %dma_start3A_129[%dma_start3A_130, %dma_start3A_131] : memref<160x64xi32, #tpu.memory_space<hbm>> -> memref<64x64xi32, #tpu.memory_space<hbm>>
      tpu.enqueue_dma source(%dma_start3A_132 : memref<64x64xi32, #tpu.memory_space<hbm>>) target(%dma_start3A_125 : memref<64x64xi32, #tpu.memory_space<vmem>>) target_semaphore(%run_scoped3A : memref<!tpu.dma_semaphore, #tpu.memory_space<semaphore_mem>>)
      %dma_wait3A = arith.constant 0 : i32
      %dma_wait3A_133 = arith.constant 0 : i32
      %dma_wait3A_134 = tpu.memref_slice %arg6[%dma_wait3A, %dma_wait3A_133] : memref<64x64xi32, #tpu.memory_space<vmem>> -> memref<64x64xi32, #tpu.memory_space<vmem>>
      %dma_wait3A_135 = arith.constant 0 : i32
      %dma_wait3A_136 = arith.constant 0 : i32
      %dma_wait3A_137 = tpu.memref_slice %arg3[%add3A, %dma_wait3A_135, %dma_wait3A_136] : memref<32x160x64xi32, #tpu.memory_space<hbm>> -> memref<1x160x64xi32, #tpu.memory_space<hbm>>
      %dma_wait3A_138 = tpu.memref_squeeze %dma_wait3A_137 : memref<1x160x64xi32, #tpu.memory_space<hbm>> -> memref<160x64xi32, #tpu.memory_space<hbm>>
      %dma_wait3A_139 = arith.constant 0 : i32
      %dma_wait3A_140 = arith.constant 0 : i32
      %dma_wait3A_141 = tpu.memref_slice %dma_wait3A_138[%dma_wait3A_139, %dma_wait3A_140] : memref<160x64xi32, #tpu.memory_space<hbm>> -> memref<64x64xi32, #tpu.memory_space<hbm>>
      %dma_wait3A_142 = arith.constant 0 : i32
      %dma_wait3A_143 = arith.constant 0 : i32
      %dma_wait3A_144 = tpu.memref_slice %arg6[%dma_wait3A_142, %dma_wait3A_143] : memref<64x64xi32, #tpu.memory_space<vmem>> -> memref<64x64xi32, #tpu.memory_space<vmem>>
      %dma_wait3A_145 = arith.constant 0 : i32
      %dma_wait3A_146 = arith.constant 0 : i32
      %dma_wait3A_147 = tpu.memref_slice %arg3[%add3A, %dma_wait3A_145, %dma_wait3A_146] : memref<32x160x64xi32, #tpu.memory_space<hbm>> -> memref<1x160x64xi32, #tpu.memory_space<hbm>>
      %dma_wait3A_148 = tpu.memref_squeeze %dma_wait3A_147 : memref<1x160x64xi32, #tpu.memory_space<hbm>> -> memref<160x64xi32, #tpu.memory_space<hbm>>
      %dma_wait3A_149 = arith.constant 0 : i32
      %dma_wait3A_150 = arith.constant 0 : i32
      %dma_wait3A_151 = tpu.memref_slice %dma_wait3A_148[%dma_wait3A_149, %dma_wait3A_150] : memref<160x64xi32, #tpu.memory_space<hbm>> -> memref<64x64xi32, #tpu.memory_space<hbm>>
      tpu.wait_dma2 semaphore(%run_scoped3A : memref<!tpu.dma_semaphore, #tpu.memory_space<semaphore_mem>>) src(%dma_wait3A_151 : memref<64x64xi32, #tpu.memory_space<hbm>>) dst(%dma_wait3A_144 : memref<64x64xi32, #tpu.memory_space<vmem>>)
      tpu.yield
    }) : () -> ()
    "tpu.region"() ({
      %run_scoped3A = tpu.sem_alloc : memref<!tpu.dma_semaphore, #tpu.memory_space<semaphore_mem>>
      %dma_start3A_113 = arith.constant 0 : i32
      %dma_start3A_114 = arith.constant 0 : i32
      %dma_start3A_115 = tpu.memref_slice %arg7[%dma_start3A_113, %dma_start3A_114] : memref<64x64xi32, #tpu.memory_space<vmem>> -> memref<64x64xi32, #tpu.memory_space<vmem>>
      %dma_start3A_116 = arith.constant 0 : i32
      %dma_start3A_117 = arith.constant 0 : i32
      %dma_start3A_118 = tpu.memref_slice %arg4[%add3A, %dma_start3A_116, %dma_start3A_117] : memref<32x160x64xi32, #tpu.memory_space<hbm>> -> memref<1x160x64xi32, #tpu.memory_space<hbm>>
      %dma_start3A_119 = tpu.memref_squeeze %dma_start3A_118 : memref<1x160x64xi32, #tpu.memory_space<hbm>> -> memref<160x64xi32, #tpu.memory_space<hbm>>
      %dma_start3A_120 = arith.constant 0 : i32
      %dma_start3A_121 = arith.constant 0 : i32
      %dma_start3A_122 = tpu.memref_slice %dma_start3A_119[%dma_start3A_120, %dma_start3A_121] : memref<160x64xi32, #tpu.memory_space<hbm>> -> memref<64x64xi32, #tpu.memory_space<hbm>>
      %dma_start3A_123 = arith.constant 0 : i32
      %dma_start3A_124 = arith.constant 0 : i32
      %dma_start3A_125 = tpu.memref_slice %arg7[%dma_start3A_123, %dma_start3A_124] : memref<64x64xi32, #tpu.memory_space<vmem>> -> memref<64x64xi32, #tpu.memory_space<vmem>>
      %dma_start3A_126 = arith.constant 0 : i32
      %dma_start3A_127 = arith.constant 0 : i32
      %dma_start3A_128 = tpu.memref_slice %arg4[%add3A, %dma_start3A_126, %dma_start3A_127] : memref<32x160x64xi32, #tpu.memory_space<hbm>> -> memref<1x160x64xi32, #tpu.memory_space<hbm>>
      %dma_start3A_129 = tpu.memref_squeeze %dma_start3A_128 : memref<1x160x64xi32, #tpu.memory_space<hbm>> -> memref<160x64xi32, #tpu.memory_space<hbm>>
      %dma_start3A_130 = arith.constant 0 : i32
      %dma_start3A_131 = arith.constant 0 : i32
      %dma_start3A_132 = tpu.memref_slice %dma_start3A_129[%dma_start3A_130, %dma_start3A_131] : memref<160x64xi32, #tpu.memory_space<hbm>> -> memref<64x64xi32, #tpu.memory_space<hbm>>
      tpu.enqueue_dma source(%dma_start3A_132 : memref<64x64xi32, #tpu.memory_space<hbm>>) target(%dma_start3A_125 : memref<64x64xi32, #tpu.memory_space<vmem>>) target_semaphore(%run_scoped3A : memref<!tpu.dma_semaphore, #tpu.memory_space<semaphore_mem>>)
      %dma_wait3A = arith.constant 0 : i32
      %dma_wait3A_133 = arith.constant 0 : i32
      %dma_wait3A_134 = tpu.memref_slice %arg7[%dma_wait3A, %dma_wait3A_133] : memref<64x64xi32, #tpu.memory_space<vmem>> -> memref<64x64xi32, #tpu.memory_space<vmem>>
      %dma_wait3A_135 = arith.constant 0 : i32
      %dma_wait3A_136 = arith.constant 0 : i32
      %dma_wait3A_137 = tpu.memref_slice %arg4[%add3A, %dma_wait3A_135, %dma_wait3A_136] : memref<32x160x64xi32, #tpu.memory_space<hbm>> -> memref<1x160x64xi32, #tpu.memory_space<hbm>>
      %dma_wait3A_138 = tpu.memref_squeeze %dma_wait3A_137 : memref<1x160x64xi32, #tpu.memory_space<hbm>> -> memref<160x64xi32, #tpu.memory_space<hbm>>
      %dma_wait3A_139 = arith.constant 0 : i32
      %dma_wait3A_140 = arith.constant 0 : i32
      %dma_wait3A_141 = tpu.memref_slice %dma_wait3A_138[%dma_wait3A_139, %dma_wait3A_140] : memref<160x64xi32, #tpu.memory_space<hbm>> -> memref<64x64xi32, #tpu.memory_space<hbm>>
      %dma_wait3A_142 = arith.constant 0 : i32
      %dma_wait3A_143 = arith.constant 0 : i32
      %dma_wait3A_144 = tpu.memref_slice %arg7[%dma_wait3A_142, %dma_wait3A_143] : memref<64x64xi32, #tpu.memory_space<vmem>> -> memref<64x64xi32, #tpu.memory_space<vmem>>
      %dma_wait3A_145 = arith.constant 0 : i32
      %dma_wait3A_146 = arith.constant 0 : i32
      %dma_wait3A_147 = tpu.memref_slice %arg4[%add3A, %dma_wait3A_145, %dma_wait3A_146] : memref<32x160x64xi32, #tpu.memory_space<hbm>> -> memref<1x160x64xi32, #tpu.memory_space<hbm>>
      %dma_wait3A_148 = tpu.memref_squeeze %dma_wait3A_147 : memref<1x160x64xi32, #tpu.memory_space<hbm>> -> memref<160x64xi32, #tpu.memory_space<hbm>>
      %dma_wait3A_149 = arith.constant 0 : i32
      %dma_wait3A_150 = arith.constant 0 : i32
      %dma_wait3A_151 = tpu.memref_slice %dma_wait3A_148[%dma_wait3A_149, %dma_wait3A_150] : memref<160x64xi32, #tpu.memory_space<hbm>> -> memref<64x64xi32, #tpu.memory_space<hbm>>
      tpu.wait_dma2 semaphore(%run_scoped3A : memref<!tpu.dma_semaphore, #tpu.memory_space<semaphore_mem>>) src(%dma_wait3A_151 : memref<64x64xi32, #tpu.memory_space<hbm>>) dst(%dma_wait3A_144 : memref<64x64xi32, #tpu.memory_space<vmem>>)
      tpu.yield
    }) : () -> ()
    %dma_start3A = arith.constant 0 : i32
    %dma_start3A_14 = arith.constant 0 : i32
    %dma_start3A_15 = tpu.memref_slice %arg6[%dma_start3A, %dma_start3A_14] : memref<64x64xi32, #tpu.memory_space<vmem>> -> memref<1x64xi32, #tpu.memory_space<vmem>>
    %dma_start3A_16 = tpu.memref_squeeze %dma_start3A_15 : memref<1x64xi32, #tpu.memory_space<vmem>> -> memref<64xi32, #tpu.memory_space<vmem>>
    %dma_start3A_17 = arith.constant 0 : i32
    %dma_start3A_18 = arith.constant 0 : i32
    %dma_start3A_19 = tpu.memref_slice %arg2[%dma_start3A_17, %dma_start3A_18] : memref<10000x128xf32, #tpu.memory_space<hbm>> -> memref<10000x128xf32, #tpu.memory_space<hbm>>
    tpu.enqueue_indirect_dma source(%dma_start3A_19 : memref<10000x128xf32, #tpu.memory_space<hbm>>) target(%arg8 : memref<64x128xf32, #tpu.memory_space<vmem>>) offsets(%dma_start3A_16 : memref<64xi32, #tpu.memory_space<vmem>>) semaphore(%arg13 : memref<!tpu.dma_semaphore, #tpu.memory_space<semaphore_mem>>)
    %dma_start3A_20 = arith.constant 1 : i32
    %dma_start3A_21 = arith.constant 0 : i32
    %dma_start3A_22 = tpu.memref_slice %arg6[%dma_start3A_20, %dma_start3A_21] : memref<64x64xi32, #tpu.memory_space<vmem>> -> memref<1x64xi32, #tpu.memory_space<vmem>>
    %dma_start3A_23 = tpu.memref_squeeze %dma_start3A_22 : memref<1x64xi32, #tpu.memory_space<vmem>> -> memref<64xi32, #tpu.memory_space<vmem>>
    %dma_start3A_24 = arith.constant 0 : i32
    %dma_start3A_25 = arith.constant 0 : i32
    %dma_start3A_26 = tpu.memref_slice %arg2[%dma_start3A_24, %dma_start3A_25] : memref<10000x128xf32, #tpu.memory_space<hbm>> -> memref<10000x128xf32, #tpu.memory_space<hbm>>
    tpu.enqueue_indirect_dma source(%dma_start3A_26 : memref<10000x128xf32, #tpu.memory_space<hbm>>) target(%arg9 : memref<64x128xf32, #tpu.memory_space<vmem>>) offsets(%dma_start3A_23 : memref<64xi32, #tpu.memory_space<vmem>>) semaphore(%arg14 : memref<!tpu.dma_semaphore, #tpu.memory_space<semaphore_mem>>)
    %dma_start3A_27 = arith.constant 2 : i32
    %dma_start3A_28 = arith.constant 0 : i32
    %dma_start3A_29 = tpu.memref_slice %arg6[%dma_start3A_27, %dma_start3A_28] : memref<64x64xi32, #tpu.memory_space<vmem>> -> memref<1x64xi32, #tpu.memory_space<vmem>>
    %dma_start3A_30 = tpu.memref_squeeze %dma_start3A_29 : memref<1x64xi32, #tpu.memory_space<vmem>> -> memref<64xi32, #tpu.memory_space<vmem>>
    %dma_start3A_31 = arith.constant 0 : i32
    %dma_start3A_32 = arith.constant 0 : i32
    %dma_start3A_33 = tpu.memref_slice %arg2[%dma_start3A_31, %dma_start3A_32] : memref<10000x128xf32, #tpu.memory_space<hbm>> -> memref<10000x128xf32, #tpu.memory_space<hbm>>
    tpu.enqueue_indirect_dma source(%dma_start3A_33 : memref<10000x128xf32, #tpu.memory_space<hbm>>) target(%arg10 : memref<64x128xf32, #tpu.memory_space<vmem>>) offsets(%dma_start3A_30 : memref<64xi32, #tpu.memory_space<vmem>>) semaphore(%arg15 : memref<!tpu.dma_semaphore, #tpu.memory_space<semaphore_mem>>)
    %dma_start3A_34 = arith.constant 3 : i32
    %dma_start3A_35 = arith.constant 0 : i32
    %dma_start3A_36 = tpu.memref_slice %arg6[%dma_start3A_34, %dma_start3A_35] : memref<64x64xi32, #tpu.memory_space<vmem>> -> memref<1x64xi32, #tpu.memory_space<vmem>>
    %dma_start3A_37 = tpu.memref_squeeze %dma_start3A_36 : memref<1x64xi32, #tpu.memory_space<vmem>> -> memref<64xi32, #tpu.memory_space<vmem>>
    %dma_start3A_38 = arith.constant 0 : i32
    %dma_start3A_39 = arith.constant 0 : i32
    %dma_start3A_40 = tpu.memref_slice %arg2[%dma_start3A_38, %dma_start3A_39] : memref<10000x128xf32, #tpu.memory_space<hbm>> -> memref<10000x128xf32, #tpu.memory_space<hbm>>
    tpu.enqueue_indirect_dma source(%dma_start3A_40 : memref<10000x128xf32, #tpu.memory_space<hbm>>) target(%arg11 : memref<64x128xf32, #tpu.memory_space<vmem>>) offsets(%dma_start3A_37 : memref<64xi32, #tpu.memory_space<vmem>>) semaphore(%arg16 : memref<!tpu.dma_semaphore, #tpu.memory_space<semaphore_mem>>)
    %scan3A_41 = arith.constant 0 : i32
    %scan3A_42 = arith.constant 16 : i32
    %scan3A_43 = arith.addi %scan3A_41, %scan3A_42 : i32
    %scan3A_44 = arith.constant 1 : i32
    scf.for %scan3A_113 = %scan3A_41 to %scan3A_43 step %scan3A_44  : i32 {
      %mul3A_114 = arith.constant 4 : i32
      %mul3A_115 = arith.muli %scan3A_113, %mul3A_114 : i32
      %add3A_116 = arith.constant 0 : i32
      %add3A_117 = arith.addi %add3A_116, %mul3A_115 : i32
      %add3A_118 = arith.constant 0 : i32
      %add3A_119 = arith.addi %add3A_117, %add3A_118 : i32
      %dma_wait3A = arith.constant 0 : i32
      %dma_wait3A_120 = tpu.memref_slice %arg6[%add3A_119, %dma_wait3A] : memref<64x64xi32, #tpu.memory_space<vmem>> -> memref<1x64xi32, #tpu.memory_space<vmem>>
      %dma_wait3A_121 = tpu.memref_squeeze %dma_wait3A_120 : memref<1x64xi32, #tpu.memory_space<vmem>> -> memref<64xi32, #tpu.memory_space<vmem>>
      %dma_wait3A_122 = arith.constant 0 : i32
      %dma_wait3A_123 = arith.constant 0 : i32
      %dma_wait3A_124 = tpu.memref_slice %arg2[%dma_wait3A_122, %dma_wait3A_123] : memref<10000x128xf32, #tpu.memory_space<hbm>> -> memref<10000x128xf32, #tpu.memory_space<hbm>>
      tpu.wait_indirect_dma semaphore(%arg13 : memref<!tpu.dma_semaphore, #tpu.memory_space<semaphore_mem>>) src(%dma_wait3A_124 : memref<10000x128xf32, #tpu.memory_space<hbm>>) dst(%arg8 : memref<64x128xf32, #tpu.memory_space<vmem>>)
      %add3A_125 = arith.constant 0 : i32
      %add3A_126 = arith.addi %add3A_117, %add3A_125 : i32
      "tpu.region"() ({
        %run_scoped3A = tpu.sem_alloc : memref<!tpu.dma_semaphore, #tpu.memory_space<semaphore_mem>>
        %dma_start3A_190 = arith.constant 0 : i32
        %dma_start3A_191 = tpu.memref_slice %arg7[%add3A_126, %dma_start3A_190] : memref<64x64xi32, #tpu.memory_space<vmem>> -> memref<1x64xi32, #tpu.memory_space<vmem>>
        %dma_start3A_192 = tpu.memref_squeeze %dma_start3A_191 : memref<1x64xi32, #tpu.memory_space<vmem>> -> memref<64xi32, #tpu.memory_space<vmem>>
        %dma_start3A_193 = arith.constant 0 : i32
        %dma_start3A_194 = arith.constant 0 : i32
        %dma_start3A_195 = tpu.memref_slice %arg12[%dma_start3A_193, %dma_start3A_194] : memref<10112x128xf32, #tpu.memory_space<vmem_shared>> -> memref<10112x128xf32, #tpu.memory_space<vmem_shared>>
        tpu.enqueue_indirect_dma source(%arg8 : memref<64x128xf32, #tpu.memory_space<vmem>>) target(%dma_start3A_195 : memref<10112x128xf32, #tpu.memory_space<vmem_shared>>) offsets(%dma_start3A_192 : memref<64xi32, #tpu.memory_space<vmem>>) semaphore(%run_scoped3A : memref<!tpu.dma_semaphore, #tpu.memory_space<semaphore_mem>>) {add = true}
        %dma_wait3A_196 = arith.constant 0 : i32
        %dma_wait3A_197 = tpu.memref_slice %arg7[%add3A_126, %dma_wait3A_196] : memref<64x64xi32, #tpu.memory_space<vmem>> -> memref<1x64xi32, #tpu.memory_space<vmem>>
        %dma_wait3A_198 = tpu.memref_squeeze %dma_wait3A_197 : memref<1x64xi32, #tpu.memory_space<vmem>> -> memref<64xi32, #tpu.memory_space<vmem>>
        %dma_wait3A_199 = arith.constant 0 : i32
        %dma_wait3A_200 = arith.constant 0 : i32
        %dma_wait3A_201 = tpu.memref_slice %arg12[%dma_wait3A_199, %dma_wait3A_200] : memref<10112x128xf32, #tpu.memory_space<vmem_shared>> -> memref<10112x128xf32, #tpu.memory_space<vmem_shared>>
        tpu.wait_indirect_dma semaphore(%run_scoped3A : memref<!tpu.dma_semaphore, #tpu.memory_space<semaphore_mem>>) src(%arg8 : memref<64x128xf32, #tpu.memory_space<vmem>>) dst(%dma_wait3A_201 : memref<10112x128xf32, #tpu.memory_space<vmem_shared>>)
        tpu.yield
      }) : () -> ()
      %add3A_127 = arith.constant 4 : i32
      %add3A_128 = arith.addi %add3A_117, %add3A_127 : i32
      %add3A_129 = arith.constant 0 : i32
      %add3A_130 = arith.addi %add3A_128, %add3A_129 : i32
      %lt3A = arith.constant 64 : i32
      %lt3A_131 = arith.cmpi slt, %add3A_130, %lt3A : i32
      %convert_element_type3A = arith.extui %lt3A_131 : i1 to i32
      %cond3A = arith.constant 0 : i32
      %cond3A_132 = arith.cmpi ne, %convert_element_type3A, %cond3A : i32
      scf.if %cond3A_132 {
        %add3A_190 = arith.constant 4 : i32
        %add3A_191 = arith.addi %add3A_117, %add3A_190 : i32
        %add3A_192 = arith.constant 0 : i32
        %add3A_193 = arith.addi %add3A_191, %add3A_192 : i32
        %dma_start3A_194 = arith.constant 0 : i32
        %dma_start3A_195 = tpu.memref_slice %arg6[%add3A_193, %dma_start3A_194] : memref<64x64xi32, #tpu.memory_space<vmem>> -> memref<1x64xi32, #tpu.memory_space<vmem>>
        %dma_start3A_196 = tpu.memref_squeeze %dma_start3A_195 : memref<1x64xi32, #tpu.memory_space<vmem>> -> memref<64xi32, #tpu.memory_space<vmem>>
        %dma_start3A_197 = arith.constant 0 : i32
        %dma_start3A_198 = arith.constant 0 : i32
        %dma_start3A_199 = tpu.memref_slice %arg2[%dma_start3A_197, %dma_start3A_198] : memref<10000x128xf32, #tpu.memory_space<hbm>> -> memref<10000x128xf32, #tpu.memory_space<hbm>>
        tpu.enqueue_indirect_dma source(%dma_start3A_199 : memref<10000x128xf32, #tpu.memory_space<hbm>>) target(%arg8 : memref<64x128xf32, #tpu.memory_space<vmem>>) offsets(%dma_start3A_196 : memref<64xi32, #tpu.memory_space<vmem>>) semaphore(%arg13 : memref<!tpu.dma_semaphore, #tpu.memory_space<semaphore_mem>>)
      } else {
      }
      %add3A_133 = arith.constant 1 : i32
      %add3A_134 = arith.addi %add3A_117, %add3A_133 : i32
      %dma_wait3A_135 = arith.constant 0 : i32
      %dma_wait3A_136 = tpu.memref_slice %arg6[%add3A_134, %dma_wait3A_135] : memref<64x64xi32, #tpu.memory_space<vmem>> -> memref<1x64xi32, #tpu.memory_space<vmem>>
      %dma_wait3A_137 = tpu.memref_squeeze %dma_wait3A_136 : memref<1x64xi32, #tpu.memory_space<vmem>> -> memref<64xi32, #tpu.memory_space<vmem>>
      %dma_wait3A_138 = arith.constant 0 : i32
      %dma_wait3A_139 = arith.constant 0 : i32
      %dma_wait3A_140 = tpu.memref_slice %arg2[%dma_wait3A_138, %dma_wait3A_139] : memref<10000x128xf32, #tpu.memory_space<hbm>> -> memref<10000x128xf32, #tpu.memory_space<hbm>>
      tpu.wait_indirect_dma semaphore(%arg14 : memref<!tpu.dma_semaphore, #tpu.memory_space<semaphore_mem>>) src(%dma_wait3A_140 : memref<10000x128xf32, #tpu.memory_space<hbm>>) dst(%arg9 : memref<64x128xf32, #tpu.memory_space<vmem>>)
      %add3A_141 = arith.constant 1 : i32
      %add3A_142 = arith.addi %add3A_117, %add3A_141 : i32
      "tpu.region"() ({
        %run_scoped3A = tpu.sem_alloc : memref<!tpu.dma_semaphore, #tpu.memory_space<semaphore_mem>>
        %dma_start3A_190 = arith.constant 0 : i32
        %dma_start3A_191 = tpu.memref_slice %arg7[%add3A_142, %dma_start3A_190] : memref<64x64xi32, #tpu.memory_space<vmem>> -> memref<1x64xi32, #tpu.memory_space<vmem>>
        %dma_start3A_192 = tpu.memref_squeeze %dma_start3A_191 : memref<1x64xi32, #tpu.memory_space<vmem>> -> memref<64xi32, #tpu.memory_space<vmem>>
        %dma_start3A_193 = arith.constant 0 : i32
        %dma_start3A_194 = arith.constant 0 : i32
        %dma_start3A_195 = tpu.memref_slice %arg12[%dma_start3A_193, %dma_start3A_194] : memref<10112x128xf32, #tpu.memory_space<vmem_shared>> -> memref<10112x128xf32, #tpu.memory_space<vmem_shared>>
        tpu.enqueue_indirect_dma source(%arg9 : memref<64x128xf32, #tpu.memory_space<vmem>>) target(%dma_start3A_195 : memref<10112x128xf32, #tpu.memory_space<vmem_shared>>) offsets(%dma_start3A_192 : memref<64xi32, #tpu.memory_space<vmem>>) semaphore(%run_scoped3A : memref<!tpu.dma_semaphore, #tpu.memory_space<semaphore_mem>>) {add = true}
        %dma_wait3A_196 = arith.constant 0 : i32
        %dma_wait3A_197 = tpu.memref_slice %arg7[%add3A_142, %dma_wait3A_196] : memref<64x64xi32, #tpu.memory_space<vmem>> -> memref<1x64xi32, #tpu.memory_space<vmem>>
        %dma_wait3A_198 = tpu.memref_squeeze %dma_wait3A_197 : memref<1x64xi32, #tpu.memory_space<vmem>> -> memref<64xi32, #tpu.memory_space<vmem>>
        %dma_wait3A_199 = arith.constant 0 : i32
        %dma_wait3A_200 = arith.constant 0 : i32
        %dma_wait3A_201 = tpu.memref_slice %arg12[%dma_wait3A_199, %dma_wait3A_200] : memref<10112x128xf32, #tpu.memory_space<vmem_shared>> -> memref<10112x128xf32, #tpu.memory_space<vmem_shared>>
        tpu.wait_indirect_dma semaphore(%run_scoped3A : memref<!tpu.dma_semaphore, #tpu.memory_space<semaphore_mem>>) src(%arg9 : memref<64x128xf32, #tpu.memory_space<vmem>>) dst(%dma_wait3A_201 : memref<10112x128xf32, #tpu.memory_space<vmem_shared>>)
        tpu.yield
      }) : () -> ()
      %add3A_143 = arith.constant 4 : i32
      %add3A_144 = arith.addi %add3A_117, %add3A_143 : i32
      %add3A_145 = arith.constant 1 : i32
      %add3A_146 = arith.addi %add3A_144, %add3A_145 : i32
      %lt3A_147 = arith.constant 64 : i32
      %lt3A_148 = arith.cmpi slt, %add3A_146, %lt3A_147 : i32
      %convert_element_type3A_149 = arith.extui %lt3A_148 : i1 to i32
      %cond3A_150 = arith.constant 0 : i32
      %cond3A_151 = arith.cmpi ne, %convert_element_type3A_149, %cond3A_150 : i32
      scf.if %cond3A_151 {
        %add3A_190 = arith.constant 4 : i32
        %add3A_191 = arith.addi %add3A_117, %add3A_190 : i32
        %add3A_192 = arith.constant 1 : i32
        %add3A_193 = arith.addi %add3A_191, %add3A_192 : i32
        %dma_start3A_194 = arith.constant 0 : i32
        %dma_start3A_195 = tpu.memref_slice %arg6[%add3A_193, %dma_start3A_194] : memref<64x64xi32, #tpu.memory_space<vmem>> -> memref<1x64xi32, #tpu.memory_space<vmem>>
        %dma_start3A_196 = tpu.memref_squeeze %dma_start3A_195 : memref<1x64xi32, #tpu.memory_space<vmem>> -> memref<64xi32, #tpu.memory_space<vmem>>
        %dma_start3A_197 = arith.constant 0 : i32
        %dma_start3A_198 = arith.constant 0 : i32
        %dma_start3A_199 = tpu.memref_slice %arg2[%dma_start3A_197, %dma_start3A_198] : memref<10000x128xf32, #tpu.memory_space<hbm>> -> memref<10000x128xf32, #tpu.memory_space<hbm>>
        tpu.enqueue_indirect_dma source(%dma_start3A_199 : memref<10000x128xf32, #tpu.memory_space<hbm>>) target(%arg9 : memref<64x128xf32, #tpu.memory_space<vmem>>) offsets(%dma_start3A_196 : memref<64xi32, #tpu.memory_space<vmem>>) semaphore(%arg14 : memref<!tpu.dma_semaphore, #tpu.memory_space<semaphore_mem>>)
      } else {
      }
      %add3A_152 = arith.constant 2 : i32
      %add3A_153 = arith.addi %add3A_117, %add3A_152 : i32
      %dma_wait3A_154 = arith.constant 0 : i32
      %dma_wait3A_155 = tpu.memref_slice %arg6[%add3A_153, %dma_wait3A_154] : memref<64x64xi32, #tpu.memory_space<vmem>> -> memref<1x64xi32, #tpu.memory_space<vmem>>
      %dma_wait3A_156 = tpu.memref_squeeze %dma_wait3A_155 : memref<1x64xi32, #tpu.memory_space<vmem>> -> memref<64xi32, #tpu.memory_space<vmem>>
      %dma_wait3A_157 = arith.constant 0 : i32
      %dma_wait3A_158 = arith.constant 0 : i32
      %dma_wait3A_159 = tpu.memref_slice %arg2[%dma_wait3A_157, %dma_wait3A_158] : memref<10000x128xf32, #tpu.memory_space<hbm>> -> memref<10000x128xf32, #tpu.memory_space<hbm>>
      tpu.wait_indirect_dma semaphore(%arg15 : memref<!tpu.dma_semaphore, #tpu.memory_space<semaphore_mem>>) src(%dma_wait3A_159 : memref<10000x128xf32, #tpu.memory_space<hbm>>) dst(%arg10 : memref<64x128xf32, #tpu.memory_space<vmem>>)
      %add3A_160 = arith.constant 2 : i32
      %add3A_161 = arith.addi %add3A_117, %add3A_160 : i32
      "tpu.region"() ({
        %run_scoped3A = tpu.sem_alloc : memref<!tpu.dma_semaphore, #tpu.memory_space<semaphore_mem>>
        %dma_start3A_190 = arith.constant 0 : i32
        %dma_start3A_191 = tpu.memref_slice %arg7[%add3A_161, %dma_start3A_190] : memref<64x64xi32, #tpu.memory_space<vmem>> -> memref<1x64xi32, #tpu.memory_space<vmem>>
        %dma_start3A_192 = tpu.memref_squeeze %dma_start3A_191 : memref<1x64xi32, #tpu.memory_space<vmem>> -> memref<64xi32, #tpu.memory_space<vmem>>
        %dma_start3A_193 = arith.constant 0 : i32
        %dma_start3A_194 = arith.constant 0 : i32
        %dma_start3A_195 = tpu.memref_slice %arg12[%dma_start3A_193, %dma_start3A_194] : memref<10112x128xf32, #tpu.memory_space<vmem_shared>> -> memref<10112x128xf32, #tpu.memory_space<vmem_shared>>
        tpu.enqueue_indirect_dma source(%arg10 : memref<64x128xf32, #tpu.memory_space<vmem>>) target(%dma_start3A_195 : memref<10112x128xf32, #tpu.memory_space<vmem_shared>>) offsets(%dma_start3A_192 : memref<64xi32, #tpu.memory_space<vmem>>) semaphore(%run_scoped3A : memref<!tpu.dma_semaphore, #tpu.memory_space<semaphore_mem>>) {add = true}
        %dma_wait3A_196 = arith.constant 0 : i32
        %dma_wait3A_197 = tpu.memref_slice %arg7[%add3A_161, %dma_wait3A_196] : memref<64x64xi32, #tpu.memory_space<vmem>> -> memref<1x64xi32, #tpu.memory_space<vmem>>
        %dma_wait3A_198 = tpu.memref_squeeze %dma_wait3A_197 : memref<1x64xi32, #tpu.memory_space<vmem>> -> memref<64xi32, #tpu.memory_space<vmem>>
        %dma_wait3A_199 = arith.constant 0 : i32
        %dma_wait3A_200 = arith.constant 0 : i32
        %dma_wait3A_201 = tpu.memref_slice %arg12[%dma_wait3A_199, %dma_wait3A_200] : memref<10112x128xf32, #tpu.memory_space<vmem_shared>> -> memref<10112x128xf32, #tpu.memory_space<vmem_shared>>
        tpu.wait_indirect_dma semaphore(%run_scoped3A : memref<!tpu.dma_semaphore, #tpu.memory_space<semaphore_mem>>) src(%arg10 : memref<64x128xf32, #tpu.memory_space<vmem>>) dst(%dma_wait3A_201 : memref<10112x128xf32, #tpu.memory_space<vmem_shared>>)
        tpu.yield
      }) : () -> ()
      %add3A_162 = arith.constant 4 : i32
      %add3A_163 = arith.addi %add3A_117, %add3A_162 : i32
      %add3A_164 = arith.constant 2 : i32
      %add3A_165 = arith.addi %add3A_163, %add3A_164 : i32
      %lt3A_166 = arith.constant 64 : i32
      %lt3A_167 = arith.cmpi slt, %add3A_165, %lt3A_166 : i32
      %convert_element_type3A_168 = arith.extui %lt3A_167 : i1 to i32
      %cond3A_169 = arith.constant 0 : i32
      %cond3A_170 = arith.cmpi ne, %convert_element_type3A_168, %cond3A_169 : i32
      scf.if %cond3A_170 {
        %add3A_190 = arith.constant 4 : i32
        %add3A_191 = arith.addi %add3A_117, %add3A_190 : i32
        %add3A_192 = arith.constant 2 : i32
        %add3A_193 = arith.addi %add3A_191, %add3A_192 : i32
        %dma_start3A_194 = arith.constant 0 : i32
        %dma_start3A_195 = tpu.memref_slice %arg6[%add3A_193, %dma_start3A_194] : memref<64x64xi32, #tpu.memory_space<vmem>> -> memref<1x64xi32, #tpu.memory_space<vmem>>
        %dma_start3A_196 = tpu.memref_squeeze %dma_start3A_195 : memref<1x64xi32, #tpu.memory_space<vmem>> -> memref<64xi32, #tpu.memory_space<vmem>>
        %dma_start3A_197 = arith.constant 0 : i32
        %dma_start3A_198 = arith.constant 0 : i32
        %dma_start3A_199 = tpu.memref_slice %arg2[%dma_start3A_197, %dma_start3A_198] : memref<10000x128xf32, #tpu.memory_space<hbm>> -> memref<10000x128xf32, #tpu.memory_space<hbm>>
        tpu.enqueue_indirect_dma source(%dma_start3A_199 : memref<10000x128xf32, #tpu.memory_space<hbm>>) target(%arg10 : memref<64x128xf32, #tpu.memory_space<vmem>>) offsets(%dma_start3A_196 : memref<64xi32, #tpu.memory_space<vmem>>) semaphore(%arg15 : memref<!tpu.dma_semaphore, #tpu.memory_space<semaphore_mem>>)
      } else {
      }
      %add3A_171 = arith.constant 3 : i32
      %add3A_172 = arith.addi %add3A_117, %add3A_171 : i32
      %dma_wait3A_173 = arith.constant 0 : i32
      %dma_wait3A_174 = tpu.memref_slice %arg6[%add3A_172, %dma_wait3A_173] : memref<64x64xi32, #tpu.memory_space<vmem>> -> memref<1x64xi32, #tpu.memory_space<vmem>>
      %dma_wait3A_175 = tpu.memref_squeeze %dma_wait3A_174 : memref<1x64xi32, #tpu.memory_space<vmem>> -> memref<64xi32, #tpu.memory_space<vmem>>
      %dma_wait3A_176 = arith.constant 0 : i32
      %dma_wait3A_177 = arith.constant 0 : i32
      %dma_wait3A_178 = tpu.memref_slice %arg2[%dma_wait3A_176, %dma_wait3A_177] : memref<10000x128xf32, #tpu.memory_space<hbm>> -> memref<10000x128xf32, #tpu.memory_space<hbm>>
      tpu.wait_indirect_dma semaphore(%arg16 : memref<!tpu.dma_semaphore, #tpu.memory_space<semaphore_mem>>) src(%dma_wait3A_178 : memref<10000x128xf32, #tpu.memory_space<hbm>>) dst(%arg11 : memref<64x128xf32, #tpu.memory_space<vmem>>)
      %add3A_179 = arith.constant 3 : i32
      %add3A_180 = arith.addi %add3A_117, %add3A_179 : i32
      "tpu.region"() ({
        %run_scoped3A = tpu.sem_alloc : memref<!tpu.dma_semaphore, #tpu.memory_space<semaphore_mem>>
        %dma_start3A_190 = arith.constant 0 : i32
        %dma_start3A_191 = tpu.memref_slice %arg7[%add3A_180, %dma_start3A_190] : memref<64x64xi32, #tpu.memory_space<vmem>> -> memref<1x64xi32, #tpu.memory_space<vmem>>
        %dma_start3A_192 = tpu.memref_squeeze %dma_start3A_191 : memref<1x64xi32, #tpu.memory_space<vmem>> -> memref<64xi32, #tpu.memory_space<vmem>>
        %dma_start3A_193 = arith.constant 0 : i32
        %dma_start3A_194 = arith.constant 0 : i32
        %dma_start3A_195 = tpu.memref_slice %arg12[%dma_start3A_193, %dma_start3A_194] : memref<10112x128xf32, #tpu.memory_space<vmem_shared>> -> memref<10112x128xf32, #tpu.memory_space<vmem_shared>>
        tpu.enqueue_indirect_dma source(%arg11 : memref<64x128xf32, #tpu.memory_space<vmem>>) target(%dma_start3A_195 : memref<10112x128xf32, #tpu.memory_space<vmem_shared>>) offsets(%dma_start3A_192 : memref<64xi32, #tpu.memory_space<vmem>>) semaphore(%run_scoped3A : memref<!tpu.dma_semaphore, #tpu.memory_space<semaphore_mem>>) {add = true}
        %dma_wait3A_196 = arith.constant 0 : i32
        %dma_wait3A_197 = tpu.memref_slice %arg7[%add3A_180, %dma_wait3A_196] : memref<64x64xi32, #tpu.memory_space<vmem>> -> memref<1x64xi32, #tpu.memory_space<vmem>>
        %dma_wait3A_198 = tpu.memref_squeeze %dma_wait3A_197 : memref<1x64xi32, #tpu.memory_space<vmem>> -> memref<64xi32, #tpu.memory_space<vmem>>
        %dma_wait3A_199 = arith.constant 0 : i32
        %dma_wait3A_200 = arith.constant 0 : i32
        %dma_wait3A_201 = tpu.memref_slice %arg12[%dma_wait3A_199, %dma_wait3A_200] : memref<10112x128xf32, #tpu.memory_space<vmem_shared>> -> memref<10112x128xf32, #tpu.memory_space<vmem_shared>>
        tpu.wait_indirect_dma semaphore(%run_scoped3A : memref<!tpu.dma_semaphore, #tpu.memory_space<semaphore_mem>>) src(%arg11 : memref<64x128xf32, #tpu.memory_space<vmem>>) dst(%dma_wait3A_201 : memref<10112x128xf32, #tpu.memory_space<vmem_shared>>)
        tpu.yield
      }) : () -> ()
      %add3A_181 = arith.constant 4 : i32
      %add3A_182 = arith.addi %add3A_117, %add3A_181 : i32
      %add3A_183 = arith.constant 3 : i32
      %add3A_184 = arith.addi %add3A_182, %add3A_183 : i32
      %lt3A_185 = arith.constant 64 : i32
      %lt3A_186 = arith.cmpi slt, %add3A_184, %lt3A_185 : i32
      %convert_element_type3A_187 = arith.extui %lt3A_186 : i1 to i32
      %cond3A_188 = arith.constant 0 : i32
      %cond3A_189 = arith.cmpi ne, %convert_element_type3A_187, %cond3A_188 : i32
      scf.if %cond3A_189 {
        %add3A_190 = arith.constant 4 : i32
        %add3A_191 = arith.addi %add3A_117, %add3A_190 : i32
        %add3A_192 = arith.constant 3 : i32
        %add3A_193 = arith.addi %add3A_191, %add3A_192 : i32
        %dma_start3A_194 = arith.constant 0 : i32
        %dma_start3A_195 = tpu.memref_slice %arg6[%add3A_193, %dma_start3A_194] : memref<64x64xi32, #tpu.memory_space<vmem>> -> memref<1x64xi32, #tpu.memory_space<vmem>>
        %dma_start3A_196 = tpu.memref_squeeze %dma_start3A_195 : memref<1x64xi32, #tpu.memory_space<vmem>> -> memref<64xi32, #tpu.memory_space<vmem>>
        %dma_start3A_197 = arith.constant 0 : i32
        %dma_start3A_198 = arith.constant 0 : i32
        %dma_start3A_199 = tpu.memref_slice %arg2[%dma_start3A_197, %dma_start3A_198] : memref<10000x128xf32, #tpu.memory_space<hbm>> -> memref<10000x128xf32, #tpu.memory_space<hbm>>
        tpu.enqueue_indirect_dma source(%dma_start3A_199 : memref<10000x128xf32, #tpu.memory_space<hbm>>) target(%arg11 : memref<64x128xf32, #tpu.memory_space<vmem>>) offsets(%dma_start3A_196 : memref<64xi32, #tpu.memory_space<vmem>>) semaphore(%arg16 : memref<!tpu.dma_semaphore, #tpu.memory_space<semaphore_mem>>)
      } else {
      }
    }
    %scan3A_45 = arith.constant 16 : i32
    "tpu.region"() ({
      %run_scoped3A = tpu.sem_alloc : memref<!tpu.dma_semaphore, #tpu.memory_space<semaphore_mem>>
      %dma_start3A_113 = arith.constant 0 : i32
      %dma_start3A_114 = arith.constant 0 : i32
      %dma_start3A_115 = tpu.memref_slice %arg6[%dma_start3A_113, %dma_start3A_114] : memref<64x64xi32, #tpu.memory_space<vmem>> -> memref<64x64xi32, #tpu.memory_space<vmem>>
      %dma_start3A_116 = arith.constant 0 : i32
      %dma_start3A_117 = arith.constant 0 : i32
      %dma_start3A_118 = tpu.memref_slice %arg3[%add3A, %dma_start3A_116, %dma_start3A_117] : memref<32x160x64xi32, #tpu.memory_space<hbm>> -> memref<1x160x64xi32, #tpu.memory_space<hbm>>
      %dma_start3A_119 = tpu.memref_squeeze %dma_start3A_118 : memref<1x160x64xi32, #tpu.memory_space<hbm>> -> memref<160x64xi32, #tpu.memory_space<hbm>>
      %dma_start3A_120 = arith.constant 64 : i32
      %dma_start3A_121 = arith.constant 0 : i32
      %dma_start3A_122 = tpu.memref_slice %dma_start3A_119[%dma_start3A_120, %dma_start3A_121] : memref<160x64xi32, #tpu.memory_space<hbm>> -> memref<64x64xi32, #tpu.memory_space<hbm>>
      %dma_start3A_123 = arith.constant 0 : i32
      %dma_start3A_124 = arith.constant 0 : i32
      %dma_start3A_125 = tpu.memref_slice %arg6[%dma_start3A_123, %dma_start3A_124] : memref<64x64xi32, #tpu.memory_space<vmem>> -> memref<64x64xi32, #tpu.memory_space<vmem>>
      %dma_start3A_126 = arith.constant 0 : i32
      %dma_start3A_127 = arith.constant 0 : i32
      %dma_start3A_128 = tpu.memref_slice %arg3[%add3A, %dma_start3A_126, %dma_start3A_127] : memref<32x160x64xi32, #tpu.memory_space<hbm>> -> memref<1x160x64xi32, #tpu.memory_space<hbm>>
      %dma_start3A_129 = tpu.memref_squeeze %dma_start3A_128 : memref<1x160x64xi32, #tpu.memory_space<hbm>> -> memref<160x64xi32, #tpu.memory_space<hbm>>
      %dma_start3A_130 = arith.constant 64 : i32
      %dma_start3A_131 = arith.constant 0 : i32
      %dma_start3A_132 = tpu.memref_slice %dma_start3A_129[%dma_start3A_130, %dma_start3A_131] : memref<160x64xi32, #tpu.memory_space<hbm>> -> memref<64x64xi32, #tpu.memory_space<hbm>>
      tpu.enqueue_dma source(%dma_start3A_132 : memref<64x64xi32, #tpu.memory_space<hbm>>) target(%dma_start3A_125 : memref<64x64xi32, #tpu.memory_space<vmem>>) target_semaphore(%run_scoped3A : memref<!tpu.dma_semaphore, #tpu.memory_space<semaphore_mem>>)
      %dma_wait3A = arith.constant 0 : i32
      %dma_wait3A_133 = arith.constant 0 : i32
      %dma_wait3A_134 = tpu.memref_slice %arg6[%dma_wait3A, %dma_wait3A_133] : memref<64x64xi32, #tpu.memory_space<vmem>> -> memref<64x64xi32, #tpu.memory_space<vmem>>
      %dma_wait3A_135 = arith.constant 0 : i32
      %dma_wait3A_136 = arith.constant 0 : i32
      %dma_wait3A_137 = tpu.memref_slice %arg3[%add3A, %dma_wait3A_135, %dma_wait3A_136] : memref<32x160x64xi32, #tpu.memory_space<hbm>> -> memref<1x160x64xi32, #tpu.memory_space<hbm>>
      %dma_wait3A_138 = tpu.memref_squeeze %dma_wait3A_137 : memref<1x160x64xi32, #tpu.memory_space<hbm>> -> memref<160x64xi32, #tpu.memory_space<hbm>>
      %dma_wait3A_139 = arith.constant 64 : i32
      %dma_wait3A_140 = arith.constant 0 : i32
      %dma_wait3A_141 = tpu.memref_slice %dma_wait3A_138[%dma_wait3A_139, %dma_wait3A_140] : memref<160x64xi32, #tpu.memory_space<hbm>> -> memref<64x64xi32, #tpu.memory_space<hbm>>
      %dma_wait3A_142 = arith.constant 0 : i32
      %dma_wait3A_143 = arith.constant 0 : i32
      %dma_wait3A_144 = tpu.memref_slice %arg6[%dma_wait3A_142, %dma_wait3A_143] : memref<64x64xi32, #tpu.memory_space<vmem>> -> memref<64x64xi32, #tpu.memory_space<vmem>>
      %dma_wait3A_145 = arith.constant 0 : i32
      %dma_wait3A_146 = arith.constant 0 : i32
      %dma_wait3A_147 = tpu.memref_slice %arg3[%add3A, %dma_wait3A_145, %dma_wait3A_146] : memref<32x160x64xi32, #tpu.memory_space<hbm>> -> memref<1x160x64xi32, #tpu.memory_space<hbm>>
      %dma_wait3A_148 = tpu.memref_squeeze %dma_wait3A_147 : memref<1x160x64xi32, #tpu.memory_space<hbm>> -> memref<160x64xi32, #tpu.memory_space<hbm>>
      %dma_wait3A_149 = arith.constant 64 : i32
      %dma_wait3A_150 = arith.constant 0 : i32
      %dma_wait3A_151 = tpu.memref_slice %dma_wait3A_148[%dma_wait3A_149, %dma_wait3A_150] : memref<160x64xi32, #tpu.memory_space<hbm>> -> memref<64x64xi32, #tpu.memory_space<hbm>>
      tpu.wait_dma2 semaphore(%run_scoped3A : memref<!tpu.dma_semaphore, #tpu.memory_space<semaphore_mem>>) src(%dma_wait3A_151 : memref<64x64xi32, #tpu.memory_space<hbm>>) dst(%dma_wait3A_144 : memref<64x64xi32, #tpu.memory_space<vmem>>)
      tpu.yield
    }) : () -> ()
    "tpu.region"() ({
      %run_scoped3A = tpu.sem_alloc : memref<!tpu.dma_semaphore, #tpu.memory_space<semaphore_mem>>
      %dma_start3A_113 = arith.constant 0 : i32
      %dma_start3A_114 = arith.constant 0 : i32
      %dma_start3A_115 = tpu.memref_slice %arg7[%dma_start3A_113, %dma_start3A_114] : memref<64x64xi32, #tpu.memory_space<vmem>> -> memref<64x64xi32, #tpu.memory_space<vmem>>
      %dma_start3A_116 = arith.constant 0 : i32
      %dma_start3A_117 = arith.constant 0 : i32
      %dma_start3A_118 = tpu.memref_slice %arg4[%add3A, %dma_start3A_116, %dma_start3A_117] : memref<32x160x64xi32, #tpu.memory_space<hbm>> -> memref<1x160x64xi32, #tpu.memory_space<hbm>>
      %dma_start3A_119 = tpu.memref_squeeze %dma_start3A_118 : memref<1x160x64xi32, #tpu.memory_space<hbm>> -> memref<160x64xi32, #tpu.memory_space<hbm>>
      %dma_start3A_120 = arith.constant 64 : i32
      %dma_start3A_121 = arith.constant 0 : i32
      %dma_start3A_122 = tpu.memref_slice %dma_start3A_119[%dma_start3A_120, %dma_start3A_121] : memref<160x64xi32, #tpu.memory_space<hbm>> -> memref<64x64xi32, #tpu.memory_space<hbm>>
      %dma_start3A_123 = arith.constant 0 : i32
      %dma_start3A_124 = arith.constant 0 : i32
      %dma_start3A_125 = tpu.memref_slice %arg7[%dma_start3A_123, %dma_start3A_124] : memref<64x64xi32, #tpu.memory_space<vmem>> -> memref<64x64xi32, #tpu.memory_space<vmem>>
      %dma_start3A_126 = arith.constant 0 : i32
      %dma_start3A_127 = arith.constant 0 : i32
      %dma_start3A_128 = tpu.memref_slice %arg4[%add3A, %dma_start3A_126, %dma_start3A_127] : memref<32x160x64xi32, #tpu.memory_space<hbm>> -> memref<1x160x64xi32, #tpu.memory_space<hbm>>
      %dma_start3A_129 = tpu.memref_squeeze %dma_start3A_128 : memref<1x160x64xi32, #tpu.memory_space<hbm>> -> memref<160x64xi32, #tpu.memory_space<hbm>>
      %dma_start3A_130 = arith.constant 64 : i32
      %dma_start3A_131 = arith.constant 0 : i32
      %dma_start3A_132 = tpu.memref_slice %dma_start3A_129[%dma_start3A_130, %dma_start3A_131] : memref<160x64xi32, #tpu.memory_space<hbm>> -> memref<64x64xi32, #tpu.memory_space<hbm>>
      tpu.enqueue_dma source(%dma_start3A_132 : memref<64x64xi32, #tpu.memory_space<hbm>>) target(%dma_start3A_125 : memref<64x64xi32, #tpu.memory_space<vmem>>) target_semaphore(%run_scoped3A : memref<!tpu.dma_semaphore, #tpu.memory_space<semaphore_mem>>)
      %dma_wait3A = arith.constant 0 : i32
      %dma_wait3A_133 = arith.constant 0 : i32
      %dma_wait3A_134 = tpu.memref_slice %arg7[%dma_wait3A, %dma_wait3A_133] : memref<64x64xi32, #tpu.memory_space<vmem>> -> memref<64x64xi32, #tpu.memory_space<vmem>>
      %dma_wait3A_135 = arith.constant 0 : i32
      %dma_wait3A_136 = arith.constant 0 : i32
      %dma_wait3A_137 = tpu.memref_slice %arg4[%add3A, %dma_wait3A_135, %dma_wait3A_136] : memref<32x160x64xi32, #tpu.memory_space<hbm>> -> memref<1x160x64xi32, #tpu.memory_space<hbm>>
      %dma_wait3A_138 = tpu.memref_squeeze %dma_wait3A_137 : memref<1x160x64xi32, #tpu.memory_space<hbm>> -> memref<160x64xi32, #tpu.memory_space<hbm>>
      %dma_wait3A_139 = arith.constant 64 : i32
      %dma_wait3A_140 = arith.constant 0 : i32
      %dma_wait3A_141 = tpu.memref_slice %dma_wait3A_138[%dma_wait3A_139, %dma_wait3A_140] : memref<160x64xi32, #tpu.memory_space<hbm>> -> memref<64x64xi32, #tpu.memory_space<hbm>>
      %dma_wait3A_142 = arith.constant 0 : i32
      %dma_wait3A_143 = arith.constant 0 : i32
      %dma_wait3A_144 = tpu.memref_slice %arg7[%dma_wait3A_142, %dma_wait3A_143] : memref<64x64xi32, #tpu.memory_space<vmem>> -> memref<64x64xi32, #tpu.memory_space<vmem>>
      %dma_wait3A_145 = arith.constant 0 : i32
      %dma_wait3A_146 = arith.constant 0 : i32
      %dma_wait3A_147 = tpu.memref_slice %arg4[%add3A, %dma_wait3A_145, %dma_wait3A_146] : memref<32x160x64xi32, #tpu.memory_space<hbm>> -> memref<1x160x64xi32, #tpu.memory_space<hbm>>
      %dma_wait3A_148 = tpu.memref_squeeze %dma_wait3A_147 : memref<1x160x64xi32, #tpu.memory_space<hbm>> -> memref<160x64xi32, #tpu.memory_space<hbm>>
      %dma_wait3A_149 = arith.constant 64 : i32
      %dma_wait3A_150 = arith.constant 0 : i32
      %dma_wait3A_151 = tpu.memref_slice %dma_wait3A_148[%dma_wait3A_149, %dma_wait3A_150] : memref<160x64xi32, #tpu.memory_space<hbm>> -> memref<64x64xi32, #tpu.memory_space<hbm>>
      tpu.wait_dma2 semaphore(%run_scoped3A : memref<!tpu.dma_semaphore, #tpu.memory_space<semaphore_mem>>) src(%dma_wait3A_151 : memref<64x64xi32, #tpu.memory_space<hbm>>) dst(%dma_wait3A_144 : memref<64x64xi32, #tpu.memory_space<vmem>>)
      tpu.yield
    }) : () -> ()
    %dma_start3A_46 = arith.constant 0 : i32
    %dma_start3A_47 = arith.constant 0 : i32
    %dma_start3A_48 = tpu.memref_slice %arg6[%dma_start3A_46, %dma_start3A_47] : memref<64x64xi32, #tpu.memory_space<vmem>> -> memref<1x64xi32, #tpu.memory_space<vmem>>
    %dma_start3A_49 = tpu.memref_squeeze %dma_start3A_48 : memref<1x64xi32, #tpu.memory_space<vmem>> -> memref<64xi32, #tpu.memory_space<vmem>>
    %dma_start3A_50 = arith.constant 0 : i32
    %dma_start3A_51 = arith.constant 0 : i32
    %dma_start3A_52 = tpu.memref_slice %arg2[%dma_start3A_50, %dma_start3A_51] : memref<10000x128xf32, #tpu.memory_space<hbm>> -> memref<10000x128xf32, #tpu.memory_space<hbm>>
    tpu.enqueue_indirect_dma source(%dma_start3A_52 : memref<10000x128xf32, #tpu.memory_space<hbm>>) target(%arg8 : memref<64x128xf32, #tpu.memory_space<vmem>>) offsets(%dma_start3A_49 : memref<64xi32, #tpu.memory_space<vmem>>) semaphore(%arg13 : memref<!tpu.dma_semaphore, #tpu.memory_space<semaphore_mem>>)
    %dma_start3A_53 = arith.constant 1 : i32
    %dma_start3A_54 = arith.constant 0 : i32
    %dma_start3A_55 = tpu.memref_slice %arg6[%dma_start3A_53, %dma_start3A_54] : memref<64x64xi32, #tpu.memory_space<vmem>> -> memref<1x64xi32, #tpu.memory_space<vmem>>
    %dma_start3A_56 = tpu.memref_squeeze %dma_start3A_55 : memref<1x64xi32, #tpu.memory_space<vmem>> -> memref<64xi32, #tpu.memory_space<vmem>>
    %dma_start3A_57 = arith.constant 0 : i32
    %dma_start3A_58 = arith.constant 0 : i32
    %dma_start3A_59 = tpu.memref_slice %arg2[%dma_start3A_57, %dma_start3A_58] : memref<10000x128xf32, #tpu.memory_space<hbm>> -> memref<10000x128xf32, #tpu.memory_space<hbm>>
    tpu.enqueue_indirect_dma source(%dma_start3A_59 : memref<10000x128xf32, #tpu.memory_space<hbm>>) target(%arg9 : memref<64x128xf32, #tpu.memory_space<vmem>>) offsets(%dma_start3A_56 : memref<64xi32, #tpu.memory_space<vmem>>) semaphore(%arg14 : memref<!tpu.dma_semaphore, #tpu.memory_space<semaphore_mem>>)
    %dma_start3A_60 = arith.constant 2 : i32
    %dma_start3A_61 = arith.constant 0 : i32
    %dma_start3A_62 = tpu.memref_slice %arg6[%dma_start3A_60, %dma_start3A_61] : memref<64x64xi32, #tpu.memory_space<vmem>> -> memref<1x64xi32, #tpu.memory_space<vmem>>
    %dma_start3A_63 = tpu.memref_squeeze %dma_start3A_62 : memref<1x64xi32, #tpu.memory_space<vmem>> -> memref<64xi32, #tpu.memory_space<vmem>>
    %dma_start3A_64 = arith.constant 0 : i32
    %dma_start3A_65 = arith.constant 0 : i32
    %dma_start3A_66 = tpu.memref_slice %arg2[%dma_start3A_64, %dma_start3A_65] : memref<10000x128xf32, #tpu.memory_space<hbm>> -> memref<10000x128xf32, #tpu.memory_space<hbm>>
    tpu.enqueue_indirect_dma source(%dma_start3A_66 : memref<10000x128xf32, #tpu.memory_space<hbm>>) target(%arg10 : memref<64x128xf32, #tpu.memory_space<vmem>>) offsets(%dma_start3A_63 : memref<64xi32, #tpu.memory_space<vmem>>) semaphore(%arg15 : memref<!tpu.dma_semaphore, #tpu.memory_space<semaphore_mem>>)
    %dma_start3A_67 = arith.constant 3 : i32
    %dma_start3A_68 = arith.constant 0 : i32
    %dma_start3A_69 = tpu.memref_slice %arg6[%dma_start3A_67, %dma_start3A_68] : memref<64x64xi32, #tpu.memory_space<vmem>> -> memref<1x64xi32, #tpu.memory_space<vmem>>
    %dma_start3A_70 = tpu.memref_squeeze %dma_start3A_69 : memref<1x64xi32, #tpu.memory_space<vmem>> -> memref<64xi32, #tpu.memory_space<vmem>>
    %dma_start3A_71 = arith.constant 0 : i32
    %dma_start3A_72 = arith.constant 0 : i32
    %dma_start3A_73 = tpu.memref_slice %arg2[%dma_start3A_71, %dma_start3A_72] : memref<10000x128xf32, #tpu.memory_space<hbm>> -> memref<10000x128xf32, #tpu.memory_space<hbm>>
    tpu.enqueue_indirect_dma source(%dma_start3A_73 : memref<10000x128xf32, #tpu.memory_space<hbm>>) target(%arg11 : memref<64x128xf32, #tpu.memory_space<vmem>>) offsets(%dma_start3A_70 : memref<64xi32, #tpu.memory_space<vmem>>) semaphore(%arg16 : memref<!tpu.dma_semaphore, #tpu.memory_space<semaphore_mem>>)
    %scan3A_74 = arith.constant 0 : i32
    %scan3A_75 = arith.constant 16 : i32
    %scan3A_76 = arith.addi %scan3A_74, %scan3A_75 : i32
    %scan3A_77 = arith.constant 1 : i32
    scf.for %scan3A_113 = %scan3A_74 to %scan3A_76 step %scan3A_77  : i32 {
      %mul3A_114 = arith.constant 4 : i32
      %mul3A_115 = arith.muli %scan3A_113, %mul3A_114 : i32
      %add3A_116 = arith.constant 0 : i32
      %add3A_117 = arith.addi %add3A_116, %mul3A_115 : i32
      %add3A_118 = arith.constant 0 : i32
      %add3A_119 = arith.addi %add3A_117, %add3A_118 : i32
      %dma_wait3A = arith.constant 0 : i32
      %dma_wait3A_120 = tpu.memref_slice %arg6[%add3A_119, %dma_wait3A] : memref<64x64xi32, #tpu.memory_space<vmem>> -> memref<1x64xi32, #tpu.memory_space<vmem>>
      %dma_wait3A_121 = tpu.memref_squeeze %dma_wait3A_120 : memref<1x64xi32, #tpu.memory_space<vmem>> -> memref<64xi32, #tpu.memory_space<vmem>>
      %dma_wait3A_122 = arith.constant 0 : i32
      %dma_wait3A_123 = arith.constant 0 : i32
      %dma_wait3A_124 = tpu.memref_slice %arg2[%dma_wait3A_122, %dma_wait3A_123] : memref<10000x128xf32, #tpu.memory_space<hbm>> -> memref<10000x128xf32, #tpu.memory_space<hbm>>
      tpu.wait_indirect_dma semaphore(%arg13 : memref<!tpu.dma_semaphore, #tpu.memory_space<semaphore_mem>>) src(%dma_wait3A_124 : memref<10000x128xf32, #tpu.memory_space<hbm>>) dst(%arg8 : memref<64x128xf32, #tpu.memory_space<vmem>>)
      %add3A_125 = arith.constant 0 : i32
      %add3A_126 = arith.addi %add3A_117, %add3A_125 : i32
      "tpu.region"() ({
        %run_scoped3A = tpu.sem_alloc : memref<!tpu.dma_semaphore, #tpu.memory_space<semaphore_mem>>
        %dma_start3A_190 = arith.constant 0 : i32
        %dma_start3A_191 = tpu.memref_slice %arg7[%add3A_126, %dma_start3A_190] : memref<64x64xi32, #tpu.memory_space<vmem>> -> memref<1x64xi32, #tpu.memory_space<vmem>>
        %dma_start3A_192 = tpu.memref_squeeze %dma_start3A_191 : memref<1x64xi32, #tpu.memory_space<vmem>> -> memref<64xi32, #tpu.memory_space<vmem>>
        %dma_start3A_193 = arith.constant 0 : i32
        %dma_start3A_194 = arith.constant 0 : i32
        %dma_start3A_195 = tpu.memref_slice %arg12[%dma_start3A_193, %dma_start3A_194] : memref<10112x128xf32, #tpu.memory_space<vmem_shared>> -> memref<10112x128xf32, #tpu.memory_space<vmem_shared>>
        tpu.enqueue_indirect_dma source(%arg8 : memref<64x128xf32, #tpu.memory_space<vmem>>) target(%dma_start3A_195 : memref<10112x128xf32, #tpu.memory_space<vmem_shared>>) offsets(%dma_start3A_192 : memref<64xi32, #tpu.memory_space<vmem>>) semaphore(%run_scoped3A : memref<!tpu.dma_semaphore, #tpu.memory_space<semaphore_mem>>) {add = true}
        %dma_wait3A_196 = arith.constant 0 : i32
        %dma_wait3A_197 = tpu.memref_slice %arg7[%add3A_126, %dma_wait3A_196] : memref<64x64xi32, #tpu.memory_space<vmem>> -> memref<1x64xi32, #tpu.memory_space<vmem>>
        %dma_wait3A_198 = tpu.memref_squeeze %dma_wait3A_197 : memref<1x64xi32, #tpu.memory_space<vmem>> -> memref<64xi32, #tpu.memory_space<vmem>>
        %dma_wait3A_199 = arith.constant 0 : i32
        %dma_wait3A_200 = arith.constant 0 : i32
        %dma_wait3A_201 = tpu.memref_slice %arg12[%dma_wait3A_199, %dma_wait3A_200] : memref<10112x128xf32, #tpu.memory_space<vmem_shared>> -> memref<10112x128xf32, #tpu.memory_space<vmem_shared>>
        tpu.wait_indirect_dma semaphore(%run_scoped3A : memref<!tpu.dma_semaphore, #tpu.memory_space<semaphore_mem>>) src(%arg8 : memref<64x128xf32, #tpu.memory_space<vmem>>) dst(%dma_wait3A_201 : memref<10112x128xf32, #tpu.memory_space<vmem_shared>>)
        tpu.yield
      }) : () -> ()
      %add3A_127 = arith.constant 4 : i32
      %add3A_128 = arith.addi %add3A_117, %add3A_127 : i32
      %add3A_129 = arith.constant 0 : i32
      %add3A_130 = arith.addi %add3A_128, %add3A_129 : i32
      %lt3A = arith.constant 64 : i32
      %lt3A_131 = arith.cmpi slt, %add3A_130, %lt3A : i32
      %convert_element_type3A = arith.extui %lt3A_131 : i1 to i32
      %cond3A = arith.constant 0 : i32
      %cond3A_132 = arith.cmpi ne, %convert_element_type3A, %cond3A : i32
      scf.if %cond3A_132 {
        %add3A_190 = arith.constant 4 : i32
        %add3A_191 = arith.addi %add3A_117, %add3A_190 : i32
        %add3A_192 = arith.constant 0 : i32
        %add3A_193 = arith.addi %add3A_191, %add3A_192 : i32
        %dma_start3A_194 = arith.constant 0 : i32
        %dma_start3A_195 = tpu.memref_slice %arg6[%add3A_193, %dma_start3A_194] : memref<64x64xi32, #tpu.memory_space<vmem>> -> memref<1x64xi32, #tpu.memory_space<vmem>>
        %dma_start3A_196 = tpu.memref_squeeze %dma_start3A_195 : memref<1x64xi32, #tpu.memory_space<vmem>> -> memref<64xi32, #tpu.memory_space<vmem>>
        %dma_start3A_197 = arith.constant 0 : i32
        %dma_start3A_198 = arith.constant 0 : i32
        %dma_start3A_199 = tpu.memref_slice %arg2[%dma_start3A_197, %dma_start3A_198] : memref<10000x128xf32, #tpu.memory_space<hbm>> -> memref<10000x128xf32, #tpu.memory_space<hbm>>
        tpu.enqueue_indirect_dma source(%dma_start3A_199 : memref<10000x128xf32, #tpu.memory_space<hbm>>) target(%arg8 : memref<64x128xf32, #tpu.memory_space<vmem>>) offsets(%dma_start3A_196 : memref<64xi32, #tpu.memory_space<vmem>>) semaphore(%arg13 : memref<!tpu.dma_semaphore, #tpu.memory_space<semaphore_mem>>)
      } else {
      }
      %add3A_133 = arith.constant 1 : i32
      %add3A_134 = arith.addi %add3A_117, %add3A_133 : i32
      %dma_wait3A_135 = arith.constant 0 : i32
      %dma_wait3A_136 = tpu.memref_slice %arg6[%add3A_134, %dma_wait3A_135] : memref<64x64xi32, #tpu.memory_space<vmem>> -> memref<1x64xi32, #tpu.memory_space<vmem>>
      %dma_wait3A_137 = tpu.memref_squeeze %dma_wait3A_136 : memref<1x64xi32, #tpu.memory_space<vmem>> -> memref<64xi32, #tpu.memory_space<vmem>>
      %dma_wait3A_138 = arith.constant 0 : i32
      %dma_wait3A_139 = arith.constant 0 : i32
      %dma_wait3A_140 = tpu.memref_slice %arg2[%dma_wait3A_138, %dma_wait3A_139] : memref<10000x128xf32, #tpu.memory_space<hbm>> -> memref<10000x128xf32, #tpu.memory_space<hbm>>
      tpu.wait_indirect_dma semaphore(%arg14 : memref<!tpu.dma_semaphore, #tpu.memory_space<semaphore_mem>>) src(%dma_wait3A_140 : memref<10000x128xf32, #tpu.memory_space<hbm>>) dst(%arg9 : memref<64x128xf32, #tpu.memory_space<vmem>>)
      %add3A_141 = arith.constant 1 : i32
      %add3A_142 = arith.addi %add3A_117, %add3A_141 : i32
      "tpu.region"() ({
        %run_scoped3A = tpu.sem_alloc : memref<!tpu.dma_semaphore, #tpu.memory_space<semaphore_mem>>
        %dma_start3A_190 = arith.constant 0 : i32
        %dma_start3A_191 = tpu.memref_slice %arg7[%add3A_142, %dma_start3A_190] : memref<64x64xi32, #tpu.memory_space<vmem>> -> memref<1x64xi32, #tpu.memory_space<vmem>>
        %dma_start3A_192 = tpu.memref_squeeze %dma_start3A_191 : memref<1x64xi32, #tpu.memory_space<vmem>> -> memref<64xi32, #tpu.memory_space<vmem>>
        %dma_start3A_193 = arith.constant 0 : i32
        %dma_start3A_194 = arith.constant 0 : i32
        %dma_start3A_195 = tpu.memref_slice %arg12[%dma_start3A_193, %dma_start3A_194] : memref<10112x128xf32, #tpu.memory_space<vmem_shared>> -> memref<10112x128xf32, #tpu.memory_space<vmem_shared>>
        tpu.enqueue_indirect_dma source(%arg9 : memref<64x128xf32, #tpu.memory_space<vmem>>) target(%dma_start3A_195 : memref<10112x128xf32, #tpu.memory_space<vmem_shared>>) offsets(%dma_start3A_192 : memref<64xi32, #tpu.memory_space<vmem>>) semaphore(%run_scoped3A : memref<!tpu.dma_semaphore, #tpu.memory_space<semaphore_mem>>) {add = true}
        %dma_wait3A_196 = arith.constant 0 : i32
        %dma_wait3A_197 = tpu.memref_slice %arg7[%add3A_142, %dma_wait3A_196] : memref<64x64xi32, #tpu.memory_space<vmem>> -> memref<1x64xi32, #tpu.memory_space<vmem>>
        %dma_wait3A_198 = tpu.memref_squeeze %dma_wait3A_197 : memref<1x64xi32, #tpu.memory_space<vmem>> -> memref<64xi32, #tpu.memory_space<vmem>>
        %dma_wait3A_199 = arith.constant 0 : i32
        %dma_wait3A_200 = arith.constant 0 : i32
        %dma_wait3A_201 = tpu.memref_slice %arg12[%dma_wait3A_199, %dma_wait3A_200] : memref<10112x128xf32, #tpu.memory_space<vmem_shared>> -> memref<10112x128xf32, #tpu.memory_space<vmem_shared>>
        tpu.wait_indirect_dma semaphore(%run_scoped3A : memref<!tpu.dma_semaphore, #tpu.memory_space<semaphore_mem>>) src(%arg9 : memref<64x128xf32, #tpu.memory_space<vmem>>) dst(%dma_wait3A_201 : memref<10112x128xf32, #tpu.memory_space<vmem_shared>>)
        tpu.yield
      }) : () -> ()
      %add3A_143 = arith.constant 4 : i32
      %add3A_144 = arith.addi %add3A_117, %add3A_143 : i32
      %add3A_145 = arith.constant 1 : i32
      %add3A_146 = arith.addi %add3A_144, %add3A_145 : i32
      %lt3A_147 = arith.constant 64 : i32
      %lt3A_148 = arith.cmpi slt, %add3A_146, %lt3A_147 : i32
      %convert_element_type3A_149 = arith.extui %lt3A_148 : i1 to i32
      %cond3A_150 = arith.constant 0 : i32
      %cond3A_151 = arith.cmpi ne, %convert_element_type3A_149, %cond3A_150 : i32
      scf.if %cond3A_151 {
        %add3A_190 = arith.constant 4 : i32
        %add3A_191 = arith.addi %add3A_117, %add3A_190 : i32
        %add3A_192 = arith.constant 1 : i32
        %add3A_193 = arith.addi %add3A_191, %add3A_192 : i32
        %dma_start3A_194 = arith.constant 0 : i32
        %dma_start3A_195 = tpu.memref_slice %arg6[%add3A_193, %dma_start3A_194] : memref<64x64xi32, #tpu.memory_space<vmem>> -> memref<1x64xi32, #tpu.memory_space<vmem>>
        %dma_start3A_196 = tpu.memref_squeeze %dma_start3A_195 : memref<1x64xi32, #tpu.memory_space<vmem>> -> memref<64xi32, #tpu.memory_space<vmem>>
        %dma_start3A_197 = arith.constant 0 : i32
        %dma_start3A_198 = arith.constant 0 : i32
        %dma_start3A_199 = tpu.memref_slice %arg2[%dma_start3A_197, %dma_start3A_198] : memref<10000x128xf32, #tpu.memory_space<hbm>> -> memref<10000x128xf32, #tpu.memory_space<hbm>>
        tpu.enqueue_indirect_dma source(%dma_start3A_199 : memref<10000x128xf32, #tpu.memory_space<hbm>>) target(%arg9 : memref<64x128xf32, #tpu.memory_space<vmem>>) offsets(%dma_start3A_196 : memref<64xi32, #tpu.memory_space<vmem>>) semaphore(%arg14 : memref<!tpu.dma_semaphore, #tpu.memory_space<semaphore_mem>>)
      } else {
      }
      %add3A_152 = arith.constant 2 : i32
      %add3A_153 = arith.addi %add3A_117, %add3A_152 : i32
      %dma_wait3A_154 = arith.constant 0 : i32
      %dma_wait3A_155 = tpu.memref_slice %arg6[%add3A_153, %dma_wait3A_154] : memref<64x64xi32, #tpu.memory_space<vmem>> -> memref<1x64xi32, #tpu.memory_space<vmem>>
      %dma_wait3A_156 = tpu.memref_squeeze %dma_wait3A_155 : memref<1x64xi32, #tpu.memory_space<vmem>> -> memref<64xi32, #tpu.memory_space<vmem>>
      %dma_wait3A_157 = arith.constant 0 : i32
      %dma_wait3A_158 = arith.constant 0 : i32
      %dma_wait3A_159 = tpu.memref_slice %arg2[%dma_wait3A_157, %dma_wait3A_158] : memref<10000x128xf32, #tpu.memory_space<hbm>> -> memref<10000x128xf32, #tpu.memory_space<hbm>>
      tpu.wait_indirect_dma semaphore(%arg15 : memref<!tpu.dma_semaphore, #tpu.memory_space<semaphore_mem>>) src(%dma_wait3A_159 : memref<10000x128xf32, #tpu.memory_space<hbm>>) dst(%arg10 : memref<64x128xf32, #tpu.memory_space<vmem>>)
      %add3A_160 = arith.constant 2 : i32
      %add3A_161 = arith.addi %add3A_117, %add3A_160 : i32
      "tpu.region"() ({
        %run_scoped3A = tpu.sem_alloc : memref<!tpu.dma_semaphore, #tpu.memory_space<semaphore_mem>>
        %dma_start3A_190 = arith.constant 0 : i32
        %dma_start3A_191 = tpu.memref_slice %arg7[%add3A_161, %dma_start3A_190] : memref<64x64xi32, #tpu.memory_space<vmem>> -> memref<1x64xi32, #tpu.memory_space<vmem>>
        %dma_start3A_192 = tpu.memref_squeeze %dma_start3A_191 : memref<1x64xi32, #tpu.memory_space<vmem>> -> memref<64xi32, #tpu.memory_space<vmem>>
        %dma_start3A_193 = arith.constant 0 : i32
        %dma_start3A_194 = arith.constant 0 : i32
        %dma_start3A_195 = tpu.memref_slice %arg12[%dma_start3A_193, %dma_start3A_194] : memref<10112x128xf32, #tpu.memory_space<vmem_shared>> -> memref<10112x128xf32, #tpu.memory_space<vmem_shared>>
        tpu.enqueue_indirect_dma source(%arg10 : memref<64x128xf32, #tpu.memory_space<vmem>>) target(%dma_start3A_195 : memref<10112x128xf32, #tpu.memory_space<vmem_shared>>) offsets(%dma_start3A_192 : memref<64xi32, #tpu.memory_space<vmem>>) semaphore(%run_scoped3A : memref<!tpu.dma_semaphore, #tpu.memory_space<semaphore_mem>>) {add = true}
        %dma_wait3A_196 = arith.constant 0 : i32
        %dma_wait3A_197 = tpu.memref_slice %arg7[%add3A_161, %dma_wait3A_196] : memref<64x64xi32, #tpu.memory_space<vmem>> -> memref<1x64xi32, #tpu.memory_space<vmem>>
        %dma_wait3A_198 = tpu.memref_squeeze %dma_wait3A_197 : memref<1x64xi32, #tpu.memory_space<vmem>> -> memref<64xi32, #tpu.memory_space<vmem>>
        %dma_wait3A_199 = arith.constant 0 : i32
        %dma_wait3A_200 = arith.constant 0 : i32
        %dma_wait3A_201 = tpu.memref_slice %arg12[%dma_wait3A_199, %dma_wait3A_200] : memref<10112x128xf32, #tpu.memory_space<vmem_shared>> -> memref<10112x128xf32, #tpu.memory_space<vmem_shared>>
        tpu.wait_indirect_dma semaphore(%run_scoped3A : memref<!tpu.dma_semaphore, #tpu.memory_space<semaphore_mem>>) src(%arg10 : memref<64x128xf32, #tpu.memory_space<vmem>>) dst(%dma_wait3A_201 : memref<10112x128xf32, #tpu.memory_space<vmem_shared>>)
        tpu.yield
      }) : () -> ()
      %add3A_162 = arith.constant 4 : i32
      %add3A_163 = arith.addi %add3A_117, %add3A_162 : i32
      %add3A_164 = arith.constant 2 : i32
      %add3A_165 = arith.addi %add3A_163, %add3A_164 : i32
      %lt3A_166 = arith.constant 64 : i32
      %lt3A_167 = arith.cmpi slt, %add3A_165, %lt3A_166 : i32
      %convert_element_type3A_168 = arith.extui %lt3A_167 : i1 to i32
      %cond3A_169 = arith.constant 0 : i32
      %cond3A_170 = arith.cmpi ne, %convert_element_type3A_168, %cond3A_169 : i32
      scf.if %cond3A_170 {
        %add3A_190 = arith.constant 4 : i32
        %add3A_191 = arith.addi %add3A_117, %add3A_190 : i32
        %add3A_192 = arith.constant 2 : i32
        %add3A_193 = arith.addi %add3A_191, %add3A_192 : i32
        %dma_start3A_194 = arith.constant 0 : i32
        %dma_start3A_195 = tpu.memref_slice %arg6[%add3A_193, %dma_start3A_194] : memref<64x64xi32, #tpu.memory_space<vmem>> -> memref<1x64xi32, #tpu.memory_space<vmem>>
        %dma_start3A_196 = tpu.memref_squeeze %dma_start3A_195 : memref<1x64xi32, #tpu.memory_space<vmem>> -> memref<64xi32, #tpu.memory_space<vmem>>
        %dma_start3A_197 = arith.constant 0 : i32
        %dma_start3A_198 = arith.constant 0 : i32
        %dma_start3A_199 = tpu.memref_slice %arg2[%dma_start3A_197, %dma_start3A_198] : memref<10000x128xf32, #tpu.memory_space<hbm>> -> memref<10000x128xf32, #tpu.memory_space<hbm>>
        tpu.enqueue_indirect_dma source(%dma_start3A_199 : memref<10000x128xf32, #tpu.memory_space<hbm>>) target(%arg10 : memref<64x128xf32, #tpu.memory_space<vmem>>) offsets(%dma_start3A_196 : memref<64xi32, #tpu.memory_space<vmem>>) semaphore(%arg15 : memref<!tpu.dma_semaphore, #tpu.memory_space<semaphore_mem>>)
      } else {
      }
      %add3A_171 = arith.constant 3 : i32
      %add3A_172 = arith.addi %add3A_117, %add3A_171 : i32
      %dma_wait3A_173 = arith.constant 0 : i32
      %dma_wait3A_174 = tpu.memref_slice %arg6[%add3A_172, %dma_wait3A_173] : memref<64x64xi32, #tpu.memory_space<vmem>> -> memref<1x64xi32, #tpu.memory_space<vmem>>
      %dma_wait3A_175 = tpu.memref_squeeze %dma_wait3A_174 : memref<1x64xi32, #tpu.memory_space<vmem>> -> memref<64xi32, #tpu.memory_space<vmem>>
      %dma_wait3A_176 = arith.constant 0 : i32
      %dma_wait3A_177 = arith.constant 0 : i32
      %dma_wait3A_178 = tpu.memref_slice %arg2[%dma_wait3A_176, %dma_wait3A_177] : memref<10000x128xf32, #tpu.memory_space<hbm>> -> memref<10000x128xf32, #tpu.memory_space<hbm>>
      tpu.wait_indirect_dma semaphore(%arg16 : memref<!tpu.dma_semaphore, #tpu.memory_space<semaphore_mem>>) src(%dma_wait3A_178 : memref<10000x128xf32, #tpu.memory_space<hbm>>) dst(%arg11 : memref<64x128xf32, #tpu.memory_space<vmem>>)
      %add3A_179 = arith.constant 3 : i32
      %add3A_180 = arith.addi %add3A_117, %add3A_179 : i32
      "tpu.region"() ({
        %run_scoped3A = tpu.sem_alloc : memref<!tpu.dma_semaphore, #tpu.memory_space<semaphore_mem>>
        %dma_start3A_190 = arith.constant 0 : i32
        %dma_start3A_191 = tpu.memref_slice %arg7[%add3A_180, %dma_start3A_190] : memref<64x64xi32, #tpu.memory_space<vmem>> -> memref<1x64xi32, #tpu.memory_space<vmem>>
        %dma_start3A_192 = tpu.memref_squeeze %dma_start3A_191 : memref<1x64xi32, #tpu.memory_space<vmem>> -> memref<64xi32, #tpu.memory_space<vmem>>
        %dma_start3A_193 = arith.constant 0 : i32
        %dma_start3A_194 = arith.constant 0 : i32
        %dma_start3A_195 = tpu.memref_slice %arg12[%dma_start3A_193, %dma_start3A_194] : memref<10112x128xf32, #tpu.memory_space<vmem_shared>> -> memref<10112x128xf32, #tpu.memory_space<vmem_shared>>
        tpu.enqueue_indirect_dma source(%arg11 : memref<64x128xf32, #tpu.memory_space<vmem>>) target(%dma_start3A_195 : memref<10112x128xf32, #tpu.memory_space<vmem_shared>>) offsets(%dma_start3A_192 : memref<64xi32, #tpu.memory_space<vmem>>) semaphore(%run_scoped3A : memref<!tpu.dma_semaphore, #tpu.memory_space<semaphore_mem>>) {add = true}
        %dma_wait3A_196 = arith.constant 0 : i32
        %dma_wait3A_197 = tpu.memref_slice %arg7[%add3A_180, %dma_wait3A_196] : memref<64x64xi32, #tpu.memory_space<vmem>> -> memref<1x64xi32, #tpu.memory_space<vmem>>
        %dma_wait3A_198 = tpu.memref_squeeze %dma_wait3A_197 : memref<1x64xi32, #tpu.memory_space<vmem>> -> memref<64xi32, #tpu.memory_space<vmem>>
        %dma_wait3A_199 = arith.constant 0 : i32
        %dma_wait3A_200 = arith.constant 0 : i32
        %dma_wait3A_201 = tpu.memref_slice %arg12[%dma_wait3A_199, %dma_wait3A_200] : memref<10112x128xf32, #tpu.memory_space<vmem_shared>> -> memref<10112x128xf32, #tpu.memory_space<vmem_shared>>
        tpu.wait_indirect_dma semaphore(%run_scoped3A : memref<!tpu.dma_semaphore, #tpu.memory_space<semaphore_mem>>) src(%arg11 : memref<64x128xf32, #tpu.memory_space<vmem>>) dst(%dma_wait3A_201 : memref<10112x128xf32, #tpu.memory_space<vmem_shared>>)
        tpu.yield
      }) : () -> ()
      %add3A_181 = arith.constant 4 : i32
      %add3A_182 = arith.addi %add3A_117, %add3A_181 : i32
      %add3A_183 = arith.constant 3 : i32
      %add3A_184 = arith.addi %add3A_182, %add3A_183 : i32
      %lt3A_185 = arith.constant 64 : i32
      %lt3A_186 = arith.cmpi slt, %add3A_184, %lt3A_185 : i32
      %convert_element_type3A_187 = arith.extui %lt3A_186 : i1 to i32
      %cond3A_188 = arith.constant 0 : i32
      %cond3A_189 = arith.cmpi ne, %convert_element_type3A_187, %cond3A_188 : i32
      scf.if %cond3A_189 {
        %add3A_190 = arith.constant 4 : i32
        %add3A_191 = arith.addi %add3A_117, %add3A_190 : i32
        %add3A_192 = arith.constant 3 : i32
        %add3A_193 = arith.addi %add3A_191, %add3A_192 : i32
        %dma_start3A_194 = arith.constant 0 : i32
        %dma_start3A_195 = tpu.memref_slice %arg6[%add3A_193, %dma_start3A_194] : memref<64x64xi32, #tpu.memory_space<vmem>> -> memref<1x64xi32, #tpu.memory_space<vmem>>
        %dma_start3A_196 = tpu.memref_squeeze %dma_start3A_195 : memref<1x64xi32, #tpu.memory_space<vmem>> -> memref<64xi32, #tpu.memory_space<vmem>>
        %dma_start3A_197 = arith.constant 0 : i32
        %dma_start3A_198 = arith.constant 0 : i32
        %dma_start3A_199 = tpu.memref_slice %arg2[%dma_start3A_197, %dma_start3A_198] : memref<10000x128xf32, #tpu.memory_space<hbm>> -> memref<10000x128xf32, #tpu.memory_space<hbm>>
        tpu.enqueue_indirect_dma source(%dma_start3A_199 : memref<10000x128xf32, #tpu.memory_space<hbm>>) target(%arg11 : memref<64x128xf32, #tpu.memory_space<vmem>>) offsets(%dma_start3A_196 : memref<64xi32, #tpu.memory_space<vmem>>) semaphore(%arg16 : memref<!tpu.dma_semaphore, #tpu.memory_space<semaphore_mem>>)
      } else {
      }
    }
    %scan3A_78 = arith.constant 16 : i32
    "tpu.region"() ({
      %run_scoped3A = tpu.sem_alloc : memref<!tpu.dma_semaphore, #tpu.memory_space<semaphore_mem>>
      %dma_start3A_113 = arith.constant 0 : i32
      %dma_start3A_114 = arith.constant 0 : i32
      %dma_start3A_115 = tpu.memref_slice %arg6[%dma_start3A_113, %dma_start3A_114] : memref<64x64xi32, #tpu.memory_space<vmem>> -> memref<32x64xi32, #tpu.memory_space<vmem>>
      %dma_start3A_116 = arith.constant 0 : i32
      %dma_start3A_117 = arith.constant 0 : i32
      %dma_start3A_118 = tpu.memref_slice %arg3[%add3A, %dma_start3A_116, %dma_start3A_117] : memref<32x160x64xi32, #tpu.memory_space<hbm>> -> memref<1x160x64xi32, #tpu.memory_space<hbm>>
      %dma_start3A_119 = tpu.memref_squeeze %dma_start3A_118 : memref<1x160x64xi32, #tpu.memory_space<hbm>> -> memref<160x64xi32, #tpu.memory_space<hbm>>
      %dma_start3A_120 = arith.constant 128 : i32
      %dma_start3A_121 = arith.constant 0 : i32
      %dma_start3A_122 = tpu.memref_slice %dma_start3A_119[%dma_start3A_120, %dma_start3A_121] : memref<160x64xi32, #tpu.memory_space<hbm>> -> memref<32x64xi32, #tpu.memory_space<hbm>>
      %dma_start3A_123 = arith.constant 0 : i32
      %dma_start3A_124 = arith.constant 0 : i32
      %dma_start3A_125 = tpu.memref_slice %arg6[%dma_start3A_123, %dma_start3A_124] : memref<64x64xi32, #tpu.memory_space<vmem>> -> memref<32x64xi32, #tpu.memory_space<vmem>>
      %dma_start3A_126 = arith.constant 0 : i32
      %dma_start3A_127 = arith.constant 0 : i32
      %dma_start3A_128 = tpu.memref_slice %arg3[%add3A, %dma_start3A_126, %dma_start3A_127] : memref<32x160x64xi32, #tpu.memory_space<hbm>> -> memref<1x160x64xi32, #tpu.memory_space<hbm>>
      %dma_start3A_129 = tpu.memref_squeeze %dma_start3A_128 : memref<1x160x64xi32, #tpu.memory_space<hbm>> -> memref<160x64xi32, #tpu.memory_space<hbm>>
      %dma_start3A_130 = arith.constant 128 : i32
      %dma_start3A_131 = arith.constant 0 : i32
      %dma_start3A_132 = tpu.memref_slice %dma_start3A_129[%dma_start3A_130, %dma_start3A_131] : memref<160x64xi32, #tpu.memory_space<hbm>> -> memref<32x64xi32, #tpu.memory_space<hbm>>
      tpu.enqueue_dma source(%dma_start3A_132 : memref<32x64xi32, #tpu.memory_space<hbm>>) target(%dma_start3A_125 : memref<32x64xi32, #tpu.memory_space<vmem>>) target_semaphore(%run_scoped3A : memref<!tpu.dma_semaphore, #tpu.memory_space<semaphore_mem>>)
      %dma_wait3A = arith.constant 0 : i32
      %dma_wait3A_133 = arith.constant 0 : i32
      %dma_wait3A_134 = tpu.memref_slice %arg6[%dma_wait3A, %dma_wait3A_133] : memref<64x64xi32, #tpu.memory_space<vmem>> -> memref<32x64xi32, #tpu.memory_space<vmem>>
      %dma_wait3A_135 = arith.constant 0 : i32
      %dma_wait3A_136 = arith.constant 0 : i32
      %dma_wait3A_137 = tpu.memref_slice %arg3[%add3A, %dma_wait3A_135, %dma_wait3A_136] : memref<32x160x64xi32, #tpu.memory_space<hbm>> -> memref<1x160x64xi32, #tpu.memory_space<hbm>>
      %dma_wait3A_138 = tpu.memref_squeeze %dma_wait3A_137 : memref<1x160x64xi32, #tpu.memory_space<hbm>> -> memref<160x64xi32, #tpu.memory_space<hbm>>
      %dma_wait3A_139 = arith.constant 128 : i32
      %dma_wait3A_140 = arith.constant 0 : i32
      %dma_wait3A_141 = tpu.memref_slice %dma_wait3A_138[%dma_wait3A_139, %dma_wait3A_140] : memref<160x64xi32, #tpu.memory_space<hbm>> -> memref<32x64xi32, #tpu.memory_space<hbm>>
      %dma_wait3A_142 = arith.constant 0 : i32
      %dma_wait3A_143 = arith.constant 0 : i32
      %dma_wait3A_144 = tpu.memref_slice %arg6[%dma_wait3A_142, %dma_wait3A_143] : memref<64x64xi32, #tpu.memory_space<vmem>> -> memref<32x64xi32, #tpu.memory_space<vmem>>
      %dma_wait3A_145 = arith.constant 0 : i32
      %dma_wait3A_146 = arith.constant 0 : i32
      %dma_wait3A_147 = tpu.memref_slice %arg3[%add3A, %dma_wait3A_145, %dma_wait3A_146] : memref<32x160x64xi32, #tpu.memory_space<hbm>> -> memref<1x160x64xi32, #tpu.memory_space<hbm>>
      %dma_wait3A_148 = tpu.memref_squeeze %dma_wait3A_147 : memref<1x160x64xi32, #tpu.memory_space<hbm>> -> memref<160x64xi32, #tpu.memory_space<hbm>>
      %dma_wait3A_149 = arith.constant 128 : i32
      %dma_wait3A_150 = arith.constant 0 : i32
      %dma_wait3A_151 = tpu.memref_slice %dma_wait3A_148[%dma_wait3A_149, %dma_wait3A_150] : memref<160x64xi32, #tpu.memory_space<hbm>> -> memref<32x64xi32, #tpu.memory_space<hbm>>
      tpu.wait_dma2 semaphore(%run_scoped3A : memref<!tpu.dma_semaphore, #tpu.memory_space<semaphore_mem>>) src(%dma_wait3A_151 : memref<32x64xi32, #tpu.memory_space<hbm>>) dst(%dma_wait3A_144 : memref<32x64xi32, #tpu.memory_space<vmem>>)
      tpu.yield
    }) : () -> ()
    "tpu.region"() ({
      %run_scoped3A = tpu.sem_alloc : memref<!tpu.dma_semaphore, #tpu.memory_space<semaphore_mem>>
      %dma_start3A_113 = arith.constant 0 : i32
      %dma_start3A_114 = arith.constant 0 : i32
      %dma_start3A_115 = tpu.memref_slice %arg7[%dma_start3A_113, %dma_start3A_114] : memref<64x64xi32, #tpu.memory_space<vmem>> -> memref<32x64xi32, #tpu.memory_space<vmem>>
      %dma_start3A_116 = arith.constant 0 : i32
      %dma_start3A_117 = arith.constant 0 : i32
      %dma_start3A_118 = tpu.memref_slice %arg4[%add3A, %dma_start3A_116, %dma_start3A_117] : memref<32x160x64xi32, #tpu.memory_space<hbm>> -> memref<1x160x64xi32, #tpu.memory_space<hbm>>
      %dma_start3A_119 = tpu.memref_squeeze %dma_start3A_118 : memref<1x160x64xi32, #tpu.memory_space<hbm>> -> memref<160x64xi32, #tpu.memory_space<hbm>>
      %dma_start3A_120 = arith.constant 128 : i32
      %dma_start3A_121 = arith.constant 0 : i32
      %dma_start3A_122 = tpu.memref_slice %dma_start3A_119[%dma_start3A_120, %dma_start3A_121] : memref<160x64xi32, #tpu.memory_space<hbm>> -> memref<32x64xi32, #tpu.memory_space<hbm>>
      %dma_start3A_123 = arith.constant 0 : i32
      %dma_start3A_124 = arith.constant 0 : i32
      %dma_start3A_125 = tpu.memref_slice %arg7[%dma_start3A_123, %dma_start3A_124] : memref<64x64xi32, #tpu.memory_space<vmem>> -> memref<32x64xi32, #tpu.memory_space<vmem>>
      %dma_start3A_126 = arith.constant 0 : i32
      %dma_start3A_127 = arith.constant 0 : i32
      %dma_start3A_128 = tpu.memref_slice %arg4[%add3A, %dma_start3A_126, %dma_start3A_127] : memref<32x160x64xi32, #tpu.memory_space<hbm>> -> memref<1x160x64xi32, #tpu.memory_space<hbm>>
      %dma_start3A_129 = tpu.memref_squeeze %dma_start3A_128 : memref<1x160x64xi32, #tpu.memory_space<hbm>> -> memref<160x64xi32, #tpu.memory_space<hbm>>
      %dma_start3A_130 = arith.constant 128 : i32
      %dma_start3A_131 = arith.constant 0 : i32
      %dma_start3A_132 = tpu.memref_slice %dma_start3A_129[%dma_start3A_130, %dma_start3A_131] : memref<160x64xi32, #tpu.memory_space<hbm>> -> memref<32x64xi32, #tpu.memory_space<hbm>>
      tpu.enqueue_dma source(%dma_start3A_132 : memref<32x64xi32, #tpu.memory_space<hbm>>) target(%dma_start3A_125 : memref<32x64xi32, #tpu.memory_space<vmem>>) target_semaphore(%run_scoped3A : memref<!tpu.dma_semaphore, #tpu.memory_space<semaphore_mem>>)
      %dma_wait3A = arith.constant 0 : i32
      %dma_wait3A_133 = arith.constant 0 : i32
      %dma_wait3A_134 = tpu.memref_slice %arg7[%dma_wait3A, %dma_wait3A_133] : memref<64x64xi32, #tpu.memory_space<vmem>> -> memref<32x64xi32, #tpu.memory_space<vmem>>
      %dma_wait3A_135 = arith.constant 0 : i32
      %dma_wait3A_136 = arith.constant 0 : i32
      %dma_wait3A_137 = tpu.memref_slice %arg4[%add3A, %dma_wait3A_135, %dma_wait3A_136] : memref<32x160x64xi32, #tpu.memory_space<hbm>> -> memref<1x160x64xi32, #tpu.memory_space<hbm>>
      %dma_wait3A_138 = tpu.memref_squeeze %dma_wait3A_137 : memref<1x160x64xi32, #tpu.memory_space<hbm>> -> memref<160x64xi32, #tpu.memory_space<hbm>>
      %dma_wait3A_139 = arith.constant 128 : i32
      %dma_wait3A_140 = arith.constant 0 : i32
      %dma_wait3A_141 = tpu.memref_slice %dma_wait3A_138[%dma_wait3A_139, %dma_wait3A_140] : memref<160x64xi32, #tpu.memory_space<hbm>> -> memref<32x64xi32, #tpu.memory_space<hbm>>
      %dma_wait3A_142 = arith.constant 0 : i32
      %dma_wait3A_143 = arith.constant 0 : i32
      %dma_wait3A_144 = tpu.memref_slice %arg7[%dma_wait3A_142, %dma_wait3A_143] : memref<64x64xi32, #tpu.memory_space<vmem>> -> memref<32x64xi32, #tpu.memory_space<vmem>>
      %dma_wait3A_145 = arith.constant 0 : i32
      %dma_wait3A_146 = arith.constant 0 : i32
      %dma_wait3A_147 = tpu.memref_slice %arg4[%add3A, %dma_wait3A_145, %dma_wait3A_146] : memref<32x160x64xi32, #tpu.memory_space<hbm>> -> memref<1x160x64xi32, #tpu.memory_space<hbm>>
      %dma_wait3A_148 = tpu.memref_squeeze %dma_wait3A_147 : memref<1x160x64xi32, #tpu.memory_space<hbm>> -> memref<160x64xi32, #tpu.memory_space<hbm>>
      %dma_wait3A_149 = arith.constant 128 : i32
      %dma_wait3A_150 = arith.constant 0 : i32
      %dma_wait3A_151 = tpu.memref_slice %dma_wait3A_148[%dma_wait3A_149, %dma_wait3A_150] : memref<160x64xi32, #tpu.memory_space<hbm>> -> memref<32x64xi32, #tpu.memory_space<hbm>>
      tpu.wait_dma2 semaphore(%run_scoped3A : memref<!tpu.dma_semaphore, #tpu.memory_space<semaphore_mem>>) src(%dma_wait3A_151 : memref<32x64xi32, #tpu.memory_space<hbm>>) dst(%dma_wait3A_144 : memref<32x64xi32, #tpu.memory_space<vmem>>)
      tpu.yield
    }) : () -> ()
    %dma_start3A_79 = arith.constant 0 : i32
    %dma_start3A_80 = arith.constant 0 : i32
    %dma_start3A_81 = tpu.memref_slice %arg6[%dma_start3A_79, %dma_start3A_80] : memref<64x64xi32, #tpu.memory_space<vmem>> -> memref<1x64xi32, #tpu.memory_space<vmem>>
    %dma_start3A_82 = tpu.memref_squeeze %dma_start3A_81 : memref<1x64xi32, #tpu.memory_space<vmem>> -> memref<64xi32, #tpu.memory_space<vmem>>
    %dma_start3A_83 = arith.constant 0 : i32
    %dma_start3A_84 = arith.constant 0 : i32
    %dma_start3A_85 = tpu.memref_slice %arg2[%dma_start3A_83, %dma_start3A_84] : memref<10000x128xf32, #tpu.memory_space<hbm>> -> memref<10000x128xf32, #tpu.memory_space<hbm>>
    tpu.enqueue_indirect_dma source(%dma_start3A_85 : memref<10000x128xf32, #tpu.memory_space<hbm>>) target(%arg8 : memref<64x128xf32, #tpu.memory_space<vmem>>) offsets(%dma_start3A_82 : memref<64xi32, #tpu.memory_space<vmem>>) semaphore(%arg13 : memref<!tpu.dma_semaphore, #tpu.memory_space<semaphore_mem>>)
    %dma_start3A_86 = arith.constant 1 : i32
    %dma_start3A_87 = arith.constant 0 : i32
    %dma_start3A_88 = tpu.memref_slice %arg6[%dma_start3A_86, %dma_start3A_87] : memref<64x64xi32, #tpu.memory_space<vmem>> -> memref<1x64xi32, #tpu.memory_space<vmem>>
    %dma_start3A_89 = tpu.memref_squeeze %dma_start3A_88 : memref<1x64xi32, #tpu.memory_space<vmem>> -> memref<64xi32, #tpu.memory_space<vmem>>
    %dma_start3A_90 = arith.constant 0 : i32
    %dma_start3A_91 = arith.constant 0 : i32
    %dma_start3A_92 = tpu.memref_slice %arg2[%dma_start3A_90, %dma_start3A_91] : memref<10000x128xf32, #tpu.memory_space<hbm>> -> memref<10000x128xf32, #tpu.memory_space<hbm>>
    tpu.enqueue_indirect_dma source(%dma_start3A_92 : memref<10000x128xf32, #tpu.memory_space<hbm>>) target(%arg9 : memref<64x128xf32, #tpu.memory_space<vmem>>) offsets(%dma_start3A_89 : memref<64xi32, #tpu.memory_space<vmem>>) semaphore(%arg14 : memref<!tpu.dma_semaphore, #tpu.memory_space<semaphore_mem>>)
    %dma_start3A_93 = arith.constant 2 : i32
    %dma_start3A_94 = arith.constant 0 : i32
    %dma_start3A_95 = tpu.memref_slice %arg6[%dma_start3A_93, %dma_start3A_94] : memref<64x64xi32, #tpu.memory_space<vmem>> -> memref<1x64xi32, #tpu.memory_space<vmem>>
    %dma_start3A_96 = tpu.memref_squeeze %dma_start3A_95 : memref<1x64xi32, #tpu.memory_space<vmem>> -> memref<64xi32, #tpu.memory_space<vmem>>
    %dma_start3A_97 = arith.constant 0 : i32
    %dma_start3A_98 = arith.constant 0 : i32
    %dma_start3A_99 = tpu.memref_slice %arg2[%dma_start3A_97, %dma_start3A_98] : memref<10000x128xf32, #tpu.memory_space<hbm>> -> memref<10000x128xf32, #tpu.memory_space<hbm>>
    tpu.enqueue_indirect_dma source(%dma_start3A_99 : memref<10000x128xf32, #tpu.memory_space<hbm>>) target(%arg10 : memref<64x128xf32, #tpu.memory_space<vmem>>) offsets(%dma_start3A_96 : memref<64xi32, #tpu.memory_space<vmem>>) semaphore(%arg15 : memref<!tpu.dma_semaphore, #tpu.memory_space<semaphore_mem>>)
    %dma_start3A_100 = arith.constant 3 : i32
    %dma_start3A_101 = arith.constant 0 : i32
    %dma_start3A_102 = tpu.memref_slice %arg6[%dma_start3A_100, %dma_start3A_101] : memref<64x64xi32, #tpu.memory_space<vmem>> -> memref<1x64xi32, #tpu.memory_space<vmem>>
    %dma_start3A_103 = tpu.memref_squeeze %dma_start3A_102 : memref<1x64xi32, #tpu.memory_space<vmem>> -> memref<64xi32, #tpu.memory_space<vmem>>
    %dma_start3A_104 = arith.constant 0 : i32
    %dma_start3A_105 = arith.constant 0 : i32
    %dma_start3A_106 = tpu.memref_slice %arg2[%dma_start3A_104, %dma_start3A_105] : memref<10000x128xf32, #tpu.memory_space<hbm>> -> memref<10000x128xf32, #tpu.memory_space<hbm>>
    tpu.enqueue_indirect_dma source(%dma_start3A_106 : memref<10000x128xf32, #tpu.memory_space<hbm>>) target(%arg11 : memref<64x128xf32, #tpu.memory_space<vmem>>) offsets(%dma_start3A_103 : memref<64xi32, #tpu.memory_space<vmem>>) semaphore(%arg16 : memref<!tpu.dma_semaphore, #tpu.memory_space<semaphore_mem>>)
    %scan3A_107 = arith.constant 0 : i32
    %scan3A_108 = arith.constant 8 : i32
    %scan3A_109 = arith.addi %scan3A_107, %scan3A_108 : i32
    %scan3A_110 = arith.constant 1 : i32
    scf.for %scan3A_113 = %scan3A_107 to %scan3A_109 step %scan3A_110  : i32 {
      %mul3A_114 = arith.constant 4 : i32
      %mul3A_115 = arith.muli %scan3A_113, %mul3A_114 : i32
      %add3A_116 = arith.constant 0 : i32
      %add3A_117 = arith.addi %add3A_116, %mul3A_115 : i32
      %add3A_118 = arith.constant 0 : i32
      %add3A_119 = arith.addi %add3A_117, %add3A_118 : i32
      %dma_wait3A = arith.constant 0 : i32
      %dma_wait3A_120 = tpu.memref_slice %arg6[%add3A_119, %dma_wait3A] : memref<64x64xi32, #tpu.memory_space<vmem>> -> memref<1x64xi32, #tpu.memory_space<vmem>>
      %dma_wait3A_121 = tpu.memref_squeeze %dma_wait3A_120 : memref<1x64xi32, #tpu.memory_space<vmem>> -> memref<64xi32, #tpu.memory_space<vmem>>
      %dma_wait3A_122 = arith.constant 0 : i32
      %dma_wait3A_123 = arith.constant 0 : i32
      %dma_wait3A_124 = tpu.memref_slice %arg2[%dma_wait3A_122, %dma_wait3A_123] : memref<10000x128xf32, #tpu.memory_space<hbm>> -> memref<10000x128xf32, #tpu.memory_space<hbm>>
      tpu.wait_indirect_dma semaphore(%arg13 : memref<!tpu.dma_semaphore, #tpu.memory_space<semaphore_mem>>) src(%dma_wait3A_124 : memref<10000x128xf32, #tpu.memory_space<hbm>>) dst(%arg8 : memref<64x128xf32, #tpu.memory_space<vmem>>)
      %add3A_125 = arith.constant 0 : i32
      %add3A_126 = arith.addi %add3A_117, %add3A_125 : i32
      "tpu.region"() ({
        %run_scoped3A = tpu.sem_alloc : memref<!tpu.dma_semaphore, #tpu.memory_space<semaphore_mem>>
        %dma_start3A_190 = arith.constant 0 : i32
        %dma_start3A_191 = tpu.memref_slice %arg7[%add3A_126, %dma_start3A_190] : memref<64x64xi32, #tpu.memory_space<vmem>> -> memref<1x64xi32, #tpu.memory_space<vmem>>
        %dma_start3A_192 = tpu.memref_squeeze %dma_start3A_191 : memref<1x64xi32, #tpu.memory_space<vmem>> -> memref<64xi32, #tpu.memory_space<vmem>>
        %dma_start3A_193 = arith.constant 0 : i32
        %dma_start3A_194 = arith.constant 0 : i32
        %dma_start3A_195 = tpu.memref_slice %arg12[%dma_start3A_193, %dma_start3A_194] : memref<10112x128xf32, #tpu.memory_space<vmem_shared>> -> memref<10112x128xf32, #tpu.memory_space<vmem_shared>>
        tpu.enqueue_indirect_dma source(%arg8 : memref<64x128xf32, #tpu.memory_space<vmem>>) target(%dma_start3A_195 : memref<10112x128xf32, #tpu.memory_space<vmem_shared>>) offsets(%dma_start3A_192 : memref<64xi32, #tpu.memory_space<vmem>>) semaphore(%run_scoped3A : memref<!tpu.dma_semaphore, #tpu.memory_space<semaphore_mem>>) {add = true}
        %dma_wait3A_196 = arith.constant 0 : i32
        %dma_wait3A_197 = tpu.memref_slice %arg7[%add3A_126, %dma_wait3A_196] : memref<64x64xi32, #tpu.memory_space<vmem>> -> memref<1x64xi32, #tpu.memory_space<vmem>>
        %dma_wait3A_198 = tpu.memref_squeeze %dma_wait3A_197 : memref<1x64xi32, #tpu.memory_space<vmem>> -> memref<64xi32, #tpu.memory_space<vmem>>
        %dma_wait3A_199 = arith.constant 0 : i32
        %dma_wait3A_200 = arith.constant 0 : i32
        %dma_wait3A_201 = tpu.memref_slice %arg12[%dma_wait3A_199, %dma_wait3A_200] : memref<10112x128xf32, #tpu.memory_space<vmem_shared>> -> memref<10112x128xf32, #tpu.memory_space<vmem_shared>>
        tpu.wait_indirect_dma semaphore(%run_scoped3A : memref<!tpu.dma_semaphore, #tpu.memory_space<semaphore_mem>>) src(%arg8 : memref<64x128xf32, #tpu.memory_space<vmem>>) dst(%dma_wait3A_201 : memref<10112x128xf32, #tpu.memory_space<vmem_shared>>)
        tpu.yield
      }) : () -> ()
      %add3A_127 = arith.constant 4 : i32
      %add3A_128 = arith.addi %add3A_117, %add3A_127 : i32
      %add3A_129 = arith.constant 0 : i32
      %add3A_130 = arith.addi %add3A_128, %add3A_129 : i32
      %lt3A = arith.constant 32 : i32
      %lt3A_131 = arith.cmpi slt, %add3A_130, %lt3A : i32
      %convert_element_type3A = arith.extui %lt3A_131 : i1 to i32
      %cond3A = arith.constant 0 : i32
      %cond3A_132 = arith.cmpi ne, %convert_element_type3A, %cond3A : i32
      scf.if %cond3A_132 {
        %add3A_190 = arith.constant 4 : i32
        %add3A_191 = arith.addi %add3A_117, %add3A_190 : i32
        %add3A_192 = arith.constant 0 : i32
        %add3A_193 = arith.addi %add3A_191, %add3A_192 : i32
        %dma_start3A_194 = arith.constant 0 : i32
        %dma_start3A_195 = tpu.memref_slice %arg6[%add3A_193, %dma_start3A_194] : memref<64x64xi32, #tpu.memory_space<vmem>> -> memref<1x64xi32, #tpu.memory_space<vmem>>
        %dma_start3A_196 = tpu.memref_squeeze %dma_start3A_195 : memref<1x64xi32, #tpu.memory_space<vmem>> -> memref<64xi32, #tpu.memory_space<vmem>>
        %dma_start3A_197 = arith.constant 0 : i32
        %dma_start3A_198 = arith.constant 0 : i32
        %dma_start3A_199 = tpu.memref_slice %arg2[%dma_start3A_197, %dma_start3A_198] : memref<10000x128xf32, #tpu.memory_space<hbm>> -> memref<10000x128xf32, #tpu.memory_space<hbm>>
        tpu.enqueue_indirect_dma source(%dma_start3A_199 : memref<10000x128xf32, #tpu.memory_space<hbm>>) target(%arg8 : memref<64x128xf32, #tpu.memory_space<vmem>>) offsets(%dma_start3A_196 : memref<64xi32, #tpu.memory_space<vmem>>) semaphore(%arg13 : memref<!tpu.dma_semaphore, #tpu.memory_space<semaphore_mem>>)
      } else {
      }
      %add3A_133 = arith.constant 1 : i32
      %add3A_134 = arith.addi %add3A_117, %add3A_133 : i32
      %dma_wait3A_135 = arith.constant 0 : i32
      %dma_wait3A_136 = tpu.memref_slice %arg6[%add3A_134, %dma_wait3A_135] : memref<64x64xi32, #tpu.memory_space<vmem>> -> memref<1x64xi32, #tpu.memory_space<vmem>>
      %dma_wait3A_137 = tpu.memref_squeeze %dma_wait3A_136 : memref<1x64xi32, #tpu.memory_space<vmem>> -> memref<64xi32, #tpu.memory_space<vmem>>
      %dma_wait3A_138 = arith.constant 0 : i32
      %dma_wait3A_139 = arith.constant 0 : i32
      %dma_wait3A_140 = tpu.memref_slice %arg2[%dma_wait3A_138, %dma_wait3A_139] : memref<10000x128xf32, #tpu.memory_space<hbm>> -> memref<10000x128xf32, #tpu.memory_space<hbm>>
      tpu.wait_indirect_dma semaphore(%arg14 : memref<!tpu.dma_semaphore, #tpu.memory_space<semaphore_mem>>) src(%dma_wait3A_140 : memref<10000x128xf32, #tpu.memory_space<hbm>>) dst(%arg9 : memref<64x128xf32, #tpu.memory_space<vmem>>)
      %add3A_141 = arith.constant 1 : i32
      %add3A_142 = arith.addi %add3A_117, %add3A_141 : i32
      "tpu.region"() ({
        %run_scoped3A = tpu.sem_alloc : memref<!tpu.dma_semaphore, #tpu.memory_space<semaphore_mem>>
        %dma_start3A_190 = arith.constant 0 : i32
        %dma_start3A_191 = tpu.memref_slice %arg7[%add3A_142, %dma_start3A_190] : memref<64x64xi32, #tpu.memory_space<vmem>> -> memref<1x64xi32, #tpu.memory_space<vmem>>
        %dma_start3A_192 = tpu.memref_squeeze %dma_start3A_191 : memref<1x64xi32, #tpu.memory_space<vmem>> -> memref<64xi32, #tpu.memory_space<vmem>>
        %dma_start3A_193 = arith.constant 0 : i32
        %dma_start3A_194 = arith.constant 0 : i32
        %dma_start3A_195 = tpu.memref_slice %arg12[%dma_start3A_193, %dma_start3A_194] : memref<10112x128xf32, #tpu.memory_space<vmem_shared>> -> memref<10112x128xf32, #tpu.memory_space<vmem_shared>>
        tpu.enqueue_indirect_dma source(%arg9 : memref<64x128xf32, #tpu.memory_space<vmem>>) target(%dma_start3A_195 : memref<10112x128xf32, #tpu.memory_space<vmem_shared>>) offsets(%dma_start3A_192 : memref<64xi32, #tpu.memory_space<vmem>>) semaphore(%run_scoped3A : memref<!tpu.dma_semaphore, #tpu.memory_space<semaphore_mem>>) {add = true}
        %dma_wait3A_196 = arith.constant 0 : i32
        %dma_wait3A_197 = tpu.memref_slice %arg7[%add3A_142, %dma_wait3A_196] : memref<64x64xi32, #tpu.memory_space<vmem>> -> memref<1x64xi32, #tpu.memory_space<vmem>>
        %dma_wait3A_198 = tpu.memref_squeeze %dma_wait3A_197 : memref<1x64xi32, #tpu.memory_space<vmem>> -> memref<64xi32, #tpu.memory_space<vmem>>
        %dma_wait3A_199 = arith.constant 0 : i32
        %dma_wait3A_200 = arith.constant 0 : i32
        %dma_wait3A_201 = tpu.memref_slice %arg12[%dma_wait3A_199, %dma_wait3A_200] : memref<10112x128xf32, #tpu.memory_space<vmem_shared>> -> memref<10112x128xf32, #tpu.memory_space<vmem_shared>>
        tpu.wait_indirect_dma semaphore(%run_scoped3A : memref<!tpu.dma_semaphore, #tpu.memory_space<semaphore_mem>>) src(%arg9 : memref<64x128xf32, #tpu.memory_space<vmem>>) dst(%dma_wait3A_201 : memref<10112x128xf32, #tpu.memory_space<vmem_shared>>)
        tpu.yield
      }) : () -> ()
      %add3A_143 = arith.constant 4 : i32
      %add3A_144 = arith.addi %add3A_117, %add3A_143 : i32
      %add3A_145 = arith.constant 1 : i32
      %add3A_146 = arith.addi %add3A_144, %add3A_145 : i32
      %lt3A_147 = arith.constant 32 : i32
      %lt3A_148 = arith.cmpi slt, %add3A_146, %lt3A_147 : i32
      %convert_element_type3A_149 = arith.extui %lt3A_148 : i1 to i32
      %cond3A_150 = arith.constant 0 : i32
      %cond3A_151 = arith.cmpi ne, %convert_element_type3A_149, %cond3A_150 : i32
      scf.if %cond3A_151 {
        %add3A_190 = arith.constant 4 : i32
        %add3A_191 = arith.addi %add3A_117, %add3A_190 : i32
        %add3A_192 = arith.constant 1 : i32
        %add3A_193 = arith.addi %add3A_191, %add3A_192 : i32
        %dma_start3A_194 = arith.constant 0 : i32
        %dma_start3A_195 = tpu.memref_slice %arg6[%add3A_193, %dma_start3A_194] : memref<64x64xi32, #tpu.memory_space<vmem>> -> memref<1x64xi32, #tpu.memory_space<vmem>>
        %dma_start3A_196 = tpu.memref_squeeze %dma_start3A_195 : memref<1x64xi32, #tpu.memory_space<vmem>> -> memref<64xi32, #tpu.memory_space<vmem>>
        %dma_start3A_197 = arith.constant 0 : i32
        %dma_start3A_198 = arith.constant 0 : i32
        %dma_start3A_199 = tpu.memref_slice %arg2[%dma_start3A_197, %dma_start3A_198] : memref<10000x128xf32, #tpu.memory_space<hbm>> -> memref<10000x128xf32, #tpu.memory_space<hbm>>
        tpu.enqueue_indirect_dma source(%dma_start3A_199 : memref<10000x128xf32, #tpu.memory_space<hbm>>) target(%arg9 : memref<64x128xf32, #tpu.memory_space<vmem>>) offsets(%dma_start3A_196 : memref<64xi32, #tpu.memory_space<vmem>>) semaphore(%arg14 : memref<!tpu.dma_semaphore, #tpu.memory_space<semaphore_mem>>)
      } else {
      }
      %add3A_152 = arith.constant 2 : i32
      %add3A_153 = arith.addi %add3A_117, %add3A_152 : i32
      %dma_wait3A_154 = arith.constant 0 : i32
      %dma_wait3A_155 = tpu.memref_slice %arg6[%add3A_153, %dma_wait3A_154] : memref<64x64xi32, #tpu.memory_space<vmem>> -> memref<1x64xi32, #tpu.memory_space<vmem>>
      %dma_wait3A_156 = tpu.memref_squeeze %dma_wait3A_155 : memref<1x64xi32, #tpu.memory_space<vmem>> -> memref<64xi32, #tpu.memory_space<vmem>>
      %dma_wait3A_157 = arith.constant 0 : i32
      %dma_wait3A_158 = arith.constant 0 : i32
      %dma_wait3A_159 = tpu.memref_slice %arg2[%dma_wait3A_157, %dma_wait3A_158] : memref<10000x128xf32, #tpu.memory_space<hbm>> -> memref<10000x128xf32, #tpu.memory_space<hbm>>
      tpu.wait_indirect_dma semaphore(%arg15 : memref<!tpu.dma_semaphore, #tpu.memory_space<semaphore_mem>>) src(%dma_wait3A_159 : memref<10000x128xf32, #tpu.memory_space<hbm>>) dst(%arg10 : memref<64x128xf32, #tpu.memory_space<vmem>>)
      %add3A_160 = arith.constant 2 : i32
      %add3A_161 = arith.addi %add3A_117, %add3A_160 : i32
      "tpu.region"() ({
        %run_scoped3A = tpu.sem_alloc : memref<!tpu.dma_semaphore, #tpu.memory_space<semaphore_mem>>
        %dma_start3A_190 = arith.constant 0 : i32
        %dma_start3A_191 = tpu.memref_slice %arg7[%add3A_161, %dma_start3A_190] : memref<64x64xi32, #tpu.memory_space<vmem>> -> memref<1x64xi32, #tpu.memory_space<vmem>>
        %dma_start3A_192 = tpu.memref_squeeze %dma_start3A_191 : memref<1x64xi32, #tpu.memory_space<vmem>> -> memref<64xi32, #tpu.memory_space<vmem>>
        %dma_start3A_193 = arith.constant 0 : i32
        %dma_start3A_194 = arith.constant 0 : i32
        %dma_start3A_195 = tpu.memref_slice %arg12[%dma_start3A_193, %dma_start3A_194] : memref<10112x128xf32, #tpu.memory_space<vmem_shared>> -> memref<10112x128xf32, #tpu.memory_space<vmem_shared>>
        tpu.enqueue_indirect_dma source(%arg10 : memref<64x128xf32, #tpu.memory_space<vmem>>) target(%dma_start3A_195 : memref<10112x128xf32, #tpu.memory_space<vmem_shared>>) offsets(%dma_start3A_192 : memref<64xi32, #tpu.memory_space<vmem>>) semaphore(%run_scoped3A : memref<!tpu.dma_semaphore, #tpu.memory_space<semaphore_mem>>) {add = true}
        %dma_wait3A_196 = arith.constant 0 : i32
        %dma_wait3A_197 = tpu.memref_slice %arg7[%add3A_161, %dma_wait3A_196] : memref<64x64xi32, #tpu.memory_space<vmem>> -> memref<1x64xi32, #tpu.memory_space<vmem>>
        %dma_wait3A_198 = tpu.memref_squeeze %dma_wait3A_197 : memref<1x64xi32, #tpu.memory_space<vmem>> -> memref<64xi32, #tpu.memory_space<vmem>>
        %dma_wait3A_199 = arith.constant 0 : i32
        %dma_wait3A_200 = arith.constant 0 : i32
        %dma_wait3A_201 = tpu.memref_slice %arg12[%dma_wait3A_199, %dma_wait3A_200] : memref<10112x128xf32, #tpu.memory_space<vmem_shared>> -> memref<10112x128xf32, #tpu.memory_space<vmem_shared>>
        tpu.wait_indirect_dma semaphore(%run_scoped3A : memref<!tpu.dma_semaphore, #tpu.memory_space<semaphore_mem>>) src(%arg10 : memref<64x128xf32, #tpu.memory_space<vmem>>) dst(%dma_wait3A_201 : memref<10112x128xf32, #tpu.memory_space<vmem_shared>>)
        tpu.yield
      }) : () -> ()
      %add3A_162 = arith.constant 4 : i32
      %add3A_163 = arith.addi %add3A_117, %add3A_162 : i32
      %add3A_164 = arith.constant 2 : i32
      %add3A_165 = arith.addi %add3A_163, %add3A_164 : i32
      %lt3A_166 = arith.constant 32 : i32
      %lt3A_167 = arith.cmpi slt, %add3A_165, %lt3A_166 : i32
      %convert_element_type3A_168 = arith.extui %lt3A_167 : i1 to i32
      %cond3A_169 = arith.constant 0 : i32
      %cond3A_170 = arith.cmpi ne, %convert_element_type3A_168, %cond3A_169 : i32
      scf.if %cond3A_170 {
        %add3A_190 = arith.constant 4 : i32
        %add3A_191 = arith.addi %add3A_117, %add3A_190 : i32
        %add3A_192 = arith.constant 2 : i32
        %add3A_193 = arith.addi %add3A_191, %add3A_192 : i32
        %dma_start3A_194 = arith.constant 0 : i32
        %dma_start3A_195 = tpu.memref_slice %arg6[%add3A_193, %dma_start3A_194] : memref<64x64xi32, #tpu.memory_space<vmem>> -> memref<1x64xi32, #tpu.memory_space<vmem>>
        %dma_start3A_196 = tpu.memref_squeeze %dma_start3A_195 : memref<1x64xi32, #tpu.memory_space<vmem>> -> memref<64xi32, #tpu.memory_space<vmem>>
        %dma_start3A_197 = arith.constant 0 : i32
        %dma_start3A_198 = arith.constant 0 : i32
        %dma_start3A_199 = tpu.memref_slice %arg2[%dma_start3A_197, %dma_start3A_198] : memref<10000x128xf32, #tpu.memory_space<hbm>> -> memref<10000x128xf32, #tpu.memory_space<hbm>>
        tpu.enqueue_indirect_dma source(%dma_start3A_199 : memref<10000x128xf32, #tpu.memory_space<hbm>>) target(%arg10 : memref<64x128xf32, #tpu.memory_space<vmem>>) offsets(%dma_start3A_196 : memref<64xi32, #tpu.memory_space<vmem>>) semaphore(%arg15 : memref<!tpu.dma_semaphore, #tpu.memory_space<semaphore_mem>>)
      } else {
      }
      %add3A_171 = arith.constant 3 : i32
      %add3A_172 = arith.addi %add3A_117, %add3A_171 : i32
      %dma_wait3A_173 = arith.constant 0 : i32
      %dma_wait3A_174 = tpu.memref_slice %arg6[%add3A_172, %dma_wait3A_173] : memref<64x64xi32, #tpu.memory_space<vmem>> -> memref<1x64xi32, #tpu.memory_space<vmem>>
      %dma_wait3A_175 = tpu.memref_squeeze %dma_wait3A_174 : memref<1x64xi32, #tpu.memory_space<vmem>> -> memref<64xi32, #tpu.memory_space<vmem>>
      %dma_wait3A_176 = arith.constant 0 : i32
      %dma_wait3A_177 = arith.constant 0 : i32
      %dma_wait3A_178 = tpu.memref_slice %arg2[%dma_wait3A_176, %dma_wait3A_177] : memref<10000x128xf32, #tpu.memory_space<hbm>> -> memref<10000x128xf32, #tpu.memory_space<hbm>>
      tpu.wait_indirect_dma semaphore(%arg16 : memref<!tpu.dma_semaphore, #tpu.memory_space<semaphore_mem>>) src(%dma_wait3A_178 : memref<10000x128xf32, #tpu.memory_space<hbm>>) dst(%arg11 : memref<64x128xf32, #tpu.memory_space<vmem>>)
      %add3A_179 = arith.constant 3 : i32
      %add3A_180 = arith.addi %add3A_117, %add3A_179 : i32
      "tpu.region"() ({
        %run_scoped3A = tpu.sem_alloc : memref<!tpu.dma_semaphore, #tpu.memory_space<semaphore_mem>>
        %dma_start3A_190 = arith.constant 0 : i32
        %dma_start3A_191 = tpu.memref_slice %arg7[%add3A_180, %dma_start3A_190] : memref<64x64xi32, #tpu.memory_space<vmem>> -> memref<1x64xi32, #tpu.memory_space<vmem>>
        %dma_start3A_192 = tpu.memref_squeeze %dma_start3A_191 : memref<1x64xi32, #tpu.memory_space<vmem>> -> memref<64xi32, #tpu.memory_space<vmem>>
        %dma_start3A_193 = arith.constant 0 : i32
        %dma_start3A_194 = arith.constant 0 : i32
        %dma_start3A_195 = tpu.memref_slice %arg12[%dma_start3A_193, %dma_start3A_194] : memref<10112x128xf32, #tpu.memory_space<vmem_shared>> -> memref<10112x128xf32, #tpu.memory_space<vmem_shared>>
        tpu.enqueue_indirect_dma source(%arg11 : memref<64x128xf32, #tpu.memory_space<vmem>>) target(%dma_start3A_195 : memref<10112x128xf32, #tpu.memory_space<vmem_shared>>) offsets(%dma_start3A_192 : memref<64xi32, #tpu.memory_space<vmem>>) semaphore(%run_scoped3A : memref<!tpu.dma_semaphore, #tpu.memory_space<semaphore_mem>>) {add = true}
        %dma_wait3A_196 = arith.constant 0 : i32
        %dma_wait3A_197 = tpu.memref_slice %arg7[%add3A_180, %dma_wait3A_196] : memref<64x64xi32, #tpu.memory_space<vmem>> -> memref<1x64xi32, #tpu.memory_space<vmem>>
        %dma_wait3A_198 = tpu.memref_squeeze %dma_wait3A_197 : memref<1x64xi32, #tpu.memory_space<vmem>> -> memref<64xi32, #tpu.memory_space<vmem>>
        %dma_wait3A_199 = arith.constant 0 : i32
        %dma_wait3A_200 = arith.constant 0 : i32
        %dma_wait3A_201 = tpu.memref_slice %arg12[%dma_wait3A_199, %dma_wait3A_200] : memref<10112x128xf32, #tpu.memory_space<vmem_shared>> -> memref<10112x128xf32, #tpu.memory_space<vmem_shared>>
        tpu.wait_indirect_dma semaphore(%run_scoped3A : memref<!tpu.dma_semaphore, #tpu.memory_space<semaphore_mem>>) src(%arg11 : memref<64x128xf32, #tpu.memory_space<vmem>>) dst(%dma_wait3A_201 : memref<10112x128xf32, #tpu.memory_space<vmem_shared>>)
        tpu.yield
      }) : () -> ()
      %add3A_181 = arith.constant 4 : i32
      %add3A_182 = arith.addi %add3A_117, %add3A_181 : i32
      %add3A_183 = arith.constant 3 : i32
      %add3A_184 = arith.addi %add3A_182, %add3A_183 : i32
      %lt3A_185 = arith.constant 32 : i32
      %lt3A_186 = arith.cmpi slt, %add3A_184, %lt3A_185 : i32
      %convert_element_type3A_187 = arith.extui %lt3A_186 : i1 to i32
      %cond3A_188 = arith.constant 0 : i32
      %cond3A_189 = arith.cmpi ne, %convert_element_type3A_187, %cond3A_188 : i32
      scf.if %cond3A_189 {
        %add3A_190 = arith.constant 4 : i32
        %add3A_191 = arith.addi %add3A_117, %add3A_190 : i32
        %add3A_192 = arith.constant 3 : i32
        %add3A_193 = arith.addi %add3A_191, %add3A_192 : i32
        %dma_start3A_194 = arith.constant 0 : i32
        %dma_start3A_195 = tpu.memref_slice %arg6[%add3A_193, %dma_start3A_194] : memref<64x64xi32, #tpu.memory_space<vmem>> -> memref<1x64xi32, #tpu.memory_space<vmem>>
        %dma_start3A_196 = tpu.memref_squeeze %dma_start3A_195 : memref<1x64xi32, #tpu.memory_space<vmem>> -> memref<64xi32, #tpu.memory_space<vmem>>
        %dma_start3A_197 = arith.constant 0 : i32
        %dma_start3A_198 = arith.constant 0 : i32
        %dma_start3A_199 = tpu.memref_slice %arg2[%dma_start3A_197, %dma_start3A_198] : memref<10000x128xf32, #tpu.memory_space<hbm>> -> memref<10000x128xf32, #tpu.memory_space<hbm>>
        tpu.enqueue_indirect_dma source(%dma_start3A_199 : memref<10000x128xf32, #tpu.memory_space<hbm>>) target(%arg11 : memref<64x128xf32, #tpu.memory_space<vmem>>) offsets(%dma_start3A_196 : memref<64xi32, #tpu.memory_space<vmem>>) semaphore(%arg16 : memref<!tpu.dma_semaphore, #tpu.memory_space<semaphore_mem>>)
      } else {
      }
    }
    %scan3A_111 = arith.constant 8 : i32
    %barrier3A_112 = arith.constant 0 : index
    tpu.barrier barrier_id(%barrier3A_112)
    "tpu.region"() ({
      %run_scoped3A = tpu.sem_alloc : memref<!tpu.dma_semaphore, #tpu.memory_space<semaphore_mem>>
      %dma_start3A_113 = arith.constant 0 : i32
      %dma_start3A_114 = arith.constant 0 : i32
      %dma_start3A_115 = tpu.memref_slice %arg5[%arg0, %dma_start3A_113, %dma_start3A_114] : memref<2x10112x128xf32, #tpu.memory_space<hbm>> -> memref<1x10112x128xf32, #tpu.memory_space<hbm>>
      %dma_start3A_116 = tpu.memref_squeeze %dma_start3A_115 : memref<1x10112x128xf32, #tpu.memory_space<hbm>> -> memref<10112x128xf32, #tpu.memory_space<hbm>>
      %dma_start3A_117 = arith.constant 0 : i32
      %dma_start3A_118 = tpu.memref_slice %dma_start3A_116[%mul3A_2, %dma_start3A_117] : memref<10112x128xf32, #tpu.memory_space<hbm>> -> memref<632x128xf32, #tpu.memory_space<hbm>>
      %dma_start3A_119 = arith.constant 0 : i32
      %dma_start3A_120 = tpu.memref_slice %arg12[%mul3A_2, %dma_start3A_119] : memref<10112x128xf32, #tpu.memory_space<vmem_shared>> -> memref<632x128xf32, #tpu.memory_space<vmem_shared>>
      tpu.enqueue_dma source(%dma_start3A_120 : memref<632x128xf32, #tpu.memory_space<vmem_shared>>) target(%dma_start3A_118 : memref<632x128xf32, #tpu.memory_space<hbm>>) target_semaphore(%run_scoped3A : memref<!tpu.dma_semaphore, #tpu.memory_space<semaphore_mem>>)
      %dma_wait3A = arith.constant 0 : i32
      %dma_wait3A_121 = arith.constant 0 : i32
      %dma_wait3A_122 = tpu.memref_slice %arg5[%arg0, %dma_wait3A, %dma_wait3A_121] : memref<2x10112x128xf32, #tpu.memory_space<hbm>> -> memref<1x10112x128xf32, #tpu.memory_space<hbm>>
      %dma_wait3A_123 = tpu.memref_squeeze %dma_wait3A_122 : memref<1x10112x128xf32, #tpu.memory_space<hbm>> -> memref<10112x128xf32, #tpu.memory_space<hbm>>
      %dma_wait3A_124 = arith.constant 0 : i32
      %dma_wait3A_125 = tpu.memref_slice %dma_wait3A_123[%mul3A_2, %dma_wait3A_124] : memref<10112x128xf32, #tpu.memory_space<hbm>> -> memref<632x128xf32, #tpu.memory_space<hbm>>
      %dma_wait3A_126 = arith.constant 0 : i32
      %dma_wait3A_127 = tpu.memref_slice %arg12[%mul3A_2, %dma_wait3A_126] : memref<10112x128xf32, #tpu.memory_space<vmem_shared>> -> memref<632x128xf32, #tpu.memory_space<vmem_shared>>
      tpu.wait_dma2 semaphore(%run_scoped3A : memref<!tpu.dma_semaphore, #tpu.memory_space<semaphore_mem>>) src(%dma_wait3A_127 : memref<632x128xf32, #tpu.memory_space<vmem_shared>>) dst(%dma_wait3A_125 : memref<632x128xf32, #tpu.memory_space<hbm>>)
      tpu.yield
    }) : () -> ()
    return
  }
}

#map = affine_map<(d0, d1) -> (0, 0)>
#map1 = affine_map<(d0, d1) -> (0, 0, 0)>
module attributes {stable_mosaic.version = 14 : i64} {
  func.func @body(%arg0: i32, %arg1: i32, %arg2: memref<10000x128xf32, #tpu.memory_space<hbm>>, %arg3: memref<32x160x64xi32, #tpu.memory_space<hbm>>, %arg4: memref<32x160x64xi32, #tpu.memory_space<hbm>>, %arg5: memref<2x10112x128xf32, #tpu.memory_space<hbm>>, %arg6: memref<64x64xi32, #tpu.memory_space<vmem>>, %arg7: memref<64x64xi32, #tpu.memory_space<vmem>>, %arg8: memref<64x128xf32, #tpu.memory_space<vmem>>, %arg9: memref<64x128xf32, #tpu.memory_space<vmem>>, %arg10: memref<64x128xf32, #tpu.memory_space<vmem>>, %arg11: memref<64x128xf32, #tpu.memory_space<vmem>>, %arg12: memref<10112x128xf32, #tpu.memory_space<vmem_shared>>, %arg13: memref<!tpu.dma_semaphore, #tpu.memory_space<semaphore_mem>>, %arg14: memref<!tpu.dma_semaphore, #tpu.memory_space<semaphore_mem>>, %arg15: memref<!tpu.dma_semaphore, #tpu.memory_space<semaphore_mem>>, %arg16: memref<!tpu.dma_semaphore, #tpu.memory_space<semaphore_mem>>) attributes {dimension_semantics = [#tpu.dimension_semantics<core_parallel>, #tpu.dimension_semantics<subcore_parallel>], iteration_bounds = array<i64: 2, 16>, scalar_prefetch = 0 : i64, scratch_operands = 11 : i64, tpu.core_type = #tpu.core_type<sc_vector_subcore>, window_params = [{transform_indices = #map}, {transform_indices = #map1}, {transform_indices = #map1}, {transform_indices = #map1}]} {
    %mul3A = arith.constant 2 : i32
    %mul3A_0 = arith.muli %arg1, %mul3A : i32
    %add3A = arith.addi %mul3A_0, %arg0 : i32
    %mul3A_1 = arith.constant 632 : i32
    %mul3A_2 = arith.muli %arg1, %mul3A_1 : i32
    %scan3A = arith.constant 0 : i32
    %scan3A_3 = arith.constant 64 : i32
    %scan3A_4 = arith.addi %scan3A, %scan3A_3 : i32
    %scan3A_5 = arith.constant 1 : i32
    scf.for %scan3A_113 = %scan3A to %scan3A_4 step %scan3A_5  : i32 {
      %mul3A_114 = arith.constant 1 : i32
      %mul3A_115 = arith.muli %scan3A_113, %mul3A_114 : i32
      %add3A_116 = arith.constant 0 : i32
      %add3A_117 = arith.addi %add3A_116, %mul3A_115 : i32
      %scan3A_118 = arith.constant 0 : i32
      %scan3A_119 = arith.constant 8 : i32
      %scan3A_120 = arith.addi %scan3A_118, %scan3A_119 : i32
      %scan3A_121 = arith.constant 1 : i32
      scf.for %scan3A_123 = %scan3A_118 to %scan3A_120 step %scan3A_121  : i32 {
        %mul3A_124 = arith.constant 1 : i32
        %mul3A_125 = arith.muli %scan3A_123, %mul3A_124 : i32
        %add3A_126 = arith.constant 0 : i32
        %add3A_127 = arith.addi %add3A_126, %mul3A_125 : i32
        %broadcast_in_dim3A = arith.constant 0.000000e+00 : f32
        %broadcast_in_dim3A_128 = vector.broadcast %broadcast_in_dim3A : f32 to vector<16xf32>
        %mul3A_129 = arith.constant 16 : i32
        %mul3A_130 = arith.muli %add3A_127, %mul3A_129 : i32
        %swap3A = arith.index_cast %add3A_117 : i32 to index
        %swap3A_131 = arith.index_cast %mul3A_130 : i32 to index
        %swap3A_132 = tpu.vector_load %arg8[%swap3A, %swap3A_131] {strides = array<i32>} : memref<64x128xf32, #tpu.memory_space<vmem>>, vector<1x16xf32>,
        %swap3A_133 = vector.shape_cast %swap3A_132 : vector<1x16xf32> to vector<16xf32>
        %swap3A_134 = vector.shape_cast %broadcast_in_dim3A_128 : vector<16xf32> to vector<1x16xf32>
        tpu.vector_store %arg8[%swap3A, %swap3A_131], %swap3A_134 {strides = array<i32>} : memref<64x128xf32, #tpu.memory_space<vmem>>, vector<1x16xf32>,
      }
      %scan3A_122 = arith.constant 8 : i32
    }
    %scan3A_6 = arith.constant 64 : i32
    %scan3A_7 = arith.constant 0 : i32
    %scan3A_8 = arith.constant 9 : i32
    %scan3A_9 = arith.addi %scan3A_7, %scan3A_8 : i32
    %scan3A_10 = arith.constant 1 : i32
    scf.for %scan3A_113 = %scan3A_7 to %scan3A_9 step %scan3A_10  : i32 {
      %mul3A_114 = arith.constant 1 : i32
      %mul3A_115 = arith.muli %scan3A_113, %mul3A_114 : i32
      %add3A_116 = arith.constant 0 : i32
      %add3A_117 = arith.addi %add3A_116, %mul3A_115 : i32
      %mul3A_118 = arith.constant 64 : i32
      %mul3A_119 = arith.muli %add3A_117, %mul3A_118 : i32
      %add3A_120 = arith.addi %mul3A_2, %mul3A_119 : i32
      "tpu.region"() ({
        %run_scoped3A = tpu.sem_alloc : memref<!tpu.dma_semaphore, #tpu.memory_space<semaphore_mem>>
        %dma_start3A_121 = arith.constant 0 : i32
        %dma_start3A_122 = tpu.memref_slice %arg12[%add3A_120, %dma_start3A_121] : memref<10112x128xf32, #tpu.memory_space<vmem_shared>> -> memref<64x128xf32, #tpu.memory_space<vmem_shared>>
        %dma_start3A_123 = arith.constant 0 : i32
        %dma_start3A_124 = tpu.memref_slice %arg12[%add3A_120, %dma_start3A_123] : memref<10112x128xf32, #tpu.memory_space<vmem_shared>> -> memref<64x128xf32, #tpu.memory_space<vmem_shared>>
        tpu.enqueue_dma source(%arg8 : memref<64x128xf32, #tpu.memory_space<vmem>>) target(%dma_start3A_124 : memref<64x128xf32, #tpu.memory_space<vmem_shared>>) target_semaphore(%run_scoped3A : memref<!tpu.dma_semaphore, #tpu.memory_space<semaphore_mem>>)
        %dma_wait3A = arith.constant 0 : i32
        %dma_wait3A_125 = tpu.memref_slice %arg12[%add3A_120, %dma_wait3A] : memref<10112x128xf32, #tpu.memory_space<vmem_shared>> -> memref<64x128xf32, #tpu.memory_space<vmem_shared>>
        %dma_wait3A_126 = arith.constant 0 : i32
        %dma_wait3A_127 = tpu.memref_slice %arg12[%add3A_120, %dma_wait3A_126] : memref<10112x128xf32, #tpu.memory_space<vmem_shared>> -> memref<64x128xf32, #tpu.memory_space<vmem_shared>>
        tpu.wait_dma2 semaphore(%run_scoped3A : memref<!tpu.dma_semaphore, #tpu.memory_space<semaphore_mem>>) src(%arg8 : memref<64x128xf32, #tpu.memory_space<vmem>>) dst(%dma_wait3A_127 : memref<64x128xf32, #tpu.memory_space<vmem_shared>>)
        tpu.yield
      }) : () -> ()
    }
    %scan3A_11 = arith.constant 9 : i32
    %add3A_12 = arith.constant 576 : i32
    %add3A_13 = arith.addi %mul3A_2, %add3A_12 : i32
    "tpu.region"() ({
      %run_scoped3A = tpu.sem_alloc : memref<!tpu.dma_semaphore, #tpu.memory_space<semaphore_mem>>
      %dma_start3A_113 = arith.constant 0 : i32
      %dma_start3A_114 = arith.constant 0 : i32
      %dma_start3A_115 = tpu.memref_slice %arg8[%dma_start3A_113, %dma_start3A_114] : memref<64x128xf32, #tpu.memory_space<vmem>> -> memref<56x128xf32, #tpu.memory_space<vmem>>
      %dma_start3A_116 = arith.constant 0 : i32
      %dma_start3A_117 = tpu.memref_slice %arg12[%add3A_13, %dma_start3A_116] : memref<10112x128xf32, #tpu.memory_space<vmem_shared>> -> memref<56x128xf32, #tpu.memory_space<vmem_shared>>
      %dma_start3A_118 = arith.constant 0 : i32
      %dma_start3A_119 = tpu.memref_slice %arg12[%add3A_13, %dma_start3A_118] : memref<10112x128xf32, #tpu.memory_space<vmem_shared>> -> memref<56x128xf32, #tpu.memory_space<vmem_shared>>
      %dma_start3A_120 = arith.constant 0 : i32
      %dma_start3A_121 = arith.constant 0 : i32
      %dma_start3A_122 = tpu.memref_slice %arg8[%dma_start3A_120, %dma_start3A_121] : memref<64x128xf32, #tpu.memory_space<vmem>> -> memref<56x128xf32, #tpu.memory_space<vmem>>
      tpu.enqueue_dma source(%dma_start3A_122 : memref<56x128xf32, #tpu.memory_space<vmem>>) target(%dma_start3A_119 : memref<56x128xf32, #tpu.memory_space<vmem_shared>>) target_semaphore(%run_scoped3A : memref<!tpu.dma_semaphore, #tpu.memory_space<semaphore_mem>>)
      %dma_wait3A = arith.constant 0 : i32
      %dma_wait3A_123 = arith.constant 0 : i32
      %dma_wait3A_124 = tpu.memref_slice %arg8[%dma_wait3A, %dma_wait3A_123] : memref<64x128xf32, #tpu.memory_space<vmem>> -> memref<56x128xf32, #tpu.memory_space<vmem>>
      %dma_wait3A_125 = arith.constant 0 : i32
      %dma_wait3A_126 = tpu.memref_slice %arg12[%add3A_13, %dma_wait3A_125] : memref<10112x128xf32, #tpu.memory_space<vmem_shared>> -> memref<56x128xf32, #tpu.memory_space<vmem_shared>>
      %dma_wait3A_127 = arith.constant 0 : i32
      %dma_wait3A_128 = tpu.memref_slice %arg12[%add3A_13, %dma_wait3A_127] : memref<10112x128xf32, #tpu.memory_space<vmem_shared>> -> memref<56x128xf32, #tpu.memory_space<vmem_shared>>
      %dma_wait3A_129 = arith.constant 0 : i32
      %dma_wait3A_130 = arith.constant 0 : i32
      %dma_wait3A_131 = tpu.memref_slice %arg8[%dma_wait3A_129, %dma_wait3A_130] : memref<64x128xf32, #tpu.memory_space<vmem>> -> memref<56x128xf32, #tpu.memory_space<vmem>>
      tpu.wait_dma2 semaphore(%run_scoped3A : memref<!tpu.dma_semaphore, #tpu.memory_space<semaphore_mem>>) src(%dma_wait3A_131 : memref<56x128xf32, #tpu.memory_space<vmem>>) dst(%dma_wait3A_128 : memref<56x128xf32, #tpu.memory_space<vmem_shared>>)
      tpu.yield
    }) : () -> ()
    %barrier3A = arith.constant 0 : index
    tpu.barrier barrier_id(%barrier3A)
    "tpu.region"() ({
      %run_scoped3A = tpu.sem_alloc : memref<!tpu.dma_semaphore, #tpu.memory_space<semaphore_mem>>
      %dma_start3A_113 = arith.constant 0 : i32
      %dma_start3A_114 = arith.constant 0 : i32
      %dma_start3A_115 = tpu.memref_slice %arg6[%dma_start3A_113, %dma_start3A_114] : memref<64x64xi32, #tpu.memory_space<vmem>> -> memref<64x64xi32, #tpu.memory_space<vmem>>
      %dma_start3A_116 = arith.constant 0 : i32
      %dma_start3A_117 = arith.constant 0 : i32
      %dma_start3A_118 = tpu.memref_slice %arg3[%add3A, %dma_start3A_116, %dma_start3A_117] : memref<32x160x64xi32, #tpu.memory_space<hbm>> -> memref<1x160x64xi32, #tpu.memory_space<hbm>>
      %dma_start3A_119 = tpu.memref_squeeze %dma_start3A_118 : memref<1x160x64xi32, #tpu.memory_space<hbm>> -> memref<160x64xi32, #tpu.memory_space<hbm>>
      %dma_start3A_120 = arith.constant 0 : i32
      %dma_start3A_121 = arith.constant 0 : i32
      %dma_start3A_122 = tpu.memref_slice %dma_start3A_119[%dma_start3A_120, %dma_start3A_121] : memref<160x64xi32, #tpu.memory_space<hbm>> -> memref<64x64xi32, #tpu.memory_space<hbm>>
      %dma_start3A_123 = arith.constant 0 : i32
      %dma_start3A_124 = arith.constant 0 : i32
      %dma_start3A_125 = tpu.memref_slice %arg6[%dma_start3A_123, %dma_start3A_124] : memref<64x64xi32, #tpu.memory_space<vmem>> -> memref<64x64xi32, #tpu.memory_space<vmem>>
      %dma_start3A_126 = arith.constant 0 : i32
      %dma_start3A_127 = arith.constant 0 : i32
      %dma_start3A_128 = tpu.memref_slice %arg3[%add3A, %dma_start3A_126, %dma_start3A_127] : memref<32x160x64xi32, #tpu.memory_space<hbm>> -> memref<1x160x64xi32, #tpu.memory_space<hbm>>
      %dma_start3A_129 = tpu.memref_squeeze %dma_start3A_128 : memref<1x160x64xi32, #tpu.memory_space<hbm>> -> memref<160x64xi32, #tpu.memory_space<hbm>>
      %dma_start3A_130 = arith.constant 0 : i32
      %dma_start3A_131 = arith.constant 0 : i32
      %dma_start3A_132 = tpu.memref_slice %dma_start3A_129[%dma_start3A_130, %dma_start3A_131] : memref<160x64xi32, #tpu.memory_space<hbm>> -> memref<64x64xi32, #tpu.memory_space<hbm>>
      tpu.enqueue_dma source(%dma_start3A_132 : memref<64x64xi32, #tpu.memory_space<hbm>>) target(%dma_start3A_125 : memref<64x64xi32, #tpu.memory_space<vmem>>) target_semaphore(%run_scoped3A : memref<!tpu.dma_semaphore, #tpu.memory_space<semaphore_mem>>)
      %dma_wait3A = arith.constant 0 : i32
      %dma_wait3A_133 = arith.constant 0 : i32
      %dma_wait3A_134 = tpu.memref_slice %arg6[%dma_wait3A, %dma_wait3A_133] : memref<64x64xi32, #tpu.memory_space<vmem>> -> memref<64x64xi32, #tpu.memory_space<vmem>>
      %dma_wait3A_135 = arith.constant 0 : i32
      %dma_wait3A_136 = arith.constant 0 : i32
      %dma_wait3A_137 = tpu.memref_slice %arg3[%add3A, %dma_wait3A_135, %dma_wait3A_136] : memref<32x160x64xi32, #tpu.memory_space<hbm>> -> memref<1x160x64xi32, #tpu.memory_space<hbm>>
      %dma_wait3A_138 = tpu.memref_squeeze %dma_wait3A_137 : memref<1x160x64xi32, #tpu.memory_space<hbm>> -> memref<160x64xi32, #tpu.memory_space<hbm>>
      %dma_wait3A_139 = arith.constant 0 : i32
      %dma_wait3A_140 = arith.constant 0 : i32
      %dma_wait3A_141 = tpu.memref_slice %dma_wait3A_138[%dma_wait3A_139, %dma_wait3A_140] : memref<160x64xi32, #tpu.memory_space<hbm>> -> memref<64x64xi32, #tpu.memory_space<hbm>>
      %dma_wait3A_142 = arith.constant 0 : i32
      %dma_wait3A_143 = arith.constant 0 : i32
      %dma_wait3A_144 = tpu.memref_slice %arg6[%dma_wait3A_142, %dma_wait3A_143] : memref<64x64xi32, #tpu.memory_space<vmem>> -> memref<64x64xi32, #tpu.memory_space<vmem>>
      %dma_wait3A_145 = arith.constant 0 : i32
      %dma_wait3A_146 = arith.constant 0 : i32
      %dma_wait3A_147 = tpu.memref_slice %arg3[%add3A, %dma_wait3A_145, %dma_wait3A_146] : memref<32x160x64xi32, #tpu.memory_space<hbm>> -> memref<1x160x64xi32, #tpu.memory_space<hbm>>
      %dma_wait3A_148 = tpu.memref_squeeze %dma_wait3A_147 : memref<1x160x64xi32, #tpu.memory_space<hbm>> -> memref<160x64xi32, #tpu.memory_space<hbm>>
      %dma_wait3A_149 = arith.constant 0 : i32
      %dma_wait3A_150 = arith.constant 0 : i32
      %dma_wait3A_151 = tpu.memref_slice %dma_wait3A_148[%dma_wait3A_149, %dma_wait3A_150] : memref<160x64xi32, #tpu.memory_space<hbm>> -> memref<64x64xi32, #tpu.memory_space<hbm>>
      tpu.wait_dma2 semaphore(%run_scoped3A : memref<!tpu.dma_semaphore, #tpu.memory_space<semaphore_mem>>) src(%dma_wait3A_151 : memref<64x64xi32, #tpu.memory_space<hbm>>) dst(%dma_wait3A_144 : memref<64x64xi32, #tpu.memory_space<vmem>>)
      tpu.yield
    }) : () -> ()
    "tpu.region"() ({
      %run_scoped3A = tpu.sem_alloc : memref<!tpu.dma_semaphore, #tpu.memory_space<semaphore_mem>>
      %dma_start3A_113 = arith.constant 0 : i32
      %dma_start3A_114 = arith.constant 0 : i32
      %dma_start3A_115 = tpu.memref_slice %arg7[%dma_start3A_113, %dma_start3A_114] : memref<64x64xi32, #tpu.memory_space<vmem>> -> memref<64x64xi32, #tpu.memory_space<vmem>>
      %dma_start3A_116 = arith.constant 0 : i32
      %dma_start3A_117 = arith.constant 0 : i32
      %dma_start3A_118 = tpu.memref_slice %arg4[%add3A, %dma_start3A_116, %dma_start3A_117] : memref<32x160x64xi32, #tpu.memory_space<hbm>> -> memref<1x160x64xi32, #tpu.memory_space<hbm>>
      %dma_start3A_119 = tpu.memref_squeeze %dma_start3A_118 : memref<1x160x64xi32, #tpu.memory_space<hbm>> -> memref<160x64xi32, #tpu.memory_space<hbm>>
      %dma_start3A_120 = arith.constant 0 : i32
      %dma_start3A_121 = arith.constant 0 : i32
      %dma_start3A_122 = tpu.memref_slice %dma_start3A_119[%dma_start3A_120, %dma_start3A_121] : memref<160x64xi32, #tpu.memory_space<hbm>> -> memref<64x64xi32, #tpu.memory_space<hbm>>
      %dma_start3A_123 = arith.constant 0 : i32
      %dma_start3A_124 = arith.constant 0 : i32
      %dma_start3A_125 = tpu.memref_slice %arg7[%dma_start3A_123, %dma_start3A_124] : memref<64x64xi32, #tpu.memory_space<vmem>> -> memref<64x64xi32, #tpu.memory_space<vmem>>
      %dma_start3A_126 = arith.constant 0 : i32
      %dma_start3A_127 = arith.constant 0 : i32
      %dma_start3A_128 = tpu.memref_slice %arg4[%add3A, %dma_start3A_126, %dma_start3A_127] : memref<32x160x64xi32, #tpu.memory_space<hbm>> -> memref<1x160x64xi32, #tpu.memory_space<hbm>>
      %dma_start3A_129 = tpu.memref_squeeze %dma_start3A_128 : memref<1x160x64xi32, #tpu.memory_space<hbm>> -> memref<160x64xi32, #tpu.memory_space<hbm>>
      %dma_start3A_130 = arith.constant 0 : i32
      %dma_start3A_131 = arith.constant 0 : i32
      %dma_start3A_132 = tpu.memref_slice %dma_start3A_129[%dma_start3A_130, %dma_start3A_131] : memref<160x64xi32, #tpu.memory_space<hbm>> -> memref<64x64xi32, #tpu.memory_space<hbm>>
      tpu.enqueue_dma source(%dma_start3A_132 : memref<64x64xi32, #tpu.memory_space<hbm>>) target(%dma_start3A_125 : memref<64x64xi32, #tpu.memory_space<vmem>>) target_semaphore(%run_scoped3A : memref<!tpu.dma_semaphore, #tpu.memory_space<semaphore_mem>>)
      %dma_wait3A = arith.constant 0 : i32
      %dma_wait3A_133 = arith.constant 0 : i32
      %dma_wait3A_134 = tpu.memref_slice %arg7[%dma_wait3A, %dma_wait3A_133] : memref<64x64xi32, #tpu.memory_space<vmem>> -> memref<64x64xi32, #tpu.memory_space<vmem>>
      %dma_wait3A_135 = arith.constant 0 : i32
      %dma_wait3A_136 = arith.constant 0 : i32
      %dma_wait3A_137 = tpu.memref_slice %arg4[%add3A, %dma_wait3A_135, %dma_wait3A_136] : memref<32x160x64xi32, #tpu.memory_space<hbm>> -> memref<1x160x64xi32, #tpu.memory_space<hbm>>
      %dma_wait3A_138 = tpu.memref_squeeze %dma_wait3A_137 : memref<1x160x64xi32, #tpu.memory_space<hbm>> -> memref<160x64xi32, #tpu.memory_space<hbm>>
      %dma_wait3A_139 = arith.constant 0 : i32
      %dma_wait3A_140 = arith.constant 0 : i32
      %dma_wait3A_141 = tpu.memref_slice %dma_wait3A_138[%dma_wait3A_139, %dma_wait3A_140] : memref<160x64xi32, #tpu.memory_space<hbm>> -> memref<64x64xi32, #tpu.memory_space<hbm>>
      %dma_wait3A_142 = arith.constant 0 : i32
      %dma_wait3A_143 = arith.constant 0 : i32
      %dma_wait3A_144 = tpu.memref_slice %arg7[%dma_wait3A_142, %dma_wait3A_143] : memref<64x64xi32, #tpu.memory_space<vmem>> -> memref<64x64xi32, #tpu.memory_space<vmem>>
      %dma_wait3A_145 = arith.constant 0 : i32
      %dma_wait3A_146 = arith.constant 0 : i32
      %dma_wait3A_147 = tpu.memref_slice %arg4[%add3A, %dma_wait3A_145, %dma_wait3A_146] : memref<32x160x64xi32, #tpu.memory_space<hbm>> -> memref<1x160x64xi32, #tpu.memory_space<hbm>>
      %dma_wait3A_148 = tpu.memref_squeeze %dma_wait3A_147 : memref<1x160x64xi32, #tpu.memory_space<hbm>> -> memref<160x64xi32, #tpu.memory_space<hbm>>
      %dma_wait3A_149 = arith.constant 0 : i32
      %dma_wait3A_150 = arith.constant 0 : i32
      %dma_wait3A_151 = tpu.memref_slice %dma_wait3A_148[%dma_wait3A_149, %dma_wait3A_150] : memref<160x64xi32, #tpu.memory_space<hbm>> -> memref<64x64xi32, #tpu.memory_space<hbm>>
      tpu.wait_dma2 semaphore(%run_scoped3A : memref<!tpu.dma_semaphore, #tpu.memory_space<semaphore_mem>>) src(%dma_wait3A_151 : memref<64x64xi32, #tpu.memory_space<hbm>>) dst(%dma_wait3A_144 : memref<64x64xi32, #tpu.memory_space<vmem>>)
      tpu.yield
    }) : () -> ()
    %dma_start3A = arith.constant 0 : i32
    %dma_start3A_14 = arith.constant 0 : i32
    %dma_start3A_15 = tpu.memref_slice %arg6[%dma_start3A, %dma_start3A_14] : memref<64x64xi32, #tpu.memory_space<vmem>> -> memref<1x64xi32, #tpu.memory_space<vmem>>
    %dma_start3A_16 = tpu.memref_squeeze %dma_start3A_15 : memref<1x64xi32, #tpu.memory_space<vmem>> -> memref<64xi32, #tpu.memory_space<vmem>>
    %dma_start3A_17 = arith.constant 0 : i32
    %dma_start3A_18 = arith.constant 0 : i32
    %dma_start3A_19 = tpu.memref_slice %arg2[%dma_start3A_17, %dma_start3A_18] : memref<10000x128xf32, #tpu.memory_space<hbm>> -> memref<10000x128xf32, #tpu.memory_space<hbm>>
    tpu.enqueue_indirect_dma source(%dma_start3A_19 : memref<10000x128xf32, #tpu.memory_space<hbm>>) target(%arg8 : memref<64x128xf32, #tpu.memory_space<vmem>>) offsets(%dma_start3A_16 : memref<64xi32, #tpu.memory_space<vmem>>) semaphore(%arg13 : memref<!tpu.dma_semaphore, #tpu.memory_space<semaphore_mem>>)
    %dma_start3A_20 = arith.constant 1 : i32
    %dma_start3A_21 = arith.constant 0 : i32
    %dma_start3A_22 = tpu.memref_slice %arg6[%dma_start3A_20, %dma_start3A_21] : memref<64x64xi32, #tpu.memory_space<vmem>> -> memref<1x64xi32, #tpu.memory_space<vmem>>
    %dma_start3A_23 = tpu.memref_squeeze %dma_start3A_22 : memref<1x64xi32, #tpu.memory_space<vmem>> -> memref<64xi32, #tpu.memory_space<vmem>>
    %dma_start3A_24 = arith.constant 0 : i32
    %dma_start3A_25 = arith.constant 0 : i32
    %dma_start3A_26 = tpu.memref_slice %arg2[%dma_start3A_24, %dma_start3A_25] : memref<10000x128xf32, #tpu.memory_space<hbm>> -> memref<10000x128xf32, #tpu.memory_space<hbm>>
    tpu.enqueue_indirect_dma source(%dma_start3A_26 : memref<10000x128xf32, #tpu.memory_space<hbm>>) target(%arg9 : memref<64x128xf32, #tpu.memory_space<vmem>>) offsets(%dma_start3A_23 : memref<64xi32, #tpu.memory_space<vmem>>) semaphore(%arg14 : memref<!tpu.dma_semaphore, #tpu.memory_space<semaphore_mem>>)
    %dma_start3A_27 = arith.constant 2 : i32
    %dma_start3A_28 = arith.constant 0 : i32
    %dma_start3A_29 = tpu.memref_slice %arg6[%dma_start3A_27, %dma_start3A_28] : memref<64x64xi32, #tpu.memory_space<vmem>> -> memref<1x64xi32, #tpu.memory_space<vmem>>
    %dma_start3A_30 = tpu.memref_squeeze %dma_start3A_29 : memref<1x64xi32, #tpu.memory_space<vmem>> -> memref<64xi32, #tpu.memory_space<vmem>>
    %dma_start3A_31 = arith.constant 0 : i32
    %dma_start3A_32 = arith.constant 0 : i32
    %dma_start3A_33 = tpu.memref_slice %arg2[%dma_start3A_31, %dma_start3A_32] : memref<10000x128xf32, #tpu.memory_space<hbm>> -> memref<10000x128xf32, #tpu.memory_space<hbm>>
    tpu.enqueue_indirect_dma source(%dma_start3A_33 : memref<10000x128xf32, #tpu.memory_space<hbm>>) target(%arg10 : memref<64x128xf32, #tpu.memory_space<vmem>>) offsets(%dma_start3A_30 : memref<64xi32, #tpu.memory_space<vmem>>) semaphore(%arg15 : memref<!tpu.dma_semaphore, #tpu.memory_space<semaphore_mem>>)
    %dma_start3A_34 = arith.constant 3 : i32
    %dma_start3A_35 = arith.constant 0 : i32
    %dma_start3A_36 = tpu.memref_slice %arg6[%dma_start3A_34, %dma_start3A_35] : memref<64x64xi32, #tpu.memory_space<vmem>> -> memref<1x64xi32, #tpu.memory_space<vmem>>
    %dma_start3A_37 = tpu.memref_squeeze %dma_start3A_36 : memref<1x64xi32, #tpu.memory_space<vmem>> -> memref<64xi32, #tpu.memory_space<vmem>>
    %dma_start3A_38 = arith.constant 0 : i32
    %dma_start3A_39 = arith.constant 0 : i32
    %dma_start3A_40 = tpu.memref_slice %arg2[%dma_start3A_38, %dma_start3A_39] : memref<10000x128xf32, #tpu.memory_space<hbm>> -> memref<10000x128xf32, #tpu.memory_space<hbm>>
    tpu.enqueue_indirect_dma source(%dma_start3A_40 : memref<10000x128xf32, #tpu.memory_space<hbm>>) target(%arg11 : memref<64x128xf32, #tpu.memory_space<vmem>>) offsets(%dma_start3A_37 : memref<64xi32, #tpu.memory_space<vmem>>) semaphore(%arg16 : memref<!tpu.dma_semaphore, #tpu.memory_space<semaphore_mem>>)
    %scan3A_41 = arith.constant 0 : i32
    %scan3A_42 = arith.constant 16 : i32
    %scan3A_43 = arith.addi %scan3A_41, %scan3A_42 : i32
    %scan3A_44 = arith.constant 1 : i32
    scf.for %scan3A_113 = %scan3A_41 to %scan3A_43 step %scan3A_44  : i32 {
      %mul3A_114 = arith.constant 4 : i32
      %mul3A_115 = arith.muli %scan3A_113, %mul3A_114 : i32
      %add3A_116 = arith.constant 0 : i32
      %add3A_117 = arith.addi %add3A_116, %mul3A_115 : i32
      %add3A_118 = arith.constant 0 : i32
      %add3A_119 = arith.addi %add3A_117, %add3A_118 : i32
      %dma_wait3A = arith.constant 0 : i32
      %dma_wait3A_120 = tpu.memref_slice %arg6[%add3A_119, %dma_wait3A] : memref<64x64xi32, #tpu.memory_space<vmem>> -> memref<1x64xi32, #tpu.memory_space<vmem>>
      %dma_wait3A_121 = tpu.memref_squeeze %dma_wait3A_120 : memref<1x64xi32, #tpu.memory_space<vmem>> -> memref<64xi32, #tpu.memory_space<vmem>>
      %dma_wait3A_122 = arith.constant 0 : i32
      %dma_wait3A_123 = arith.constant 0 : i32
      %dma_wait3A_124 = tpu.memref_slice %arg2[%dma_wait3A_122, %dma_wait3A_123] : memref<10000x128xf32, #tpu.memory_space<hbm>> -> memref<10000x128xf32, #tpu.memory_space<hbm>>
      tpu.wait_indirect_dma semaphore(%arg13 : memref<!tpu.dma_semaphore, #tpu.memory_space<semaphore_mem>>) src(%dma_wait3A_124 : memref<10000x128xf32, #tpu.memory_space<hbm>>) dst(%arg8 : memref<64x128xf32, #tpu.memory_space<vmem>>)
      %add3A_125 = arith.constant 0 : i32
      %add3A_126 = arith.addi %add3A_117, %add3A_125 : i32
      "tpu.region"() ({
        %run_scoped3A = tpu.sem_alloc : memref<!tpu.dma_semaphore, #tpu.memory_space<semaphore_mem>>
        %dma_start3A_190 = arith.constant 0 : i32
        %dma_start3A_191 = tpu.memref_slice %arg7[%add3A_126, %dma_start3A_190] : memref<64x64xi32, #tpu.memory_space<vmem>> -> memref<1x64xi32, #tpu.memory_space<vmem>>
        %dma_start3A_192 = tpu.memref_squeeze %dma_start3A_191 : memref<1x64xi32, #tpu.memory_space<vmem>> -> memref<64xi32, #tpu.memory_space<vmem>>
        %dma_start3A_193 = arith.constant 0 : i32
        %dma_start3A_194 = arith.constant 0 : i32
        %dma_start3A_195 = tpu.memref_slice %arg12[%dma_start3A_193, %dma_start3A_194] : memref<10112x128xf32, #tpu.memory_space<vmem_shared>> -> memref<10112x128xf32, #tpu.memory_space<vmem_shared>>
        tpu.enqueue_indirect_dma source(%arg8 : memref<64x128xf32, #tpu.memory_space<vmem>>) target(%dma_start3A_195 : memref<10112x128xf32, #tpu.memory_space<vmem_shared>>) offsets(%dma_start3A_192 : memref<64xi32, #tpu.memory_space<vmem>>) semaphore(%run_scoped3A : memref<!tpu.dma_semaphore, #tpu.memory_space<semaphore_mem>>) {add = true}
        %dma_wait3A_196 = arith.constant 0 : i32
        %dma_wait3A_197 = tpu.memref_slice %arg7[%add3A_126, %dma_wait3A_196] : memref<64x64xi32, #tpu.memory_space<vmem>> -> memref<1x64xi32, #tpu.memory_space<vmem>>
        %dma_wait3A_198 = tpu.memref_squeeze %dma_wait3A_197 : memref<1x64xi32, #tpu.memory_space<vmem>> -> memref<64xi32, #tpu.memory_space<vmem>>
        %dma_wait3A_199 = arith.constant 0 : i32
        %dma_wait3A_200 = arith.constant 0 : i32
        %dma_wait3A_201 = tpu.memref_slice %arg12[%dma_wait3A_199, %dma_wait3A_200] : memref<10112x128xf32, #tpu.memory_space<vmem_shared>> -> memref<10112x128xf32, #tpu.memory_space<vmem_shared>>
        tpu.wait_indirect_dma semaphore(%run_scoped3A : memref<!tpu.dma_semaphore, #tpu.memory_space<semaphore_mem>>) src(%arg8 : memref<64x128xf32, #tpu.memory_space<vmem>>) dst(%dma_wait3A_201 : memref<10112x128xf32, #tpu.memory_space<vmem_shared>>)
        tpu.yield
      }) : () -> ()
      %add3A_127 = arith.constant 4 : i32
      %add3A_128 = arith.addi %add3A_117, %add3A_127 : i32
      %add3A_129 = arith.constant 0 : i32
      %add3A_130 = arith.addi %add3A_128, %add3A_129 : i32
      %lt3A = arith.constant 64 : i32
      %lt3A_131 = arith.cmpi slt, %add3A_130, %lt3A : i32
      %convert_element_type3A = arith.extui %lt3A_131 : i1 to i32
      %cond3A = arith.constant 0 : i32
      %cond3A_132 = arith.cmpi ne, %convert_element_type3A, %cond3A : i32
      scf.if %cond3A_132 {
        %add3A_190 = arith.constant 4 : i32
        %add3A_191 = arith.addi %add3A_117, %add3A_190 : i32
        %add3A_192 = arith.constant 0 : i32
        %add3A_193 = arith.addi %add3A_191, %add3A_192 : i32
        %dma_start3A_194 = arith.constant 0 : i32
        %dma_start3A_195 = tpu.memref_slice %arg6[%add3A_193, %dma_start3A_194] : memref<64x64xi32, #tpu.memory_space<vmem>> -> memref<1x64xi32, #tpu.memory_space<vmem>>
        %dma_start3A_196 = tpu.memref_squeeze %dma_start3A_195 : memref<1x64xi32, #tpu.memory_space<vmem>> -> memref<64xi32, #tpu.memory_space<vmem>>
        %dma_start3A_197 = arith.constant 0 : i32
        %dma_start3A_198 = arith.constant 0 : i32
        %dma_start3A_199 = tpu.memref_slice %arg2[%dma_start3A_197, %dma_start3A_198] : memref<10000x128xf32, #tpu.memory_space<hbm>> -> memref<10000x128xf32, #tpu.memory_space<hbm>>
        tpu.enqueue_indirect_dma source(%dma_start3A_199 : memref<10000x128xf32, #tpu.memory_space<hbm>>) target(%arg8 : memref<64x128xf32, #tpu.memory_space<vmem>>) offsets(%dma_start3A_196 : memref<64xi32, #tpu.memory_space<vmem>>) semaphore(%arg13 : memref<!tpu.dma_semaphore, #tpu.memory_space<semaphore_mem>>)
      } else {
      }
      %add3A_133 = arith.constant 1 : i32
      %add3A_134 = arith.addi %add3A_117, %add3A_133 : i32
      %dma_wait3A_135 = arith.constant 0 : i32
      %dma_wait3A_136 = tpu.memref_slice %arg6[%add3A_134, %dma_wait3A_135] : memref<64x64xi32, #tpu.memory_space<vmem>> -> memref<1x64xi32, #tpu.memory_space<vmem>>
      %dma_wait3A_137 = tpu.memref_squeeze %dma_wait3A_136 : memref<1x64xi32, #tpu.memory_space<vmem>> -> memref<64xi32, #tpu.memory_space<vmem>>
      %dma_wait3A_138 = arith.constant 0 : i32
      %dma_wait3A_139 = arith.constant 0 : i32
      %dma_wait3A_140 = tpu.memref_slice %arg2[%dma_wait3A_138, %dma_wait3A_139] : memref<10000x128xf32, #tpu.memory_space<hbm>> -> memref<10000x128xf32, #tpu.memory_space<hbm>>
      tpu.wait_indirect_dma semaphore(%arg14 : memref<!tpu.dma_semaphore, #tpu.memory_space<semaphore_mem>>) src(%dma_wait3A_140 : memref<10000x128xf32, #tpu.memory_space<hbm>>) dst(%arg9 : memref<64x128xf32, #tpu.memory_space<vmem>>)
      %add3A_141 = arith.constant 1 : i32
      %add3A_142 = arith.addi %add3A_117, %add3A_141 : i32
      "tpu.region"() ({
        %run_scoped3A = tpu.sem_alloc : memref<!tpu.dma_semaphore, #tpu.memory_space<semaphore_mem>>
        %dma_start3A_190 = arith.constant 0 : i32
        %dma_start3A_191 = tpu.memref_slice %arg7[%add3A_142, %dma_start3A_190] : memref<64x64xi32, #tpu.memory_space<vmem>> -> memref<1x64xi32, #tpu.memory_space<vmem>>
        %dma_start3A_192 = tpu.memref_squeeze %dma_start3A_191 : memref<1x64xi32, #tpu.memory_space<vmem>> -> memref<64xi32, #tpu.memory_space<vmem>>
        %dma_start3A_193 = arith.constant 0 : i32
        %dma_start3A_194 = arith.constant 0 : i32
        %dma_start3A_195 = tpu.memref_slice %arg12[%dma_start3A_193, %dma_start3A_194] : memref<10112x128xf32, #tpu.memory_space<vmem_shared>> -> memref<10112x128xf32, #tpu.memory_space<vmem_shared>>
        tpu.enqueue_indirect_dma source(%arg9 : memref<64x128xf32, #tpu.memory_space<vmem>>) target(%dma_start3A_195 : memref<10112x128xf32, #tpu.memory_space<vmem_shared>>) offsets(%dma_start3A_192 : memref<64xi32, #tpu.memory_space<vmem>>) semaphore(%run_scoped3A : memref<!tpu.dma_semaphore, #tpu.memory_space<semaphore_mem>>) {add = true}
        %dma_wait3A_196 = arith.constant 0 : i32
        %dma_wait3A_197 = tpu.memref_slice %arg7[%add3A_142, %dma_wait3A_196] : memref<64x64xi32, #tpu.memory_space<vmem>> -> memref<1x64xi32, #tpu.memory_space<vmem>>
        %dma_wait3A_198 = tpu.memref_squeeze %dma_wait3A_197 : memref<1x64xi32, #tpu.memory_space<vmem>> -> memref<64xi32, #tpu.memory_space<vmem>>
        %dma_wait3A_199 = arith.constant 0 : i32
        %dma_wait3A_200 = arith.constant 0 : i32
        %dma_wait3A_201 = tpu.memref_slice %arg12[%dma_wait3A_199, %dma_wait3A_200] : memref<10112x128xf32, #tpu.memory_space<vmem_shared>> -> memref<10112x128xf32, #tpu.memory_space<vmem_shared>>
        tpu.wait_indirect_dma semaphore(%run_scoped3A : memref<!tpu.dma_semaphore, #tpu.memory_space<semaphore_mem>>) src(%arg9 : memref<64x128xf32, #tpu.memory_space<vmem>>) dst(%dma_wait3A_201 : memref<10112x128xf32, #tpu.memory_space<vmem_shared>>)
        tpu.yield
      }) : () -> ()
      %add3A_143 = arith.constant 4 : i32
      %add3A_144 = arith.addi %add3A_117, %add3A_143 : i32
      %add3A_145 = arith.constant 1 : i32
      %add3A_146 = arith.addi %add3A_144, %add3A_145 : i32
      %lt3A_147 = arith.constant 64 : i32
      %lt3A_148 = arith.cmpi slt, %add3A_146, %lt3A_147 : i32
      %convert_element_type3A_149 = arith.extui %lt3A_148 : i1 to i32
      %cond3A_150 = arith.constant 0 : i32
      %cond3A_151 = arith.cmpi ne, %convert_element_type3A_149, %cond3A_150 : i32
      scf.if %cond3A_151 {
        %add3A_190 = arith.constant 4 : i32
        %add3A_191 = arith.addi %add3A_117, %add3A_190 : i32
        %add3A_192 = arith.constant 1 : i32
        %add3A_193 = arith.addi %add3A_191, %add3A_192 : i32
        %dma_start3A_194 = arith.constant 0 : i32
        %dma_start3A_195 = tpu.memref_slice %arg6[%add3A_193, %dma_start3A_194] : memref<64x64xi32, #tpu.memory_space<vmem>> -> memref<1x64xi32, #tpu.memory_space<vmem>>
        %dma_start3A_196 = tpu.memref_squeeze %dma_start3A_195 : memref<1x64xi32, #tpu.memory_space<vmem>> -> memref<64xi32, #tpu.memory_space<vmem>>
        %dma_start3A_197 = arith.constant 0 : i32
        %dma_start3A_198 = arith.constant 0 : i32
        %dma_start3A_199 = tpu.memref_slice %arg2[%dma_start3A_197, %dma_start3A_198] : memref<10000x128xf32, #tpu.memory_space<hbm>> -> memref<10000x128xf32, #tpu.memory_space<hbm>>
        tpu.enqueue_indirect_dma source(%dma_start3A_199 : memref<10000x128xf32, #tpu.memory_space<hbm>>) target(%arg9 : memref<64x128xf32, #tpu.memory_space<vmem>>) offsets(%dma_start3A_196 : memref<64xi32, #tpu.memory_space<vmem>>) semaphore(%arg14 : memref<!tpu.dma_semaphore, #tpu.memory_space<semaphore_mem>>)
      } else {
      }
      %add3A_152 = arith.constant 2 : i32
      %add3A_153 = arith.addi %add3A_117, %add3A_152 : i32
      %dma_wait3A_154 = arith.constant 0 : i32
      %dma_wait3A_155 = tpu.memref_slice %arg6[%add3A_153, %dma_wait3A_154] : memref<64x64xi32, #tpu.memory_space<vmem>> -> memref<1x64xi32, #tpu.memory_space<vmem>>
      %dma_wait3A_156 = tpu.memref_squeeze %dma_wait3A_155 : memref<1x64xi32, #tpu.memory_space<vmem>> -> memref<64xi32, #tpu.memory_space<vmem>>
      %dma_wait3A_157 = arith.constant 0 : i32
      %dma_wait3A_158 = arith.constant 0 : i32
      %dma_wait3A_159 = tpu.memref_slice %arg2[%dma_wait3A_157, %dma_wait3A_158] : memref<10000x128xf32, #tpu.memory_space<hbm>> -> memref<10000x128xf32, #tpu.memory_space<hbm>>
      tpu.wait_indirect_dma semaphore(%arg15 : memref<!tpu.dma_semaphore, #tpu.memory_space<semaphore_mem>>) src(%dma_wait3A_159 : memref<10000x128xf32, #tpu.memory_space<hbm>>) dst(%arg10 : memref<64x128xf32, #tpu.memory_space<vmem>>)
      %add3A_160 = arith.constant 2 : i32
      %add3A_161 = arith.addi %add3A_117, %add3A_160 : i32
      "tpu.region"() ({
        %run_scoped3A = tpu.sem_alloc : memref<!tpu.dma_semaphore, #tpu.memory_space<semaphore_mem>>
        %dma_start3A_190 = arith.constant 0 : i32
        %dma_start3A_191 = tpu.memref_slice %arg7[%add3A_161, %dma_start3A_190] : memref<64x64xi32, #tpu.memory_space<vmem>> -> memref<1x64xi32, #tpu.memory_space<vmem>>
        %dma_start3A_192 = tpu.memref_squeeze %dma_start3A_191 : memref<1x64xi32, #tpu.memory_space<vmem>> -> memref<64xi32, #tpu.memory_space<vmem>>
        %dma_start3A_193 = arith.constant 0 : i32
        %dma_start3A_194 = arith.constant 0 : i32
        %dma_start3A_195 = tpu.memref_slice %arg12[%dma_start3A_193, %dma_start3A_194] : memref<10112x128xf32, #tpu.memory_space<vmem_shared>> -> memref<10112x128xf32, #tpu.memory_space<vmem_shared>>
        tpu.enqueue_indirect_dma source(%arg10 : memref<64x128xf32, #tpu.memory_space<vmem>>) target(%dma_start3A_195 : memref<10112x128xf32, #tpu.memory_space<vmem_shared>>) offsets(%dma_start3A_192 : memref<64xi32, #tpu.memory_space<vmem>>) semaphore(%run_scoped3A : memref<!tpu.dma_semaphore, #tpu.memory_space<semaphore_mem>>) {add = true}
        %dma_wait3A_196 = arith.constant 0 : i32
        %dma_wait3A_197 = tpu.memref_slice %arg7[%add3A_161, %dma_wait3A_196] : memref<64x64xi32, #tpu.memory_space<vmem>> -> memref<1x64xi32, #tpu.memory_space<vmem>>
        %dma_wait3A_198 = tpu.memref_squeeze %dma_wait3A_197 : memref<1x64xi32, #tpu.memory_space<vmem>> -> memref<64xi32, #tpu.memory_space<vmem>>
        %dma_wait3A_199 = arith.constant 0 : i32
        %dma_wait3A_200 = arith.constant 0 : i32
        %dma_wait3A_201 = tpu.memref_slice %arg12[%dma_wait3A_199, %dma_wait3A_200] : memref<10112x128xf32, #tpu.memory_space<vmem_shared>> -> memref<10112x128xf32, #tpu.memory_space<vmem_shared>>
        tpu.wait_indirect_dma semaphore(%run_scoped3A : memref<!tpu.dma_semaphore, #tpu.memory_space<semaphore_mem>>) src(%arg10 : memref<64x128xf32, #tpu.memory_space<vmem>>) dst(%dma_wait3A_201 : memref<10112x128xf32, #tpu.memory_space<vmem_shared>>)
        tpu.yield
      }) : () -> ()
      %add3A_162 = arith.constant 4 : i32
      %add3A_163 = arith.addi %add3A_117, %add3A_162 : i32
      %add3A_164 = arith.constant 2 : i32
      %add3A_165 = arith.addi %add3A_163, %add3A_164 : i32
      %lt3A_166 = arith.constant 64 : i32
      %lt3A_167 = arith.cmpi slt, %add3A_165, %lt3A_166 : i32
      %convert_element_type3A_168 = arith.extui %lt3A_167 : i1 to i32
      %cond3A_169 = arith.constant 0 : i32
      %cond3A_170 = arith.cmpi ne, %convert_element_type3A_168, %cond3A_169 : i32
      scf.if %cond3A_170 {
        %add3A_190 = arith.constant 4 : i32
        %add3A_191 = arith.addi %add3A_117, %add3A_190 : i32
        %add3A_192 = arith.constant 2 : i32
        %add3A_193 = arith.addi %add3A_191, %add3A_192 : i32
        %dma_start3A_194 = arith.constant 0 : i32
        %dma_start3A_195 = tpu.memref_slice %arg6[%add3A_193, %dma_start3A_194] : memref<64x64xi32, #tpu.memory_space<vmem>> -> memref<1x64xi32, #tpu.memory_space<vmem>>
        %dma_start3A_196 = tpu.memref_squeeze %dma_start3A_195 : memref<1x64xi32, #tpu.memory_space<vmem>> -> memref<64xi32, #tpu.memory_space<vmem>>
        %dma_start3A_197 = arith.constant 0 : i32
        %dma_start3A_198 = arith.constant 0 : i32
        %dma_start3A_199 = tpu.memref_slice %arg2[%dma_start3A_197, %dma_start3A_198] : memref<10000x128xf32, #tpu.memory_space<hbm>> -> memref<10000x128xf32, #tpu.memory_space<hbm>>
        tpu.enqueue_indirect_dma source(%dma_start3A_199 : memref<10000x128xf32, #tpu.memory_space<hbm>>) target(%arg10 : memref<64x128xf32, #tpu.memory_space<vmem>>) offsets(%dma_start3A_196 : memref<64xi32, #tpu.memory_space<vmem>>) semaphore(%arg15 : memref<!tpu.dma_semaphore, #tpu.memory_space<semaphore_mem>>)
      } else {
      }
      %add3A_171 = arith.constant 3 : i32
      %add3A_172 = arith.addi %add3A_117, %add3A_171 : i32
      %dma_wait3A_173 = arith.constant 0 : i32
      %dma_wait3A_174 = tpu.memref_slice %arg6[%add3A_172, %dma_wait3A_173] : memref<64x64xi32, #tpu.memory_space<vmem>> -> memref<1x64xi32, #tpu.memory_space<vmem>>
      %dma_wait3A_175 = tpu.memref_squeeze %dma_wait3A_174 : memref<1x64xi32, #tpu.memory_space<vmem>> -> memref<64xi32, #tpu.memory_space<vmem>>
      %dma_wait3A_176 = arith.constant 0 : i32
      %dma_wait3A_177 = arith.constant 0 : i32
      %dma_wait3A_178 = tpu.memref_slice %arg2[%dma_wait3A_176, %dma_wait3A_177] : memref<10000x128xf32, #tpu.memory_space<hbm>> -> memref<10000x128xf32, #tpu.memory_space<hbm>>
      tpu.wait_indirect_dma semaphore(%arg16 : memref<!tpu.dma_semaphore, #tpu.memory_space<semaphore_mem>>) src(%dma_wait3A_178 : memref<10000x128xf32, #tpu.memory_space<hbm>>) dst(%arg11 : memref<64x128xf32, #tpu.memory_space<vmem>>)
      %add3A_179 = arith.constant 3 : i32
      %add3A_180 = arith.addi %add3A_117, %add3A_179 : i32
      "tpu.region"() ({
        %run_scoped3A = tpu.sem_alloc : memref<!tpu.dma_semaphore, #tpu.memory_space<semaphore_mem>>
        %dma_start3A_190 = arith.constant 0 : i32
        %dma_start3A_191 = tpu.memref_slice %arg7[%add3A_180, %dma_start3A_190] : memref<64x64xi32, #tpu.memory_space<vmem>> -> memref<1x64xi32, #tpu.memory_space<vmem>>
        %dma_start3A_192 = tpu.memref_squeeze %dma_start3A_191 : memref<1x64xi32, #tpu.memory_space<vmem>> -> memref<64xi32, #tpu.memory_space<vmem>>
        %dma_start3A_193 = arith.constant 0 : i32
        %dma_start3A_194 = arith.constant 0 : i32
        %dma_start3A_195 = tpu.memref_slice %arg12[%dma_start3A_193, %dma_start3A_194] : memref<10112x128xf32, #tpu.memory_space<vmem_shared>> -> memref<10112x128xf32, #tpu.memory_space<vmem_shared>>
        tpu.enqueue_indirect_dma source(%arg11 : memref<64x128xf32, #tpu.memory_space<vmem>>) target(%dma_start3A_195 : memref<10112x128xf32, #tpu.memory_space<vmem_shared>>) offsets(%dma_start3A_192 : memref<64xi32, #tpu.memory_space<vmem>>) semaphore(%run_scoped3A : memref<!tpu.dma_semaphore, #tpu.memory_space<semaphore_mem>>) {add = true}
        %dma_wait3A_196 = arith.constant 0 : i32
        %dma_wait3A_197 = tpu.memref_slice %arg7[%add3A_180, %dma_wait3A_196] : memref<64x64xi32, #tpu.memory_space<vmem>> -> memref<1x64xi32, #tpu.memory_space<vmem>>
        %dma_wait3A_198 = tpu.memref_squeeze %dma_wait3A_197 : memref<1x64xi32, #tpu.memory_space<vmem>> -> memref<64xi32, #tpu.memory_space<vmem>>
        %dma_wait3A_199 = arith.constant 0 : i32
        %dma_wait3A_200 = arith.constant 0 : i32
        %dma_wait3A_201 = tpu.memref_slice %arg12[%dma_wait3A_199, %dma_wait3A_200] : memref<10112x128xf32, #tpu.memory_space<vmem_shared>> -> memref<10112x128xf32, #tpu.memory_space<vmem_shared>>
        tpu.wait_indirect_dma semaphore(%run_scoped3A : memref<!tpu.dma_semaphore, #tpu.memory_space<semaphore_mem>>) src(%arg11 : memref<64x128xf32, #tpu.memory_space<vmem>>) dst(%dma_wait3A_201 : memref<10112x128xf32, #tpu.memory_space<vmem_shared>>)
        tpu.yield
      }) : () -> ()
      %add3A_181 = arith.constant 4 : i32
      %add3A_182 = arith.addi %add3A_117, %add3A_181 : i32
      %add3A_183 = arith.constant 3 : i32
      %add3A_184 = arith.addi %add3A_182, %add3A_183 : i32
      %lt3A_185 = arith.constant 64 : i32
      %lt3A_186 = arith.cmpi slt, %add3A_184, %lt3A_185 : i32
      %convert_element_type3A_187 = arith.extui %lt3A_186 : i1 to i32
      %cond3A_188 = arith.constant 0 : i32
      %cond3A_189 = arith.cmpi ne, %convert_element_type3A_187, %cond3A_188 : i32
      scf.if %cond3A_189 {
        %add3A_190 = arith.constant 4 : i32
        %add3A_191 = arith.addi %add3A_117, %add3A_190 : i32
        %add3A_192 = arith.constant 3 : i32
        %add3A_193 = arith.addi %add3A_191, %add3A_192 : i32
        %dma_start3A_194 = arith.constant 0 : i32
        %dma_start3A_195 = tpu.memref_slice %arg6[%add3A_193, %dma_start3A_194] : memref<64x64xi32, #tpu.memory_space<vmem>> -> memref<1x64xi32, #tpu.memory_space<vmem>>
        %dma_start3A_196 = tpu.memref_squeeze %dma_start3A_195 : memref<1x64xi32, #tpu.memory_space<vmem>> -> memref<64xi32, #tpu.memory_space<vmem>>
        %dma_start3A_197 = arith.constant 0 : i32
        %dma_start3A_198 = arith.constant 0 : i32
        %dma_start3A_199 = tpu.memref_slice %arg2[%dma_start3A_197, %dma_start3A_198] : memref<10000x128xf32, #tpu.memory_space<hbm>> -> memref<10000x128xf32, #tpu.memory_space<hbm>>
        tpu.enqueue_indirect_dma source(%dma_start3A_199 : memref<10000x128xf32, #tpu.memory_space<hbm>>) target(%arg11 : memref<64x128xf32, #tpu.memory_space<vmem>>) offsets(%dma_start3A_196 : memref<64xi32, #tpu.memory_space<vmem>>) semaphore(%arg16 : memref<!tpu.dma_semaphore, #tpu.memory_space<semaphore_mem>>)
      } else {
      }
    }
    %scan3A_45 = arith.constant 16 : i32
    "tpu.region"() ({
      %run_scoped3A = tpu.sem_alloc : memref<!tpu.dma_semaphore, #tpu.memory_space<semaphore_mem>>
      %dma_start3A_113 = arith.constant 0 : i32
      %dma_start3A_114 = arith.constant 0 : i32
      %dma_start3A_115 = tpu.memref_slice %arg6[%dma_start3A_113, %dma_start3A_114] : memref<64x64xi32, #tpu.memory_space<vmem>> -> memref<64x64xi32, #tpu.memory_space<vmem>>
      %dma_start3A_116 = arith.constant 0 : i32
      %dma_start3A_117 = arith.constant 0 : i32
      %dma_start3A_118 = tpu.memref_slice %arg3[%add3A, %dma_start3A_116, %dma_start3A_117] : memref<32x160x64xi32, #tpu.memory_space<hbm>> -> memref<1x160x64xi32, #tpu.memory_space<hbm>>
      %dma_start3A_119 = tpu.memref_squeeze %dma_start3A_118 : memref<1x160x64xi32, #tpu.memory_space<hbm>> -> memref<160x64xi32, #tpu.memory_space<hbm>>
      %dma_start3A_120 = arith.constant 64 : i32
      %dma_start3A_121 = arith.constant 0 : i32
      %dma_start3A_122 = tpu.memref_slice %dma_start3A_119[%dma_start3A_120, %dma_start3A_121] : memref<160x64xi32, #tpu.memory_space<hbm>> -> memref<64x64xi32, #tpu.memory_space<hbm>>
      %dma_start3A_123 = arith.constant 0 : i32
      %dma_start3A_124 = arith.constant 0 : i32
      %dma_start3A_125 = tpu.memref_slice %arg6[%dma_start3A_123, %dma_start3A_124] : memref<64x64xi32, #tpu.memory_space<vmem>> -> memref<64x64xi32, #tpu.memory_space<vmem>>
      %dma_start3A_126 = arith.constant 0 : i32
      %dma_start3A_127 = arith.constant 0 : i32
      %dma_start3A_128 = tpu.memref_slice %arg3[%add3A, %dma_start3A_126, %dma_start3A_127] : memref<32x160x64xi32, #tpu.memory_space<hbm>> -> memref<1x160x64xi32, #tpu.memory_space<hbm>>
      %dma_start3A_129 = tpu.memref_squeeze %dma_start3A_128 : memref<1x160x64xi32, #tpu.memory_space<hbm>> -> memref<160x64xi32, #tpu.memory_space<hbm>>
      %dma_start3A_130 = arith.constant 64 : i32
      %dma_start3A_131 = arith.constant 0 : i32
      %dma_start3A_132 = tpu.memref_slice %dma_start3A_129[%dma_start3A_130, %dma_start3A_131] : memref<160x64xi32, #tpu.memory_space<hbm>> -> memref<64x64xi32, #tpu.memory_space<hbm>>
      tpu.enqueue_dma source(%dma_start3A_132 : memref<64x64xi32, #tpu.memory_space<hbm>>) target(%dma_start3A_125 : memref<64x64xi32, #tpu.memory_space<vmem>>) target_semaphore(%run_scoped3A : memref<!tpu.dma_semaphore, #tpu.memory_space<semaphore_mem>>)
      %dma_wait3A = arith.constant 0 : i32
      %dma_wait3A_133 = arith.constant 0 : i32
      %dma_wait3A_134 = tpu.memref_slice %arg6[%dma_wait3A, %dma_wait3A_133] : memref<64x64xi32, #tpu.memory_space<vmem>> -> memref<64x64xi32, #tpu.memory_space<vmem>>
      %dma_wait3A_135 = arith.constant 0 : i32
      %dma_wait3A_136 = arith.constant 0 : i32
      %dma_wait3A_137 = tpu.memref_slice %arg3[%add3A, %dma_wait3A_135, %dma_wait3A_136] : memref<32x160x64xi32, #tpu.memory_space<hbm>> -> memref<1x160x64xi32, #tpu.memory_space<hbm>>
      %dma_wait3A_138 = tpu.memref_squeeze %dma_wait3A_137 : memref<1x160x64xi32, #tpu.memory_space<hbm>> -> memref<160x64xi32, #tpu.memory_space<hbm>>
      %dma_wait3A_139 = arith.constant 64 : i32
      %dma_wait3A_140 = arith.constant 0 : i32
      %dma_wait3A_141 = tpu.memref_slice %dma_wait3A_138[%dma_wait3A_139, %dma_wait3A_140] : memref<160x64xi32, #tpu.memory_space<hbm>> -> memref<64x64xi32, #tpu.memory_space<hbm>>
      %dma_wait3A_142 = arith.constant 0 : i32
      %dma_wait3A_143 = arith.constant 0 : i32
      %dma_wait3A_144 = tpu.memref_slice %arg6[%dma_wait3A_142, %dma_wait3A_143] : memref<64x64xi32, #tpu.memory_space<vmem>> -> memref<64x64xi32, #tpu.memory_space<vmem>>
      %dma_wait3A_145 = arith.constant 0 : i32
      %dma_wait3A_146 = arith.constant 0 : i32
      %dma_wait3A_147 = tpu.memref_slice %arg3[%add3A, %dma_wait3A_145, %dma_wait3A_146] : memref<32x160x64xi32, #tpu.memory_space<hbm>> -> memref<1x160x64xi32, #tpu.memory_space<hbm>>
      %dma_wait3A_148 = tpu.memref_squeeze %dma_wait3A_147 : memref<1x160x64xi32, #tpu.memory_space<hbm>> -> memref<160x64xi32, #tpu.memory_space<hbm>>
      %dma_wait3A_149 = arith.constant 64 : i32
      %dma_wait3A_150 = arith.constant 0 : i32
      %dma_wait3A_151 = tpu.memref_slice %dma_wait3A_148[%dma_wait3A_149, %dma_wait3A_150] : memref<160x64xi32, #tpu.memory_space<hbm>> -> memref<64x64xi32, #tpu.memory_space<hbm>>
      tpu.wait_dma2 semaphore(%run_scoped3A : memref<!tpu.dma_semaphore, #tpu.memory_space<semaphore_mem>>) src(%dma_wait3A_151 : memref<64x64xi32, #tpu.memory_space<hbm>>) dst(%dma_wait3A_144 : memref<64x64xi32, #tpu.memory_space<vmem>>)
      tpu.yield
    }) : () -> ()
    "tpu.region"() ({
      %run_scoped3A = tpu.sem_alloc : memref<!tpu.dma_semaphore, #tpu.memory_space<semaphore_mem>>
      %dma_start3A_113 = arith.constant 0 : i32
      %dma_start3A_114 = arith.constant 0 : i32
      %dma_start3A_115 = tpu.memref_slice %arg7[%dma_start3A_113, %dma_start3A_114] : memref<64x64xi32, #tpu.memory_space<vmem>> -> memref<64x64xi32, #tpu.memory_space<vmem>>
      %dma_start3A_116 = arith.constant 0 : i32
      %dma_start3A_117 = arith.constant 0 : i32
      %dma_start3A_118 = tpu.memref_slice %arg4[%add3A, %dma_start3A_116, %dma_start3A_117] : memref<32x160x64xi32, #tpu.memory_space<hbm>> -> memref<1x160x64xi32, #tpu.memory_space<hbm>>
      %dma_start3A_119 = tpu.memref_squeeze %dma_start3A_118 : memref<1x160x64xi32, #tpu.memory_space<hbm>> -> memref<160x64xi32, #tpu.memory_space<hbm>>
      %dma_start3A_120 = arith.constant 64 : i32
      %dma_start3A_121 = arith.constant 0 : i32
      %dma_start3A_122 = tpu.memref_slice %dma_start3A_119[%dma_start3A_120, %dma_start3A_121] : memref<160x64xi32, #tpu.memory_space<hbm>> -> memref<64x64xi32, #tpu.memory_space<hbm>>
      %dma_start3A_123 = arith.constant 0 : i32
      %dma_start3A_124 = arith.constant 0 : i32
      %dma_start3A_125 = tpu.memref_slice %arg7[%dma_start3A_123, %dma_start3A_124] : memref<64x64xi32, #tpu.memory_space<vmem>> -> memref<64x64xi32, #tpu.memory_space<vmem>>
      %dma_start3A_126 = arith.constant 0 : i32
      %dma_start3A_127 = arith.constant 0 : i32
      %dma_start3A_128 = tpu.memref_slice %arg4[%add3A, %dma_start3A_126, %dma_start3A_127] : memref<32x160x64xi32, #tpu.memory_space<hbm>> -> memref<1x160x64xi32, #tpu.memory_space<hbm>>
      %dma_start3A_129 = tpu.memref_squeeze %dma_start3A_128 : memref<1x160x64xi32, #tpu.memory_space<hbm>> -> memref<160x64xi32, #tpu.memory_space<hbm>>
      %dma_start3A_130 = arith.constant 64 : i32
      %dma_start3A_131 = arith.constant 0 : i32
      %dma_start3A_132 = tpu.memref_slice %dma_start3A_129[%dma_start3A_130, %dma_start3A_131] : memref<160x64xi32, #tpu.memory_space<hbm>> -> memref<64x64xi32, #tpu.memory_space<hbm>>
      tpu.enqueue_dma source(%dma_start3A_132 : memref<64x64xi32, #tpu.memory_space<hbm>>) target(%dma_start3A_125 : memref<64x64xi32, #tpu.memory_space<vmem>>) target_semaphore(%run_scoped3A : memref<!tpu.dma_semaphore, #tpu.memory_space<semaphore_mem>>)
      %dma_wait3A = arith.constant 0 : i32
      %dma_wait3A_133 = arith.constant 0 : i32
      %dma_wait3A_134 = tpu.memref_slice %arg7[%dma_wait3A, %dma_wait3A_133] : memref<64x64xi32, #tpu.memory_space<vmem>> -> memref<64x64xi32, #tpu.memory_space<vmem>>
      %dma_wait3A_135 = arith.constant 0 : i32
      %dma_wait3A_136 = arith.constant 0 : i32
      %dma_wait3A_137 = tpu.memref_slice %arg4[%add3A, %dma_wait3A_135, %dma_wait3A_136] : memref<32x160x64xi32, #tpu.memory_space<hbm>> -> memref<1x160x64xi32, #tpu.memory_space<hbm>>
      %dma_wait3A_138 = tpu.memref_squeeze %dma_wait3A_137 : memref<1x160x64xi32, #tpu.memory_space<hbm>> -> memref<160x64xi32, #tpu.memory_space<hbm>>
      %dma_wait3A_139 = arith.constant 64 : i32
      %dma_wait3A_140 = arith.constant 0 : i32
      %dma_wait3A_141 = tpu.memref_slice %dma_wait3A_138[%dma_wait3A_139, %dma_wait3A_140] : memref<160x64xi32, #tpu.memory_space<hbm>> -> memref<64x64xi32, #tpu.memory_space<hbm>>
      %dma_wait3A_142 = arith.constant 0 : i32
      %dma_wait3A_143 = arith.constant 0 : i32
      %dma_wait3A_144 = tpu.memref_slice %arg7[%dma_wait3A_142, %dma_wait3A_143] : memref<64x64xi32, #tpu.memory_space<vmem>> -> memref<64x64xi32, #tpu.memory_space<vmem>>
      %dma_wait3A_145 = arith.constant 0 : i32
      %dma_wait3A_146 = arith.constant 0 : i32
      %dma_wait3A_147 = tpu.memref_slice %arg4[%add3A, %dma_wait3A_145, %dma_wait3A_146] : memref<32x160x64xi32, #tpu.memory_space<hbm>> -> memref<1x160x64xi32, #tpu.memory_space<hbm>>
      %dma_wait3A_148 = tpu.memref_squeeze %dma_wait3A_147 : memref<1x160x64xi32, #tpu.memory_space<hbm>> -> memref<160x64xi32, #tpu.memory_space<hbm>>
      %dma_wait3A_149 = arith.constant 64 : i32
      %dma_wait3A_150 = arith.constant 0 : i32
      %dma_wait3A_151 = tpu.memref_slice %dma_wait3A_148[%dma_wait3A_149, %dma_wait3A_150] : memref<160x64xi32, #tpu.memory_space<hbm>> -> memref<64x64xi32, #tpu.memory_space<hbm>>
      tpu.wait_dma2 semaphore(%run_scoped3A : memref<!tpu.dma_semaphore, #tpu.memory_space<semaphore_mem>>) src(%dma_wait3A_151 : memref<64x64xi32, #tpu.memory_space<hbm>>) dst(%dma_wait3A_144 : memref<64x64xi32, #tpu.memory_space<vmem>>)
      tpu.yield
    }) : () -> ()
    %dma_start3A_46 = arith.constant 0 : i32
    %dma_start3A_47 = arith.constant 0 : i32
    %dma_start3A_48 = tpu.memref_slice %arg6[%dma_start3A_46, %dma_start3A_47] : memref<64x64xi32, #tpu.memory_space<vmem>> -> memref<1x64xi32, #tpu.memory_space<vmem>>
    %dma_start3A_49 = tpu.memref_squeeze %dma_start3A_48 : memref<1x64xi32, #tpu.memory_space<vmem>> -> memref<64xi32, #tpu.memory_space<vmem>>
    %dma_start3A_50 = arith.constant 0 : i32
    %dma_start3A_51 = arith.constant 0 : i32
    %dma_start3A_52 = tpu.memref_slice %arg2[%dma_start3A_50, %dma_start3A_51] : memref<10000x128xf32, #tpu.memory_space<hbm>> -> memref<10000x128xf32, #tpu.memory_space<hbm>>
    tpu.enqueue_indirect_dma source(%dma_start3A_52 : memref<10000x128xf32, #tpu.memory_space<hbm>>) target(%arg8 : memref<64x128xf32, #tpu.memory_space<vmem>>) offsets(%dma_start3A_49 : memref<64xi32, #tpu.memory_space<vmem>>) semaphore(%arg13 : memref<!tpu.dma_semaphore, #tpu.memory_space<semaphore_mem>>)
    %dma_start3A_53 = arith.constant 1 : i32
    %dma_start3A_54 = arith.constant 0 : i32
    %dma_start3A_55 = tpu.memref_slice %arg6[%dma_start3A_53, %dma_start3A_54] : memref<64x64xi32, #tpu.memory_space<vmem>> -> memref<1x64xi32, #tpu.memory_space<vmem>>
    %dma_start3A_56 = tpu.memref_squeeze %dma_start3A_55 : memref<1x64xi32, #tpu.memory_space<vmem>> -> memref<64xi32, #tpu.memory_space<vmem>>
    %dma_start3A_57 = arith.constant 0 : i32
    %dma_start3A_58 = arith.constant 0 : i32
    %dma_start3A_59 = tpu.memref_slice %arg2[%dma_start3A_57, %dma_start3A_58] : memref<10000x128xf32, #tpu.memory_space<hbm>> -> memref<10000x128xf32, #tpu.memory_space<hbm>>
    tpu.enqueue_indirect_dma source(%dma_start3A_59 : memref<10000x128xf32, #tpu.memory_space<hbm>>) target(%arg9 : memref<64x128xf32, #tpu.memory_space<vmem>>) offsets(%dma_start3A_56 : memref<64xi32, #tpu.memory_space<vmem>>) semaphore(%arg14 : memref<!tpu.dma_semaphore, #tpu.memory_space<semaphore_mem>>)
    %dma_start3A_60 = arith.constant 2 : i32
    %dma_start3A_61 = arith.constant 0 : i32
    %dma_start3A_62 = tpu.memref_slice %arg6[%dma_start3A_60, %dma_start3A_61] : memref<64x64xi32, #tpu.memory_space<vmem>> -> memref<1x64xi32, #tpu.memory_space<vmem>>
    %dma_start3A_63 = tpu.memref_squeeze %dma_start3A_62 : memref<1x64xi32, #tpu.memory_space<vmem>> -> memref<64xi32, #tpu.memory_space<vmem>>
    %dma_start3A_64 = arith.constant 0 : i32
    %dma_start3A_65 = arith.constant 0 : i32
    %dma_start3A_66 = tpu.memref_slice %arg2[%dma_start3A_64, %dma_start3A_65] : memref<10000x128xf32, #tpu.memory_space<hbm>> -> memref<10000x128xf32, #tpu.memory_space<hbm>>
    tpu.enqueue_indirect_dma source(%dma_start3A_66 : memref<10000x128xf32, #tpu.memory_space<hbm>>) target(%arg10 : memref<64x128xf32, #tpu.memory_space<vmem>>) offsets(%dma_start3A_63 : memref<64xi32, #tpu.memory_space<vmem>>) semaphore(%arg15 : memref<!tpu.dma_semaphore, #tpu.memory_space<semaphore_mem>>)
    %dma_start3A_67 = arith.constant 3 : i32
    %dma_start3A_68 = arith.constant 0 : i32
    %dma_start3A_69 = tpu.memref_slice %arg6[%dma_start3A_67, %dma_start3A_68] : memref<64x64xi32, #tpu.memory_space<vmem>> -> memref<1x64xi32, #tpu.memory_space<vmem>>
    %dma_start3A_70 = tpu.memref_squeeze %dma_start3A_69 : memref<1x64xi32, #tpu.memory_space<vmem>> -> memref<64xi32, #tpu.memory_space<vmem>>
    %dma_start3A_71 = arith.constant 0 : i32
    %dma_start3A_72 = arith.constant 0 : i32
    %dma_start3A_73 = tpu.memref_slice %arg2[%dma_start3A_71, %dma_start3A_72] : memref<10000x128xf32, #tpu.memory_space<hbm>> -> memref<10000x128xf32, #tpu.memory_space<hbm>>
    tpu.enqueue_indirect_dma source(%dma_start3A_73 : memref<10000x128xf32, #tpu.memory_space<hbm>>) target(%arg11 : memref<64x128xf32, #tpu.memory_space<vmem>>) offsets(%dma_start3A_70 : memref<64xi32, #tpu.memory_space<vmem>>) semaphore(%arg16 : memref<!tpu.dma_semaphore, #tpu.memory_space<semaphore_mem>>)
    %scan3A_74 = arith.constant 0 : i32
    %scan3A_75 = arith.constant 16 : i32
    %scan3A_76 = arith.addi %scan3A_74, %scan3A_75 : i32
    %scan3A_77 = arith.constant 1 : i32
    scf.for %scan3A_113 = %scan3A_74 to %scan3A_76 step %scan3A_77  : i32 {
      %mul3A_114 = arith.constant 4 : i32
      %mul3A_115 = arith.muli %scan3A_113, %mul3A_114 : i32
      %add3A_116 = arith.constant 0 : i32
      %add3A_117 = arith.addi %add3A_116, %mul3A_115 : i32
      %add3A_118 = arith.constant 0 : i32
      %add3A_119 = arith.addi %add3A_117, %add3A_118 : i32
      %dma_wait3A = arith.constant 0 : i32
      %dma_wait3A_120 = tpu.memref_slice %arg6[%add3A_119, %dma_wait3A] : memref<64x64xi32, #tpu.memory_space<vmem>> -> memref<1x64xi32, #tpu.memory_space<vmem>>
      %dma_wait3A_121 = tpu.memref_squeeze %dma_wait3A_120 : memref<1x64xi32, #tpu.memory_space<vmem>> -> memref<64xi32, #tpu.memory_space<vmem>>
      %dma_wait3A_122 = arith.constant 0 : i32
      %dma_wait3A_123 = arith.constant 0 : i32
      %dma_wait3A_124 = tpu.memref_slice %arg2[%dma_wait3A_122, %dma_wait3A_123] : memref<10000x128xf32, #tpu.memory_space<hbm>> -> memref<10000x128xf32, #tpu.memory_space<hbm>>
      tpu.wait_indirect_dma semaphore(%arg13 : memref<!tpu.dma_semaphore, #tpu.memory_space<semaphore_mem>>) src(%dma_wait3A_124 : memref<10000x128xf32, #tpu.memory_space<hbm>>) dst(%arg8 : memref<64x128xf32, #tpu.memory_space<vmem>>)
      %add3A_125 = arith.constant 0 : i32
      %add3A_126 = arith.addi %add3A_117, %add3A_125 : i32
      "tpu.region"() ({
        %run_scoped3A = tpu.sem_alloc : memref<!tpu.dma_semaphore, #tpu.memory_space<semaphore_mem>>
        %dma_start3A_190 = arith.constant 0 : i32
        %dma_start3A_191 = tpu.memref_slice %arg7[%add3A_126, %dma_start3A_190] : memref<64x64xi32, #tpu.memory_space<vmem>> -> memref<1x64xi32, #tpu.memory_space<vmem>>
        %dma_start3A_192 = tpu.memref_squeeze %dma_start3A_191 : memref<1x64xi32, #tpu.memory_space<vmem>> -> memref<64xi32, #tpu.memory_space<vmem>>
        %dma_start3A_193 = arith.constant 0 : i32
        %dma_start3A_194 = arith.constant 0 : i32
        %dma_start3A_195 = tpu.memref_slice %arg12[%dma_start3A_193, %dma_start3A_194] : memref<10112x128xf32, #tpu.memory_space<vmem_shared>> -> memref<10112x128xf32, #tpu.memory_space<vmem_shared>>
        tpu.enqueue_indirect_dma source(%arg8 : memref<64x128xf32, #tpu.memory_space<vmem>>) target(%dma_start3A_195 : memref<10112x128xf32, #tpu.memory_space<vmem_shared>>) offsets(%dma_start3A_192 : memref<64xi32, #tpu.memory_space<vmem>>) semaphore(%run_scoped3A : memref<!tpu.dma_semaphore, #tpu.memory_space<semaphore_mem>>) {add = true}
        %dma_wait3A_196 = arith.constant 0 : i32
        %dma_wait3A_197 = tpu.memref_slice %arg7[%add3A_126, %dma_wait3A_196] : memref<64x64xi32, #tpu.memory_space<vmem>> -> memref<1x64xi32, #tpu.memory_space<vmem>>
        %dma_wait3A_198 = tpu.memref_squeeze %dma_wait3A_197 : memref<1x64xi32, #tpu.memory_space<vmem>> -> memref<64xi32, #tpu.memory_space<vmem>>
        %dma_wait3A_199 = arith.constant 0 : i32
        %dma_wait3A_200 = arith.constant 0 : i32
        %dma_wait3A_201 = tpu.memref_slice %arg12[%dma_wait3A_199, %dma_wait3A_200] : memref<10112x128xf32, #tpu.memory_space<vmem_shared>> -> memref<10112x128xf32, #tpu.memory_space<vmem_shared>>
        tpu.wait_indirect_dma semaphore(%run_scoped3A : memref<!tpu.dma_semaphore, #tpu.memory_space<semaphore_mem>>) src(%arg8 : memref<64x128xf32, #tpu.memory_space<vmem>>) dst(%dma_wait3A_201 : memref<10112x128xf32, #tpu.memory_space<vmem_shared>>)
        tpu.yield
      }) : () -> ()
      %add3A_127 = arith.constant 4 : i32
      %add3A_128 = arith.addi %add3A_117, %add3A_127 : i32
      %add3A_129 = arith.constant 0 : i32
      %add3A_130 = arith.addi %add3A_128, %add3A_129 : i32
      %lt3A = arith.constant 64 : i32
      %lt3A_131 = arith.cmpi slt, %add3A_130, %lt3A : i32
      %convert_element_type3A = arith.extui %lt3A_131 : i1 to i32
      %cond3A = arith.constant 0 : i32
      %cond3A_132 = arith.cmpi ne, %convert_element_type3A, %cond3A : i32
      scf.if %cond3A_132 {
        %add3A_190 = arith.constant 4 : i32
        %add3A_191 = arith.addi %add3A_117, %add3A_190 : i32
        %add3A_192 = arith.constant 0 : i32
        %add3A_193 = arith.addi %add3A_191, %add3A_192 : i32
        %dma_start3A_194 = arith.constant 0 : i32
        %dma_start3A_195 = tpu.memref_slice %arg6[%add3A_193, %dma_start3A_194] : memref<64x64xi32, #tpu.memory_space<vmem>> -> memref<1x64xi32, #tpu.memory_space<vmem>>
        %dma_start3A_196 = tpu.memref_squeeze %dma_start3A_195 : memref<1x64xi32, #tpu.memory_space<vmem>> -> memref<64xi32, #tpu.memory_space<vmem>>
        %dma_start3A_197 = arith.constant 0 : i32
        %dma_start3A_198 = arith.constant 0 : i32
        %dma_start3A_199 = tpu.memref_slice %arg2[%dma_start3A_197, %dma_start3A_198] : memref<10000x128xf32, #tpu.memory_space<hbm>> -> memref<10000x128xf32, #tpu.memory_space<hbm>>
        tpu.enqueue_indirect_dma source(%dma_start3A_199 : memref<10000x128xf32, #tpu.memory_space<hbm>>) target(%arg8 : memref<64x128xf32, #tpu.memory_space<vmem>>) offsets(%dma_start3A_196 : memref<64xi32, #tpu.memory_space<vmem>>) semaphore(%arg13 : memref<!tpu.dma_semaphore, #tpu.memory_space<semaphore_mem>>)
      } else {
      }
      %add3A_133 = arith.constant 1 : i32
      %add3A_134 = arith.addi %add3A_117, %add3A_133 : i32
      %dma_wait3A_135 = arith.constant 0 : i32
      %dma_wait3A_136 = tpu.memref_slice %arg6[%add3A_134, %dma_wait3A_135] : memref<64x64xi32, #tpu.memory_space<vmem>> -> memref<1x64xi32, #tpu.memory_space<vmem>>
      %dma_wait3A_137 = tpu.memref_squeeze %dma_wait3A_136 : memref<1x64xi32, #tpu.memory_space<vmem>> -> memref<64xi32, #tpu.memory_space<vmem>>
      %dma_wait3A_138 = arith.constant 0 : i32
      %dma_wait3A_139 = arith.constant 0 : i32
      %dma_wait3A_140 = tpu.memref_slice %arg2[%dma_wait3A_138, %dma_wait3A_139] : memref<10000x128xf32, #tpu.memory_space<hbm>> -> memref<10000x128xf32, #tpu.memory_space<hbm>>
      tpu.wait_indirect_dma semaphore(%arg14 : memref<!tpu.dma_semaphore, #tpu.memory_space<semaphore_mem>>) src(%dma_wait3A_140 : memref<10000x128xf32, #tpu.memory_space<hbm>>) dst(%arg9 : memref<64x128xf32, #tpu.memory_space<vmem>>)
      %add3A_141 = arith.constant 1 : i32
      %add3A_142 = arith.addi %add3A_117, %add3A_141 : i32
      "tpu.region"() ({
        %run_scoped3A = tpu.sem_alloc : memref<!tpu.dma_semaphore, #tpu.memory_space<semaphore_mem>>
        %dma_start3A_190 = arith.constant 0 : i32
        %dma_start3A_191 = tpu.memref_slice %arg7[%add3A_142, %dma_start3A_190] : memref<64x64xi32, #tpu.memory_space<vmem>> -> memref<1x64xi32, #tpu.memory_space<vmem>>
        %dma_start3A_192 = tpu.memref_squeeze %dma_start3A_191 : memref<1x64xi32, #tpu.memory_space<vmem>> -> memref<64xi32, #tpu.memory_space<vmem>>
        %dma_start3A_193 = arith.constant 0 : i32
        %dma_start3A_194 = arith.constant 0 : i32
        %dma_start3A_195 = tpu.memref_slice %arg12[%dma_start3A_193, %dma_start3A_194] : memref<10112x128xf32, #tpu.memory_space<vmem_shared>> -> memref<10112x128xf32, #tpu.memory_space<vmem_shared>>
        tpu.enqueue_indirect_dma source(%arg9 : memref<64x128xf32, #tpu.memory_space<vmem>>) target(%dma_start3A_195 : memref<10112x128xf32, #tpu.memory_space<vmem_shared>>) offsets(%dma_start3A_192 : memref<64xi32, #tpu.memory_space<vmem>>) semaphore(%run_scoped3A : memref<!tpu.dma_semaphore, #tpu.memory_space<semaphore_mem>>) {add = true}
        %dma_wait3A_196 = arith.constant 0 : i32
        %dma_wait3A_197 = tpu.memref_slice %arg7[%add3A_142, %dma_wait3A_196] : memref<64x64xi32, #tpu.memory_space<vmem>> -> memref<1x64xi32, #tpu.memory_space<vmem>>
        %dma_wait3A_198 = tpu.memref_squeeze %dma_wait3A_197 : memref<1x64xi32, #tpu.memory_space<vmem>> -> memref<64xi32, #tpu.memory_space<vmem>>
        %dma_wait3A_199 = arith.constant 0 : i32
        %dma_wait3A_200 = arith.constant 0 : i32
        %dma_wait3A_201 = tpu.memref_slice %arg12[%dma_wait3A_199, %dma_wait3A_200] : memref<10112x128xf32, #tpu.memory_space<vmem_shared>> -> memref<10112x128xf32, #tpu.memory_space<vmem_shared>>
        tpu.wait_indirect_dma semaphore(%run_scoped3A : memref<!tpu.dma_semaphore, #tpu.memory_space<semaphore_mem>>) src(%arg9 : memref<64x128xf32, #tpu.memory_space<vmem>>) dst(%dma_wait3A_201 : memref<10112x128xf32, #tpu.memory_space<vmem_shared>>)
        tpu.yield
      }) : () -> ()
      %add3A_143 = arith.constant 4 : i32
      %add3A_144 = arith.addi %add3A_117, %add3A_143 : i32
      %add3A_145 = arith.constant 1 : i32
      %add3A_146 = arith.addi %add3A_144, %add3A_145 : i32
      %lt3A_147 = arith.constant 64 : i32
      %lt3A_148 = arith.cmpi slt, %add3A_146, %lt3A_147 : i32
      %convert_element_type3A_149 = arith.extui %lt3A_148 : i1 to i32
      %cond3A_150 = arith.constant 0 : i32
      %cond3A_151 = arith.cmpi ne, %convert_element_type3A_149, %cond3A_150 : i32
      scf.if %cond3A_151 {
        %add3A_190 = arith.constant 4 : i32
        %add3A_191 = arith.addi %add3A_117, %add3A_190 : i32
        %add3A_192 = arith.constant 1 : i32
        %add3A_193 = arith.addi %add3A_191, %add3A_192 : i32
        %dma_start3A_194 = arith.constant 0 : i32
        %dma_start3A_195 = tpu.memref_slice %arg6[%add3A_193, %dma_start3A_194] : memref<64x64xi32, #tpu.memory_space<vmem>> -> memref<1x64xi32, #tpu.memory_space<vmem>>
        %dma_start3A_196 = tpu.memref_squeeze %dma_start3A_195 : memref<1x64xi32, #tpu.memory_space<vmem>> -> memref<64xi32, #tpu.memory_space<vmem>>
        %dma_start3A_197 = arith.constant 0 : i32
        %dma_start3A_198 = arith.constant 0 : i32
        %dma_start3A_199 = tpu.memref_slice %arg2[%dma_start3A_197, %dma_start3A_198] : memref<10000x128xf32, #tpu.memory_space<hbm>> -> memref<10000x128xf32, #tpu.memory_space<hbm>>
        tpu.enqueue_indirect_dma source(%dma_start3A_199 : memref<10000x128xf32, #tpu.memory_space<hbm>>) target(%arg9 : memref<64x128xf32, #tpu.memory_space<vmem>>) offsets(%dma_start3A_196 : memref<64xi32, #tpu.memory_space<vmem>>) semaphore(%arg14 : memref<!tpu.dma_semaphore, #tpu.memory_space<semaphore_mem>>)
      } else {
      }
      %add3A_152 = arith.constant 2 : i32
      %add3A_153 = arith.addi %add3A_117, %add3A_152 : i32
      %dma_wait3A_154 = arith.constant 0 : i32
      %dma_wait3A_155 = tpu.memref_slice %arg6[%add3A_153, %dma_wait3A_154] : memref<64x64xi32, #tpu.memory_space<vmem>> -> memref<1x64xi32, #tpu.memory_space<vmem>>
      %dma_wait3A_156 = tpu.memref_squeeze %dma_wait3A_155 : memref<1x64xi32, #tpu.memory_space<vmem>> -> memref<64xi32, #tpu.memory_space<vmem>>
      %dma_wait3A_157 = arith.constant 0 : i32
      %dma_wait3A_158 = arith.constant 0 : i32
      %dma_wait3A_159 = tpu.memref_slice %arg2[%dma_wait3A_157, %dma_wait3A_158] : memref<10000x128xf32, #tpu.memory_space<hbm>> -> memref<10000x128xf32, #tpu.memory_space<hbm>>
      tpu.wait_indirect_dma semaphore(%arg15 : memref<!tpu.dma_semaphore, #tpu.memory_space<semaphore_mem>>) src(%dma_wait3A_159 : memref<10000x128xf32, #tpu.memory_space<hbm>>) dst(%arg10 : memref<64x128xf32, #tpu.memory_space<vmem>>)
      %add3A_160 = arith.constant 2 : i32
      %add3A_161 = arith.addi %add3A_117, %add3A_160 : i32
      "tpu.region"() ({
        %run_scoped3A = tpu.sem_alloc : memref<!tpu.dma_semaphore, #tpu.memory_space<semaphore_mem>>
        %dma_start3A_190 = arith.constant 0 : i32
        %dma_start3A_191 = tpu.memref_slice %arg7[%add3A_161, %dma_start3A_190] : memref<64x64xi32, #tpu.memory_space<vmem>> -> memref<1x64xi32, #tpu.memory_space<vmem>>
        %dma_start3A_192 = tpu.memref_squeeze %dma_start3A_191 : memref<1x64xi32, #tpu.memory_space<vmem>> -> memref<64xi32, #tpu.memory_space<vmem>>
        %dma_start3A_193 = arith.constant 0 : i32
        %dma_start3A_194 = arith.constant 0 : i32
        %dma_start3A_195 = tpu.memref_slice %arg12[%dma_start3A_193, %dma_start3A_194] : memref<10112x128xf32, #tpu.memory_space<vmem_shared>> -> memref<10112x128xf32, #tpu.memory_space<vmem_shared>>
        tpu.enqueue_indirect_dma source(%arg10 : memref<64x128xf32, #tpu.memory_space<vmem>>) target(%dma_start3A_195 : memref<10112x128xf32, #tpu.memory_space<vmem_shared>>) offsets(%dma_start3A_192 : memref<64xi32, #tpu.memory_space<vmem>>) semaphore(%run_scoped3A : memref<!tpu.dma_semaphore, #tpu.memory_space<semaphore_mem>>) {add = true}
        %dma_wait3A_196 = arith.constant 0 : i32
        %dma_wait3A_197 = tpu.memref_slice %arg7[%add3A_161, %dma_wait3A_196] : memref<64x64xi32, #tpu.memory_space<vmem>> -> memref<1x64xi32, #tpu.memory_space<vmem>>
        %dma_wait3A_198 = tpu.memref_squeeze %dma_wait3A_197 : memref<1x64xi32, #tpu.memory_space<vmem>> -> memref<64xi32, #tpu.memory_space<vmem>>
        %dma_wait3A_199 = arith.constant 0 : i32
        %dma_wait3A_200 = arith.constant 0 : i32
        %dma_wait3A_201 = tpu.memref_slice %arg12[%dma_wait3A_199, %dma_wait3A_200] : memref<10112x128xf32, #tpu.memory_space<vmem_shared>> -> memref<10112x128xf32, #tpu.memory_space<vmem_shared>>
        tpu.wait_indirect_dma semaphore(%run_scoped3A : memref<!tpu.dma_semaphore, #tpu.memory_space<semaphore_mem>>) src(%arg10 : memref<64x128xf32, #tpu.memory_space<vmem>>) dst(%dma_wait3A_201 : memref<10112x128xf32, #tpu.memory_space<vmem_shared>>)
        tpu.yield
      }) : () -> ()
      %add3A_162 = arith.constant 4 : i32
      %add3A_163 = arith.addi %add3A_117, %add3A_162 : i32
      %add3A_164 = arith.constant 2 : i32
      %add3A_165 = arith.addi %add3A_163, %add3A_164 : i32
      %lt3A_166 = arith.constant 64 : i32
      %lt3A_167 = arith.cmpi slt, %add3A_165, %lt3A_166 : i32
      %convert_element_type3A_168 = arith.extui %lt3A_167 : i1 to i32
      %cond3A_169 = arith.constant 0 : i32
      %cond3A_170 = arith.cmpi ne, %convert_element_type3A_168, %cond3A_169 : i32
      scf.if %cond3A_170 {
        %add3A_190 = arith.constant 4 : i32
        %add3A_191 = arith.addi %add3A_117, %add3A_190 : i32
        %add3A_192 = arith.constant 2 : i32
        %add3A_193 = arith.addi %add3A_191, %add3A_192 : i32
        %dma_start3A_194 = arith.constant 0 : i32
        %dma_start3A_195 = tpu.memref_slice %arg6[%add3A_193, %dma_start3A_194] : memref<64x64xi32, #tpu.memory_space<vmem>> -> memref<1x64xi32, #tpu.memory_space<vmem>>
        %dma_start3A_196 = tpu.memref_squeeze %dma_start3A_195 : memref<1x64xi32, #tpu.memory_space<vmem>> -> memref<64xi32, #tpu.memory_space<vmem>>
        %dma_start3A_197 = arith.constant 0 : i32
        %dma_start3A_198 = arith.constant 0 : i32
        %dma_start3A_199 = tpu.memref_slice %arg2[%dma_start3A_197, %dma_start3A_198] : memref<10000x128xf32, #tpu.memory_space<hbm>> -> memref<10000x128xf32, #tpu.memory_space<hbm>>
        tpu.enqueue_indirect_dma source(%dma_start3A_199 : memref<10000x128xf32, #tpu.memory_space<hbm>>) target(%arg10 : memref<64x128xf32, #tpu.memory_space<vmem>>) offsets(%dma_start3A_196 : memref<64xi32, #tpu.memory_space<vmem>>) semaphore(%arg15 : memref<!tpu.dma_semaphore, #tpu.memory_space<semaphore_mem>>)
      } else {
      }
      %add3A_171 = arith.constant 3 : i32
      %add3A_172 = arith.addi %add3A_117, %add3A_171 : i32
      %dma_wait3A_173 = arith.constant 0 : i32
      %dma_wait3A_174 = tpu.memref_slice %arg6[%add3A_172, %dma_wait3A_173] : memref<64x64xi32, #tpu.memory_space<vmem>> -> memref<1x64xi32, #tpu.memory_space<vmem>>
      %dma_wait3A_175 = tpu.memref_squeeze %dma_wait3A_174 : memref<1x64xi32, #tpu.memory_space<vmem>> -> memref<64xi32, #tpu.memory_space<vmem>>
      %dma_wait3A_176 = arith.constant 0 : i32
      %dma_wait3A_177 = arith.constant 0 : i32
      %dma_wait3A_178 = tpu.memref_slice %arg2[%dma_wait3A_176, %dma_wait3A_177] : memref<10000x128xf32, #tpu.memory_space<hbm>> -> memref<10000x128xf32, #tpu.memory_space<hbm>>
      tpu.wait_indirect_dma semaphore(%arg16 : memref<!tpu.dma_semaphore, #tpu.memory_space<semaphore_mem>>) src(%dma_wait3A_178 : memref<10000x128xf32, #tpu.memory_space<hbm>>) dst(%arg11 : memref<64x128xf32, #tpu.memory_space<vmem>>)
      %add3A_179 = arith.constant 3 : i32
      %add3A_180 = arith.addi %add3A_117, %add3A_179 : i32
      "tpu.region"() ({
        %run_scoped3A = tpu.sem_alloc : memref<!tpu.dma_semaphore, #tpu.memory_space<semaphore_mem>>
        %dma_start3A_190 = arith.constant 0 : i32
        %dma_start3A_191 = tpu.memref_slice %arg7[%add3A_180, %dma_start3A_190] : memref<64x64xi32, #tpu.memory_space<vmem>> -> memref<1x64xi32, #tpu.memory_space<vmem>>
        %dma_start3A_192 = tpu.memref_squeeze %dma_start3A_191 : memref<1x64xi32, #tpu.memory_space<vmem>> -> memref<64xi32, #tpu.memory_space<vmem>>
        %dma_start3A_193 = arith.constant 0 : i32
        %dma_start3A_194 = arith.constant 0 : i32
        %dma_start3A_195 = tpu.memref_slice %arg12[%dma_start3A_193, %dma_start3A_194] : memref<10112x128xf32, #tpu.memory_space<vmem_shared>> -> memref<10112x128xf32, #tpu.memory_space<vmem_shared>>
        tpu.enqueue_indirect_dma source(%arg11 : memref<64x128xf32, #tpu.memory_space<vmem>>) target(%dma_start3A_195 : memref<10112x128xf32, #tpu.memory_space<vmem_shared>>) offsets(%dma_start3A_192 : memref<64xi32, #tpu.memory_space<vmem>>) semaphore(%run_scoped3A : memref<!tpu.dma_semaphore, #tpu.memory_space<semaphore_mem>>) {add = true}
        %dma_wait3A_196 = arith.constant 0 : i32
        %dma_wait3A_197 = tpu.memref_slice %arg7[%add3A_180, %dma_wait3A_196] : memref<64x64xi32, #tpu.memory_space<vmem>> -> memref<1x64xi32, #tpu.memory_space<vmem>>
        %dma_wait3A_198 = tpu.memref_squeeze %dma_wait3A_197 : memref<1x64xi32, #tpu.memory_space<vmem>> -> memref<64xi32, #tpu.memory_space<vmem>>
        %dma_wait3A_199 = arith.constant 0 : i32
        %dma_wait3A_200 = arith.constant 0 : i32
        %dma_wait3A_201 = tpu.memref_slice %arg12[%dma_wait3A_199, %dma_wait3A_200] : memref<10112x128xf32, #tpu.memory_space<vmem_shared>> -> memref<10112x128xf32, #tpu.memory_space<vmem_shared>>
        tpu.wait_indirect_dma semaphore(%run_scoped3A : memref<!tpu.dma_semaphore, #tpu.memory_space<semaphore_mem>>) src(%arg11 : memref<64x128xf32, #tpu.memory_space<vmem>>) dst(%dma_wait3A_201 : memref<10112x128xf32, #tpu.memory_space<vmem_shared>>)
        tpu.yield
      }) : () -> ()
      %add3A_181 = arith.constant 4 : i32
      %add3A_182 = arith.addi %add3A_117, %add3A_181 : i32
      %add3A_183 = arith.constant 3 : i32
      %add3A_184 = arith.addi %add3A_182, %add3A_183 : i32
      %lt3A_185 = arith.constant 64 : i32
      %lt3A_186 = arith.cmpi slt, %add3A_184, %lt3A_185 : i32
      %convert_element_type3A_187 = arith.extui %lt3A_186 : i1 to i32
      %cond3A_188 = arith.constant 0 : i32
      %cond3A_189 = arith.cmpi ne, %convert_element_type3A_187, %cond3A_188 : i32
      scf.if %cond3A_189 {
        %add3A_190 = arith.constant 4 : i32
        %add3A_191 = arith.addi %add3A_117, %add3A_190 : i32
        %add3A_192 = arith.constant 3 : i32
        %add3A_193 = arith.addi %add3A_191, %add3A_192 : i32
        %dma_start3A_194 = arith.constant 0 : i32
        %dma_start3A_195 = tpu.memref_slice %arg6[%add3A_193, %dma_start3A_194] : memref<64x64xi32, #tpu.memory_space<vmem>> -> memref<1x64xi32, #tpu.memory_space<vmem>>
        %dma_start3A_196 = tpu.memref_squeeze %dma_start3A_195 : memref<1x64xi32, #tpu.memory_space<vmem>> -> memref<64xi32, #tpu.memory_space<vmem>>
        %dma_start3A_197 = arith.constant 0 : i32
        %dma_start3A_198 = arith.constant 0 : i32
        %dma_start3A_199 = tpu.memref_slice %arg2[%dma_start3A_197, %dma_start3A_198] : memref<10000x128xf32, #tpu.memory_space<hbm>> -> memref<10000x128xf32, #tpu.memory_space<hbm>>
        tpu.enqueue_indirect_dma source(%dma_start3A_199 : memref<10000x128xf32, #tpu.memory_space<hbm>>) target(%arg11 : memref<64x128xf32, #tpu.memory_space<vmem>>) offsets(%dma_start3A_196 : memref<64xi32, #tpu.memory_space<vmem>>) semaphore(%arg16 : memref<!tpu.dma_semaphore, #tpu.memory_space<semaphore_mem>>)
      } else {
      }
    }
    %scan3A_78 = arith.constant 16 : i32
    "tpu.region"() ({
      %run_scoped3A = tpu.sem_alloc : memref<!tpu.dma_semaphore, #tpu.memory_space<semaphore_mem>>
      %dma_start3A_113 = arith.constant 0 : i32
      %dma_start3A_114 = arith.constant 0 : i32
      %dma_start3A_115 = tpu.memref_slice %arg6[%dma_start3A_113, %dma_start3A_114] : memref<64x64xi32, #tpu.memory_space<vmem>> -> memref<32x64xi32, #tpu.memory_space<vmem>>
      %dma_start3A_116 = arith.constant 0 : i32
      %dma_start3A_117 = arith.constant 0 : i32
      %dma_start3A_118 = tpu.memref_slice %arg3[%add3A, %dma_start3A_116, %dma_start3A_117] : memref<32x160x64xi32, #tpu.memory_space<hbm>> -> memref<1x160x64xi32, #tpu.memory_space<hbm>>
      %dma_start3A_119 = tpu.memref_squeeze %dma_start3A_118 : memref<1x160x64xi32, #tpu.memory_space<hbm>> -> memref<160x64xi32, #tpu.memory_space<hbm>>
      %dma_start3A_120 = arith.constant 128 : i32
      %dma_start3A_121 = arith.constant 0 : i32
      %dma_start3A_122 = tpu.memref_slice %dma_start3A_119[%dma_start3A_120, %dma_start3A_121] : memref<160x64xi32, #tpu.memory_space<hbm>> -> memref<32x64xi32, #tpu.memory_space<hbm>>
      %dma_start3A_123 = arith.constant 0 : i32
      %dma_start3A_124 = arith.constant 0 : i32
      %dma_start3A_125 = tpu.memref_slice %arg6[%dma_start3A_123, %dma_start3A_124] : memref<64x64xi32, #tpu.memory_space<vmem>> -> memref<32x64xi32, #tpu.memory_space<vmem>>
      %dma_start3A_126 = arith.constant 0 : i32
      %dma_start3A_127 = arith.constant 0 : i32
      %dma_start3A_128 = tpu.memref_slice %arg3[%add3A, %dma_start3A_126, %dma_start3A_127] : memref<32x160x64xi32, #tpu.memory_space<hbm>> -> memref<1x160x64xi32, #tpu.memory_space<hbm>>
      %dma_start3A_129 = tpu.memref_squeeze %dma_start3A_128 : memref<1x160x64xi32, #tpu.memory_space<hbm>> -> memref<160x64xi32, #tpu.memory_space<hbm>>
      %dma_start3A_130 = arith.constant 128 : i32
      %dma_start3A_131 = arith.constant 0 : i32
      %dma_start3A_132 = tpu.memref_slice %dma_start3A_129[%dma_start3A_130, %dma_start3A_131] : memref<160x64xi32, #tpu.memory_space<hbm>> -> memref<32x64xi32, #tpu.memory_space<hbm>>
      tpu.enqueue_dma source(%dma_start3A_132 : memref<32x64xi32, #tpu.memory_space<hbm>>) target(%dma_start3A_125 : memref<32x64xi32, #tpu.memory_space<vmem>>) target_semaphore(%run_scoped3A : memref<!tpu.dma_semaphore, #tpu.memory_space<semaphore_mem>>)
      %dma_wait3A = arith.constant 0 : i32
      %dma_wait3A_133 = arith.constant 0 : i32
      %dma_wait3A_134 = tpu.memref_slice %arg6[%dma_wait3A, %dma_wait3A_133] : memref<64x64xi32, #tpu.memory_space<vmem>> -> memref<32x64xi32, #tpu.memory_space<vmem>>
      %dma_wait3A_135 = arith.constant 0 : i32
      %dma_wait3A_136 = arith.constant 0 : i32
      %dma_wait3A_137 = tpu.memref_slice %arg3[%add3A, %dma_wait3A_135, %dma_wait3A_136] : memref<32x160x64xi32, #tpu.memory_space<hbm>> -> memref<1x160x64xi32, #tpu.memory_space<hbm>>
      %dma_wait3A_138 = tpu.memref_squeeze %dma_wait3A_137 : memref<1x160x64xi32, #tpu.memory_space<hbm>> -> memref<160x64xi32, #tpu.memory_space<hbm>>
      %dma_wait3A_139 = arith.constant 128 : i32
      %dma_wait3A_140 = arith.constant 0 : i32
      %dma_wait3A_141 = tpu.memref_slice %dma_wait3A_138[%dma_wait3A_139, %dma_wait3A_140] : memref<160x64xi32, #tpu.memory_space<hbm>> -> memref<32x64xi32, #tpu.memory_space<hbm>>
      %dma_wait3A_142 = arith.constant 0 : i32
      %dma_wait3A_143 = arith.constant 0 : i32
      %dma_wait3A_144 = tpu.memref_slice %arg6[%dma_wait3A_142, %dma_wait3A_143] : memref<64x64xi32, #tpu.memory_space<vmem>> -> memref<32x64xi32, #tpu.memory_space<vmem>>
      %dma_wait3A_145 = arith.constant 0 : i32
      %dma_wait3A_146 = arith.constant 0 : i32
      %dma_wait3A_147 = tpu.memref_slice %arg3[%add3A, %dma_wait3A_145, %dma_wait3A_146] : memref<32x160x64xi32, #tpu.memory_space<hbm>> -> memref<1x160x64xi32, #tpu.memory_space<hbm>>
      %dma_wait3A_148 = tpu.memref_squeeze %dma_wait3A_147 : memref<1x160x64xi32, #tpu.memory_space<hbm>> -> memref<160x64xi32, #tpu.memory_space<hbm>>
      %dma_wait3A_149 = arith.constant 128 : i32
      %dma_wait3A_150 = arith.constant 0 : i32
      %dma_wait3A_151 = tpu.memref_slice %dma_wait3A_148[%dma_wait3A_149, %dma_wait3A_150] : memref<160x64xi32, #tpu.memory_space<hbm>> -> memref<32x64xi32, #tpu.memory_space<hbm>>
      tpu.wait_dma2 semaphore(%run_scoped3A : memref<!tpu.dma_semaphore, #tpu.memory_space<semaphore_mem>>) src(%dma_wait3A_151 : memref<32x64xi32, #tpu.memory_space<hbm>>) dst(%dma_wait3A_144 : memref<32x64xi32, #tpu.memory_space<vmem>>)
      tpu.yield
    }) : () -> ()
    "tpu.region"() ({
      %run_scoped3A = tpu.sem_alloc : memref<!tpu.dma_semaphore, #tpu.memory_space<semaphore_mem>>
      %dma_start3A_113 = arith.constant 0 : i32
      %dma_start3A_114 = arith.constant 0 : i32
      %dma_start3A_115 = tpu.memref_slice %arg7[%dma_start3A_113, %dma_start3A_114] : memref<64x64xi32, #tpu.memory_space<vmem>> -> memref<32x64xi32, #tpu.memory_space<vmem>>
      %dma_start3A_116 = arith.constant 0 : i32
      %dma_start3A_117 = arith.constant 0 : i32
      %dma_start3A_118 = tpu.memref_slice %arg4[%add3A, %dma_start3A_116, %dma_start3A_117] : memref<32x160x64xi32, #tpu.memory_space<hbm>> -> memref<1x160x64xi32, #tpu.memory_space<hbm>>
      %dma_start3A_119 = tpu.memref_squeeze %dma_start3A_118 : memref<1x160x64xi32, #tpu.memory_space<hbm>> -> memref<160x64xi32, #tpu.memory_space<hbm>>
      %dma_start3A_120 = arith.constant 128 : i32
      %dma_start3A_121 = arith.constant 0 : i32
      %dma_start3A_122 = tpu.memref_slice %dma_start3A_119[%dma_start3A_120, %dma_start3A_121] : memref<160x64xi32, #tpu.memory_space<hbm>> -> memref<32x64xi32, #tpu.memory_space<hbm>>
      %dma_start3A_123 = arith.constant 0 : i32
      %dma_start3A_124 = arith.constant 0 : i32
      %dma_start3A_125 = tpu.memref_slice %arg7[%dma_start3A_123, %dma_start3A_124] : memref<64x64xi32, #tpu.memory_space<vmem>> -> memref<32x64xi32, #tpu.memory_space<vmem>>
      %dma_start3A_126 = arith.constant 0 : i32
      %dma_start3A_127 = arith.constant 0 : i32
      %dma_start3A_128 = tpu.memref_slice %arg4[%add3A, %dma_start3A_126, %dma_start3A_127] : memref<32x160x64xi32, #tpu.memory_space<hbm>> -> memref<1x160x64xi32, #tpu.memory_space<hbm>>
      %dma_start3A_129 = tpu.memref_squeeze %dma_start3A_128 : memref<1x160x64xi32, #tpu.memory_space<hbm>> -> memref<160x64xi32, #tpu.memory_space<hbm>>
      %dma_start3A_130 = arith.constant 128 : i32
      %dma_start3A_131 = arith.constant 0 : i32
      %dma_start3A_132 = tpu.memref_slice %dma_start3A_129[%dma_start3A_130, %dma_start3A_131] : memref<160x64xi32, #tpu.memory_space<hbm>> -> memref<32x64xi32, #tpu.memory_space<hbm>>
      tpu.enqueue_dma source(%dma_start3A_132 : memref<32x64xi32, #tpu.memory_space<hbm>>) target(%dma_start3A_125 : memref<32x64xi32, #tpu.memory_space<vmem>>) target_semaphore(%run_scoped3A : memref<!tpu.dma_semaphore, #tpu.memory_space<semaphore_mem>>)
      %dma_wait3A = arith.constant 0 : i32
      %dma_wait3A_133 = arith.constant 0 : i32
      %dma_wait3A_134 = tpu.memref_slice %arg7[%dma_wait3A, %dma_wait3A_133] : memref<64x64xi32, #tpu.memory_space<vmem>> -> memref<32x64xi32, #tpu.memory_space<vmem>>
      %dma_wait3A_135 = arith.constant 0 : i32
      %dma_wait3A_136 = arith.constant 0 : i32
      %dma_wait3A_137 = tpu.memref_slice %arg4[%add3A, %dma_wait3A_135, %dma_wait3A_136] : memref<32x160x64xi32, #tpu.memory_space<hbm>> -> memref<1x160x64xi32, #tpu.memory_space<hbm>>
      %dma_wait3A_138 = tpu.memref_squeeze %dma_wait3A_137 : memref<1x160x64xi32, #tpu.memory_space<hbm>> -> memref<160x64xi32, #tpu.memory_space<hbm>>
      %dma_wait3A_139 = arith.constant 128 : i32
      %dma_wait3A_140 = arith.constant 0 : i32
      %dma_wait3A_141 = tpu.memref_slice %dma_wait3A_138[%dma_wait3A_139, %dma_wait3A_140] : memref<160x64xi32, #tpu.memory_space<hbm>> -> memref<32x64xi32, #tpu.memory_space<hbm>>
      %dma_wait3A_142 = arith.constant 0 : i32
      %dma_wait3A_143 = arith.constant 0 : i32
      %dma_wait3A_144 = tpu.memref_slice %arg7[%dma_wait3A_142, %dma_wait3A_143] : memref<64x64xi32, #tpu.memory_space<vmem>> -> memref<32x64xi32, #tpu.memory_space<vmem>>
      %dma_wait3A_145 = arith.constant 0 : i32
      %dma_wait3A_146 = arith.constant 0 : i32
      %dma_wait3A_147 = tpu.memref_slice %arg4[%add3A, %dma_wait3A_145, %dma_wait3A_146] : memref<32x160x64xi32, #tpu.memory_space<hbm>> -> memref<1x160x64xi32, #tpu.memory_space<hbm>>
      %dma_wait3A_148 = tpu.memref_squeeze %dma_wait3A_147 : memref<1x160x64xi32, #tpu.memory_space<hbm>> -> memref<160x64xi32, #tpu.memory_space<hbm>>
      %dma_wait3A_149 = arith.constant 128 : i32
      %dma_wait3A_150 = arith.constant 0 : i32
      %dma_wait3A_151 = tpu.memref_slice %dma_wait3A_148[%dma_wait3A_149, %dma_wait3A_150] : memref<160x64xi32, #tpu.memory_space<hbm>> -> memref<32x64xi32, #tpu.memory_space<hbm>>
      tpu.wait_dma2 semaphore(%run_scoped3A : memref<!tpu.dma_semaphore, #tpu.memory_space<semaphore_mem>>) src(%dma_wait3A_151 : memref<32x64xi32, #tpu.memory_space<hbm>>) dst(%dma_wait3A_144 : memref<32x64xi32, #tpu.memory_space<vmem>>)
      tpu.yield
    }) : () -> ()
    %dma_start3A_79 = arith.constant 0 : i32
    %dma_start3A_80 = arith.constant 0 : i32
    %dma_start3A_81 = tpu.memref_slice %arg6[%dma_start3A_79, %dma_start3A_80] : memref<64x64xi32, #tpu.memory_space<vmem>> -> memref<1x64xi32, #tpu.memory_space<vmem>>
    %dma_start3A_82 = tpu.memref_squeeze %dma_start3A_81 : memref<1x64xi32, #tpu.memory_space<vmem>> -> memref<64xi32, #tpu.memory_space<vmem>>
    %dma_start3A_83 = arith.constant 0 : i32
    %dma_start3A_84 = arith.constant 0 : i32
    %dma_start3A_85 = tpu.memref_slice %arg2[%dma_start3A_83, %dma_start3A_84] : memref<10000x128xf32, #tpu.memory_space<hbm>> -> memref<10000x128xf32, #tpu.memory_space<hbm>>
    tpu.enqueue_indirect_dma source(%dma_start3A_85 : memref<10000x128xf32, #tpu.memory_space<hbm>>) target(%arg8 : memref<64x128xf32, #tpu.memory_space<vmem>>) offsets(%dma_start3A_82 : memref<64xi32, #tpu.memory_space<vmem>>) semaphore(%arg13 : memref<!tpu.dma_semaphore, #tpu.memory_space<semaphore_mem>>)
    %dma_start3A_86 = arith.constant 1 : i32
    %dma_start3A_87 = arith.constant 0 : i32
    %dma_start3A_88 = tpu.memref_slice %arg6[%dma_start3A_86, %dma_start3A_87] : memref<64x64xi32, #tpu.memory_space<vmem>> -> memref<1x64xi32, #tpu.memory_space<vmem>>
    %dma_start3A_89 = tpu.memref_squeeze %dma_start3A_88 : memref<1x64xi32, #tpu.memory_space<vmem>> -> memref<64xi32, #tpu.memory_space<vmem>>
    %dma_start3A_90 = arith.constant 0 : i32
    %dma_start3A_91 = arith.constant 0 : i32
    %dma_start3A_92 = tpu.memref_slice %arg2[%dma_start3A_90, %dma_start3A_91] : memref<10000x128xf32, #tpu.memory_space<hbm>> -> memref<10000x128xf32, #tpu.memory_space<hbm>>
    tpu.enqueue_indirect_dma source(%dma_start3A_92 : memref<10000x128xf32, #tpu.memory_space<hbm>>) target(%arg9 : memref<64x128xf32, #tpu.memory_space<vmem>>) offsets(%dma_start3A_89 : memref<64xi32, #tpu.memory_space<vmem>>) semaphore(%arg14 : memref<!tpu.dma_semaphore, #tpu.memory_space<semaphore_mem>>)
    %dma_start3A_93 = arith.constant 2 : i32
    %dma_start3A_94 = arith.constant 0 : i32
    %dma_start3A_95 = tpu.memref_slice %arg6[%dma_start3A_93, %dma_start3A_94] : memref<64x64xi32, #tpu.memory_space<vmem>> -> memref<1x64xi32, #tpu.memory_space<vmem>>
    %dma_start3A_96 = tpu.memref_squeeze %dma_start3A_95 : memref<1x64xi32, #tpu.memory_space<vmem>> -> memref<64xi32, #tpu.memory_space<vmem>>
    %dma_start3A_97 = arith.constant 0 : i32
    %dma_start3A_98 = arith.constant 0 : i32
    %dma_start3A_99 = tpu.memref_slice %arg2[%dma_start3A_97, %dma_start3A_98] : memref<10000x128xf32, #tpu.memory_space<hbm>> -> memref<10000x128xf32, #tpu.memory_space<hbm>>
    tpu.enqueue_indirect_dma source(%dma_start3A_99 : memref<10000x128xf32, #tpu.memory_space<hbm>>) target(%arg10 : memref<64x128xf32, #tpu.memory_space<vmem>>) offsets(%dma_start3A_96 : memref<64xi32, #tpu.memory_space<vmem>>) semaphore(%arg15 : memref<!tpu.dma_semaphore, #tpu.memory_space<semaphore_mem>>)
    %dma_start3A_100 = arith.constant 3 : i32
    %dma_start3A_101 = arith.constant 0 : i32
    %dma_start3A_102 = tpu.memref_slice %arg6[%dma_start3A_100, %dma_start3A_101] : memref<64x64xi32, #tpu.memory_space<vmem>> -> memref<1x64xi32, #tpu.memory_space<vmem>>
    %dma_start3A_103 = tpu.memref_squeeze %dma_start3A_102 : memref<1x64xi32, #tpu.memory_space<vmem>> -> memref<64xi32, #tpu.memory_space<vmem>>
    %dma_start3A_104 = arith.constant 0 : i32
    %dma_start3A_105 = arith.constant 0 : i32
    %dma_start3A_106 = tpu.memref_slice %arg2[%dma_start3A_104, %dma_start3A_105] : memref<10000x128xf32, #tpu.memory_space<hbm>> -> memref<10000x128xf32, #tpu.memory_space<hbm>>
    tpu.enqueue_indirect_dma source(%dma_start3A_106 : memref<10000x128xf32, #tpu.memory_space<hbm>>) target(%arg11 : memref<64x128xf32, #tpu.memory_space<vmem>>) offsets(%dma_start3A_103 : memref<64xi32, #tpu.memory_space<vmem>>) semaphore(%arg16 : memref<!tpu.dma_semaphore, #tpu.memory_space<semaphore_mem>>)
    %scan3A_107 = arith.constant 0 : i32
    %scan3A_108 = arith.constant 8 : i32
    %scan3A_109 = arith.addi %scan3A_107, %scan3A_108 : i32
    %scan3A_110 = arith.constant 1 : i32
    scf.for %scan3A_113 = %scan3A_107 to %scan3A_109 step %scan3A_110  : i32 {
      %mul3A_114 = arith.constant 4 : i32
      %mul3A_115 = arith.muli %scan3A_113, %mul3A_114 : i32
      %add3A_116 = arith.constant 0 : i32
      %add3A_117 = arith.addi %add3A_116, %mul3A_115 : i32
      %add3A_118 = arith.constant 0 : i32
      %add3A_119 = arith.addi %add3A_117, %add3A_118 : i32
      %dma_wait3A = arith.constant 0 : i32
      %dma_wait3A_120 = tpu.memref_slice %arg6[%add3A_119, %dma_wait3A] : memref<64x64xi32, #tpu.memory_space<vmem>> -> memref<1x64xi32, #tpu.memory_space<vmem>>
      %dma_wait3A_121 = tpu.memref_squeeze %dma_wait3A_120 : memref<1x64xi32, #tpu.memory_space<vmem>> -> memref<64xi32, #tpu.memory_space<vmem>>
      %dma_wait3A_122 = arith.constant 0 : i32
      %dma_wait3A_123 = arith.constant 0 : i32
      %dma_wait3A_124 = tpu.memref_slice %arg2[%dma_wait3A_122, %dma_wait3A_123] : memref<10000x128xf32, #tpu.memory_space<hbm>> -> memref<10000x128xf32, #tpu.memory_space<hbm>>
      tpu.wait_indirect_dma semaphore(%arg13 : memref<!tpu.dma_semaphore, #tpu.memory_space<semaphore_mem>>) src(%dma_wait3A_124 : memref<10000x128xf32, #tpu.memory_space<hbm>>) dst(%arg8 : memref<64x128xf32, #tpu.memory_space<vmem>>)
      %add3A_125 = arith.constant 0 : i32
      %add3A_126 = arith.addi %add3A_117, %add3A_125 : i32
      "tpu.region"() ({
        %run_scoped3A = tpu.sem_alloc : memref<!tpu.dma_semaphore, #tpu.memory_space<semaphore_mem>>
        %dma_start3A_190 = arith.constant 0 : i32
        %dma_start3A_191 = tpu.memref_slice %arg7[%add3A_126, %dma_start3A_190] : memref<64x64xi32, #tpu.memory_space<vmem>> -> memref<1x64xi32, #tpu.memory_space<vmem>>
        %dma_start3A_192 = tpu.memref_squeeze %dma_start3A_191 : memref<1x64xi32, #tpu.memory_space<vmem>> -> memref<64xi32, #tpu.memory_space<vmem>>
        %dma_start3A_193 = arith.constant 0 : i32
        %dma_start3A_194 = arith.constant 0 : i32
        %dma_start3A_195 = tpu.memref_slice %arg12[%dma_start3A_193, %dma_start3A_194] : memref<10112x128xf32, #tpu.memory_space<vmem_shared>> -> memref<10112x128xf32, #tpu.memory_space<vmem_shared>>
        tpu.enqueue_indirect_dma source(%arg8 : memref<64x128xf32, #tpu.memory_space<vmem>>) target(%dma_start3A_195 : memref<10112x128xf32, #tpu.memory_space<vmem_shared>>) offsets(%dma_start3A_192 : memref<64xi32, #tpu.memory_space<vmem>>) semaphore(%run_scoped3A : memref<!tpu.dma_semaphore, #tpu.memory_space<semaphore_mem>>) {add = true}
        %dma_wait3A_196 = arith.constant 0 : i32
        %dma_wait3A_197 = tpu.memref_slice %arg7[%add3A_126, %dma_wait3A_196] : memref<64x64xi32, #tpu.memory_space<vmem>> -> memref<1x64xi32, #tpu.memory_space<vmem>>
        %dma_wait3A_198 = tpu.memref_squeeze %dma_wait3A_197 : memref<1x64xi32, #tpu.memory_space<vmem>> -> memref<64xi32, #tpu.memory_space<vmem>>
        %dma_wait3A_199 = arith.constant 0 : i32
        %dma_wait3A_200 = arith.constant 0 : i32
        %dma_wait3A_201 = tpu.memref_slice %arg12[%dma_wait3A_199, %dma_wait3A_200] : memref<10112x128xf32, #tpu.memory_space<vmem_shared>> -> memref<10112x128xf32, #tpu.memory_space<vmem_shared>>
        tpu.wait_indirect_dma semaphore(%run_scoped3A : memref<!tpu.dma_semaphore, #tpu.memory_space<semaphore_mem>>) src(%arg8 : memref<64x128xf32, #tpu.memory_space<vmem>>) dst(%dma_wait3A_201 : memref<10112x128xf32, #tpu.memory_space<vmem_shared>>)
        tpu.yield
      }) : () -> ()
      %add3A_127 = arith.constant 4 : i32
      %add3A_128 = arith.addi %add3A_117, %add3A_127 : i32
      %add3A_129 = arith.constant 0 : i32
      %add3A_130 = arith.addi %add3A_128, %add3A_129 : i32
      %lt3A = arith.constant 32 : i32
      %lt3A_131 = arith.cmpi slt, %add3A_130, %lt3A : i32
      %convert_element_type3A = arith.extui %lt3A_131 : i1 to i32
      %cond3A = arith.constant 0 : i32
      %cond3A_132 = arith.cmpi ne, %convert_element_type3A, %cond3A : i32
      scf.if %cond3A_132 {
        %add3A_190 = arith.constant 4 : i32
        %add3A_191 = arith.addi %add3A_117, %add3A_190 : i32
        %add3A_192 = arith.constant 0 : i32
        %add3A_193 = arith.addi %add3A_191, %add3A_192 : i32
        %dma_start3A_194 = arith.constant 0 : i32
        %dma_start3A_195 = tpu.memref_slice %arg6[%add3A_193, %dma_start3A_194] : memref<64x64xi32, #tpu.memory_space<vmem>> -> memref<1x64xi32, #tpu.memory_space<vmem>>
        %dma_start3A_196 = tpu.memref_squeeze %dma_start3A_195 : memref<1x64xi32, #tpu.memory_space<vmem>> -> memref<64xi32, #tpu.memory_space<vmem>>
        %dma_start3A_197 = arith.constant 0 : i32
        %dma_start3A_198 = arith.constant 0 : i32
        %dma_start3A_199 = tpu.memref_slice %arg2[%dma_start3A_197, %dma_start3A_198] : memref<10000x128xf32, #tpu.memory_space<hbm>> -> memref<10000x128xf32, #tpu.memory_space<hbm>>
        tpu.enqueue_indirect_dma source(%dma_start3A_199 : memref<10000x128xf32, #tpu.memory_space<hbm>>) target(%arg8 : memref<64x128xf32, #tpu.memory_space<vmem>>) offsets(%dma_start3A_196 : memref<64xi32, #tpu.memory_space<vmem>>) semaphore(%arg13 : memref<!tpu.dma_semaphore, #tpu.memory_space<semaphore_mem>>)
      } else {
      }
      %add3A_133 = arith.constant 1 : i32
      %add3A_134 = arith.addi %add3A_117, %add3A_133 : i32
      %dma_wait3A_135 = arith.constant 0 : i32
      %dma_wait3A_136 = tpu.memref_slice %arg6[%add3A_134, %dma_wait3A_135] : memref<64x64xi32, #tpu.memory_space<vmem>> -> memref<1x64xi32, #tpu.memory_space<vmem>>
      %dma_wait3A_137 = tpu.memref_squeeze %dma_wait3A_136 : memref<1x64xi32, #tpu.memory_space<vmem>> -> memref<64xi32, #tpu.memory_space<vmem>>
      %dma_wait3A_138 = arith.constant 0 : i32
      %dma_wait3A_139 = arith.constant 0 : i32
      %dma_wait3A_140 = tpu.memref_slice %arg2[%dma_wait3A_138, %dma_wait3A_139] : memref<10000x128xf32, #tpu.memory_space<hbm>> -> memref<10000x128xf32, #tpu.memory_space<hbm>>
      tpu.wait_indirect_dma semaphore(%arg14 : memref<!tpu.dma_semaphore, #tpu.memory_space<semaphore_mem>>) src(%dma_wait3A_140 : memref<10000x128xf32, #tpu.memory_space<hbm>>) dst(%arg9 : memref<64x128xf32, #tpu.memory_space<vmem>>)
      %add3A_141 = arith.constant 1 : i32
      %add3A_142 = arith.addi %add3A_117, %add3A_141 : i32
      "tpu.region"() ({
        %run_scoped3A = tpu.sem_alloc : memref<!tpu.dma_semaphore, #tpu.memory_space<semaphore_mem>>
        %dma_start3A_190 = arith.constant 0 : i32
        %dma_start3A_191 = tpu.memref_slice %arg7[%add3A_142, %dma_start3A_190] : memref<64x64xi32, #tpu.memory_space<vmem>> -> memref<1x64xi32, #tpu.memory_space<vmem>>
        %dma_start3A_192 = tpu.memref_squeeze %dma_start3A_191 : memref<1x64xi32, #tpu.memory_space<vmem>> -> memref<64xi32, #tpu.memory_space<vmem>>
        %dma_start3A_193 = arith.constant 0 : i32
        %dma_start3A_194 = arith.constant 0 : i32
        %dma_start3A_195 = tpu.memref_slice %arg12[%dma_start3A_193, %dma_start3A_194] : memref<10112x128xf32, #tpu.memory_space<vmem_shared>> -> memref<10112x128xf32, #tpu.memory_space<vmem_shared>>
        tpu.enqueue_indirect_dma source(%arg9 : memref<64x128xf32, #tpu.memory_space<vmem>>) target(%dma_start3A_195 : memref<10112x128xf32, #tpu.memory_space<vmem_shared>>) offsets(%dma_start3A_192 : memref<64xi32, #tpu.memory_space<vmem>>) semaphore(%run_scoped3A : memref<!tpu.dma_semaphore, #tpu.memory_space<semaphore_mem>>) {add = true}
        %dma_wait3A_196 = arith.constant 0 : i32
        %dma_wait3A_197 = tpu.memref_slice %arg7[%add3A_142, %dma_wait3A_196] : memref<64x64xi32, #tpu.memory_space<vmem>> -> memref<1x64xi32, #tpu.memory_space<vmem>>
        %dma_wait3A_198 = tpu.memref_squeeze %dma_wait3A_197 : memref<1x64xi32, #tpu.memory_space<vmem>> -> memref<64xi32, #tpu.memory_space<vmem>>
        %dma_wait3A_199 = arith.constant 0 : i32
        %dma_wait3A_200 = arith.constant 0 : i32
        %dma_wait3A_201 = tpu.memref_slice %arg12[%dma_wait3A_199, %dma_wait3A_200] : memref<10112x128xf32, #tpu.memory_space<vmem_shared>> -> memref<10112x128xf32, #tpu.memory_space<vmem_shared>>
        tpu.wait_indirect_dma semaphore(%run_scoped3A : memref<!tpu.dma_semaphore, #tpu.memory_space<semaphore_mem>>) src(%arg9 : memref<64x128xf32, #tpu.memory_space<vmem>>) dst(%dma_wait3A_201 : memref<10112x128xf32, #tpu.memory_space<vmem_shared>>)
        tpu.yield
      }) : () -> ()
      %add3A_143 = arith.constant 4 : i32
      %add3A_144 = arith.addi %add3A_117, %add3A_143 : i32
      %add3A_145 = arith.constant 1 : i32
      %add3A_146 = arith.addi %add3A_144, %add3A_145 : i32
      %lt3A_147 = arith.constant 32 : i32
      %lt3A_148 = arith.cmpi slt, %add3A_146, %lt3A_147 : i32
      %convert_element_type3A_149 = arith.extui %lt3A_148 : i1 to i32
      %cond3A_150 = arith.constant 0 : i32
      %cond3A_151 = arith.cmpi ne, %convert_element_type3A_149, %cond3A_150 : i32
      scf.if %cond3A_151 {
        %add3A_190 = arith.constant 4 : i32
        %add3A_191 = arith.addi %add3A_117, %add3A_190 : i32
        %add3A_192 = arith.constant 1 : i32
        %add3A_193 = arith.addi %add3A_191, %add3A_192 : i32
        %dma_start3A_194 = arith.constant 0 : i32
        %dma_start3A_195 = tpu.memref_slice %arg6[%add3A_193, %dma_start3A_194] : memref<64x64xi32, #tpu.memory_space<vmem>> -> memref<1x64xi32, #tpu.memory_space<vmem>>
        %dma_start3A_196 = tpu.memref_squeeze %dma_start3A_195 : memref<1x64xi32, #tpu.memory_space<vmem>> -> memref<64xi32, #tpu.memory_space<vmem>>
        %dma_start3A_197 = arith.constant 0 : i32
        %dma_start3A_198 = arith.constant 0 : i32
        %dma_start3A_199 = tpu.memref_slice %arg2[%dma_start3A_197, %dma_start3A_198] : memref<10000x128xf32, #tpu.memory_space<hbm>> -> memref<10000x128xf32, #tpu.memory_space<hbm>>
        tpu.enqueue_indirect_dma source(%dma_start3A_199 : memref<10000x128xf32, #tpu.memory_space<hbm>>) target(%arg9 : memref<64x128xf32, #tpu.memory_space<vmem>>) offsets(%dma_start3A_196 : memref<64xi32, #tpu.memory_space<vmem>>) semaphore(%arg14 : memref<!tpu.dma_semaphore, #tpu.memory_space<semaphore_mem>>)
      } else {
      }
      %add3A_152 = arith.constant 2 : i32
      %add3A_153 = arith.addi %add3A_117, %add3A_152 : i32
      %dma_wait3A_154 = arith.constant 0 : i32
      %dma_wait3A_155 = tpu.memref_slice %arg6[%add3A_153, %dma_wait3A_154] : memref<64x64xi32, #tpu.memory_space<vmem>> -> memref<1x64xi32, #tpu.memory_space<vmem>>
      %dma_wait3A_156 = tpu.memref_squeeze %dma_wait3A_155 : memref<1x64xi32, #tpu.memory_space<vmem>> -> memref<64xi32, #tpu.memory_space<vmem>>
      %dma_wait3A_157 = arith.constant 0 : i32
      %dma_wait3A_158 = arith.constant 0 : i32
      %dma_wait3A_159 = tpu.memref_slice %arg2[%dma_wait3A_157, %dma_wait3A_158] : memref<10000x128xf32, #tpu.memory_space<hbm>> -> memref<10000x128xf32, #tpu.memory_space<hbm>>
      tpu.wait_indirect_dma semaphore(%arg15 : memref<!tpu.dma_semaphore, #tpu.memory_space<semaphore_mem>>) src(%dma_wait3A_159 : memref<10000x128xf32, #tpu.memory_space<hbm>>) dst(%arg10 : memref<64x128xf32, #tpu.memory_space<vmem>>)
      %add3A_160 = arith.constant 2 : i32
      %add3A_161 = arith.addi %add3A_117, %add3A_160 : i32
      "tpu.region"() ({
        %run_scoped3A = tpu.sem_alloc : memref<!tpu.dma_semaphore, #tpu.memory_space<semaphore_mem>>
        %dma_start3A_190 = arith.constant 0 : i32
        %dma_start3A_191 = tpu.memref_slice %arg7[%add3A_161, %dma_start3A_190] : memref<64x64xi32, #tpu.memory_space<vmem>> -> memref<1x64xi32, #tpu.memory_space<vmem>>
        %dma_start3A_192 = tpu.memref_squeeze %dma_start3A_191 : memref<1x64xi32, #tpu.memory_space<vmem>> -> memref<64xi32, #tpu.memory_space<vmem>>
        %dma_start3A_193 = arith.constant 0 : i32
        %dma_start3A_194 = arith.constant 0 : i32
        %dma_start3A_195 = tpu.memref_slice %arg12[%dma_start3A_193, %dma_start3A_194] : memref<10112x128xf32, #tpu.memory_space<vmem_shared>> -> memref<10112x128xf32, #tpu.memory_space<vmem_shared>>
        tpu.enqueue_indirect_dma source(%arg10 : memref<64x128xf32, #tpu.memory_space<vmem>>) target(%dma_start3A_195 : memref<10112x128xf32, #tpu.memory_space<vmem_shared>>) offsets(%dma_start3A_192 : memref<64xi32, #tpu.memory_space<vmem>>) semaphore(%run_scoped3A : memref<!tpu.dma_semaphore, #tpu.memory_space<semaphore_mem>>) {add = true}
        %dma_wait3A_196 = arith.constant 0 : i32
        %dma_wait3A_197 = tpu.memref_slice %arg7[%add3A_161, %dma_wait3A_196] : memref<64x64xi32, #tpu.memory_space<vmem>> -> memref<1x64xi32, #tpu.memory_space<vmem>>
        %dma_wait3A_198 = tpu.memref_squeeze %dma_wait3A_197 : memref<1x64xi32, #tpu.memory_space<vmem>> -> memref<64xi32, #tpu.memory_space<vmem>>
        %dma_wait3A_199 = arith.constant 0 : i32
        %dma_wait3A_200 = arith.constant 0 : i32
        %dma_wait3A_201 = tpu.memref_slice %arg12[%dma_wait3A_199, %dma_wait3A_200] : memref<10112x128xf32, #tpu.memory_space<vmem_shared>> -> memref<10112x128xf32, #tpu.memory_space<vmem_shared>>
        tpu.wait_indirect_dma semaphore(%run_scoped3A : memref<!tpu.dma_semaphore, #tpu.memory_space<semaphore_mem>>) src(%arg10 : memref<64x128xf32, #tpu.memory_space<vmem>>) dst(%dma_wait3A_201 : memref<10112x128xf32, #tpu.memory_space<vmem_shared>>)
        tpu.yield
      }) : () -> ()
      %add3A_162 = arith.constant 4 : i32
      %add3A_163 = arith.addi %add3A_117, %add3A_162 : i32
      %add3A_164 = arith.constant 2 : i32
      %add3A_165 = arith.addi %add3A_163, %add3A_164 : i32
      %lt3A_166 = arith.constant 32 : i32
      %lt3A_167 = arith.cmpi slt, %add3A_165, %lt3A_166 : i32
      %convert_element_type3A_168 = arith.extui %lt3A_167 : i1 to i32
      %cond3A_169 = arith.constant 0 : i32
      %cond3A_170 = arith.cmpi ne, %convert_element_type3A_168, %cond3A_169 : i32
      scf.if %cond3A_170 {
        %add3A_190 = arith.constant 4 : i32
        %add3A_191 = arith.addi %add3A_117, %add3A_190 : i32
        %add3A_192 = arith.constant 2 : i32
        %add3A_193 = arith.addi %add3A_191, %add3A_192 : i32
        %dma_start3A_194 = arith.constant 0 : i32
        %dma_start3A_195 = tpu.memref_slice %arg6[%add3A_193, %dma_start3A_194] : memref<64x64xi32, #tpu.memory_space<vmem>> -> memref<1x64xi32, #tpu.memory_space<vmem>>
        %dma_start3A_196 = tpu.memref_squeeze %dma_start3A_195 : memref<1x64xi32, #tpu.memory_space<vmem>> -> memref<64xi32, #tpu.memory_space<vmem>>
        %dma_start3A_197 = arith.constant 0 : i32
        %dma_start3A_198 = arith.constant 0 : i32
        %dma_start3A_199 = tpu.memref_slice %arg2[%dma_start3A_197, %dma_start3A_198] : memref<10000x128xf32, #tpu.memory_space<hbm>> -> memref<10000x128xf32, #tpu.memory_space<hbm>>
        tpu.enqueue_indirect_dma source(%dma_start3A_199 : memref<10000x128xf32, #tpu.memory_space<hbm>>) target(%arg10 : memref<64x128xf32, #tpu.memory_space<vmem>>) offsets(%dma_start3A_196 : memref<64xi32, #tpu.memory_space<vmem>>) semaphore(%arg15 : memref<!tpu.dma_semaphore, #tpu.memory_space<semaphore_mem>>)
      } else {
      }
      %add3A_171 = arith.constant 3 : i32
      %add3A_172 = arith.addi %add3A_117, %add3A_171 : i32
      %dma_wait3A_173 = arith.constant 0 : i32
      %dma_wait3A_174 = tpu.memref_slice %arg6[%add3A_172, %dma_wait3A_173] : memref<64x64xi32, #tpu.memory_space<vmem>> -> memref<1x64xi32, #tpu.memory_space<vmem>>
      %dma_wait3A_175 = tpu.memref_squeeze %dma_wait3A_174 : memref<1x64xi32, #tpu.memory_space<vmem>> -> memref<64xi32, #tpu.memory_space<vmem>>
      %dma_wait3A_176 = arith.constant 0 : i32
      %dma_wait3A_177 = arith.constant 0 : i32
      %dma_wait3A_178 = tpu.memref_slice %arg2[%dma_wait3A_176, %dma_wait3A_177] : memref<10000x128xf32, #tpu.memory_space<hbm>> -> memref<10000x128xf32, #tpu.memory_space<hbm>>
      tpu.wait_indirect_dma semaphore(%arg16 : memref<!tpu.dma_semaphore, #tpu.memory_space<semaphore_mem>>) src(%dma_wait3A_178 : memref<10000x128xf32, #tpu.memory_space<hbm>>) dst(%arg11 : memref<64x128xf32, #tpu.memory_space<vmem>>)
      %add3A_179 = arith.constant 3 : i32
      %add3A_180 = arith.addi %add3A_117, %add3A_179 : i32
      "tpu.region"() ({
        %run_scoped3A = tpu.sem_alloc : memref<!tpu.dma_semaphore, #tpu.memory_space<semaphore_mem>>
        %dma_start3A_190 = arith.constant 0 : i32
        %dma_start3A_191 = tpu.memref_slice %arg7[%add3A_180, %dma_start3A_190] : memref<64x64xi32, #tpu.memory_space<vmem>> -> memref<1x64xi32, #tpu.memory_space<vmem>>
        %dma_start3A_192 = tpu.memref_squeeze %dma_start3A_191 : memref<1x64xi32, #tpu.memory_space<vmem>> -> memref<64xi32, #tpu.memory_space<vmem>>
        %dma_start3A_193 = arith.constant 0 : i32
        %dma_start3A_194 = arith.constant 0 : i32
        %dma_start3A_195 = tpu.memref_slice %arg12[%dma_start3A_193, %dma_start3A_194] : memref<10112x128xf32, #tpu.memory_space<vmem_shared>> -> memref<10112x128xf32, #tpu.memory_space<vmem_shared>>
        tpu.enqueue_indirect_dma source(%arg11 : memref<64x128xf32, #tpu.memory_space<vmem>>) target(%dma_start3A_195 : memref<10112x128xf32, #tpu.memory_space<vmem_shared>>) offsets(%dma_start3A_192 : memref<64xi32, #tpu.memory_space<vmem>>) semaphore(%run_scoped3A : memref<!tpu.dma_semaphore, #tpu.memory_space<semaphore_mem>>) {add = true}
        %dma_wait3A_196 = arith.constant 0 : i32
        %dma_wait3A_197 = tpu.memref_slice %arg7[%add3A_180, %dma_wait3A_196] : memref<64x64xi32, #tpu.memory_space<vmem>> -> memref<1x64xi32, #tpu.memory_space<vmem>>
        %dma_wait3A_198 = tpu.memref_squeeze %dma_wait3A_197 : memref<1x64xi32, #tpu.memory_space<vmem>> -> memref<64xi32, #tpu.memory_space<vmem>>
        %dma_wait3A_199 = arith.constant 0 : i32
        %dma_wait3A_200 = arith.constant 0 : i32
        %dma_wait3A_201 = tpu.memref_slice %arg12[%dma_wait3A_199, %dma_wait3A_200] : memref<10112x128xf32, #tpu.memory_space<vmem_shared>> -> memref<10112x128xf32, #tpu.memory_space<vmem_shared>>
        tpu.wait_indirect_dma semaphore(%run_scoped3A : memref<!tpu.dma_semaphore, #tpu.memory_space<semaphore_mem>>) src(%arg11 : memref<64x128xf32, #tpu.memory_space<vmem>>) dst(%dma_wait3A_201 : memref<10112x128xf32, #tpu.memory_space<vmem_shared>>)
        tpu.yield
      }) : () -> ()
      %add3A_181 = arith.constant 4 : i32
      %add3A_182 = arith.addi %add3A_117, %add3A_181 : i32
      %add3A_183 = arith.constant 3 : i32
      %add3A_184 = arith.addi %add3A_182, %add3A_183 : i32
      %lt3A_185 = arith.constant 32 : i32
      %lt3A_186 = arith.cmpi slt, %add3A_184, %lt3A_185 : i32
      %convert_element_type3A_187 = arith.extui %lt3A_186 : i1 to i32
      %cond3A_188 = arith.constant 0 : i32
      %cond3A_189 = arith.cmpi ne, %convert_element_type3A_187, %cond3A_188 : i32
      scf.if %cond3A_189 {
        %add3A_190 = arith.constant 4 : i32
        %add3A_191 = arith.addi %add3A_117, %add3A_190 : i32
        %add3A_192 = arith.constant 3 : i32
        %add3A_193 = arith.addi %add3A_191, %add3A_192 : i32
        %dma_start3A_194 = arith.constant 0 : i32
        %dma_start3A_195 = tpu.memref_slice %arg6[%add3A_193, %dma_start3A_194] : memref<64x64xi32, #tpu.memory_space<vmem>> -> memref<1x64xi32, #tpu.memory_space<vmem>>
        %dma_start3A_196 = tpu.memref_squeeze %dma_start3A_195 : memref<1x64xi32, #tpu.memory_space<vmem>> -> memref<64xi32, #tpu.memory_space<vmem>>
        %dma_start3A_197 = arith.constant 0 : i32
        %dma_start3A_198 = arith.constant 0 : i32
        %dma_start3A_199 = tpu.memref_slice %arg2[%dma_start3A_197, %dma_start3A_198] : memref<10000x128xf32, #tpu.memory_space<hbm>> -> memref<10000x128xf32, #tpu.memory_space<hbm>>
        tpu.enqueue_indirect_dma source(%dma_start3A_199 : memref<10000x128xf32, #tpu.memory_space<hbm>>) target(%arg11 : memref<64x128xf32, #tpu.memory_space<vmem>>) offsets(%dma_start3A_196 : memref<64xi32, #tpu.memory_space<vmem>>) semaphore(%arg16 : memref<!tpu.dma_semaphore, #tpu.memory_space<semaphore_mem>>)
      } else {
      }
    }
    %scan3A_111 = arith.constant 8 : i32
    %barrier3A_112 = arith.constant 0 : index
    tpu.barrier barrier_id(%barrier3A_112)
    "tpu.region"() ({
      %run_scoped3A = tpu.sem_alloc : memref<!tpu.dma_semaphore, #tpu.memory_space<semaphore_mem>>
      %dma_start3A_113 = arith.constant 0 : i32
      %dma_start3A_114 = arith.constant 0 : i32
      %dma_start3A_115 = tpu.memref_slice %arg5[%arg0, %dma_start3A_113, %dma_start3A_114] : memref<2x10112x128xf32, #tpu.memory_space<hbm>> -> memref<1x10112x128xf32, #tpu.memory_space<hbm>>
      %dma_start3A_116 = tpu.memref_squeeze %dma_start3A_115 : memref<1x10112x128xf32, #tpu.memory_space<hbm>> -> memref<10112x128xf32, #tpu.memory_space<hbm>>
      %dma_start3A_117 = arith.constant 0 : i32
      %dma_start3A_118 = tpu.memref_slice %dma_start3A_116[%mul3A_2, %dma_start3A_117] : memref<10112x128xf32, #tpu.memory_space<hbm>> -> memref<632x128xf32, #tpu.memory_space<hbm>>
      %dma_start3A_119 = arith.constant 0 : i32
      %dma_start3A_120 = tpu.memref_slice %arg12[%mul3A_2, %dma_start3A_119] : memref<10112x128xf32, #tpu.memory_space<vmem_shared>> -> memref<632x128xf32, #tpu.memory_space<vmem_shared>>
      tpu.enqueue_dma source(%dma_start3A_120 : memref<632x128xf32, #tpu.memory_space<vmem_shared>>) target(%dma_start3A_118 : memref<632x128xf32, #tpu.memory_space<hbm>>) target_semaphore(%run_scoped3A : memref<!tpu.dma_semaphore, #tpu.memory_space<semaphore_mem>>)
      %dma_wait3A = arith.constant 0 : i32
      %dma_wait3A_121 = arith.constant 0 : i32
      %dma_wait3A_122 = tpu.memref_slice %arg5[%arg0, %dma_wait3A, %dma_wait3A_121] : memref<2x10112x128xf32, #tpu.memory_space<hbm>> -> memref<1x10112x128xf32, #tpu.memory_space<hbm>>
      %dma_wait3A_123 = tpu.memref_squeeze %dma_wait3A_122 : memref<1x10112x128xf32, #tpu.memory_space<hbm>> -> memref<10112x128xf32, #tpu.memory_space<hbm>>
      %dma_wait3A_124 = arith.constant 0 : i32
      %dma_wait3A_125 = tpu.memref_slice %dma_wait3A_123[%mul3A_2, %dma_wait3A_124] : memref<10112x128xf32, #tpu.memory_space<hbm>> -> memref<632x128xf32, #tpu.memory_space<hbm>>
      %dma_wait3A_126 = arith.constant 0 : i32
      %dma_wait3A_127 = tpu.memref_slice %arg12[%mul3A_2, %dma_wait3A_126] : memref<10112x128xf32, #tpu.memory_space<vmem_shared>> -> memref<632x128xf32, #tpu.memory_space<vmem_shared>>
      tpu.wait_dma2 semaphore(%run_scoped3A : memref<!tpu.dma_semaphore, #tpu.memory_space<semaphore_mem>>) src(%dma_wait3A_127 : memref<632x128xf32, #tpu.memory_space<vmem_shared>>) dst(%dma_wait3A_125 : memref<632x128xf32, #tpu.memory_space<hbm>>)
      tpu.yield
    }) : () -> ()
    return
  }
}

module attributes {stable_mosaic.version = 14 : i64} {
  func.func @body(%arg0: i32, %arg1: memref<2000x128xf32, #tpu.memory_space<vmem>>, %arg2: memref<2x2000x128xf32, #tpu.memory_space<vmem>>, %arg3: memref<2000x32xf32, #tpu.memory_space<vmem>>, %arg4: memref<128x128xf32, #tpu.memory_space<vmem>>, %arg5: memref<128x128xf32, #tpu.memory_space<vmem>>, %arg6: memref<1x128xf32, #tpu.memory_space<vmem>>, %arg7: memref<2000x128xf32, #tpu.memory_space<vmem>>) attributes {dimension_semantics = [#tpu.dimension_semantics<arbitrary>], iteration_bounds = array<i64: 5>, scalar_prefetch = 0 : i64, scratch_operands = 0 : i64, tpu.core_type = #tpu.core_type<tc>, window_params = [{transform_indices = @transform_0, window_bounds = array<i64: 2000, 128>}, {transform_indices = @transform_1, window_bounds = array<i64: 2, 2000, 128>}, {transform_indices = @transform_2, window_bounds = array<i64: 2000, 32>}, {pipeline_mode = #tpu.pipeline_mode<synchronous>, transform_indices = @transform_3, window_bounds = array<i64: 128, 128>}, {pipeline_mode = #tpu.pipeline_mode<synchronous>, transform_indices = @transform_4, window_bounds = array<i64: 128, 128>}, {pipeline_mode = #tpu.pipeline_mode<synchronous>, transform_indices = @transform_5, window_bounds = array<i64: 1, 128>}, {transform_indices = @transform_6, window_bounds = array<i64: 2000, 128>}]} {
    %get3A = arith.constant 0 : index
    %get3A_0 = arith.constant 0 : index
    %get3A_1 = arith.constant 0 : index
    %get3A_2 = vector.load %arg2[%get3A, %get3A_0, %get3A_1] : memref<2x2000x128xf32, #tpu.memory_space<vmem>>, vector<1x2000x128xf32>
    %get3A_3 = vector.shape_cast %get3A_2 : vector<1x2000x128xf32> to vector<2000x128xf32>
    %get3A_4 = arith.constant 1 : index
    %get3A_5 = arith.constant 0 : index
    %get3A_6 = arith.constant 0 : index
    %get3A_7 = vector.load %arg2[%get3A_4, %get3A_5, %get3A_6] : memref<2x2000x128xf32, #tpu.memory_space<vmem>>, vector<1x2000x128xf32>
    %get3A_8 = vector.shape_cast %get3A_7 : vector<1x2000x128xf32> to vector<2000x128xf32>
    %add3A = arith.addf %get3A_3, %get3A_8 : vector<2000x128xf32>
    %get3A_9 = arith.constant 0 : index
    %get3A_10 = arith.constant 0 : index
    %get3A_11 = vector.load %arg3[%get3A_9, %get3A_10] : memref<2000x32xf32, #tpu.memory_space<vmem>>, vector<2000x32xf32>
    %reduce_sum3A = arith.constant dense<0.000000e+00> : vector<2000xf32>
    %reduce_sum3A_12 = vector.multi_reduction <add>, %get3A_11, %reduce_sum3A [1] : vector<2000x32xf32> to vector<2000xf32>
    %broadcast_in_dim3A = vector.shape_cast %reduce_sum3A_12 : vector<2000xf32> to vector<2000x1xf32>
    %max3A = arith.constant 1.000000e+00 : f32
    %max3A_13 = vector.broadcast %max3A : f32 to vector<2000x1xf32>
    %max3A_14 = arith.maximumf %broadcast_in_dim3A, %max3A_13 : vector<2000x1xf32>
    %div3A = vector.broadcast %max3A_14 : vector<2000x1xf32> to vector<2000x128xf32>
    %div3A_15 = arith.divf %add3A, %div3A : vector<2000x128xf32>
    %get3A_16 = arith.constant 0 : index
    %get3A_17 = arith.constant 0 : index
    %get3A_18 = vector.load %arg1[%get3A_16, %get3A_17] : memref<2000x128xf32, #tpu.memory_space<vmem>>, vector<2000x128xf32>
    %get3A_19 = arith.constant 0 : index
    %get3A_20 = arith.constant 0 : index
    %get3A_21 = vector.load %arg4[%get3A_19, %get3A_20] : memref<128x128xf32, #tpu.memory_space<vmem>>, vector<128x128xf32>
    %dot_general3A = arith.constant dense<0.000000e+00> : vector<2000x128xf32>
    %dot_general3A_22 = tpu.matmul %get3A_18, %get3A_21, %dot_general3A {dimension_numbers = #tpu.dot_dimension_numbers<[1], [0], [0], [1], [0, 0, 1, 1], [], []>, transpose_lhs_hint = false} : vector<2000x128xf32>, vector<128x128xf32>, vector<2000x128xf32> -> vector<2000x128xf32>
    %get3A_23 = arith.constant 0 : index
    %get3A_24 = arith.constant 0 : index
    %get3A_25 = vector.load %arg5[%get3A_23, %get3A_24] : memref<128x128xf32, #tpu.memory_space<vmem>>, vector<128x128xf32>
    %dot_general3A_26 = arith.constant dense<0.000000e+00> : vector<2000x128xf32>
    %dot_general3A_27 = tpu.matmul %div3A_15, %get3A_25, %dot_general3A_26 {dimension_numbers = #tpu.dot_dimension_numbers<[1], [0], [0], [1], [0, 0, 1, 1], [], []>, transpose_lhs_hint = false} : vector<2000x128xf32>, vector<128x128xf32>, vector<2000x128xf32> -> vector<2000x128xf32>
    %add3A_28 = arith.addf %dot_general3A_22, %dot_general3A_27 : vector<2000x128xf32>
    %get3A_29 = arith.constant 0 : index
    %get3A_30 = arith.constant 0 : index
    %get3A_31 = vector.load %arg6[%get3A_29, %get3A_30] : memref<1x128xf32, #tpu.memory_space<vmem>>, vector<1x128xf32>
    %add3A_32 = vector.broadcast %get3A_31 : vector<1x128xf32> to vector<2000x128xf32>
    %add3A_33 = arith.addf %add3A_28, %add3A_32 : vector<2000x128xf32>
    %swap3A = arith.constant 0 : index
    %swap3A_34 = arith.constant 0 : index
    %swap3A_35 = vector.load %arg7[%swap3A, %swap3A_34] : memref<2000x128xf32, #tpu.memory_space<vmem>>, vector<2000x128xf32>
    tpu.vector_store %arg7[%swap3A, %swap3A_34], %add3A_33 {strides = array<i32>} : memref<2000x128xf32, #tpu.memory_space<vmem>>, vector<2000x128xf32>,
    return
  }
  func.func @transform_0(%arg0: i32) -> (i32, i32) {
    %c0_i32 = arith.constant 0 : i32
    %c0_i32_0 = arith.constant 0 : i32
    return %arg0, %c0_i32 : i32, i32
  }
  func.func @transform_1(%arg0: i32) -> (i32, i32, i32) {
    %c0_i32 = arith.constant 0 : i32
    %c0_i32_0 = arith.constant 0 : i32
    %c0_i32_1 = arith.constant 0 : i32
    return %c0_i32, %arg0, %c0_i32_0 : i32, i32, i32
  }
  func.func @transform_2(%arg0: i32) -> (i32, i32) {
    %c0_i32 = arith.constant 0 : i32
    %c0_i32_0 = arith.constant 0 : i32
    return %arg0, %c0_i32 : i32, i32
  }
  func.func @transform_3(%arg0: i32) -> (i32, i32) {
    %c0_i32 = arith.constant 0 : i32
    %c0_i32_0 = arith.constant 0 : i32
    %c0_i32_1 = arith.constant 0 : i32
    return %c0_i32, %c0_i32_0 : i32, i32
  }
  func.func @transform_4(%arg0: i32) -> (i32, i32) {
    %c0_i32 = arith.constant 0 : i32
    %c0_i32_0 = arith.constant 0 : i32
    %c0_i32_1 = arith.constant 0 : i32
    return %c0_i32, %c0_i32_0 : i32, i32
  }
  func.func @transform_5(%arg0: i32) -> (i32, i32) {
    %c0_i32 = arith.constant 0 : i32
    %c0_i32_0 = arith.constant 0 : i32
    %c0_i32_1 = arith.constant 0 : i32
    return %c0_i32, %c0_i32_0 : i32, i32
  }
  func.func @transform_6(%arg0: i32) -> (i32, i32) {
    %c0_i32 = arith.constant 0 : i32
    %c0_i32_0 = arith.constant 0 : i32
    return %arg0, %c0_i32 : i32, i32
  }
}

module attributes {stable_mosaic.version = 14 : i64} {
  func.func @body(%arg0: i32, %arg1: memref<2000x128xf32, #tpu.memory_space<vmem>>, %arg2: memref<2x2000x128xf32, #tpu.memory_space<vmem>>, %arg3: memref<2000x32xf32, #tpu.memory_space<vmem>>, %arg4: memref<128x128xf32, #tpu.memory_space<vmem>>, %arg5: memref<128x128xf32, #tpu.memory_space<vmem>>, %arg6: memref<1x128xf32, #tpu.memory_space<vmem>>, %arg7: memref<128x64xf32, #tpu.memory_space<vmem>>, %arg8: memref<1x64xf32, #tpu.memory_space<vmem>>, %arg9: memref<2000x64xf32, #tpu.memory_space<vmem>>) attributes {dimension_semantics = [#tpu.dimension_semantics<arbitrary>], iteration_bounds = array<i64: 5>, scalar_prefetch = 0 : i64, scratch_operands = 0 : i64, tpu.core_type = #tpu.core_type<tc>, window_params = [{transform_indices = @transform_0, window_bounds = array<i64: 2000, 128>}, {transform_indices = @transform_1, window_bounds = array<i64: 2, 2000, 128>}, {transform_indices = @transform_2, window_bounds = array<i64: 2000, 32>}, {pipeline_mode = #tpu.pipeline_mode<synchronous>, transform_indices = @transform_3, window_bounds = array<i64: 128, 128>}, {pipeline_mode = #tpu.pipeline_mode<synchronous>, transform_indices = @transform_4, window_bounds = array<i64: 128, 128>}, {pipeline_mode = #tpu.pipeline_mode<synchronous>, transform_indices = @transform_5, window_bounds = array<i64: 1, 128>}, {pipeline_mode = #tpu.pipeline_mode<synchronous>, transform_indices = @transform_6, window_bounds = array<i64: 128, 64>}, {pipeline_mode = #tpu.pipeline_mode<synchronous>, transform_indices = @transform_7, window_bounds = array<i64: 1, 64>}, {transform_indices = @transform_8, window_bounds = array<i64: 2000, 64>}]} {
    %get3A = arith.constant 0 : index
    %get3A_0 = arith.constant 0 : index
    %get3A_1 = arith.constant 0 : index
    %get3A_2 = vector.load %arg2[%get3A, %get3A_0, %get3A_1] : memref<2x2000x128xf32, #tpu.memory_space<vmem>>, vector<1x2000x128xf32>
    %get3A_3 = vector.shape_cast %get3A_2 : vector<1x2000x128xf32> to vector<2000x128xf32>
    %get3A_4 = arith.constant 1 : index
    %get3A_5 = arith.constant 0 : index
    %get3A_6 = arith.constant 0 : index
    %get3A_7 = vector.load %arg2[%get3A_4, %get3A_5, %get3A_6] : memref<2x2000x128xf32, #tpu.memory_space<vmem>>, vector<1x2000x128xf32>
    %get3A_8 = vector.shape_cast %get3A_7 : vector<1x2000x128xf32> to vector<2000x128xf32>
    %add3A = arith.addf %get3A_3, %get3A_8 : vector<2000x128xf32>
    %get3A_9 = arith.constant 0 : index
    %get3A_10 = arith.constant 0 : index
    %get3A_11 = vector.load %arg3[%get3A_9, %get3A_10] : memref<2000x32xf32, #tpu.memory_space<vmem>>, vector<2000x32xf32>
    %reduce_sum3A = arith.constant dense<0.000000e+00> : vector<2000xf32>
    %reduce_sum3A_12 = vector.multi_reduction <add>, %get3A_11, %reduce_sum3A [1] : vector<2000x32xf32> to vector<2000xf32>
    %broadcast_in_dim3A = vector.shape_cast %reduce_sum3A_12 : vector<2000xf32> to vector<2000x1xf32>
    %max3A = arith.constant 1.000000e+00 : f32
    %max3A_13 = vector.broadcast %max3A : f32 to vector<2000x1xf32>
    %max3A_14 = arith.maximumf %broadcast_in_dim3A, %max3A_13 : vector<2000x1xf32>
    %div3A = vector.broadcast %max3A_14 : vector<2000x1xf32> to vector<2000x128xf32>
    %div3A_15 = arith.divf %add3A, %div3A : vector<2000x128xf32>
    %get3A_16 = arith.constant 0 : index
    %get3A_17 = arith.constant 0 : index
    %get3A_18 = vector.load %arg1[%get3A_16, %get3A_17] : memref<2000x128xf32, #tpu.memory_space<vmem>>, vector<2000x128xf32>
    %get3A_19 = arith.constant 0 : index
    %get3A_20 = arith.constant 0 : index
    %get3A_21 = vector.load %arg4[%get3A_19, %get3A_20] : memref<128x128xf32, #tpu.memory_space<vmem>>, vector<128x128xf32>
    %dot_general3A = arith.constant dense<0.000000e+00> : vector<2000x128xf32>
    %dot_general3A_22 = tpu.matmul %get3A_18, %get3A_21, %dot_general3A {dimension_numbers = #tpu.dot_dimension_numbers<[1], [0], [0], [1], [0, 0, 1, 1], [], []>, transpose_lhs_hint = false} : vector<2000x128xf32>, vector<128x128xf32>, vector<2000x128xf32> -> vector<2000x128xf32>
    %get3A_23 = arith.constant 0 : index
    %get3A_24 = arith.constant 0 : index
    %get3A_25 = vector.load %arg5[%get3A_23, %get3A_24] : memref<128x128xf32, #tpu.memory_space<vmem>>, vector<128x128xf32>
    %dot_general3A_26 = arith.constant dense<0.000000e+00> : vector<2000x128xf32>
    %dot_general3A_27 = tpu.matmul %div3A_15, %get3A_25, %dot_general3A_26 {dimension_numbers = #tpu.dot_dimension_numbers<[1], [0], [0], [1], [0, 0, 1, 1], [], []>, transpose_lhs_hint = false} : vector<2000x128xf32>, vector<128x128xf32>, vector<2000x128xf32> -> vector<2000x128xf32>
    %add3A_28 = arith.addf %dot_general3A_22, %dot_general3A_27 : vector<2000x128xf32>
    %get3A_29 = arith.constant 0 : index
    %get3A_30 = arith.constant 0 : index
    %get3A_31 = vector.load %arg6[%get3A_29, %get3A_30] : memref<1x128xf32, #tpu.memory_space<vmem>>, vector<1x128xf32>
    %add3A_32 = vector.broadcast %get3A_31 : vector<1x128xf32> to vector<2000x128xf32>
    %add3A_33 = arith.addf %add3A_28, %add3A_32 : vector<2000x128xf32>
    %get3A_34 = arith.constant 0 : index
    %get3A_35 = arith.constant 0 : index
    %get3A_36 = vector.load %arg7[%get3A_34, %get3A_35] : memref<128x64xf32, #tpu.memory_space<vmem>>, vector<128x64xf32>
    %dot_general3A_37 = arith.constant dense<0.000000e+00> : vector<2000x64xf32>
    %dot_general3A_38 = tpu.matmul %add3A_33, %get3A_36, %dot_general3A_37 {dimension_numbers = #tpu.dot_dimension_numbers<[1], [0], [0], [1], [0, 0, 1, 1], [], []>, transpose_lhs_hint = false} : vector<2000x128xf32>, vector<128x64xf32>, vector<2000x64xf32> -> vector<2000x64xf32>
    %get3A_39 = arith.constant 0 : index
    %get3A_40 = arith.constant 0 : index
    %get3A_41 = vector.load %arg8[%get3A_39, %get3A_40] : memref<1x64xf32, #tpu.memory_space<vmem>>, vector<1x64xf32>
    %add3A_42 = vector.broadcast %get3A_41 : vector<1x64xf32> to vector<2000x64xf32>
    %add3A_43 = arith.addf %dot_general3A_38, %add3A_42 : vector<2000x64xf32>
    %swap3A = arith.constant 0 : index
    %swap3A_44 = arith.constant 0 : index
    %swap3A_45 = vector.load %arg9[%swap3A, %swap3A_44] : memref<2000x64xf32, #tpu.memory_space<vmem>>, vector<2000x64xf32>
    tpu.vector_store %arg9[%swap3A, %swap3A_44], %add3A_43 {strides = array<i32>} : memref<2000x64xf32, #tpu.memory_space<vmem>>, vector<2000x64xf32>,
    return
  }
  func.func @transform_0(%arg0: i32) -> (i32, i32) {
    %c0_i32 = arith.constant 0 : i32
    %c0_i32_0 = arith.constant 0 : i32
    return %arg0, %c0_i32 : i32, i32
  }
  func.func @transform_1(%arg0: i32) -> (i32, i32, i32) {
    %c0_i32 = arith.constant 0 : i32
    %c0_i32_0 = arith.constant 0 : i32
    %c0_i32_1 = arith.constant 0 : i32
    return %c0_i32, %arg0, %c0_i32_0 : i32, i32, i32
  }
  func.func @transform_2(%arg0: i32) -> (i32, i32) {
    %c0_i32 = arith.constant 0 : i32
    %c0_i32_0 = arith.constant 0 : i32
    return %arg0, %c0_i32 : i32, i32
  }
  func.func @transform_3(%arg0: i32) -> (i32, i32) {
    %c0_i32 = arith.constant 0 : i32
    %c0_i32_0 = arith.constant 0 : i32
    %c0_i32_1 = arith.constant 0 : i32
    return %c0_i32, %c0_i32_0 : i32, i32
  }
  func.func @transform_4(%arg0: i32) -> (i32, i32) {
    %c0_i32 = arith.constant 0 : i32
    %c0_i32_0 = arith.constant 0 : i32
    %c0_i32_1 = arith.constant 0 : i32
    return %c0_i32, %c0_i32_0 : i32, i32
  }
  func.func @transform_5(%arg0: i32) -> (i32, i32) {
    %c0_i32 = arith.constant 0 : i32
    %c0_i32_0 = arith.constant 0 : i32
    %c0_i32_1 = arith.constant 0 : i32
    return %c0_i32, %c0_i32_0 : i32, i32
  }
  func.func @transform_6(%arg0: i32) -> (i32, i32) {
    %c0_i32 = arith.constant 0 : i32
    %c0_i32_0 = arith.constant 0 : i32
    %c0_i32_1 = arith.constant 0 : i32
    return %c0_i32, %c0_i32_0 : i32, i32
  }
  func.func @transform_7(%arg0: i32) -> (i32, i32) {
    %c0_i32 = arith.constant 0 : i32
    %c0_i32_0 = arith.constant 0 : i32
    %c0_i32_1 = arith.constant 0 : i32
    return %c0_i32, %c0_i32_0 : i32, i32
  }
  func.func @transform_8(%arg0: i32) -> (i32, i32) {
    %c0_i32 = arith.constant 0 : i32
    %c0_i32_0 = arith.constant 0 : i32
    return %arg0, %c0_i32 : i32, i32
  }
}

</mosaic_0001>

<sc_bundles>
// kernel: kernel.12.cloned.1.call-start
scs
__scs_entry_jumppad:
0x0: {  	(pc) =	sbr.rel $0x88, $3  }
0x1: {  	(tag) =	ssettag $0x0;
	lr =	simm.s32 $0x1  }
0x2: {  	[smem:$0x3F94] =	sst lr;
	_ =	strace $0xD0000000  }
0x3: {  	_ = 	snop  }
0x4: {  	_ = 	snop  }
0x5: {  	_ = 	snop  }
0x6: {  	_ = 	snop  }
0x7: {  	_ = 	snop  }
__scs_overlays_trampoline_lowered:
0x8: {  	[smem:$0x3FA3] =	sst s0  }
0x9: {  	[smem:$0x3FA4] =	sst s1  }
0xa: {  	[smem:$0x3FA5] =	sst s2  }
0xb: {  	[smem:$0x3FA6] =	sst s3  }
0xc: {  	[smem:$0x3FA7] =	sst s4  }
0xd: {  	[smem:$0x3FA8] =	sst s5  }
0xe: {  	[smem:$0x3FA9] =	sst s6  }
0xf: {  	[smem:$0x3FAA] =	sst s7  }
0x10: {  	[smem:$0x3FAB] =	sst s8  }
0x11: {  	[smem:$0x3FAC] =	sst s9;
	s0 =	simm.s32 @!p0 $0x0  }
0x12: {  	s1 =	sld [smem:$0x3F92];
	s0 =	simm.s32 @p0 $0x1  }
0x13: {  	[smem:$0x3FAD] =	sst s0;
	s0 =	simm.s32 @!p1 $0x0  }
0x14: {  	s2 =	sld [smem:$0x3F91];
	s0 =	simm.s32 @p1 $0x1  }
0x15: {  	[smem:$0x3FAE] =	sst s0;
	s0 =	simm.s32 @!p2 $0x0  }
0x16: {  	s3 =	sld [smem:$0x3FDB];
	s0 =	simm.s32 @p2 $0x1  }
0x17: {  	s4 =	simm.s32 $0x1BF5;
	[smem:$0x3FB0] =	sst s0  }
0x18: {  	s0 =	sld [smem:$0x3F93];
	_ =	swait.ge [sflag:s4], $0x0  }
0x19: {  	s7 =	sld [smem:$0x3F94]  }
0x1a: {  	s8 =	sadd.s32 $0xFFFFE003, lr  }
0x1b: {  	s9 =	sadd.s32 $0xFFFFFEF7, lr;
	s5 =	simm.s32 $0xFFFFFFFF;
	p2 =	slt.u32 s8, $0xFFFFF086  }
0x1c: {  	p1 =	slt.u32 s9, $0xF7A;
	s5 =	simm.s32 @!p2 $0x0  }
0x1d: {  	s5 =	simm.s32 @p1 $0x1;
	p0 =	seq.s32 s7, s2  }
0x1e: {  	s7 =	smul.u32 @!p0 $0xF7A, s2;
	p2 =	seq.s32 @!p0 s5, $0x0  }
0x1f: {  	s9 =	smul.u32 $0xF7A, s1;
	s8 =	simm.s32 @!p0 $0x1BF5;
	p2 =	por !p2, p0  }
0x20: {  	[sflag:s8] =	ssyncset.s32 @!p0 $0xFFFFF086;
	s6 =	sadd.s32 @!p0 s3, s7;
	s7 =	simm.s32 @!p0 $0x108  }
0x21: {  	s3 =	sadd.s32 s3, s9;
	s6 =	sadd.s32 @!p0 $0x88, s6;
	s7 =	simm.s32 @p2 $0x1082  }
0x22: {  	[simem:s7], [sflag:s8] =	dma.local @!p0 [hbm:s6], $0xF7A  }
0x23: {  	s9 =	sor.u32 $0xD0000000, s2;
	s6 =	simm.s32 $0x108;
	_ =	swait.ge @!p0 [sflag:s8], $0x0  }
0x24: {  	s3 =	sadd.s32 $0x88, s3;
	s6 =	simm.s32 @!p1 $0x1082;
	[sflag:s4] =	ssyncset.s32 $0xFFFFF086  }
0x25: {  	[simem:s6], [sflag:s4] =	dma.local [hbm:s3], $0xF7A  }
0x26: {  	[smem:$0x3F94] =	sst s1;
	(tag) =	ssettag s2;
	_ =	strace s9  }
0x27: {  	s1 =	sld [smem:$0x3FA4]  }
0x28: {  	s2 =	sld [smem:$0x3FA5]  }
0x29: {  	s4 =	sld [smem:$0x3FA7]  }
0x2a: {  	p0 =	seq.s32 s5, $0x0;
	s5 =	sld [smem:$0x3FA8]  }
0x2b: {  	s6 =	sld [smem:$0x3FA9]  }
0x2c: {  	s7 =	sld [smem:$0x3FAA]  }
0x2d: {  	s3 =	simm.s32 $0x108;
	s8 =	sld [smem:$0x3FAB]  }
0x2e: {  	s3 =	simm.s32 @!p0 $0x1082;
	s9 =	sld [smem:$0x3FAC]  }
0x2f: {  	lr =	sadd.s32 s0, s3;
	s0 =	sld [smem:$0x3FA3]  }
0x30: {  	s3 =	sld [smem:$0x3FA6]  }
0x31: {  	[smem:$0x3FAF] =	sst s10  }
0x32: {  	s10 =	sld [smem:$0x3FAD];
	_ =	sdelay $0x3  }
0x33: {  	p0 =	seq.s32 s10, $0x1;
	s10 =	sld [smem:$0x3FAF];
	_ =	sdelay $0x3  }
0x34: {  	[smem:$0x3FAF] =	sst s10  }
0x35: {  	s10 =	sld [smem:$0x3FAE];
	_ =	sdelay $0x3  }
0x36: {  	p1 =	seq.s32 s10, $0x1;
	s10 =	sld [smem:$0x3FAF];
	_ =	sdelay $0x3  }
0x37: {  	[smem:$0x3FAF] =	sst s10  }
0x38: {  	s10 =	sld [smem:$0x3FB0]  }
0x39: {  	_ = 	snop;
	(pc) =	sbr.ind lr, $3  }
0x3a: {  	_ = 	snop  }
0x3b: {  	_ = 	snop  }
0x3c: {  	p2 =	seq.s32 s10, $0x1;
	s10 =	sld [smem:$0x3FAF]  }
0x3d: {  	_ =	shalt  }
0x3e: {  	_ =	shalt  }
0x3f: {  	_ =	shalt  }
0x40: {  	_ =	shalt  }
0x41: {  	_ =	shalt  }
0x42: {  	_ =	shalt  }
0x43: {  	_ =	shalt  }
0x44: {  	_ =	shalt  }
0x45: {  	_ =	shalt  }
0x46: {  	_ =	shalt  }
0x47: {  	_ =	shalt  }
0x48: {  	_ =	shalt  }
0x49: {  	_ =	shalt  }
0x4a: {  	_ =	shalt  }
0x4b: {  	_ =	shalt  }
0x4c: {  	_ =	shalt  }
0x4d: {  	_ =	shalt  }
0x4e: {  	_ =	shalt  }
0x4f: {  	_ =	shalt  }
0x50: {  	_ =	shalt  }
0x51: {  	_ =	shalt  }
0x52: {  	_ =	shalt  }
0x53: {  	_ =	shalt  }
0x54: {  	_ =	shalt  }
0x55: {  	_ =	shalt  }
0x56: {  	_ =	shalt  }
0x57: {  	_ =	shalt  }
0x58: {  	_ =	shalt  }
0x59: {  	_ =	shalt  }
0x5a: {  	_ =	shalt  }
0x5b: {  	_ =	shalt  }
0x5c: {  	_ =	shalt  }
0x5d: {  	_ =	shalt  }
0x5e: {  	_ =	shalt  }
0x5f: {  	_ =	shalt  }
0x60: {  	_ =	shalt  }
0x61: {  	_ =	shalt  }
0x62: {  	_ =	shalt  }
0x63: {  	_ =	shalt  }
0x64: {  	_ =	shalt  }
0x65: {  	_ =	shalt  }
0x66: {  	_ =	shalt  }
0x67: {  	_ =	shalt  }
0x68: {  	_ =	shalt  }
0x69: {  	_ =	shalt  }
0x6a: {  	_ =	shalt  }
0x6b: {  	_ =	shalt  }
0x6c: {  	_ =	shalt  }
0x6d: {  	_ =	shalt  }
0x6e: {  	_ =	shalt  }
0x6f: {  	_ =	shalt  }
0x70: {  	_ =	shalt  }
0x71: {  	_ =	shalt  }
0x72: {  	_ =	shalt  }
0x73: {  	_ =	shalt  }
0x74: {  	_ =	shalt  }
0x75: {  	_ =	shalt  }
0x76: {  	_ =	shalt  }
0x77: {  	_ =	shalt  }
0x78: {  	_ =	shalt  }
0x79: {  	_ =	shalt  }
0x7a: {  	_ =	shalt  }
0x7b: {  	_ =	shalt  }
0x7c: {  	_ =	shalt  }
0x7d: {  	_ =	shalt  }
0x7e: {  	_ =	shalt  }
0x7f: {  	_ =	shalt  }
0x80: {  	_ =	shalt  }
0x81: {  	_ =	shalt  }
0x82: {  	_ =	shalt  }
0x83: {  	_ =	shalt  }
0x84: {  	_ =	shalt  }
0x85: {  	_ =	shalt  }
0x86: {  	_ =	shalt  }
0x87: {  	_ =	shalt  }
.Lfunc_end0:
.L_simem_size_0:
called_computation.1_lowered:
.L_overlay_start_0:
0x88: {  	s2 =	sld [smem:$0x3FD9]  }
0x89: {  	s3 =	sld [smem:$0x3FFE];
	_ =	sdelay $0x1  }
0x8a: {  	s1 =	srdreg.scid  }
0x8b: {  	s0 =	sand.u32 $0x1, s1  }
0x8c: {  	s17 =	sshll.u32 s0, $0xA;
	s2 =	sadd.s32 s3, s2  }
0x8d: {  	s2 =	sadd.s32 s2, s17  }
0x8e: {  	[smem:$0x3FBB] =	sst s2  }
0x8f: {  	_ = 	snop  }
0x90: {  	s18 =	sld [smem:$0x3FC9];
	(tm) =	ssettm $0x1  }
0x91: {  	s19 =	sld [smem:$0x3FFB];
	_ =	sdelay $0x3  }
0x92: {  	_ =	strace s19  }
0x93: {  	s2 =	sld [smem:$0x3FFC];
	_ =	sdelay $0x3  }
0x94: {  	_ =	strace s2  }
0x95: {  	s2 =	sld [smem:$0x3FFD];
	_ =	sdelay $0x3  }
0x96: {  	_ =	strace s2  }
0x97: {  	_ =	strace $0x8FFFFFFF  }
0x98: {  	s20 =	sld [smem:$0x3FDB];
	_ =	sdelay $0x1  }
0x99: {  	s4 =	simm.s32 $_scs_section_size  }
0x9a: {  	s5 =	simm.s32 $_size__tile_overlayer_lowered;
	s6 =	simm.s32 $_tile_overlayer_lowered  }
0x9b: {  	s7 =	simm.s32 $0x1BFF;
	s21 =	sshll.u32 s6, $0x1;
	s4 =	sadd.s32 s4, s20  }
0x9c: {  	s22 =	simm.s32 $0x0;
	s5 =	sshll.u32 s5, $0x1;
	s6 =	sadd.s32 s21, s4  }
0x9d: {  	[timem:s22], [sflag:s7] =	dma.local [hbm:s6], s5  }
0x9e: {  	_ =	swait.ge [sflag:s7], s5  }
0x9f: {  	s5 =	ssub.s32 $0x0, s5;
	[sflag:s7] =	ssyncset.done $0x0  }
0xa0: {  	[sflag:s7] =	ssyncadd.s32 s5;
	_ =	sdelay $0x1  }
0xa1: {  	s23 =	simm.s32 $0x1B8B  }
0xa2: {  	_ =	swait.ge [sflag:s23], $0x1  }
0xa3: {  	[sflag:s23] =	ssyncset.done $0x0  }
0xa4: {  	[sflag:s23] =	ssyncadd.s32 $0xFFFFFFFF  }
0xa5: {  	s5 =	sld [smem:$0x0]  }
0xa6: {  	s6 =	sand.u32 $0xFFFFFFFE, s1  }
0xa7: {  	p0 =	sne.s32 s1, s6  }
0xa8: {  	s6 =	sshll.u32 @p0 s6, $0xE  }
0xa9: {  	s6 =	sadd.s32 @p0 $0x11B8D, s6;
	s7 =	sshll.u32 @p0 s5, $0x11  }
0xaa: {  	s6 =	sor.u32 @p0 s7, s6  }
0xab: {  	[sflag:s6] =	ssyncadd.remote.s32 @p0 $0x1;
	_ =	sdelay $0x1  }
0xac: {  	s6 =	simm.s32 @p0 $0x1B8D  }
0xad: {  	_ =	swait.eq @p0 [sflag:s6], $0x1  }
0xae: {  	[sflag:s6] =	ssyncadd.s32 @p0 $0xFFFFFFFF  }
0xaf: {  	s7 =	sshll.u32 @!p0 s1, $0xE  }
0xb0: {  	s7 =	sor.u32 @!p0 $0x4000, s7;
	s6 =	simm.s32 @!p0 $0x1B8D  }
0xb1: {  	s5 =	sshll.u32 @!p0 s5, $0x11;
	s7 =	sadd.s32 @!p0 $0x11B8D, s7;
	_ =	swait.eq @!p0 [sflag:s6], $0x1  }
0xb2: {  	s5 =	sor.u32 @!p0 s5, s7;
	[sflag:s6] =	ssyncadd.s32 @!p0 $0xFFFFFFFF  }
0xb3: {  	s25 =	simm.s32 $0x1B8E;
	s24 =	sld [smem:$0x3FFE];
	[sflag:s5] =	ssyncadd.remote.s32 @!p0 $0x1  }
0xb4: {  	s26 =	simm.s32 $execute0_lowered;
	[smem:$0x3FD2] =	sst s25  }
0xb5: {  	s6 =	sshll.u32 s26, $0x1;
	_ =	strace $0x80000049;
	[dreg:$0x1] =	wrdreg $0xFFFFFFFF  }
0xb6: {  	s28 =	simm.s32 $_size_execute0_lowered;
	s4 =	sadd.s32 s4, s6;
	[dreg:$0x0] =	wrdreg $0x0  }
0xb7: {  	s6 =	sshll.u32 s28, $0x1;
	[dreg:$0x2] =	wrdreg s4  }
0xb8: {  	[dreg:$0x3] =	wrdreg s6  }
0xb9: {  	[dreg:$0x4] =	wrdreg $0xC0  }
0xba: {  	_ =	task [dreg:s22], $0x5FFFF  }
0xbb: {  	[dreg:$0x1] =	wrdreg $0xFFFFFFFF  }
0xbc: {  	[dreg:$0x0] =	wrdreg $0x60  }
0xbd: {  	[dreg:$0x2] =	wrdreg s18  }
0xbe: {  	[dreg:$0x3] =	wrdreg s24  }
0xbf: {  	[dreg:$0x4] =	wrdreg $0xC0000  }
0xc0: {  	[dreg:$0x5] =	wrdreg $0xA  }
0xc1: {  	_ =	task.clear_ibuf [dreg:s22], $0x6FFFF;
	_ =	strace $0x90000049  }
0xc2: {  	s29 =	simm.s32 $0xA;
	_ =	strace $0x8000004B  }
0xc3: {  	_ =	swait.ge [sflag:s29], $0x1  }
0xc4: {  	[sflag:s29] =	ssyncadd.s32 $0xFFFFFFFF  }
0xc5: {  	_ =	strace $0x9000004B  }
0xc6: {  	_ =	sfence  }
0xc7: {  	s30 =	sld [smem:$0x0];
	_ =	sdelay $0x2  }
0xc8: {  	s31 =	sshll.u32 s1, $0xD;
	s1 =	sshrl.u32 s1, $0x2  }
0xc9: {  	s4 =	sand.u32 $0x4000, s31;
	s1 =	sadd.s32 s1, s30  }
0xca: {  	s0 =	sor.u32 s4, s0;
	s1 =	sshll.u32 s1, $0x11  }
0xcb: {  	s0 =	sor.u32 s1, s0  }
0xcc: {  	s0 =	sadd.s32 $0x8F2B, s0  }
0xcd: {  	[sflag:s0] =	ssyncadd.remote.s32 $0x1  }
0xce: {  	_ =	sfence.sel $0xFFFF  }
0xcf: {  	[dreg:$0x0] =	wrdreg $0xFFFFFFFF;
	(pc) =	sbr.abs _section_cstart, $3  }
0xd0: {  	[dreg:$0x1] =	wrdreg $0xFFFFFFFF  }
0xd1: {  	_ =	task.clear_ibuf [dreg:s22], $0x2FFFF;
	_ =	strace $0x9FFFFFFF  }
0xd2: {  	(tm) =	ssettm $0x7FFFFFFF  }
0xd3: {  	_ =	shalt  }
tec
execute0_lowered:
.L_overlay_start_1:
0x0: {  	(tag) =	ssettag $0x1  }
0x1: {  	s1 =	rddreg [dreg:$0x0]  }
0x2: {  	s0 =	rddreg [dreg:$0x1]  }
0x3: {  	s3 =	rddreg [dreg:$0x2];
	s2 =	srdreg.scid  }
0x4: {  	s10 =	stileid.u32;
	s4 =	simm.s32 $0x0;
	s18 =	simm.s32 $0x4000  }
0x5: {  	s19 =	simm.s32 $0x5;
	s20 =	simm.s32 $0x2000;
	s21 =	simm.s32 $0x40  }
0x6: {  	s28 =	simm.s32 $0x180;
	s29 =	simm.s32 $0xA000;
	s30 =	simm.s32 $0x1  }
0x7: {  	s31 =	simm.s32 $0x2;
	s11 =	simm.s32 $0x3F80;
	s6 =	smul.u32 $0x4F000, s10  }
0x8: {  	s2 =	sand.u32 $0x1, s2;
	s5 =	sshll.u32 s10, $0x1;
	s14 =	smul.u32 $0x2780, s10  }
0x9: {  	[smem:$0x7FF] =	sst s4;
	s5 =	sor.u32 s2, s5;
	s7 =	smul.u32 $0x27800, s2  }
0xa: {  	s10 =	simm.s32 $0x3F00;
	s2 =	ssub.s32 $0x2, s2;
	s5 =	smul.u32 $0xA00, s5  }
0xb: {  	_ =	strace $0x8000004A;
	s6 =	sshrl.u32 s6, $0x2;
	s9 =	sshrl.u32 s2, $0x1  }
0xc: {  	s2 =	ssub.s32 s2, s9;
	s9 =	simm.s32 $0x3E80;
	s8 =	sadd.s32 s5, s0  }
0xd: {  	s5 =	sadd.s32 s6, s3;
	s0 =	sadd.s32 s7, s0;
	s2 =	smax.u32 s2, $0x1  }
0xe: {  	s6 =	sadd.s32 $0x12000, s5;
	s7 =	sadd.s32 $0x20E00, s8;
	[dreg:$0x5] =	wrdreg s2  }
0xf: {  	s8 =	sadd.s32 $0xCE00, s8;
	s22 =	sadd.s32 $0x2000, s5;
	[dreg:$0x4] =	wrdreg s6  }
0x10: {  	s0 =	sadd.s32 $0x34E00, s0;
	s23 =	sadd.s32 $0x4000, s5;
	[dreg:$0x6] =	wrdreg s22  }
0x11: {  	s24 =	sadd.s32 $0x6000, s5;
	s25 =	sadd.s32 $0x8000, s5;
	[dreg:$0x7] =	wrdreg s23  }
0x12: {  	s26 =	sadd.s32 $0xA000, s5;
	s15 =	sadd.s32 $0xC000, s5;
	[dreg:$0x8] =	wrdreg s24  }
0x13: {  	s16 =	sadd.s32 $0xE000, s5;
	s17 =	sadd.s32 $0x10000, s5;
	[dreg:$0x9] =	wrdreg s25  }
0x14: {  	s2 =	simm.s32 $0x4;
	[dreg:$0xa] =	wrdreg s26;
	s22 =	simm.s32 $0x80  }
0x15: {  	s23 =	simm.s32 $0x6000;
	s24 =	sadd.s32 s14, s0;
	s25 =	simm.s32 $0x100  }
0x16: {  	v0 =	vimm.f32 $0.0e+00;
	s26 =	simm.s32 $0x8000;
	s0 =	simm.s32 $0x3;
	s6 =	simm.s32 $0x3E00  }
.LBB2_1:
0x17: {  	s12 =	simm.s32 $0x0;
	s13 =	simm.s32 $0x200  }
.LBB2_2:
0x18: {  	p0 =	sne.s32 s13, $0x7E00;
	[tilespmem:s12+$0x4070] =	vst v0  }
0x19: {  	[tilespmem:s12+$0x4000] =	vst v0  }
0x1a: {  	[tilespmem:s12+$0x4010] =	vst v0  }
.Ltmp0:
0x1b: {  	[tilespmem:s12+$0x4020] =	vst v0;
	(pc) =	sbr.rel @p0 .LBB2_2-.Ltmp0, $4  }
0x1c: {  	[tilespmem:s12+$0x4030] =	vst v0  }
0x1d: {  	[tilespmem:s12+$0x4040] =	vst v0  }
0x1e: {  	[tilespmem:s12+$0x4050] =	vst v0  }
0x1f: {  	[tilespmem:s12+$0x4060] =	vst v0;
	s12 =	sshra.s32 s13, $0x2;
	s13 =	sadd.s32 $0x200, s13  }
0x20: {  	[tilespmem:s12+$0x4070] =	vst v0  }
0x21: {  	[tilespmem:s12+$0x4000] =	vst v0  }
0x22: {  	[tilespmem:s12+$0x4010] =	vst v0  }
0x23: {  	[tilespmem:s12+$0x4020] =	vst v0  }
0x24: {  	[tilespmem:s12+$0x4030] =	vst v0  }
0x25: {  	[tilespmem:s12+$0x4040] =	vst v0  }
0x26: {  	[tilespmem:s12+$0x4050] =	vst v0  }
0x27: {  	[tilespmem:s12+$0x4060] =	vst v0  }
0x28: {  	[spmem:s5] =	stream.linear.scatter [tilespmem:s18], [sflag:$0x5], $0x2000, $0x38;
	[tilespmem:$0x1FC00] =	vst v63  }
0x29: {  	_ =	swait.ge [sflag:s19], $0x2000  }
0x2a: {  	[sflag:s19] =	ssyncset.done $0x0  }
0x2b: {  	s13 =	rddreg [dreg:$0x6];
	[sflag:s19] =	ssyncadd.s32 $0xFFFFE000  }
0x2c: {  	[spmem:s13] =	stream.linear.scatter [tilespmem:s18], [sflag:$0x5], $0x2000, $0x38;
	[tilespmem:$0x1FC00] =	vst v63  }
0x2d: {  	_ =	swait.ge [sflag:s19], $0x2000  }
0x2e: {  	[sflag:s19] =	ssyncset.done $0x0  }
0x2f: {  	s14 =	rddreg [dreg:$0x7];
	[sflag:s19] =	ssyncadd.s32 $0xFFFFE000  }
0x30: {  	[spmem:s14] =	stream.linear.scatter [tilespmem:s18], [sflag:$0x5], $0x2000, $0x38;
	[tilespmem:$0x1FC00] =	vst v63  }
0x31: {  	_ =	swait.ge [sflag:s19], $0x2000  }
0x32: {  	[sflag:s19] =	ssyncset.done $0x0  }
0x33: {  	s13 =	rddreg [dreg:$0x8];
	[sflag:s19] =	ssyncadd.s32 $0xFFFFE000  }
0x34: {  	[spmem:s13] =	stream.linear.scatter [tilespmem:s18], [sflag:$0x5], $0x2000, $0x38;
	[tilespmem:$0x1FC00] =	vst v63  }
0x35: {  	_ =	swait.ge [sflag:s19], $0x2000  }
0x36: {  	[sflag:s19] =	ssyncset.done $0x0  }
0x37: {  	s14 =	rddreg [dreg:$0x9];
	[sflag:s19] =	ssyncadd.s32 $0xFFFFE000  }
0x38: {  	[spmem:s14] =	stream.linear.scatter [tilespmem:s18], [sflag:$0x5], $0x2000, $0x38;
	[tilespmem:$0x1FC00] =	vst v63  }
0x39: {  	_ =	swait.ge [sflag:s19], $0x2000  }
0x3a: {  	[sflag:s19] =	ssyncset.done $0x0  }
0x3b: {  	s13 =	rddreg [dreg:$0xa];
	[sflag:s19] =	ssyncadd.s32 $0xFFFFE000  }
0x3c: {  	[spmem:s13] =	stream.linear.scatter [tilespmem:s18], [sflag:$0x5], $0x2000, $0x38;
	[tilespmem:$0x1FC00] =	vst v63  }
0x3d: {  	_ =	swait.ge [sflag:s19], $0x2000  }
0x3e: {  	[sflag:s19] =	ssyncset.done $0x0  }
0x3f: {  	[sflag:s19] =	ssyncadd.s32 $0xFFFFE000  }
0x40: {  	[spmem:s15] =	stream.linear.scatter [tilespmem:s18], [sflag:$0x5], $0x2000, $0x38;
	[tilespmem:$0x1FC00] =	vst v63  }
0x41: {  	_ =	swait.ge [sflag:s19], $0x2000  }
0x42: {  	[sflag:s19] =	ssyncset.done $0x0  }
0x43: {  	[sflag:s19] =	ssyncadd.s32 $0xFFFFE000  }
0x44: {  	[spmem:s16] =	stream.linear.scatter [tilespmem:s18], [sflag:$0x5], $0x2000, $0x38;
	[tilespmem:$0x1FC00] =	vst v63  }
0x45: {  	_ =	swait.ge [sflag:s19], $0x2000  }
0x46: {  	[sflag:s19] =	ssyncset.done $0x0  }
0x47: {  	[sflag:s19] =	ssyncadd.s32 $0xFFFFE000  }
0x48: {  	[spmem:s17] =	stream.linear.scatter [tilespmem:s18], [sflag:$0x5], $0x2000, $0x38;
	[tilespmem:$0x1FC00] =	vst v63  }
0x49: {  	_ =	swait.ge [sflag:s19], $0x2000  }
0x4a: {  	[sflag:s19] =	ssyncset.done $0x0  }
0x4b: {  	s14 =	rddreg [dreg:$0x4];
	[sflag:s19] =	ssyncadd.s32 $0xFFFFE000  }
0x4c: {  	[spmem:s14] =	stream.linear.scatter [tilespmem:s18], [sflag:$0x5], $0x1C00, $0x38;
	[tilespmem:$0x1FC00] =	vst v63  }
0x4d: {  	_ =	swait.ge [sflag:s19], $0x1C00  }
0x4e: {  	[sflag:s19] =	ssyncset.done $0x0  }
0x4f: {  	[sflag:s19] =	ssyncadd.s32 $0xFFFFE400  }
0x50: {  	s13 =	simm.s32 $0x0;
	[bflag:$0x0] =	sbarrier.arrive $0xFFFF  }
0x51: {  	[tilespmem:s13], [sflag:$0x5] =	stream.linear.gather [hbm4b:s7+s13], $0x2000, $0x38;
	[tilespmem:$0x1FC00] =	vst v63  }
0x52: {  	_ =	swait.ge [sflag:s19], $0x2000  }
0x53: {  	[sflag:s19] =	ssyncset.done $0x0  }
0x54: {  	[sflag:s19] =	ssyncadd.s32 $0xFFFFE000  }
0x55: {  	[tilespmem:s20], [sflag:$0x5] =	stream.linear.gather [hbm4b:s8+s13], $0x2000, $0x38;
	[tilespmem:$0x1FC00] =	vst v63  }
0x56: {  	_ =	swait.ge [sflag:s19], $0x2000  }
0x57: {  	[sflag:s19] =	ssyncset.done $0x0  }
0x58: {  	[sflag:s19] =	ssyncadd.s32 $0xFFFFE000  }
0x59: {  	[tilespmem:s18], [sflag:$0x1] =	stream.indirect.gather [hbm4b:s1+s21], $0x80, s13, s21, $0xb8;
	[tilespmem:$0x1FC00] =	vst v63  }
0x5a: {  	_ = 	snop  }
0x5b: {  	[tilespmem:s23], [sflag:$0x2] =	stream.indirect.gather [hbm4b:s1+s21], $0x80, s22, s21, $0xb8;
	[tilespmem:$0x1FC00] =	vst v63  }
0x5c: {  	_ = 	snop  }
0x5d: {  	[tilespmem:s26], [sflag:$0x3] =	stream.indirect.gather [hbm4b:s1+s21], $0x80, s25, s21, $0xb8;
	[tilespmem:$0x1FC00] =	vst v63  }
0x5e: {  	_ = 	snop  }
0x5f: {  	[tilespmem:s29], [sflag:$0x4] =	stream.indirect.gather [hbm4b:s1+s21], $0x80, s28, s21, $0xb8;
	[tilespmem:$0x1FC00] =	vst v63  }
0x60: {  	_ =	swait.ge [sflag:s30], $0x2000  }
0x61: {  	[sflag:s30] =	ssyncset.done $0x0  }
0x62: {  	s14 =	simm.s32 $0x2000;
	[sflag:s30] =	ssyncadd.s32 $0xFFFFE000  }
0x63: {  	[spmem:s3] =	stream.indirect.scatter.add.f32 [tilespmem:s18], [sflag:$0x5], $0x80, s14, s21, $0xb8;
	[tilespmem:$0x1FC00] =	vst v63  }
0x64: {  	_ =	swait.ge [sflag:s19], $0x2000  }
0x65: {  	[sflag:s19] =	ssyncset.done $0x0  }
0x66: {  	s13 =	simm.s32 $0x200;
	[sflag:s19] =	ssyncadd.s32 $0xFFFFE000  }
0x67: {  	[tilespmem:s18], [sflag:$0x1] =	stream.indirect.gather [hbm4b:s1+s21], $0x80, s13, s21, $0xb8;
	[tilespmem:$0x1FC00] =	vst v63  }
0x68: {  	_ =	swait.ge [sflag:s31], $0x2000  }
0x69: {  	[sflag:s31] =	ssyncset.done $0x0  }
0x6a: {  	s14 =	simm.s32 $0x2080;
	[sflag:s31] =	ssyncadd.s32 $0xFFFFE000  }
0x6b: {  	[spmem:s3] =	stream.indirect.scatter.add.f32 [tilespmem:s23], [sflag:$0x5], $0x80, s14, s21, $0xb8;
	[tilespmem:$0x1FC00] =	vst v63  }
0x6c: {  	_ =	swait.ge [sflag:s19], $0x2000  }
0x6d: {  	[sflag:s19] =	ssyncset.done $0x0  }
0x6e: {  	s13 =	simm.s32 $0x280;
	[sflag:s19] =	ssyncadd.s32 $0xFFFFE000  }
0x6f: {  	[tilespmem:s23], [sflag:$0x2] =	stream.indirect.gather [hbm4b:s1+s21], $0x80, s13, s21, $0xb8;
	[tilespmem:$0x1FC00] =	vst v63  }
0x70: {  	_ =	swait.ge [sflag:s0], $0x2000  }
0x71: {  	[sflag:s0] =	ssyncset.done $0x0  }
0x72: {  	s14 =	simm.s32 $0x2100;
	[sflag:s0] =	ssyncadd.s32 $0xFFFFE000  }
0x73: {  	[spmem:s3] =	stream.indirect.scatter.add.f32 [tilespmem:s26], [sflag:$0x5], $0x80, s14, s21, $0xb8;
	[tilespmem:$0x1FC00] =	vst v63  }
0x74: {  	_ =	swait.ge [sflag:s19], $0x2000  }
0x75: {  	[sflag:s19] =	ssyncset.done $0x0  }
0x76: {  	s13 =	simm.s32 $0x300;
	[sflag:s19] =	ssyncadd.s32 $0xFFFFE000  }
0x77: {  	[tilespmem:s26], [sflag:$0x3] =	stream.indirect.gather [hbm4b:s1+s21], $0x80, s13, s21, $0xb8;
	[tilespmem:$0x1FC00] =	vst v63  }
0x78: {  	_ =	swait.ge [sflag:s2], $0x2000  }
0x79: {  	[sflag:s2] =	ssyncset.done $0x0  }
0x7a: {  	s14 =	simm.s32 $0x2180;
	[sflag:s2] =	ssyncadd.s32 $0xFFFFE000  }
0x7b: {  	[spmem:s3] =	stream.indirect.scatter.add.f32 [tilespmem:s29], [sflag:$0x5], $0x80, s14, s21, $0xb8;
	[tilespmem:$0x1FC00] =	vst v63  }
0x7c: {  	_ =	swait.ge [sflag:s19], $0x2000  }
0x7d: {  	[sflag:s19] =	ssyncset.done $0x0  }
0x7e: {  	s12 =	simm.s32 $0x800;
	s13 =	simm.s32 $0x380;
	[sflag:s19] =	ssyncadd.s32 $0xFFFFE000  }
.LBB2_4:
0x7f: {  	[tilespmem:s29], [sflag:$0x4] =	stream.indirect.gather [hbm4b:s1+s21], $0x80, s13, s21, $0xb8;
	[tilespmem:$0x1FC00] =	vst v63  }
0x80: {  	s13 =	smov.u32 s12  }
0x81: {  	p0 =	sne.s32 s12, $0x7000;
	s12 =	sadd.s32 $0x800, s12;
	_ =	swait.ge [sflag:s30], $0x2000  }
0x82: {  	s13 =	sshra.s32 s13, $0x2;
	[sflag:s30] =	ssyncset.done $0x0  }
0x83: {  	s14 =	sadd.s32 $0x2000, s13;
	[sflag:s30] =	ssyncadd.s32 $0xFFFFE000  }
0x84: {  	[spmem:s3] =	stream.indirect.scatter.add.f32 [tilespmem:s18], [sflag:$0x5], $0x80, s14, s21, $0xb8;
	[tilespmem:$0x1FC00] =	vst v63  }
0x85: {  	_ =	swait.ge [sflag:s19], $0x2000  }
0x86: {  	[sflag:s19] =	ssyncset.done $0x0  }
0x87: {  	s14 =	sadd.s32 $0x200, s13;
	[sflag:s19] =	ssyncadd.s32 $0xFFFFE000  }
0x88: {  	[tilespmem:s18], [sflag:$0x1] =	stream.indirect.gather [hbm4b:s1+s21], $0x80, s14, s21, $0xb8;
	[tilespmem:$0x1FC00] =	vst v63  }
0x89: {  	_ =	swait.ge [sflag:s31], $0x2000  }
0x8a: {  	[sflag:s31] =	ssyncset.done $0x0  }
0x8b: {  	s14 =	sadd.s32 $0x2080, s13;
	[sflag:s31] =	ssyncadd.s32 $0xFFFFE000  }
0x8c: {  	[spmem:s3] =	stream.indirect.scatter.add.f32 [tilespmem:s23], [sflag:$0x5], $0x80, s14, s21, $0xb8;
	[tilespmem:$0x1FC00] =	vst v63  }
0x8d: {  	_ =	swait.ge [sflag:s19], $0x2000  }
0x8e: {  	[sflag:s19] =	ssyncset.done $0x0  }
0x8f: {  	s14 =	sadd.s32 $0x280, s13;
	[sflag:s19] =	ssyncadd.s32 $0xFFFFE000  }
0x90: {  	[tilespmem:s23], [sflag:$0x2] =	stream.indirect.gather [hbm4b:s1+s21], $0x80, s14, s21, $0xb8;
	[tilespmem:$0x1FC00] =	vst v63  }
0x91: {  	_ =	swait.ge [sflag:s0], $0x2000  }
0x92: {  	[sflag:s0] =	ssyncset.done $0x0  }
0x93: {  	s14 =	sadd.s32 $0x2100, s13;
	[sflag:s0] =	ssyncadd.s32 $0xFFFFE000  }
0x94: {  	[spmem:s3] =	stream.indirect.scatter.add.f32 [tilespmem:s26], [sflag:$0x5], $0x80, s14, s21, $0xb8;
	[tilespmem:$0x1FC00] =	vst v63  }
0x95: {  	_ =	swait.ge [sflag:s19], $0x2000  }
0x96: {  	[sflag:s19] =	ssyncset.done $0x0  }
0x97: {  	s14 =	sadd.s32 $0x300, s13;
	[sflag:s19] =	ssyncadd.s32 $0xFFFFE000  }
0x98: {  	[tilespmem:s26], [sflag:$0x3] =	stream.indirect.gather [hbm4b:s1+s21], $0x80, s14, s21, $0xb8;
	[tilespmem:$0x1FC00] =	vst v63  }
0x99: {  	_ =	swait.ge [sflag:s2], $0x2000  }
0x9a: {  	[sflag:s2] =	ssyncset.done $0x0  }
.Ltmp1:
0x9b: {  	s14 =	sadd.s32 $0x2180, s13;
	[sflag:s2] =	ssyncadd.s32 $0xFFFFE000;
	(pc) =	sbr.rel @p0 .LBB2_4-.Ltmp1, $4  }
0x9c: {  	[spmem:s3] =	stream.indirect.scatter.add.f32 [tilespmem:s29], [sflag:$0x5], $0x80, s14, s21, $0xb8;
	[tilespmem:$0x1FC00] =	vst v63  }
0x9d: {  	_ =	swait.ge [sflag:s19], $0x2000  }
0x9e: {  	[sflag:s19] =	ssyncset.done $0x0  }
0x9f: {  	s13 =	sadd.s32 $0x380, s13;
	[sflag:s19] =	ssyncadd.s32 $0xFFFFE000  }
0xa0: {  	[tilespmem:s29], [sflag:$0x4] =	stream.indirect.gather [hbm4b:s1+s21], $0x80, s13, s21, $0xb8;
	[tilespmem:$0x1FC00] =	vst v63  }
0xa1: {  	_ =	swait.ge [sflag:s30], $0x2000  }
0xa2: {  	[sflag:s30] =	ssyncset.done $0x0  }
0xa3: {  	[sflag:s30] =	ssyncadd.s32 $0xFFFFE000  }
0xa4: {  	[spmem:s3] =	stream.indirect.scatter.add.f32 [tilespmem:s18], [sflag:$0x5], $0x80, s6, s21, $0xb8;
	[tilespmem:$0x1FC00] =	vst v63  }
0xa5: {  	_ =	swait.ge [sflag:s19], $0x2000  }
0xa6: {  	[sflag:s19] =	ssyncset.done $0x0  }
0xa7: {  	[sflag:s19] =	ssyncadd.s32 $0xFFFFE000  }
0xa8: {  	_ =	swait.ge [sflag:s31], $0x2000  }
0xa9: {  	[sflag:s31] =	ssyncset.done $0x0  }
0xaa: {  	[sflag:s31] =	ssyncadd.s32 $0xFFFFE000  }
0xab: {  	[spmem:s3] =	stream.indirect.scatter.add.f32 [tilespmem:s23], [sflag:$0x5], $0x80, s9, s21, $0xb8;
	[tilespmem:$0x1FC00] =	vst v63  }
0xac: {  	_ =	swait.ge [sflag:s19], $0x2000  }
0xad: {  	[sflag:s19] =	ssyncset.done $0x0  }
0xae: {  	[sflag:s19] =	ssyncadd.s32 $0xFFFFE000  }
0xaf: {  	_ =	swait.ge [sflag:s0], $0x2000  }
0xb0: {  	[sflag:s0] =	ssyncset.done $0x0  }
0xb1: {  	[sflag:s0] =	ssyncadd.s32 $0xFFFFE000  }
0xb2: {  	[spmem:s3] =	stream.indirect.scatter.add.f32 [tilespmem:s26], [sflag:$0x5], $0x80, s10, s21, $0xb8;
	[tilespmem:$0x1FC00] =	vst v63  }
0xb3: {  	_ =	swait.ge [sflag:s19], $0x2000  }
0xb4: {  	[sflag:s19] =	ssyncset.done $0x0  }
0xb5: {  	[sflag:s19] =	ssyncadd.s32 $0xFFFFE000  }
0xb6: {  	_ =	swait.ge [sflag:s2], $0x2000  }
0xb7: {  	[sflag:s2] =	ssyncset.done $0x0  }
0xb8: {  	[sflag:s2] =	ssyncadd.s32 $0xFFFFE000  }
0xb9: {  	[spmem:s3] =	stream.indirect.scatter.add.f32 [tilespmem:s29], [sflag:$0x5], $0x80, s11, s21, $0xb8;
	[tilespmem:$0x1FC00] =	vst v63  }
0xba: {  	_ =	swait.ge [sflag:s19], $0x2000  }
0xbb: {  	[sflag:s19] =	ssyncset.done $0x0  }
0xbc: {  	s12 =	sadd.s32 $0x400, s7;
	s13 =	simm.s32 $0x0;
	[sflag:s19] =	ssyncadd.s32 $0xFFFFE000  }
0xbd: {  	[tilespmem:s13], [sflag:$0x5] =	stream.linear.gather [hbm4b:s12+s13], $0x2000, $0x38;
	[tilespmem:$0x1FC00] =	vst v63  }
0xbe: {  	_ =	swait.ge [sflag:s19], $0x2000  }
0xbf: {  	[sflag:s19] =	ssyncset.done $0x0  }
0xc0: {  	s14 =	sadd.s32 $0x400, s8;
	[sflag:s19] =	ssyncadd.s32 $0xFFFFE000  }
0xc1: {  	[tilespmem:s20], [sflag:$0x5] =	stream.linear.gather [hbm4b:s14+s13], $0x2000, $0x38;
	[tilespmem:$0x1FC00] =	vst v63  }
0xc2: {  	_ =	swait.ge [sflag:s19], $0x2000  }
0xc3: {  	[sflag:s19] =	ssyncset.done $0x0  }
0xc4: {  	[sflag:s19] =	ssyncadd.s32 $0xFFFFE000  }
0xc5: {  	[tilespmem:s18], [sflag:$0x1] =	stream.indirect.gather [hbm4b:s1+s21], $0x80, s13, s21, $0xb8;
	[tilespmem:$0x1FC00] =	vst v63  }
0xc6: {  	_ = 	snop  }
0xc7: {  	[tilespmem:s23], [sflag:$0x2] =	stream.indirect.gather [hbm4b:s1+s21], $0x80, s22, s21, $0xb8;
	[tilespmem:$0x1FC00] =	vst v63  }
0xc8: {  	_ = 	snop  }
0xc9: {  	[tilespmem:s26], [sflag:$0x3] =	stream.indirect.gather [hbm4b:s1+s21], $0x80, s25, s21, $0xb8;
	[tilespmem:$0x1FC00] =	vst v63  }
0xca: {  	_ = 	snop  }
0xcb: {  	[tilespmem:s29], [sflag:$0x4] =	stream.indirect.gather [hbm4b:s1+s21], $0x80, s28, s21, $0xb8;
	[tilespmem:$0x1FC00] =	vst v63  }
0xcc: {  	_ =	swait.ge [sflag:s30], $0x2000  }
0xcd: {  	[sflag:s30] =	ssyncset.done $0x0  }
0xce: {  	s14 =	simm.s32 $0x2000;
	[sflag:s30] =	ssyncadd.s32 $0xFFFFE000  }
0xcf: {  	[spmem:s3] =	stream.indirect.scatter.add.f32 [tilespmem:s18], [sflag:$0x5], $0x80, s14, s21, $0xb8;
	[tilespmem:$0x1FC00] =	vst v63  }
0xd0: {  	_ =	swait.ge [sflag:s19], $0x2000  }
0xd1: {  	[sflag:s19] =	ssyncset.done $0x0  }
0xd2: {  	s13 =	simm.s32 $0x200;
	[sflag:s19] =	ssyncadd.s32 $0xFFFFE000  }
0xd3: {  	[tilespmem:s18], [sflag:$0x1] =	stream.indirect.gather [hbm4b:s1+s21], $0x80, s13, s21, $0xb8;
	[tilespmem:$0x1FC00] =	vst v63  }
0xd4: {  	_ =	swait.ge [sflag:s31], $0x2000  }
0xd5: {  	[sflag:s31] =	ssyncset.done $0x0  }
0xd6: {  	s14 =	simm.s32 $0x2080;
	[sflag:s31] =	ssyncadd.s32 $0xFFFFE000  }
0xd7: {  	[spmem:s3] =	stream.indirect.scatter.add.f32 [tilespmem:s23], [sflag:$0x5], $0x80, s14, s21, $0xb8;
	[tilespmem:$0x1FC00] =	vst v63  }
0xd8: {  	_ =	swait.ge [sflag:s19], $0x2000  }
0xd9: {  	[sflag:s19] =	ssyncset.done $0x0  }
0xda: {  	s13 =	simm.s32 $0x280;
	[sflag:s19] =	ssyncadd.s32 $0xFFFFE000  }
0xdb: {  	[tilespmem:s23], [sflag:$0x2] =	stream.indirect.gather [hbm4b:s1+s21], $0x80, s13, s21, $0xb8;
	[tilespmem:$0x1FC00] =	vst v63  }
0xdc: {  	_ =	swait.ge [sflag:s0], $0x2000  }
0xdd: {  	[sflag:s0] =	ssyncset.done $0x0  }
0xde: {  	s14 =	simm.s32 $0x2100;
	[sflag:s0] =	ssyncadd.s32 $0xFFFFE000  }
0xdf: {  	[spmem:s3] =	stream.indirect.scatter.add.f32 [tilespmem:s26], [sflag:$0x5], $0x80, s14, s21, $0xb8;
	[tilespmem:$0x1FC00] =	vst v63  }
0xe0: {  	_ =	swait.ge [sflag:s19], $0x2000  }
0xe1: {  	[sflag:s19] =	ssyncset.done $0x0  }
0xe2: {  	s13 =	simm.s32 $0x300;
	[sflag:s19] =	ssyncadd.s32 $0xFFFFE000  }
0xe3: {  	[tilespmem:s26], [sflag:$0x3] =	stream.indirect.gather [hbm4b:s1+s21], $0x80, s13, s21, $0xb8;
	[tilespmem:$0x1FC00] =	vst v63  }
0xe4: {  	_ =	swait.ge [sflag:s2], $0x2000  }
0xe5: {  	[sflag:s2] =	ssyncset.done $0x0  }
0xe6: {  	s14 =	simm.s32 $0x2180;
	[sflag:s2] =	ssyncadd.s32 $0xFFFFE000  }
0xe7: {  	[spmem:s3] =	stream.indirect.scatter.add.f32 [tilespmem:s29], [sflag:$0x5], $0x80, s14, s21, $0xb8;
	[tilespmem:$0x1FC00] =	vst v63  }
0xe8: {  	_ =	swait.ge [sflag:s19], $0x2000  }
0xe9: {  	[sflag:s19] =	ssyncset.done $0x0  }
0xea: {  	s12 =	simm.s32 $0x800;
	s13 =	simm.s32 $0x380;
	[sflag:s19] =	ssyncadd.s32 $0xFFFFE000  }
.LBB2_6:
0xeb: {  	[tilespmem:s29], [sflag:$0x4] =	stream.indirect.gather [hbm4b:s1+s21], $0x80, s13, s21, $0xb8;
	[tilespmem:$0x1FC00] =	vst v63  }
0xec: {  	s13 =	smov.u32 s12  }
0xed: {  	p0 =	sne.s32 s12, $0x7000;
	s12 =	sadd.s32 $0x800, s12;
	_ =	swait.ge [sflag:s30], $0x2000  }
0xee: {  	s13 =	sshra.s32 s13, $0x2;
	[sflag:s30] =	ssyncset.done $0x0  }
0xef: {  	s14 =	sadd.s32 $0x2000, s13;
	[sflag:s30] =	ssyncadd.s32 $0xFFFFE000  }
0xf0: {  	[spmem:s3] =	stream.indirect.scatter.add.f32 [tilespmem:s18], [sflag:$0x5], $0x80, s14, s21, $0xb8;
	[tilespmem:$0x1FC00] =	vst v63  }
0xf1: {  	_ =	swait.ge [sflag:s19], $0x2000  }
0xf2: {  	[sflag:s19] =	ssyncset.done $0x0  }
0xf3: {  	s14 =	sadd.s32 $0x200, s13;
	[sflag:s19] =	ssyncadd.s32 $0xFFFFE000  }
0xf4: {  	[tilespmem:s18], [sflag:$0x1] =	stream.indirect.gather [hbm4b:s1+s21], $0x80, s14, s21, $0xb8;
	[tilespmem:$0x1FC00] =	vst v63  }
0xf5: {  	_ =	swait.ge [sflag:s31], $0x2000  }
0xf6: {  	[sflag:s31] =	ssyncset.done $0x0  }
0xf7: {  	s14 =	sadd.s32 $0x2080, s13;
	[sflag:s31] =	ssyncadd.s32 $0xFFFFE000  }
0xf8: {  	[spmem:s3] =	stream.indirect.scatter.add.f32 [tilespmem:s23], [sflag:$0x5], $0x80, s14, s21, $0xb8;
	[tilespmem:$0x1FC00] =	vst v63  }
0xf9: {  	_ =	swait.ge [sflag:s19], $0x2000  }
0xfa: {  	[sflag:s19] =	ssyncset.done $0x0  }
0xfb: {  	s14 =	sadd.s32 $0x280, s13;
	[sflag:s19] =	ssyncadd.s32 $0xFFFFE000  }
0xfc: {  	[tilespmem:s23], [sflag:$0x2] =	stream.indirect.gather [hbm4b:s1+s21], $0x80, s14, s21, $0xb8;
	[tilespmem:$0x1FC00] =	vst v63  }
0xfd: {  	_ =	swait.ge [sflag:s0], $0x2000  }
0xfe: {  	[sflag:s0] =	ssyncset.done $0x0  }
0xff: {  	s14 =	sadd.s32 $0x2100, s13;
	[sflag:s0] =	ssyncadd.s32 $0xFFFFE000  }
0x100: {  	[spmem:s3] =	stream.indirect.scatter.add.f32 [tilespmem:s26], [sflag:$0x5], $0x80, s14, s21, $0xb8;
	[tilespmem:$0x1FC00] =	vst v63  }
0x101: {  	_ =	swait.ge [sflag:s19], $0x2000  }
0x102: {  	[sflag:s19] =	ssyncset.done $0x0  }
0x103: {  	s14 =	sadd.s32 $0x300, s13;
	[sflag:s19] =	ssyncadd.s32 $0xFFFFE000  }
0x104: {  	[tilespmem:s26], [sflag:$0x3] =	stream.indirect.gather [hbm4b:s1+s21], $0x80, s14, s21, $0xb8;
	[tilespmem:$0x1FC00] =	vst v63  }
0x105: {  	_ =	swait.ge [sflag:s2], $0x2000  }
0x106: {  	[sflag:s2] =	ssyncset.done $0x0  }
.Ltmp2:
0x107: {  	s14 =	sadd.s32 $0x2180, s13;
	[sflag:s2] =	ssyncadd.s32 $0xFFFFE000;
	(pc) =	sbr.rel @p0 .LBB2_6-.Ltmp2, $4  }
0x108: {  	[spmem:s3] =	stream.indirect.scatter.add.f32 [tilespmem:s29], [sflag:$0x5], $0x80, s14, s21, $0xb8;
	[tilespmem:$0x1FC00] =	vst v63  }
0x109: {  	_ =	swait.ge [sflag:s19], $0x2000  }
0x10a: {  	[sflag:s19] =	ssyncset.done $0x0  }
0x10b: {  	s13 =	sadd.s32 $0x380, s13;
	[sflag:s19] =	ssyncadd.s32 $0xFFFFE000  }
0x10c: {  	[tilespmem:s29], [sflag:$0x4] =	stream.indirect.gather [hbm4b:s1+s21], $0x80, s13, s21, $0xb8;
	[tilespmem:$0x1FC00] =	vst v63  }
0x10d: {  	_ =	swait.ge [sflag:s30], $0x2000  }
0x10e: {  	[sflag:s30] =	ssyncset.done $0x0  }
0x10f: {  	[sflag:s30] =	ssyncadd.s32 $0xFFFFE000  }
0x110: {  	[spmem:s3] =	stream.indirect.scatter.add.f32 [tilespmem:s18], [sflag:$0x5], $0x80, s6, s21, $0xb8;
	[tilespmem:$0x1FC00] =	vst v63  }
0x111: {  	_ =	swait.ge [sflag:s19], $0x2000  }
0x112: {  	[sflag:s19] =	ssyncset.done $0x0  }
0x113: {  	[sflag:s19] =	ssyncadd.s32 $0xFFFFE000  }
0x114: {  	_ =	swait.ge [sflag:s31], $0x2000  }
0x115: {  	[sflag:s31] =	ssyncset.done $0x0  }
0x116: {  	[sflag:s31] =	ssyncadd.s32 $0xFFFFE000  }
0x117: {  	[spmem:s3] =	stream.indirect.scatter.add.f32 [tilespmem:s23], [sflag:$0x5], $0x80, s9, s21, $0xb8;
	[tilespmem:$0x1FC00] =	vst v63  }
0x118: {  	_ =	swait.ge [sflag:s19], $0x2000  }
0x119: {  	[sflag:s19] =	ssyncset.done $0x0  }
0x11a: {  	[sflag:s19] =	ssyncadd.s32 $0xFFFFE000  }
0x11b: {  	_ =	swait.ge [sflag:s0], $0x2000  }
0x11c: {  	[sflag:s0] =	ssyncset.done $0x0  }
0x11d: {  	[sflag:s0] =	ssyncadd.s32 $0xFFFFE000  }
0x11e: {  	[spmem:s3] =	stream.indirect.scatter.add.f32 [tilespmem:s26], [sflag:$0x5], $0x80, s10, s21, $0xb8;
	[tilespmem:$0x1FC00] =	vst v63  }
0x11f: {  	_ =	swait.ge [sflag:s19], $0x2000  }
0x120: {  	[sflag:s19] =	ssyncset.done $0x0  }
0x121: {  	[sflag:s19] =	ssyncadd.s32 $0xFFFFE000  }
0x122: {  	_ =	swait.ge [sflag:s2], $0x2000  }
0x123: {  	[sflag:s2] =	ssyncset.done $0x0  }
0x124: {  	[sflag:s2] =	ssyncadd.s32 $0xFFFFE000  }
0x125: {  	[spmem:s3] =	stream.indirect.scatter.add.f32 [tilespmem:s29], [sflag:$0x5], $0x80, s11, s21, $0xb8;
	[tilespmem:$0x1FC00] =	vst v63  }
0x126: {  	_ =	swait.ge [sflag:s19], $0x2000  }
0x127: {  	[sflag:s19] =	ssyncset.done $0x0  }
0x128: {  	s12 =	sadd.s32 $0x800, s7;
	s13 =	simm.s32 $0x0;
	[sflag:s19] =	ssyncadd.s32 $0xFFFFE000  }
0x129: {  	[tilespmem:s13], [sflag:$0x5] =	stream.linear.gather [hbm4b:s12+s13], $0x1000, $0x38;
	[tilespmem:$0x1FC00] =	vst v63  }
0x12a: {  	_ =	swait.ge [sflag:s19], $0x1000  }
0x12b: {  	[sflag:s19] =	ssyncset.done $0x0  }
0x12c: {  	s14 =	sadd.s32 $0x800, s8;
	[sflag:s19] =	ssyncadd.s32 $0xFFFFF000  }
0x12d: {  	[tilespmem:s20], [sflag:$0x5] =	stream.linear.gather [hbm4b:s14+s13], $0x1000, $0x38;
	[tilespmem:$0x1FC00] =	vst v63  }
0x12e: {  	_ =	swait.ge [sflag:s19], $0x1000  }
0x12f: {  	[sflag:s19] =	ssyncset.done $0x0  }
0x130: {  	[sflag:s19] =	ssyncadd.s32 $0xFFFFF000  }
0x131: {  	[tilespmem:s18], [sflag:$0x1] =	stream.indirect.gather [hbm4b:s1+s21], $0x80, s13, s21, $0xb8;
	[tilespmem:$0x1FC00] =	vst v63  }
0x132: {  	_ = 	snop  }
0x133: {  	[tilespmem:s23], [sflag:$0x2] =	stream.indirect.gather [hbm4b:s1+s21], $0x80, s22, s21, $0xb8;
	[tilespmem:$0x1FC00] =	vst v63  }
0x134: {  	_ = 	snop  }
0x135: {  	[tilespmem:s26], [sflag:$0x3] =	stream.indirect.gather [hbm4b:s1+s21], $0x80, s25, s21, $0xb8;
	[tilespmem:$0x1FC00] =	vst v63  }
0x136: {  	_ = 	snop  }
0x137: {  	[tilespmem:s29], [sflag:$0x4] =	stream.indirect.gather [hbm4b:s1+s21], $0x80, s28, s21, $0xb8;
	[tilespmem:$0x1FC00] =	vst v63  }
0x138: {  	_ =	swait.ge [sflag:s30], $0x2000  }
0x139: {  	[sflag:s30] =	ssyncset.done $0x0  }
0x13a: {  	s14 =	simm.s32 $0x2000;
	[sflag:s30] =	ssyncadd.s32 $0xFFFFE000  }
0x13b: {  	[spmem:s3] =	stream.indirect.scatter.add.f32 [tilespmem:s18], [sflag:$0x5], $0x80, s14, s21, $0xb8;
	[tilespmem:$0x1FC00] =	vst v63  }
0x13c: {  	_ =	swait.ge [sflag:s19], $0x2000  }
0x13d: {  	[sflag:s19] =	ssyncset.done $0x0  }
0x13e: {  	s13 =	simm.s32 $0x200;
	[sflag:s19] =	ssyncadd.s32 $0xFFFFE000  }
0x13f: {  	[tilespmem:s18], [sflag:$0x1] =	stream.indirect.gather [hbm4b:s1+s21], $0x80, s13, s21, $0xb8;
	[tilespmem:$0x1FC00] =	vst v63  }
0x140: {  	_ =	swait.ge [sflag:s31], $0x2000  }
0x141: {  	[sflag:s31] =	ssyncset.done $0x0  }
0x142: {  	s14 =	simm.s32 $0x2080;
	[sflag:s31] =	ssyncadd.s32 $0xFFFFE000  }
0x143: {  	[spmem:s3] =	stream.indirect.scatter.add.f32 [tilespmem:s23], [sflag:$0x5], $0x80, s14, s21, $0xb8;
	[tilespmem:$0x1FC00] =	vst v63  }
0x144: {  	_ =	swait.ge [sflag:s19], $0x2000  }
0x145: {  	[sflag:s19] =	ssyncset.done $0x0  }
0x146: {  	s13 =	simm.s32 $0x280;
	[sflag:s19] =	ssyncadd.s32 $0xFFFFE000  }
0x147: {  	[tilespmem:s23], [sflag:$0x2] =	stream.indirect.gather [hbm4b:s1+s21], $0x80, s13, s21, $0xb8;
	[tilespmem:$0x1FC00] =	vst v63  }
0x148: {  	_ =	swait.ge [sflag:s0], $0x2000  }
0x149: {  	[sflag:s0] =	ssyncset.done $0x0  }
0x14a: {  	s14 =	simm.s32 $0x2100;
	[sflag:s0] =	ssyncadd.s32 $0xFFFFE000  }
0x14b: {  	[spmem:s3] =	stream.indirect.scatter.add.f32 [tilespmem:s26], [sflag:$0x5], $0x80, s14, s21, $0xb8;
	[tilespmem:$0x1FC00] =	vst v63  }
0x14c: {  	_ =	swait.ge [sflag:s19], $0x2000  }
0x14d: {  	[sflag:s19] =	ssyncset.done $0x0  }
0x14e: {  	s13 =	simm.s32 $0x300;
	[sflag:s19] =	ssyncadd.s32 $0xFFFFE000  }
0x14f: {  	[tilespmem:s26], [sflag:$0x3] =	stream.indirect.gather [hbm4b:s1+s21], $0x80, s13, s21, $0xb8;
	[tilespmem:$0x1FC00] =	vst v63  }
0x150: {  	_ =	swait.ge [sflag:s2], $0x2000  }
0x151: {  	[sflag:s2] =	ssyncset.done $0x0  }
0x152: {  	s14 =	simm.s32 $0x2180;
	[sflag:s2] =	ssyncadd.s32 $0xFFFFE000  }
0x153: {  	[spmem:s3] =	stream.indirect.scatter.add.f32 [tilespmem:s29], [sflag:$0x5], $0x80, s14, s21, $0xb8;
	[tilespmem:$0x1FC00] =	vst v63  }
0x154: {  	_ =	swait.ge [sflag:s19], $0x2000  }
0x155: {  	[sflag:s19] =	ssyncset.done $0x0  }
0x156: {  	s12 =	simm.s32 $0x800;
	s13 =	simm.s32 $0x380;
	[sflag:s19] =	ssyncadd.s32 $0xFFFFE000  }
.LBB2_8:
0x157: {  	[tilespmem:s29], [sflag:$0x4] =	stream.indirect.gather [hbm4b:s1+s21], $0x80, s13, s21, $0xb8;
	[tilespmem:$0x1FC00] =	vst v63  }
0x158: {  	s13 =	smov.u32 s12  }
0x159: {  	p0 =	sne.s32 s12, $0x3000;
	s12 =	sadd.s32 $0x800, s12;
	_ =	swait.ge [sflag:s30], $0x2000  }
0x15a: {  	s13 =	sshra.s32 s13, $0x2;
	[sflag:s30] =	ssyncset.done $0x0  }
0x15b: {  	s14 =	sadd.s32 $0x2000, s13;
	[sflag:s30] =	ssyncadd.s32 $0xFFFFE000  }
0x15c: {  	[spmem:s3] =	stream.indirect.scatter.add.f32 [tilespmem:s18], [sflag:$0x5], $0x80, s14, s21, $0xb8;
	[tilespmem:$0x1FC00] =	vst v63  }
0x15d: {  	_ =	swait.ge [sflag:s19], $0x2000  }
0x15e: {  	[sflag:s19] =	ssyncset.done $0x0  }
0x15f: {  	s14 =	sadd.s32 $0x200, s13;
	[sflag:s19] =	ssyncadd.s32 $0xFFFFE000  }
0x160: {  	[tilespmem:s18], [sflag:$0x1] =	stream.indirect.gather [hbm4b:s1+s21], $0x80, s14, s21, $0xb8;
	[tilespmem:$0x1FC00] =	vst v63  }
0x161: {  	_ =	swait.ge [sflag:s31], $0x2000  }
0x162: {  	[sflag:s31] =	ssyncset.done $0x0  }
0x163: {  	s14 =	sadd.s32 $0x2080, s13;
	[sflag:s31] =	ssyncadd.s32 $0xFFFFE000  }
0x164: {  	[spmem:s3] =	stream.indirect.scatter.add.f32 [tilespmem:s23], [sflag:$0x5], $0x80, s14, s21, $0xb8;
	[tilespmem:$0x1FC00] =	vst v63  }
0x165: {  	_ =	swait.ge [sflag:s19], $0x2000  }
0x166: {  	[sflag:s19] =	ssyncset.done $0x0  }
0x167: {  	s14 =	sadd.s32 $0x280, s13;
	[sflag:s19] =	ssyncadd.s32 $0xFFFFE000  }
0x168: {  	[tilespmem:s23], [sflag:$0x2] =	stream.indirect.gather [hbm4b:s1+s21], $0x80, s14, s21, $0xb8;
	[tilespmem:$0x1FC00] =	vst v63  }
0x169: {  	_ =	swait.ge [sflag:s0], $0x2000  }
0x16a: {  	[sflag:s0] =	ssyncset.done $0x0  }
0x16b: {  	s14 =	sadd.s32 $0x2100, s13;
	[sflag:s0] =	ssyncadd.s32 $0xFFFFE000  }
0x16c: {  	[spmem:s3] =	stream.indirect.scatter.add.f32 [tilespmem:s26], [sflag:$0x5], $0x80, s14, s21, $0xb8;
	[tilespmem:$0x1FC00] =	vst v63  }
0x16d: {  	_ =	swait.ge [sflag:s19], $0x2000  }
0x16e: {  	[sflag:s19] =	ssyncset.done $0x0  }
0x16f: {  	s14 =	sadd.s32 $0x300, s13;
	[sflag:s19] =	ssyncadd.s32 $0xFFFFE000  }
0x170: {  	[tilespmem:s26], [sflag:$0x3] =	stream.indirect.gather [hbm4b:s1+s21], $0x80, s14, s21, $0xb8;
	[tilespmem:$0x1FC00] =	vst v63  }
0x171: {  	_ =	swait.ge [sflag:s2], $0x2000  }
0x172: {  	[sflag:s2] =	ssyncset.done $0x0  }
.Ltmp3:
0x173: {  	s14 =	sadd.s32 $0x2180, s13;
	[sflag:s2] =	ssyncadd.s32 $0xFFFFE000;
	(pc) =	sbr.rel @p0 .LBB2_8-.Ltmp3, $4  }
0x174: {  	[spmem:s3] =	stream.indirect.scatter.add.f32 [tilespmem:s29], [sflag:$0x5], $0x80, s14, s21, $0xb8;
	[tilespmem:$0x1FC00] =	vst v63  }
0x175: {  	_ =	swait.ge [sflag:s19], $0x2000  }
0x176: {  	[sflag:s19] =	ssyncset.done $0x0  }
0x177: {  	s13 =	sadd.s32 $0x380, s13;
	[sflag:s19] =	ssyncadd.s32 $0xFFFFE000  }
0x178: {  	[tilespmem:s29], [sflag:$0x4] =	stream.indirect.gather [hbm4b:s1+s21], $0x80, s13, s21, $0xb8;
	[tilespmem:$0x1FC00] =	vst v63  }
0x179: {  	_ =	swait.ge [sflag:s30], $0x2000  }
0x17a: {  	[sflag:s30] =	ssyncset.done $0x0  }
0x17b: {  	s12 =	simm.s32 $0x2E00;
	[sflag:s30] =	ssyncadd.s32 $0xFFFFE000  }
0x17c: {  	[spmem:s3] =	stream.indirect.scatter.add.f32 [tilespmem:s18], [sflag:$0x5], $0x80, s12, s21, $0xb8;
	[tilespmem:$0x1FC00] =	vst v63  }
0x17d: {  	_ =	swait.ge [sflag:s19], $0x2000  }
0x17e: {  	[sflag:s19] =	ssyncset.done $0x0  }
0x17f: {  	[sflag:s19] =	ssyncadd.s32 $0xFFFFE000  }
0x180: {  	_ =	swait.ge [sflag:s31], $0x2000  }
0x181: {  	[sflag:s31] =	ssyncset.done $0x0  }
0x182: {  	s14 =	simm.s32 $0x2E80;
	[sflag:s31] =	ssyncadd.s32 $0xFFFFE000  }
0x183: {  	[spmem:s3] =	stream.indirect.scatter.add.f32 [tilespmem:s23], [sflag:$0x5], $0x80, s14, s21, $0xb8;
	[tilespmem:$0x1FC00] =	vst v63  }
0x184: {  	_ =	swait.ge [sflag:s19], $0x2000  }
0x185: {  	[sflag:s19] =	ssyncset.done $0x0  }
0x186: {  	[sflag:s19] =	ssyncadd.s32 $0xFFFFE000  }
0x187: {  	_ =	swait.ge [sflag:s0], $0x2000  }
0x188: {  	[sflag:s0] =	ssyncset.done $0x0  }
0x189: {  	s13 =	simm.s32 $0x2F00;
	[sflag:s0] =	ssyncadd.s32 $0xFFFFE000  }
0x18a: {  	[spmem:s3] =	stream.indirect.scatter.add.f32 [tilespmem:s26], [sflag:$0x5], $0x80, s13, s21, $0xb8;
	[tilespmem:$0x1FC00] =	vst v63  }
0x18b: {  	_ =	swait.ge [sflag:s19], $0x2000  }
0x18c: {  	[sflag:s19] =	ssyncset.done $0x0  }
0x18d: {  	[sflag:s19] =	ssyncadd.s32 $0xFFFFE000  }
0x18e: {  	_ =	swait.ge [sflag:s2], $0x2000  }
0x18f: {  	[sflag:s2] =	ssyncset.done $0x0  }
0x190: {  	s14 =	simm.s32 $0x2F80;
	[sflag:s2] =	ssyncadd.s32 $0xFFFFE000  }
0x191: {  	[spmem:s3] =	stream.indirect.scatter.add.f32 [tilespmem:s29], [sflag:$0x5], $0x80, s14, s21, $0xb8;
	[tilespmem:$0x1FC00] =	vst v63  }
0x192: {  	_ =	swait.ge [sflag:s19], $0x2000  }
0x193: {  	s13 =	stileid.u32;
	[sflag:s19] =	ssyncset.done $0x0  }
0x194: {  	s12 =	sshll.u32 s13, $0x6;
	[sflag:s19] =	ssyncadd.s32 $0xFFFFE000  }
0x195: {  	s12 =	sor.u32 $0x1C05, s12;
	s14 =	sshrl.u32 s5, $0x3;
	[bflag:$0x0] =	sbarrier.arrive $0xFFFF  }
0x196: {  	[hbm:s24], [sflag:s12] =	dma.local [spmem:s14], $0x2780  }
0x197: {  	_ =	swait.ge [sflag:s19], $0x2780  }
0x198: {  	s4 =	sadd.s32 $0x1, s4;
	s14 =	rddreg [dreg:$0x5]  }
0x199: {  	p0 =	sne.s32 s4, s14  }
.Ltmp4:
0x19a: {  	_ = 	snop;
	(pc) =	sbr.rel @p0 .LBB2_1-.Ltmp4, $3  }
0x19b: {  	_ =	sdelay $0x1  }
0x19c: {  	[sflag:s19] =	ssyncset.done $0x0  }
0x19d: {  	[sflag:s19] =	ssyncadd.s32 $0xFFFFD880  }
0x19e: {  	_ =	sfence.sel $0x180000  }
0x19f: {  	[bflag:$0x0] =	sbarrier.arrive $0xFFFF  }
0x1a0: {  	_ =	strace $0x9000004A  }
0x1a1: {  	s0 =	stileid.u32;
	[bflag:$0x2] =	sbarrier.arrive $0xFFFF  }
0x1a2: {  	p0 =	sne.s32 s0, $0x0;
	s0 =	rddreg [dreg:$0x3]  }
0x1a3: {  	s0 =	sadd.s32 @!p0 $0x100000, s0  }
0x1a4: {  	[sflag:s0] =	ssyncadd.tile.s32 @!p0 $0x1;
	_ =	shalt  }
.Lfunc_end2:
_tile_overlayer_lowered:
.L_overlay_start_2:
0x1a5: {  	(tag) =	ssettag $0x2  }
0x1a6: {  	s0 =	rddreg [dreg:$0x0];
	s2 =	stileid.u32  }
0x1a7: {  	s1 =	rddreg [dreg:$0x1];
	p0 =	sne.s32 s2, $0x0  }
0x1a8: {  	s3 =	rddreg [dreg:$0x2];
	[bflag:$0x3] =	sbarrier.arrive $0xFFFF;
	s2 =	simm.s32 @!p0 $0x1C05  }
0x1a9: {  	[timem:s3], [sflag:s2] =	dma.local @!p0 [hbm:s0], s1  }
0x1aa: {  	s0 =	simm.s32 @!p0 $0x5  }
0x1ab: {  	_ =	swait.ge @!p0 [sflag:s0], s1  }
0x1ac: {  	s1 =	ssub.s32 @!p0 $0x0, s1;
	[sflag:s0] =	ssyncset.done @!p0 $0x0  }
0x1ad: {  	[sflag:s0] =	ssyncadd.s32 @!p0 s1  }
0x1ae: {  	[bflag:$0x3] =	sbarrier.arrive $0xFFFF  }
0x1af: {  	_ =	shalt  }

// kernel: kernel.15.cloned.1.call-start
scs
__scs_entry_jumppad:
0x0: {  	(pc) =	sbr.rel $0x88, $3  }
0x1: {  	(tag) =	ssettag $0x0;
	lr =	simm.s32 $0x1  }
0x2: {  	[smem:$0x3F94] =	sst lr;
	_ =	strace $0xD0000000  }
0x3: {  	_ = 	snop  }
0x4: {  	_ = 	snop  }
0x5: {  	_ = 	snop  }
0x6: {  	_ = 	snop  }
0x7: {  	_ = 	snop  }
__scs_overlays_trampoline_lowered:
0x8: {  	[smem:$0x3FA3] =	sst s0  }
0x9: {  	[smem:$0x3FA4] =	sst s1  }
0xa: {  	[smem:$0x3FA5] =	sst s2  }
0xb: {  	[smem:$0x3FA6] =	sst s3  }
0xc: {  	[smem:$0x3FA7] =	sst s4  }
0xd: {  	[smem:$0x3FA8] =	sst s5  }
0xe: {  	[smem:$0x3FA9] =	sst s6  }
0xf: {  	[smem:$0x3FAA] =	sst s7  }
0x10: {  	[smem:$0x3FAB] =	sst s8  }
0x11: {  	[smem:$0x3FAC] =	sst s9;
	s0 =	simm.s32 @!p0 $0x0  }
0x12: {  	s1 =	sld [smem:$0x3F92];
	s0 =	simm.s32 @p0 $0x1  }
0x13: {  	[smem:$0x3FAD] =	sst s0;
	s0 =	simm.s32 @!p1 $0x0  }
0x14: {  	s2 =	sld [smem:$0x3F91];
	s0 =	simm.s32 @p1 $0x1  }
0x15: {  	[smem:$0x3FAE] =	sst s0;
	s0 =	simm.s32 @!p2 $0x0  }
0x16: {  	s3 =	sld [smem:$0x3FDB];
	s0 =	simm.s32 @p2 $0x1  }
0x17: {  	s4 =	simm.s32 $0x1BF5;
	[smem:$0x3FB0] =	sst s0  }
0x18: {  	s0 =	sld [smem:$0x3F93];
	_ =	swait.ge [sflag:s4], $0x0  }
0x19: {  	s7 =	sld [smem:$0x3F94]  }
0x1a: {  	s8 =	sadd.s32 $0xFFFFE003, lr  }
0x1b: {  	s9 =	sadd.s32 $0xFFFFFEF7, lr;
	s5 =	simm.s32 $0xFFFFFFFF;
	p2 =	slt.u32 s8, $0xFFFFF086  }
0x1c: {  	p1 =	slt.u32 s9, $0xF7A;
	s5 =	simm.s32 @!p2 $0x0  }
0x1d: {  	s5 =	simm.s32 @p1 $0x1;
	p0 =	seq.s32 s7, s2  }
0x1e: {  	s7 =	smul.u32 @!p0 $0xF7A, s2;
	p2 =	seq.s32 @!p0 s5, $0x0  }
0x1f: {  	s9 =	smul.u32 $0xF7A, s1;
	s8 =	simm.s32 @!p0 $0x1BF5;
	p2 =	por !p2, p0  }
0x20: {  	[sflag:s8] =	ssyncset.s32 @!p0 $0xFFFFF086;
	s6 =	sadd.s32 @!p0 s3, s7;
	s7 =	simm.s32 @!p0 $0x108  }
0x21: {  	s3 =	sadd.s32 s3, s9;
	s6 =	sadd.s32 @!p0 $0x88, s6;
	s7 =	simm.s32 @p2 $0x1082  }
0x22: {  	[simem:s7], [sflag:s8] =	dma.local @!p0 [hbm:s6], $0xF7A  }
0x23: {  	s9 =	sor.u32 $0xD0000000, s2;
	s6 =	simm.s32 $0x108;
	_ =	swait.ge @!p0 [sflag:s8], $0x0  }
0x24: {  	s3 =	sadd.s32 $0x88, s3;
	s6 =	simm.s32 @!p1 $0x1082;
	[sflag:s4] =	ssyncset.s32 $0xFFFFF086  }
0x25: {  	[simem:s6], [sflag:s4] =	dma.local [hbm:s3], $0xF7A  }
0x26: {  	[smem:$0x3F94] =	sst s1;
	(tag) =	ssettag s2;
	_ =	strace s9  }
0x27: {  	s1 =	sld [smem:$0x3FA4]  }
0x28: {  	s2 =	sld [smem:$0x3FA5]  }
0x29: {  	s4 =	sld [smem:$0x3FA7]  }
0x2a: {  	p0 =	seq.s32 s5, $0x0;
	s5 =	sld [smem:$0x3FA8]  }
0x2b: {  	s6 =	sld [smem:$0x3FA9]  }
0x2c: {  	s7 =	sld [smem:$0x3FAA]  }
0x2d: {  	s3 =	simm.s32 $0x108;
	s8 =	sld [smem:$0x3FAB]  }
0x2e: {  	s3 =	simm.s32 @!p0 $0x1082;
	s9 =	sld [smem:$0x3FAC]  }
0x2f: {  	lr =	sadd.s32 s0, s3;
	s0 =	sld [smem:$0x3FA3]  }
0x30: {  	s3 =	sld [smem:$0x3FA6]  }
0x31: {  	[smem:$0x3FAF] =	sst s10  }
0x32: {  	s10 =	sld [smem:$0x3FAD];
	_ =	sdelay $0x3  }
0x33: {  	p0 =	seq.s32 s10, $0x1;
	s10 =	sld [smem:$0x3FAF];
	_ =	sdelay $0x3  }
0x34: {  	[smem:$0x3FAF] =	sst s10  }
0x35: {  	s10 =	sld [smem:$0x3FAE];
	_ =	sdelay $0x3  }
0x36: {  	p1 =	seq.s32 s10, $0x1;
	s10 =	sld [smem:$0x3FAF];
	_ =	sdelay $0x3  }
0x37: {  	[smem:$0x3FAF] =	sst s10  }
0x38: {  	s10 =	sld [smem:$0x3FB0]  }
0x39: {  	_ = 	snop;
	(pc) =	sbr.ind lr, $3  }
0x3a: {  	_ = 	snop  }
0x3b: {  	_ = 	snop  }
0x3c: {  	p2 =	seq.s32 s10, $0x1;
	s10 =	sld [smem:$0x3FAF]  }
0x3d: {  	_ =	shalt  }
0x3e: {  	_ =	shalt  }
0x3f: {  	_ =	shalt  }
0x40: {  	_ =	shalt  }
0x41: {  	_ =	shalt  }
0x42: {  	_ =	shalt  }
0x43: {  	_ =	shalt  }
0x44: {  	_ =	shalt  }
0x45: {  	_ =	shalt  }
0x46: {  	_ =	shalt  }
0x47: {  	_ =	shalt  }
0x48: {  	_ =	shalt  }
0x49: {  	_ =	shalt  }
0x4a: {  	_ =	shalt  }
0x4b: {  	_ =	shalt  }
0x4c: {  	_ =	shalt  }
0x4d: {  	_ =	shalt  }
0x4e: {  	_ =	shalt  }
0x4f: {  	_ =	shalt  }
0x50: {  	_ =	shalt  }
0x51: {  	_ =	shalt  }
0x52: {  	_ =	shalt  }
0x53: {  	_ =	shalt  }
0x54: {  	_ =	shalt  }
0x55: {  	_ =	shalt  }
0x56: {  	_ =	shalt  }
0x57: {  	_ =	shalt  }
0x58: {  	_ =	shalt  }
0x59: {  	_ =	shalt  }
0x5a: {  	_ =	shalt  }
0x5b: {  	_ =	shalt  }
0x5c: {  	_ =	shalt  }
0x5d: {  	_ =	shalt  }
0x5e: {  	_ =	shalt  }
0x5f: {  	_ =	shalt  }
0x60: {  	_ =	shalt  }
0x61: {  	_ =	shalt  }
0x62: {  	_ =	shalt  }
0x63: {  	_ =	shalt  }
0x64: {  	_ =	shalt  }
0x65: {  	_ =	shalt  }
0x66: {  	_ =	shalt  }
0x67: {  	_ =	shalt  }
0x68: {  	_ =	shalt  }
0x69: {  	_ =	shalt  }
0x6a: {  	_ =	shalt  }
0x6b: {  	_ =	shalt  }
0x6c: {  	_ =	shalt  }
0x6d: {  	_ =	shalt  }
0x6e: {  	_ =	shalt  }
0x6f: {  	_ =	shalt  }
0x70: {  	_ =	shalt  }
0x71: {  	_ =	shalt  }
0x72: {  	_ =	shalt  }
0x73: {  	_ =	shalt  }
0x74: {  	_ =	shalt  }
0x75: {  	_ =	shalt  }
0x76: {  	_ =	shalt  }
0x77: {  	_ =	shalt  }
0x78: {  	_ =	shalt  }
0x79: {  	_ =	shalt  }
0x7a: {  	_ =	shalt  }
0x7b: {  	_ =	shalt  }
0x7c: {  	_ =	shalt  }
0x7d: {  	_ =	shalt  }
0x7e: {  	_ =	shalt  }
0x7f: {  	_ =	shalt  }
0x80: {  	_ =	shalt  }
0x81: {  	_ =	shalt  }
0x82: {  	_ =	shalt  }
0x83: {  	_ =	shalt  }
0x84: {  	_ =	shalt  }
0x85: {  	_ =	shalt  }
0x86: {  	_ =	shalt  }
0x87: {  	_ =	shalt  }
.Lfunc_end0:
.L_simem_size_0:
called_computation.2_lowered:
.L_overlay_start_0:
0x88: {  	s2 =	sld [smem:$0x3FD9]  }
0x89: {  	s3 =	sld [smem:$0x3FFE];
	_ =	sdelay $0x1  }
0x8a: {  	s1 =	srdreg.scid  }
0x8b: {  	s0 =	sand.u32 $0x1, s1  }
0x8c: {  	s16 =	sshll.u32 s0, $0xA;
	s2 =	sadd.s32 s3, s2  }
0x8d: {  	s2 =	sadd.s32 s2, s16  }
0x8e: {  	[smem:$0x3FBB] =	sst s2  }
0x8f: {  	_ = 	snop  }
0x90: {  	(tm) =	ssettm $0x1  }
0x91: {  	s17 =	sld [smem:$0x3FFB];
	_ =	sdelay $0x3  }
0x92: {  	_ =	strace s17  }
0x93: {  	s2 =	sld [smem:$0x3FFC];
	_ =	sdelay $0x3  }
0x94: {  	_ =	strace s2  }
0x95: {  	s2 =	sld [smem:$0x3FFD];
	_ =	sdelay $0x3  }
0x96: {  	_ =	strace s2  }
0x97: {  	_ =	strace $0x8FFFFFFF  }
0x98: {  	s18 =	sld [smem:$0x3FDB];
	_ =	sdelay $0x1  }
0x99: {  	s19 =	simm.s32 $_scs_section_size  }
0x9a: {  	s4 =	simm.s32 $_size__tile_overlayer_lowered;
	s5 =	simm.s32 $_tile_overlayer_lowered  }
0x9b: {  	s22 =	simm.s32 $0x1BFF;
	s21 =	sshll.u32 s5, $0x1;
	s2 =	sadd.s32 s19, s18  }
0x9c: {  	s6 =	simm.s32 $0x0;
	s20 =	sshll.u32 s4, $0x1;
	s4 =	sadd.s32 s21, s2  }
0x9d: {  	[timem:s6], [sflag:s22] =	dma.local [hbm:s4], s20  }
0x9e: {  	_ =	swait.ge [sflag:s22], s20  }
0x9f: {  	s3 =	ssub.s32 $0x0, s20;
	[sflag:s22] =	ssyncset.done $0x0  }
0xa0: {  	[sflag:s22] =	ssyncadd.s32 s3;
	_ =	sdelay $0x1  }
0xa1: {  	s23 =	simm.s32 $0x1B8B  }
0xa2: {  	_ =	swait.ge [sflag:s23], $0x1  }
0xa3: {  	[sflag:s23] =	ssyncset.done $0x0  }
0xa4: {  	s25 =	simm.s32 $0x1B8E;
	s24 =	sld [smem:$0x3FFE];
	[sflag:s23] =	ssyncadd.s32 $0xFFFFFFFF  }
0xa5: {  	s26 =	simm.s32 $execute0_lowered;
	[smem:$0x3FD2] =	sst s25  }
0xa6: {  	s4 =	sshll.u32 s26, $0x1;
	_ =	strace $0x8000004C;
	[dreg:$0x1] =	wrdreg $0xFFFFFFFF  }
0xa7: {  	s28 =	simm.s32 $_size_execute0_lowered;
	s2 =	sadd.s32 s2, s4;
	[dreg:$0x0] =	wrdreg $0x0  }
0xa8: {  	s4 =	sshll.u32 s28, $0x1;
	[dreg:$0x2] =	wrdreg s2  }
0xa9: {  	[dreg:$0x3] =	wrdreg s4  }
0xaa: {  	[dreg:$0x4] =	wrdreg $0xC0  }
0xab: {  	_ =	task [dreg:s6], $0x5FFFF  }
0xac: {  	[dreg:$0x1] =	wrdreg $0xFFFFFFFF  }
0xad: {  	[dreg:$0x0] =	wrdreg $0x60  }
0xae: {  	[dreg:$0x2] =	wrdreg s24  }
0xaf: {  	[dreg:$0x3] =	wrdreg $0xC0000  }
0xb0: {  	[dreg:$0x4] =	wrdreg $0x9  }
0xb1: {  	_ =	task.clear_ibuf [dreg:s6], $0x5FFFF;
	_ =	strace $0x9000004C  }
0xb2: {  	s29 =	simm.s32 $0x9;
	_ =	strace $0x8000004E  }
0xb3: {  	_ =	swait.ge [sflag:s29], $0x1  }
0xb4: {  	[sflag:s29] =	ssyncadd.s32 $0xFFFFFFFF  }
0xb5: {  	_ =	strace $0x9000004E  }
0xb6: {  	_ =	sfence  }
0xb7: {  	s30 =	sld [smem:$0x0];
	_ =	sdelay $0x2  }
0xb8: {  	s31 =	sshll.u32 s1, $0xD;
	s1 =	sshrl.u32 s1, $0x2  }
0xb9: {  	s3 =	sand.u32 $0x4000, s31;
	s1 =	sadd.s32 s1, s30  }
0xba: {  	s0 =	sor.u32 s3, s0;
	s1 =	sshll.u32 s1, $0x11  }
0xbb: {  	s0 =	sor.u32 s1, s0  }
0xbc: {  	s0 =	sadd.s32 $0x8F2B, s0  }
0xbd: {  	[sflag:s0] =	ssyncadd.remote.s32 $0x1  }
0xbe: {  	_ =	sfence.sel $0xFFFF  }
0xbf: {  	[dreg:$0x0] =	wrdreg $0xFFFFFFFF;
	(pc) =	sbr.abs _section_cstart, $3  }
0xc0: {  	[dreg:$0x1] =	wrdreg $0xFFFFFFFF  }
0xc1: {  	_ =	task.clear_ibuf [dreg:s6], $0x2FFFF;
	_ =	strace $0x9FFFFFFF  }
0xc2: {  	(tm) =	ssettm $0x7FFFFFFF  }
0xc3: {  	_ =	shalt  }
tec
execute0_lowered:
.L_overlay_start_1:
0x0: {  	(tag) =	ssettag $0x1  }
0x1: {  	s0 =	rddreg [dreg:$0x0]  }
0x2: {  	s2 =	rddreg [dreg:$0x1]  }
0x3: {  	s1 =	srdreg.scid;
	s10 =	stileid.u32  }
0x4: {  	s3 =	simm.s32 $0x0;
	s18 =	simm.s32 $0x4000;
	s19 =	simm.s32 $0x5  }
0x5: {  	s20 =	simm.s32 $0x2000;
	s21 =	simm.s32 $0x40;
	s28 =	simm.s32 $0x180  }
0x6: {  	s29 =	simm.s32 $0xA000;
	s30 =	simm.s32 $0x1;
	s31 =	simm.s32 $0x2  }
0x7: {  	s11 =	simm.s32 $0x3F80;
	s1 =	sand.u32 $0x1, s1;
	s6 =	smul.u32 $0x4F000, s10  }
0x8: {  	s4 =	sshll.u32 s10, $0x1;
	[smem:$0x7FF] =	sst s3;
	s14 =	smul.u32 $0x2780, s10  }
0x9: {  	s10 =	simm.s32 $0x3F00;
	s5 =	sor.u32 s1, s4;
	s7 =	smul.u32 $0x27800, s1  }
0xa: {  	_ =	strace $0x8000004D;
	s1 =	ssub.s32 $0x2, s1;
	s5 =	smul.u32 $0xA00, s5  }
0xb: {  	s4 =	sadd.s32 $0x34E00, s0;
	s6 =	sshrl.u32 s6, $0x2;
	s9 =	sshrl.u32 s1, $0x1  }
0xc: {  	s1 =	ssub.s32 s1, s9;
	s9 =	simm.s32 $0x3E80;
	s8 =	sadd.s32 s5, s0  }
0xd: {  	s5 =	sadd.s32 s6, s2;
	s0 =	sadd.s32 s7, s0;
	s1 =	smax.u32 s1, $0x1  }
0xe: {  	s6 =	sadd.s32 $0x12000, s5;
	s7 =	sadd.s32 $0x20E00, s8;
	[dreg:$0x4] =	wrdreg s1  }
0xf: {  	s8 =	sadd.s32 $0xCE00, s8;
	s22 =	sadd.s32 $0x2000, s5;
	[dreg:$0x3] =	wrdreg s6  }
0x10: {  	s0 =	sadd.s32 $0x5C000, s0;
	s23 =	sadd.s32 $0x4000, s5;
	[dreg:$0x5] =	wrdreg s22  }
0x11: {  	s24 =	sadd.s32 $0x6000, s5;
	s25 =	sadd.s32 $0x8000, s5;
	[dreg:$0x6] =	wrdreg s23  }
0x12: {  	s26 =	sadd.s32 $0xA000, s5;
	s15 =	sadd.s32 $0xC000, s5;
	[dreg:$0x7] =	wrdreg s24  }
0x13: {  	s16 =	sadd.s32 $0xE000, s5;
	s17 =	sadd.s32 $0x10000, s5;
	[dreg:$0x8] =	wrdreg s25  }
0x14: {  	s1 =	simm.s32 $0x4;
	[dreg:$0x9] =	wrdreg s26;
	s22 =	simm.s32 $0x80  }
0x15: {  	s23 =	simm.s32 $0x6000;
	s24 =	sadd.s32 s14, s0;
	s25 =	simm.s32 $0x100  }
0x16: {  	v0 =	vimm.f32 $0.0e+00;
	s26 =	simm.s32 $0x8000;
	s0 =	simm.s32 $0x3;
	s6 =	simm.s32 $0x3E00  }
.LBB2_1:
0x17: {  	s12 =	simm.s32 $0x0;
	s13 =	simm.s32 $0x200  }
.LBB2_2:
0x18: {  	p0 =	sne.s32 s13, $0x7E00;
	[tilespmem:s12+$0x4070] =	vst v0  }
0x19: {  	[tilespmem:s12+$0x4000] =	vst v0  }
0x1a: {  	[tilespmem:s12+$0x4010] =	vst v0  }
.Ltmp0:
0x1b: {  	[tilespmem:s12+$0x4020] =	vst v0;
	(pc) =	sbr.rel @p0 .LBB2_2-.Ltmp0, $4  }
0x1c: {  	[tilespmem:s12+$0x4030] =	vst v0  }
0x1d: {  	[tilespmem:s12+$0x4040] =	vst v0  }
0x1e: {  	[tilespmem:s12+$0x4050] =	vst v0  }
0x1f: {  	[tilespmem:s12+$0x4060] =	vst v0;
	s12 =	sshra.s32 s13, $0x2;
	s13 =	sadd.s32 $0x200, s13  }
0x20: {  	[tilespmem:s12+$0x4070] =	vst v0  }
0x21: {  	[tilespmem:s12+$0x4000] =	vst v0  }
0x22: {  	[tilespmem:s12+$0x4010] =	vst v0  }
0x23: {  	[tilespmem:s12+$0x4020] =	vst v0  }
0x24: {  	[tilespmem:s12+$0x4030] =	vst v0  }
0x25: {  	[tilespmem:s12+$0x4040] =	vst v0  }
0x26: {  	[tilespmem:s12+$0x4050] =	vst v0  }
0x27: {  	[tilespmem:s12+$0x4060] =	vst v0  }
0x28: {  	[spmem:s5] =	stream.linear.scatter [tilespmem:s18], [sflag:$0x5], $0x2000, $0x38;
	[tilespmem:$0x1FC00] =	vst v63  }
0x29: {  	_ =	swait.ge [sflag:s19], $0x2000  }
0x2a: {  	[sflag:s19] =	ssyncset.done $0x0  }
0x2b: {  	s13 =	rddreg [dreg:$0x5];
	[sflag:s19] =	ssyncadd.s32 $0xFFFFE000  }
0x2c: {  	[spmem:s13] =	stream.linear.scatter [tilespmem:s18], [sflag:$0x5], $0x2000, $0x38;
	[tilespmem:$0x1FC00] =	vst v63  }
0x2d: {  	_ =	swait.ge [sflag:s19], $0x2000  }
0x2e: {  	[sflag:s19] =	ssyncset.done $0x0  }
0x2f: {  	s14 =	rddreg [dreg:$0x6];
	[sflag:s19] =	ssyncadd.s32 $0xFFFFE000  }
0x30: {  	[spmem:s14] =	stream.linear.scatter [tilespmem:s18], [sflag:$0x5], $0x2000, $0x38;
	[tilespmem:$0x1FC00] =	vst v63  }
0x31: {  	_ =	swait.ge [sflag:s19], $0x2000  }
0x32: {  	[sflag:s19] =	ssyncset.done $0x0  }
0x33: {  	s13 =	rddreg [dreg:$0x7];
	[sflag:s19] =	ssyncadd.s32 $0xFFFFE000  }
0x34: {  	[spmem:s13] =	stream.linear.scatter [tilespmem:s18], [sflag:$0x5], $0x2000, $0x38;
	[tilespmem:$0x1FC00] =	vst v63  }
0x35: {  	_ =	swait.ge [sflag:s19], $0x2000  }
0x36: {  	[sflag:s19] =	ssyncset.done $0x0  }
0x37: {  	s14 =	rddreg [dreg:$0x8];
	[sflag:s19] =	ssyncadd.s32 $0xFFFFE000  }
0x38: {  	[spmem:s14] =	stream.linear.scatter [tilespmem:s18], [sflag:$0x5], $0x2000, $0x38;
	[tilespmem:$0x1FC00] =	vst v63  }
0x39: {  	_ =	swait.ge [sflag:s19], $0x2000  }
0x3a: {  	[sflag:s19] =	ssyncset.done $0x0  }
0x3b: {  	s13 =	rddreg [dreg:$0x9];
	[sflag:s19] =	ssyncadd.s32 $0xFFFFE000  }
0x3c: {  	[spmem:s13] =	stream.linear.scatter [tilespmem:s18], [sflag:$0x5], $0x2000, $0x38;
	[tilespmem:$0x1FC00] =	vst v63  }
0x3d: {  	_ =	swait.ge [sflag:s19], $0x2000  }
0x3e: {  	[sflag:s19] =	ssyncset.done $0x0  }
0x3f: {  	[sflag:s19] =	ssyncadd.s32 $0xFFFFE000  }
0x40: {  	[spmem:s15] =	stream.linear.scatter [tilespmem:s18], [sflag:$0x5], $0x2000, $0x38;
	[tilespmem:$0x1FC00] =	vst v63  }
0x41: {  	_ =	swait.ge [sflag:s19], $0x2000  }
0x42: {  	[sflag:s19] =	ssyncset.done $0x0  }
0x43: {  	[sflag:s19] =	ssyncadd.s32 $0xFFFFE000  }
0x44: {  	[spmem:s16] =	stream.linear.scatter [tilespmem:s18], [sflag:$0x5], $0x2000, $0x38;
	[tilespmem:$0x1FC00] =	vst v63  }
0x45: {  	_ =	swait.ge [sflag:s19], $0x2000  }
0x46: {  	[sflag:s19] =	ssyncset.done $0x0  }
0x47: {  	[sflag:s19] =	ssyncadd.s32 $0xFFFFE000  }
0x48: {  	[spmem:s17] =	stream.linear.scatter [tilespmem:s18], [sflag:$0x5], $0x2000, $0x38;
	[tilespmem:$0x1FC00] =	vst v63  }
0x49: {  	_ =	swait.ge [sflag:s19], $0x2000  }
0x4a: {  	[sflag:s19] =	ssyncset.done $0x0  }
0x4b: {  	s14 =	rddreg [dreg:$0x3];
	[sflag:s19] =	ssyncadd.s32 $0xFFFFE000  }
0x4c: {  	[spmem:s14] =	stream.linear.scatter [tilespmem:s18], [sflag:$0x5], $0x1C00, $0x38;
	[tilespmem:$0x1FC00] =	vst v63  }
0x4d: {  	_ =	swait.ge [sflag:s19], $0x1C00  }
0x4e: {  	[sflag:s19] =	ssyncset.done $0x0  }
0x4f: {  	[sflag:s19] =	ssyncadd.s32 $0xFFFFE400  }
0x50: {  	s13 =	simm.s32 $0x0;
	[bflag:$0x0] =	sbarrier.arrive $0xFFFF  }
0x51: {  	[tilespmem:s13], [sflag:$0x5] =	stream.linear.gather [hbm4b:s7+s13], $0x2000, $0x38;
	[tilespmem:$0x1FC00] =	vst v63  }
0x52: {  	_ =	swait.ge [sflag:s19], $0x2000  }
0x53: {  	[sflag:s19] =	ssyncset.done $0x0  }
0x54: {  	[sflag:s19] =	ssyncadd.s32 $0xFFFFE000  }
0x55: {  	[tilespmem:s20], [sflag:$0x5] =	stream.linear.gather [hbm4b:s8+s13], $0x2000, $0x38;
	[tilespmem:$0x1FC00] =	vst v63  }
0x56: {  	_ =	swait.ge [sflag:s19], $0x2000  }
0x57: {  	[sflag:s19] =	ssyncset.done $0x0  }
0x58: {  	[sflag:s19] =	ssyncadd.s32 $0xFFFFE000  }
0x59: {  	[tilespmem:s18], [sflag:$0x1] =	stream.indirect.gather [hbm4b:s4+s21], $0x80, s13, s21, $0xb8;
	[tilespmem:$0x1FC00] =	vst v63  }
0x5a: {  	_ = 	snop  }
0x5b: {  	[tilespmem:s23], [sflag:$0x2] =	stream.indirect.gather [hbm4b:s4+s21], $0x80, s22, s21, $0xb8;
	[tilespmem:$0x1FC00] =	vst v63  }
0x5c: {  	_ = 	snop  }
0x5d: {  	[tilespmem:s26], [sflag:$0x3] =	stream.indirect.gather [hbm4b:s4+s21], $0x80, s25, s21, $0xb8;
	[tilespmem:$0x1FC00] =	vst v63  }
0x5e: {  	_ = 	snop  }
0x5f: {  	[tilespmem:s29], [sflag:$0x4] =	stream.indirect.gather [hbm4b:s4+s21], $0x80, s28, s21, $0xb8;
	[tilespmem:$0x1FC00] =	vst v63  }
0x60: {  	_ =	swait.ge [sflag:s30], $0x2000  }
0x61: {  	[sflag:s30] =	ssyncset.done $0x0  }
0x62: {  	s14 =	simm.s32 $0x2000;
	[sflag:s30] =	ssyncadd.s32 $0xFFFFE000  }
0x63: {  	[spmem:s2] =	stream.indirect.scatter.add.f32 [tilespmem:s18], [sflag:$0x5], $0x80, s14, s21, $0xb8;
	[tilespmem:$0x1FC00] =	vst v63  }
0x64: {  	_ =	swait.ge [sflag:s19], $0x2000  }
0x65: {  	[sflag:s19] =	ssyncset.done $0x0  }
0x66: {  	s13 =	simm.s32 $0x200;
	[sflag:s19] =	ssyncadd.s32 $0xFFFFE000  }
0x67: {  	[tilespmem:s18], [sflag:$0x1] =	stream.indirect.gather [hbm4b:s4+s21], $0x80, s13, s21, $0xb8;
	[tilespmem:$0x1FC00] =	vst v63  }
0x68: {  	_ =	swait.ge [sflag:s31], $0x2000  }
0x69: {  	[sflag:s31] =	ssyncset.done $0x0  }
0x6a: {  	s14 =	simm.s32 $0x2080;
	[sflag:s31] =	ssyncadd.s32 $0xFFFFE000  }
0x6b: {  	[spmem:s2] =	stream.indirect.scatter.add.f32 [tilespmem:s23], [sflag:$0x5], $0x80, s14, s21, $0xb8;
	[tilespmem:$0x1FC00] =	vst v63  }
0x6c: {  	_ =	swait.ge [sflag:s19], $0x2000  }
0x6d: {  	[sflag:s19] =	ssyncset.done $0x0  }
0x6e: {  	s13 =	simm.s32 $0x280;
	[sflag:s19] =	ssyncadd.s32 $0xFFFFE000  }
0x6f: {  	[tilespmem:s23], [sflag:$0x2] =	stream.indirect.gather [hbm4b:s4+s21], $0x80, s13, s21, $0xb8;
	[tilespmem:$0x1FC00] =	vst v63  }
0x70: {  	_ =	swait.ge [sflag:s0], $0x2000  }
0x71: {  	[sflag:s0] =	ssyncset.done $0x0  }
0x72: {  	s14 =	simm.s32 $0x2100;
	[sflag:s0] =	ssyncadd.s32 $0xFFFFE000  }
0x73: {  	[spmem:s2] =	stream.indirect.scatter.add.f32 [tilespmem:s26], [sflag:$0x5], $0x80, s14, s21, $0xb8;
	[tilespmem:$0x1FC00] =	vst v63  }
0x74: {  	_ =	swait.ge [sflag:s19], $0x2000  }
0x75: {  	[sflag:s19] =	ssyncset.done $0x0  }
0x76: {  	s13 =	simm.s32 $0x300;
	[sflag:s19] =	ssyncadd.s32 $0xFFFFE000  }
0x77: {  	[tilespmem:s26], [sflag:$0x3] =	stream.indirect.gather [hbm4b:s4+s21], $0x80, s13, s21, $0xb8;
	[tilespmem:$0x1FC00] =	vst v63  }
0x78: {  	_ =	swait.ge [sflag:s1], $0x2000  }
0x79: {  	[sflag:s1] =	ssyncset.done $0x0  }
0x7a: {  	s14 =	simm.s32 $0x2180;
	[sflag:s1] =	ssyncadd.s32 $0xFFFFE000  }
0x7b: {  	[spmem:s2] =	stream.indirect.scatter.add.f32 [tilespmem:s29], [sflag:$0x5], $0x80, s14, s21, $0xb8;
	[tilespmem:$0x1FC00] =	vst v63  }
0x7c: {  	_ =	swait.ge [sflag:s19], $0x2000  }
0x7d: {  	[sflag:s19] =	ssyncset.done $0x0  }
0x7e: {  	s12 =	simm.s32 $0x800;
	s13 =	simm.s32 $0x380;
	[sflag:s19] =	ssyncadd.s32 $0xFFFFE000  }
.LBB2_4:
0x7f: {  	[tilespmem:s29], [sflag:$0x4] =	stream.indirect.gather [hbm4b:s4+s21], $0x80, s13, s21, $0xb8;
	[tilespmem:$0x1FC00] =	vst v63  }
0x80: {  	s13 =	smov.u32 s12  }
0x81: {  	p0 =	sne.s32 s12, $0x7000;
	s12 =	sadd.s32 $0x800, s12;
	_ =	swait.ge [sflag:s30], $0x2000  }
0x82: {  	s13 =	sshra.s32 s13, $0x2;
	[sflag:s30] =	ssyncset.done $0x0  }
0x83: {  	s14 =	sadd.s32 $0x2000, s13;
	[sflag:s30] =	ssyncadd.s32 $0xFFFFE000  }
0x84: {  	[spmem:s2] =	stream.indirect.scatter.add.f32 [tilespmem:s18], [sflag:$0x5], $0x80, s14, s21, $0xb8;
	[tilespmem:$0x1FC00] =	vst v63  }
0x85: {  	_ =	swait.ge [sflag:s19], $0x2000  }
0x86: {  	[sflag:s19] =	ssyncset.done $0x0  }
0x87: {  	s14 =	sadd.s32 $0x200, s13;
	[sflag:s19] =	ssyncadd.s32 $0xFFFFE000  }
0x88: {  	[tilespmem:s18], [sflag:$0x1] =	stream.indirect.gather [hbm4b:s4+s21], $0x80, s14, s21, $0xb8;
	[tilespmem:$0x1FC00] =	vst v63  }
0x89: {  	_ =	swait.ge [sflag:s31], $0x2000  }
0x8a: {  	[sflag:s31] =	ssyncset.done $0x0  }
0x8b: {  	s14 =	sadd.s32 $0x2080, s13;
	[sflag:s31] =	ssyncadd.s32 $0xFFFFE000  }
0x8c: {  	[spmem:s2] =	stream.indirect.scatter.add.f32 [tilespmem:s23], [sflag:$0x5], $0x80, s14, s21, $0xb8;
	[tilespmem:$0x1FC00] =	vst v63  }
0x8d: {  	_ =	swait.ge [sflag:s19], $0x2000  }
0x8e: {  	[sflag:s19] =	ssyncset.done $0x0  }
0x8f: {  	s14 =	sadd.s32 $0x280, s13;
	[sflag:s19] =	ssyncadd.s32 $0xFFFFE000  }
0x90: {  	[tilespmem:s23], [sflag:$0x2] =	stream.indirect.gather [hbm4b:s4+s21], $0x80, s14, s21, $0xb8;
	[tilespmem:$0x1FC00] =	vst v63  }
0x91: {  	_ =	swait.ge [sflag:s0], $0x2000  }
0x92: {  	[sflag:s0] =	ssyncset.done $0x0  }
0x93: {  	s14 =	sadd.s32 $0x2100, s13;
	[sflag:s0] =	ssyncadd.s32 $0xFFFFE000  }
0x94: {  	[spmem:s2] =	stream.indirect.scatter.add.f32 [tilespmem:s26], [sflag:$0x5], $0x80, s14, s21, $0xb8;
	[tilespmem:$0x1FC00] =	vst v63  }
0x95: {  	_ =	swait.ge [sflag:s19], $0x2000  }
0x96: {  	[sflag:s19] =	ssyncset.done $0x0  }
0x97: {  	s14 =	sadd.s32 $0x300, s13;
	[sflag:s19] =	ssyncadd.s32 $0xFFFFE000  }
0x98: {  	[tilespmem:s26], [sflag:$0x3] =	stream.indirect.gather [hbm4b:s4+s21], $0x80, s14, s21, $0xb8;
	[tilespmem:$0x1FC00] =	vst v63  }
0x99: {  	_ =	swait.ge [sflag:s1], $0x2000  }
0x9a: {  	[sflag:s1] =	ssyncset.done $0x0  }
.Ltmp1:
0x9b: {  	s14 =	sadd.s32 $0x2180, s13;
	[sflag:s1] =	ssyncadd.s32 $0xFFFFE000;
	(pc) =	sbr.rel @p0 .LBB2_4-.Ltmp1, $4  }
0x9c: {  	[spmem:s2] =	stream.indirect.scatter.add.f32 [tilespmem:s29], [sflag:$0x5], $0x80, s14, s21, $0xb8;
	[tilespmem:$0x1FC00] =	vst v63  }
0x9d: {  	_ =	swait.ge [sflag:s19], $0x2000  }
0x9e: {  	[sflag:s19] =	ssyncset.done $0x0  }
0x9f: {  	s13 =	sadd.s32 $0x380, s13;
	[sflag:s19] =	ssyncadd.s32 $0xFFFFE000  }
0xa0: {  	[tilespmem:s29], [sflag:$0x4] =	stream.indirect.gather [hbm4b:s4+s21], $0x80, s13, s21, $0xb8;
	[tilespmem:$0x1FC00] =	vst v63  }
0xa1: {  	_ =	swait.ge [sflag:s30], $0x2000  }
0xa2: {  	[sflag:s30] =	ssyncset.done $0x0  }
0xa3: {  	[sflag:s30] =	ssyncadd.s32 $0xFFFFE000  }
0xa4: {  	[spmem:s2] =	stream.indirect.scatter.add.f32 [tilespmem:s18], [sflag:$0x5], $0x80, s6, s21, $0xb8;
	[tilespmem:$0x1FC00] =	vst v63  }
0xa5: {  	_ =	swait.ge [sflag:s19], $0x2000  }
0xa6: {  	[sflag:s19] =	ssyncset.done $0x0  }
0xa7: {  	[sflag:s19] =	ssyncadd.s32 $0xFFFFE000  }
0xa8: {  	_ =	swait.ge [sflag:s31], $0x2000  }
0xa9: {  	[sflag:s31] =	ssyncset.done $0x0  }
0xaa: {  	[sflag:s31] =	ssyncadd.s32 $0xFFFFE000  }
0xab: {  	[spmem:s2] =	stream.indirect.scatter.add.f32 [tilespmem:s23], [sflag:$0x5], $0x80, s9, s21, $0xb8;
	[tilespmem:$0x1FC00] =	vst v63  }
0xac: {  	_ =	swait.ge [sflag:s19], $0x2000  }
0xad: {  	[sflag:s19] =	ssyncset.done $0x0  }
0xae: {  	[sflag:s19] =	ssyncadd.s32 $0xFFFFE000  }
0xaf: {  	_ =	swait.ge [sflag:s0], $0x2000  }
0xb0: {  	[sflag:s0] =	ssyncset.done $0x0  }
0xb1: {  	[sflag:s0] =	ssyncadd.s32 $0xFFFFE000  }
0xb2: {  	[spmem:s2] =	stream.indirect.scatter.add.f32 [tilespmem:s26], [sflag:$0x5], $0x80, s10, s21, $0xb8;
	[tilespmem:$0x1FC00] =	vst v63  }
0xb3: {  	_ =	swait.ge [sflag:s19], $0x2000  }
0xb4: {  	[sflag:s19] =	ssyncset.done $0x0  }
0xb5: {  	[sflag:s19] =	ssyncadd.s32 $0xFFFFE000  }
0xb6: {  	_ =	swait.ge [sflag:s1], $0x2000  }
0xb7: {  	[sflag:s1] =	ssyncset.done $0x0  }
0xb8: {  	[sflag:s1] =	ssyncadd.s32 $0xFFFFE000  }
0xb9: {  	[spmem:s2] =	stream.indirect.scatter.add.f32 [tilespmem:s29], [sflag:$0x5], $0x80, s11, s21, $0xb8;
	[tilespmem:$0x1FC00] =	vst v63  }
0xba: {  	_ =	swait.ge [sflag:s19], $0x2000  }
0xbb: {  	[sflag:s19] =	ssyncset.done $0x0  }
0xbc: {  	s12 =	sadd.s32 $0x400, s7;
	s13 =	simm.s32 $0x0;
	[sflag:s19] =	ssyncadd.s32 $0xFFFFE000  }
0xbd: {  	[tilespmem:s13], [sflag:$0x5] =	stream.linear.gather [hbm4b:s12+s13], $0x2000, $0x38;
	[tilespmem:$0x1FC00] =	vst v63  }
0xbe: {  	_ =	swait.ge [sflag:s19], $0x2000  }
0xbf: {  	[sflag:s19] =	ssyncset.done $0x0  }
0xc0: {  	s14 =	sadd.s32 $0x400, s8;
	[sflag:s19] =	ssyncadd.s32 $0xFFFFE000  }
0xc1: {  	[tilespmem:s20], [sflag:$0x5] =	stream.linear.gather [hbm4b:s14+s13], $0x2000, $0x38;
	[tilespmem:$0x1FC00] =	vst v63  }
0xc2: {  	_ =	swait.ge [sflag:s19], $0x2000  }
0xc3: {  	[sflag:s19] =	ssyncset.done $0x0  }
0xc4: {  	[sflag:s19] =	ssyncadd.s32 $0xFFFFE000  }
0xc5: {  	[tilespmem:s18], [sflag:$0x1] =	stream.indirect.gather [hbm4b:s4+s21], $0x80, s13, s21, $0xb8;
	[tilespmem:$0x1FC00] =	vst v63  }
0xc6: {  	_ = 	snop  }
0xc7: {  	[tilespmem:s23], [sflag:$0x2] =	stream.indirect.gather [hbm4b:s4+s21], $0x80, s22, s21, $0xb8;
	[tilespmem:$0x1FC00] =	vst v63  }
0xc8: {  	_ = 	snop  }
0xc9: {  	[tilespmem:s26], [sflag:$0x3] =	stream.indirect.gather [hbm4b:s4+s21], $0x80, s25, s21, $0xb8;
	[tilespmem:$0x1FC00] =	vst v63  }
0xca: {  	_ = 	snop  }
0xcb: {  	[tilespmem:s29], [sflag:$0x4] =	stream.indirect.gather [hbm4b:s4+s21], $0x80, s28, s21, $0xb8;
	[tilespmem:$0x1FC00] =	vst v63  }
0xcc: {  	_ =	swait.ge [sflag:s30], $0x2000  }
0xcd: {  	[sflag:s30] =	ssyncset.done $0x0  }
0xce: {  	s14 =	simm.s32 $0x2000;
	[sflag:s30] =	ssyncadd.s32 $0xFFFFE000  }
0xcf: {  	[spmem:s2] =	stream.indirect.scatter.add.f32 [tilespmem:s18], [sflag:$0x5], $0x80, s14, s21, $0xb8;
	[tilespmem:$0x1FC00] =	vst v63  }
0xd0: {  	_ =	swait.ge [sflag:s19], $0x2000  }
0xd1: {  	[sflag:s19] =	ssyncset.done $0x0  }
0xd2: {  	s13 =	simm.s32 $0x200;
	[sflag:s19] =	ssyncadd.s32 $0xFFFFE000  }
0xd3: {  	[tilespmem:s18], [sflag:$0x1] =	stream.indirect.gather [hbm4b:s4+s21], $0x80, s13, s21, $0xb8;
	[tilespmem:$0x1FC00] =	vst v63  }
0xd4: {  	_ =	swait.ge [sflag:s31], $0x2000  }
0xd5: {  	[sflag:s31] =	ssyncset.done $0x0  }
0xd6: {  	s14 =	simm.s32 $0x2080;
	[sflag:s31] =	ssyncadd.s32 $0xFFFFE000  }
0xd7: {  	[spmem:s2] =	stream.indirect.scatter.add.f32 [tilespmem:s23], [sflag:$0x5], $0x80, s14, s21, $0xb8;
	[tilespmem:$0x1FC00] =	vst v63  }
0xd8: {  	_ =	swait.ge [sflag:s19], $0x2000  }
0xd9: {  	[sflag:s19] =	ssyncset.done $0x0  }
0xda: {  	s13 =	simm.s32 $0x280;
	[sflag:s19] =	ssyncadd.s32 $0xFFFFE000  }
0xdb: {  	[tilespmem:s23], [sflag:$0x2] =	stream.indirect.gather [hbm4b:s4+s21], $0x80, s13, s21, $0xb8;
	[tilespmem:$0x1FC00] =	vst v63  }
0xdc: {  	_ =	swait.ge [sflag:s0], $0x2000  }
0xdd: {  	[sflag:s0] =	ssyncset.done $0x0  }
0xde: {  	s14 =	simm.s32 $0x2100;
	[sflag:s0] =	ssyncadd.s32 $0xFFFFE000  }
0xdf: {  	[spmem:s2] =	stream.indirect.scatter.add.f32 [tilespmem:s26], [sflag:$0x5], $0x80, s14, s21, $0xb8;
	[tilespmem:$0x1FC00] =	vst v63  }
0xe0: {  	_ =	swait.ge [sflag:s19], $0x2000  }
0xe1: {  	[sflag:s19] =	ssyncset.done $0x0  }
0xe2: {  	s13 =	simm.s32 $0x300;
	[sflag:s19] =	ssyncadd.s32 $0xFFFFE000  }
0xe3: {  	[tilespmem:s26], [sflag:$0x3] =	stream.indirect.gather [hbm4b:s4+s21], $0x80, s13, s21, $0xb8;
	[tilespmem:$0x1FC00] =	vst v63  }
0xe4: {  	_ =	swait.ge [sflag:s1], $0x2000  }
0xe5: {  	[sflag:s1] =	ssyncset.done $0x0  }
0xe6: {  	s14 =	simm.s32 $0x2180;
	[sflag:s1] =	ssyncadd.s32 $0xFFFFE000  }
0xe7: {  	[spmem:s2] =	stream.indirect.scatter.add.f32 [tilespmem:s29], [sflag:$0x5], $0x80, s14, s21, $0xb8;
	[tilespmem:$0x1FC00] =	vst v63  }
0xe8: {  	_ =	swait.ge [sflag:s19], $0x2000  }
0xe9: {  	[sflag:s19] =	ssyncset.done $0x0  }
0xea: {  	s12 =	simm.s32 $0x800;
	s13 =	simm.s32 $0x380;
	[sflag:s19] =	ssyncadd.s32 $0xFFFFE000  }
.LBB2_6:
0xeb: {  	[tilespmem:s29], [sflag:$0x4] =	stream.indirect.gather [hbm4b:s4+s21], $0x80, s13, s21, $0xb8;
	[tilespmem:$0x1FC00] =	vst v63  }
0xec: {  	s13 =	smov.u32 s12  }
0xed: {  	p0 =	sne.s32 s12, $0x7000;
	s12 =	sadd.s32 $0x800, s12;
	_ =	swait.ge [sflag:s30], $0x2000  }
0xee: {  	s13 =	sshra.s32 s13, $0x2;
	[sflag:s30] =	ssyncset.done $0x0  }
0xef: {  	s14 =	sadd.s32 $0x2000, s13;
	[sflag:s30] =	ssyncadd.s32 $0xFFFFE000  }
0xf0: {  	[spmem:s2] =	stream.indirect.scatter.add.f32 [tilespmem:s18], [sflag:$0x5], $0x80, s14, s21, $0xb8;
	[tilespmem:$0x1FC00] =	vst v63  }
0xf1: {  	_ =	swait.ge [sflag:s19], $0x2000  }
0xf2: {  	[sflag:s19] =	ssyncset.done $0x0  }
0xf3: {  	s14 =	sadd.s32 $0x200, s13;
	[sflag:s19] =	ssyncadd.s32 $0xFFFFE000  }
0xf4: {  	[tilespmem:s18], [sflag:$0x1] =	stream.indirect.gather [hbm4b:s4+s21], $0x80, s14, s21, $0xb8;
	[tilespmem:$0x1FC00] =	vst v63  }
0xf5: {  	_ =	swait.ge [sflag:s31], $0x2000  }
0xf6: {  	[sflag:s31] =	ssyncset.done $0x0  }
0xf7: {  	s14 =	sadd.s32 $0x2080, s13;
	[sflag:s31] =	ssyncadd.s32 $0xFFFFE000  }
0xf8: {  	[spmem:s2] =	stream.indirect.scatter.add.f32 [tilespmem:s23], [sflag:$0x5], $0x80, s14, s21, $0xb8;
	[tilespmem:$0x1FC00] =	vst v63  }
0xf9: {  	_ =	swait.ge [sflag:s19], $0x2000  }
0xfa: {  	[sflag:s19] =	ssyncset.done $0x0  }
0xfb: {  	s14 =	sadd.s32 $0x280, s13;
	[sflag:s19] =	ssyncadd.s32 $0xFFFFE000  }
0xfc: {  	[tilespmem:s23], [sflag:$0x2] =	stream.indirect.gather [hbm4b:s4+s21], $0x80, s14, s21, $0xb8;
	[tilespmem:$0x1FC00] =	vst v63  }
0xfd: {  	_ =	swait.ge [sflag:s0], $0x2000  }
0xfe: {  	[sflag:s0] =	ssyncset.done $0x0  }
0xff: {  	s14 =	sadd.s32 $0x2100, s13;
	[sflag:s0] =	ssyncadd.s32 $0xFFFFE000  }
0x100: {  	[spmem:s2] =	stream.indirect.scatter.add.f32 [tilespmem:s26], [sflag:$0x5], $0x80, s14, s21, $0xb8;
	[tilespmem:$0x1FC00] =	vst v63  }
0x101: {  	_ =	swait.ge [sflag:s19], $0x2000  }
0x102: {  	[sflag:s19] =	ssyncset.done $0x0  }
0x103: {  	s14 =	sadd.s32 $0x300, s13;
	[sflag:s19] =	ssyncadd.s32 $0xFFFFE000  }
0x104: {  	[tilespmem:s26], [sflag:$0x3] =	stream.indirect.gather [hbm4b:s4+s21], $0x80, s14, s21, $0xb8;
	[tilespmem:$0x1FC00] =	vst v63  }
0x105: {  	_ =	swait.ge [sflag:s1], $0x2000  }
0x106: {  	[sflag:s1] =	ssyncset.done $0x0  }
.Ltmp2:
0x107: {  	s14 =	sadd.s32 $0x2180, s13;
	[sflag:s1] =	ssyncadd.s32 $0xFFFFE000;
	(pc) =	sbr.rel @p0 .LBB2_6-.Ltmp2, $4  }
0x108: {  	[spmem:s2] =	stream.indirect.scatter.add.f32 [tilespmem:s29], [sflag:$0x5], $0x80, s14, s21, $0xb8;
	[tilespmem:$0x1FC00] =	vst v63  }
0x109: {  	_ =	swait.ge [sflag:s19], $0x2000  }
0x10a: {  	[sflag:s19] =	ssyncset.done $0x0  }
0x10b: {  	s13 =	sadd.s32 $0x380, s13;
	[sflag:s19] =	ssyncadd.s32 $0xFFFFE000  }
0x10c: {  	[tilespmem:s29], [sflag:$0x4] =	stream.indirect.gather [hbm4b:s4+s21], $0x80, s13, s21, $0xb8;
	[tilespmem:$0x1FC00] =	vst v63  }
0x10d: {  	_ =	swait.ge [sflag:s30], $0x2000  }
0x10e: {  	[sflag:s30] =	ssyncset.done $0x0  }
0x10f: {  	[sflag:s30] =	ssyncadd.s32 $0xFFFFE000  }
0x110: {  	[spmem:s2] =	stream.indirect.scatter.add.f32 [tilespmem:s18], [sflag:$0x5], $0x80, s6, s21, $0xb8;
	[tilespmem:$0x1FC00] =	vst v63  }
0x111: {  	_ =	swait.ge [sflag:s19], $0x2000  }
0x112: {  	[sflag:s19] =	ssyncset.done $0x0  }
0x113: {  	[sflag:s19] =	ssyncadd.s32 $0xFFFFE000  }
0x114: {  	_ =	swait.ge [sflag:s31], $0x2000  }
0x115: {  	[sflag:s31] =	ssyncset.done $0x0  }
0x116: {  	[sflag:s31] =	ssyncadd.s32 $0xFFFFE000  }
0x117: {  	[spmem:s2] =	stream.indirect.scatter.add.f32 [tilespmem:s23], [sflag:$0x5], $0x80, s9, s21, $0xb8;
	[tilespmem:$0x1FC00] =	vst v63  }
0x118: {  	_ =	swait.ge [sflag:s19], $0x2000  }
0x119: {  	[sflag:s19] =	ssyncset.done $0x0  }
0x11a: {  	[sflag:s19] =	ssyncadd.s32 $0xFFFFE000  }
0x11b: {  	_ =	swait.ge [sflag:s0], $0x2000  }
0x11c: {  	[sflag:s0] =	ssyncset.done $0x0  }
0x11d: {  	[sflag:s0] =	ssyncadd.s32 $0xFFFFE000  }
0x11e: {  	[spmem:s2] =	stream.indirect.scatter.add.f32 [tilespmem:s26], [sflag:$0x5], $0x80, s10, s21, $0xb8;
	[tilespmem:$0x1FC00] =	vst v63  }
0x11f: {  	_ =	swait.ge [sflag:s19], $0x2000  }
0x120: {  	[sflag:s19] =	ssyncset.done $0x0  }
0x121: {  	[sflag:s19] =	ssyncadd.s32 $0xFFFFE000  }
0x122: {  	_ =	swait.ge [sflag:s1], $0x2000  }
0x123: {  	[sflag:s1] =	ssyncset.done $0x0  }
0x124: {  	[sflag:s1] =	ssyncadd.s32 $0xFFFFE000  }
0x125: {  	[spmem:s2] =	stream.indirect.scatter.add.f32 [tilespmem:s29], [sflag:$0x5], $0x80, s11, s21, $0xb8;
	[tilespmem:$0x1FC00] =	vst v63  }
0x126: {  	_ =	swait.ge [sflag:s19], $0x2000  }
0x127: {  	[sflag:s19] =	ssyncset.done $0x0  }
0x128: {  	s12 =	sadd.s32 $0x800, s7;
	s13 =	simm.s32 $0x0;
	[sflag:s19] =	ssyncadd.s32 $0xFFFFE000  }
0x129: {  	[tilespmem:s13], [sflag:$0x5] =	stream.linear.gather [hbm4b:s12+s13], $0x1000, $0x38;
	[tilespmem:$0x1FC00] =	vst v63  }
0x12a: {  	_ =	swait.ge [sflag:s19], $0x1000  }
0x12b: {  	[sflag:s19] =	ssyncset.done $0x0  }
0x12c: {  	s14 =	sadd.s32 $0x800, s8;
	[sflag:s19] =	ssyncadd.s32 $0xFFFFF000  }
0x12d: {  	[tilespmem:s20], [sflag:$0x5] =	stream.linear.gather [hbm4b:s14+s13], $0x1000, $0x38;
	[tilespmem:$0x1FC00] =	vst v63  }
0x12e: {  	_ =	swait.ge [sflag:s19], $0x1000  }
0x12f: {  	[sflag:s19] =	ssyncset.done $0x0  }
0x130: {  	[sflag:s19] =	ssyncadd.s32 $0xFFFFF000  }
0x131: {  	[tilespmem:s18], [sflag:$0x1] =	stream.indirect.gather [hbm4b:s4+s21], $0x80, s13, s21, $0xb8;
	[tilespmem:$0x1FC00] =	vst v63  }
0x132: {  	_ = 	snop  }
0x133: {  	[tilespmem:s23], [sflag:$0x2] =	stream.indirect.gather [hbm4b:s4+s21], $0x80, s22, s21, $0xb8;
	[tilespmem:$0x1FC00] =	vst v63  }
0x134: {  	_ = 	snop  }
0x135: {  	[tilespmem:s26], [sflag:$0x3] =	stream.indirect.gather [hbm4b:s4+s21], $0x80, s25, s21, $0xb8;
	[tilespmem:$0x1FC00] =	vst v63  }
0x136: {  	_ = 	snop  }
0x137: {  	[tilespmem:s29], [sflag:$0x4] =	stream.indirect.gather [hbm4b:s4+s21], $0x80, s28, s21, $0xb8;
	[tilespmem:$0x1FC00] =	vst v63  }
0x138: {  	_ =	swait.ge [sflag:s30], $0x2000  }
0x139: {  	[sflag:s30] =	ssyncset.done $0x0  }
0x13a: {  	s14 =	simm.s32 $0x2000;
	[sflag:s30] =	ssyncadd.s32 $0xFFFFE000  }
0x13b: {  	[spmem:s2] =	stream.indirect.scatter.add.f32 [tilespmem:s18], [sflag:$0x5], $0x80, s14, s21, $0xb8;
	[tilespmem:$0x1FC00] =	vst v63  }
0x13c: {  	_ =	swait.ge [sflag:s19], $0x2000  }
0x13d: {  	[sflag:s19] =	ssyncset.done $0x0  }
0x13e: {  	s13 =	simm.s32 $0x200;
	[sflag:s19] =	ssyncadd.s32 $0xFFFFE000  }
0x13f: {  	[tilespmem:s18], [sflag:$0x1] =	stream.indirect.gather [hbm4b:s4+s21], $0x80, s13, s21, $0xb8;
	[tilespmem:$0x1FC00] =	vst v63  }
0x140: {  	_ =	swait.ge [sflag:s31], $0x2000  }
0x141: {  	[sflag:s31] =	ssyncset.done $0x0  }
0x142: {  	s14 =	simm.s32 $0x2080;
	[sflag:s31] =	ssyncadd.s32 $0xFFFFE000  }
0x143: {  	[spmem:s2] =	stream.indirect.scatter.add.f32 [tilespmem:s23], [sflag:$0x5], $0x80, s14, s21, $0xb8;
	[tilespmem:$0x1FC00] =	vst v63  }
0x144: {  	_ =	swait.ge [sflag:s19], $0x2000  }
0x145: {  	[sflag:s19] =	ssyncset.done $0x0  }
0x146: {  	s13 =	simm.s32 $0x280;
	[sflag:s19] =	ssyncadd.s32 $0xFFFFE000  }
0x147: {  	[tilespmem:s23], [sflag:$0x2] =	stream.indirect.gather [hbm4b:s4+s21], $0x80, s13, s21, $0xb8;
	[tilespmem:$0x1FC00] =	vst v63  }
0x148: {  	_ =	swait.ge [sflag:s0], $0x2000  }
0x149: {  	[sflag:s0] =	ssyncset.done $0x0  }
0x14a: {  	s14 =	simm.s32 $0x2100;
	[sflag:s0] =	ssyncadd.s32 $0xFFFFE000  }
0x14b: {  	[spmem:s2] =	stream.indirect.scatter.add.f32 [tilespmem:s26], [sflag:$0x5], $0x80, s14, s21, $0xb8;
	[tilespmem:$0x1FC00] =	vst v63  }
0x14c: {  	_ =	swait.ge [sflag:s19], $0x2000  }
0x14d: {  	[sflag:s19] =	ssyncset.done $0x0  }
0x14e: {  	s13 =	simm.s32 $0x300;
	[sflag:s19] =	ssyncadd.s32 $0xFFFFE000  }
0x14f: {  	[tilespmem:s26], [sflag:$0x3] =	stream.indirect.gather [hbm4b:s4+s21], $0x80, s13, s21, $0xb8;
	[tilespmem:$0x1FC00] =	vst v63  }
0x150: {  	_ =	swait.ge [sflag:s1], $0x2000  }
0x151: {  	[sflag:s1] =	ssyncset.done $0x0  }
0x152: {  	s14 =	simm.s32 $0x2180;
	[sflag:s1] =	ssyncadd.s32 $0xFFFFE000  }
0x153: {  	[spmem:s2] =	stream.indirect.scatter.add.f32 [tilespmem:s29], [sflag:$0x5], $0x80, s14, s21, $0xb8;
	[tilespmem:$0x1FC00] =	vst v63  }
0x154: {  	_ =	swait.ge [sflag:s19], $0x2000  }
0x155: {  	[sflag:s19] =	ssyncset.done $0x0  }
0x156: {  	s12 =	simm.s32 $0x800;
	s13 =	simm.s32 $0x380;
	[sflag:s19] =	ssyncadd.s32 $0xFFFFE000  }
.LBB2_8:
0x157: {  	[tilespmem:s29], [sflag:$0x4] =	stream.indirect.gather [hbm4b:s4+s21], $0x80, s13, s21, $0xb8;
	[tilespmem:$0x1FC00] =	vst v63  }
0x158: {  	s13 =	smov.u32 s12  }
0x159: {  	p0 =	sne.s32 s12, $0x3000;
	s12 =	sadd.s32 $0x800, s12;
	_ =	swait.ge [sflag:s30], $0x2000  }
0x15a: {  	s13 =	sshra.s32 s13, $0x2;
	[sflag:s30] =	ssyncset.done $0x0  }
0x15b: {  	s14 =	sadd.s32 $0x2000, s13;
	[sflag:s30] =	ssyncadd.s32 $0xFFFFE000  }
0x15c: {  	[spmem:s2] =	stream.indirect.scatter.add.f32 [tilespmem:s18], [sflag:$0x5], $0x80, s14, s21, $0xb8;
	[tilespmem:$0x1FC00] =	vst v63  }
0x15d: {  	_ =	swait.ge [sflag:s19], $0x2000  }
0x15e: {  	[sflag:s19] =	ssyncset.done $0x0  }
0x15f: {  	s14 =	sadd.s32 $0x200, s13;
	[sflag:s19] =	ssyncadd.s32 $0xFFFFE000  }
0x160: {  	[tilespmem:s18], [sflag:$0x1] =	stream.indirect.gather [hbm4b:s4+s21], $0x80, s14, s21, $0xb8;
	[tilespmem:$0x1FC00] =	vst v63  }
0x161: {  	_ =	swait.ge [sflag:s31], $0x2000  }
0x162: {  	[sflag:s31] =	ssyncset.done $0x0  }
0x163: {  	s14 =	sadd.s32 $0x2080, s13;
	[sflag:s31] =	ssyncadd.s32 $0xFFFFE000  }
0x164: {  	[spmem:s2] =	stream.indirect.scatter.add.f32 [tilespmem:s23], [sflag:$0x5], $0x80, s14, s21, $0xb8;
	[tilespmem:$0x1FC00] =	vst v63  }
0x165: {  	_ =	swait.ge [sflag:s19], $0x2000  }
0x166: {  	[sflag:s19] =	ssyncset.done $0x0  }
0x167: {  	s14 =	sadd.s32 $0x280, s13;
	[sflag:s19] =	ssyncadd.s32 $0xFFFFE000  }
0x168: {  	[tilespmem:s23], [sflag:$0x2] =	stream.indirect.gather [hbm4b:s4+s21], $0x80, s14, s21, $0xb8;
	[tilespmem:$0x1FC00] =	vst v63  }
0x169: {  	_ =	swait.ge [sflag:s0], $0x2000  }
0x16a: {  	[sflag:s0] =	ssyncset.done $0x0  }
0x16b: {  	s14 =	sadd.s32 $0x2100, s13;
	[sflag:s0] =	ssyncadd.s32 $0xFFFFE000  }
0x16c: {  	[spmem:s2] =	stream.indirect.scatter.add.f32 [tilespmem:s26], [sflag:$0x5], $0x80, s14, s21, $0xb8;
	[tilespmem:$0x1FC00] =	vst v63  }
0x16d: {  	_ =	swait.ge [sflag:s19], $0x2000  }
0x16e: {  	[sflag:s19] =	ssyncset.done $0x0  }
0x16f: {  	s14 =	sadd.s32 $0x300, s13;
	[sflag:s19] =	ssyncadd.s32 $0xFFFFE000  }
0x170: {  	[tilespmem:s26], [sflag:$0x3] =	stream.indirect.gather [hbm4b:s4+s21], $0x80, s14, s21, $0xb8;
	[tilespmem:$0x1FC00] =	vst v63  }
0x171: {  	_ =	swait.ge [sflag:s1], $0x2000  }
0x172: {  	[sflag:s1] =	ssyncset.done $0x0  }
.Ltmp3:
0x173: {  	s14 =	sadd.s32 $0x2180, s13;
	[sflag:s1] =	ssyncadd.s32 $0xFFFFE000;
	(pc) =	sbr.rel @p0 .LBB2_8-.Ltmp3, $4  }
0x174: {  	[spmem:s2] =	stream.indirect.scatter.add.f32 [tilespmem:s29], [sflag:$0x5], $0x80, s14, s21, $0xb8;
	[tilespmem:$0x1FC00] =	vst v63  }
0x175: {  	_ =	swait.ge [sflag:s19], $0x2000  }
0x176: {  	[sflag:s19] =	ssyncset.done $0x0  }
0x177: {  	s13 =	sadd.s32 $0x380, s13;
	[sflag:s19] =	ssyncadd.s32 $0xFFFFE000  }
0x178: {  	[tilespmem:s29], [sflag:$0x4] =	stream.indirect.gather [hbm4b:s4+s21], $0x80, s13, s21, $0xb8;
	[tilespmem:$0x1FC00] =	vst v63  }
0x179: {  	_ =	swait.ge [sflag:s30], $0x2000  }
0x17a: {  	[sflag:s30] =	ssyncset.done $0x0  }
0x17b: {  	s12 =	simm.s32 $0x2E00;
	[sflag:s30] =	ssyncadd.s32 $0xFFFFE000  }
0x17c: {  	[spmem:s2] =	stream.indirect.scatter.add.f32 [tilespmem:s18], [sflag:$0x5], $0x80, s12, s21, $0xb8;
	[tilespmem:$0x1FC00] =	vst v63  }
0x17d: {  	_ =	swait.ge [sflag:s19], $0x2000  }
0x17e: {  	[sflag:s19] =	ssyncset.done $0x0  }
0x17f: {  	[sflag:s19] =	ssyncadd.s32 $0xFFFFE000  }
0x180: {  	_ =	swait.ge [sflag:s31], $0x2000  }
0x181: {  	[sflag:s31] =	ssyncset.done $0x0  }
0x182: {  	s14 =	simm.s32 $0x2E80;
	[sflag:s31] =	ssyncadd.s32 $0xFFFFE000  }
0x183: {  	[spmem:s2] =	stream.indirect.scatter.add.f32 [tilespmem:s23], [sflag:$0x5], $0x80, s14, s21, $0xb8;
	[tilespmem:$0x1FC00] =	vst v63  }
0x184: {  	_ =	swait.ge [sflag:s19], $0x2000  }
0x185: {  	[sflag:s19] =	ssyncset.done $0x0  }
0x186: {  	[sflag:s19] =	ssyncadd.s32 $0xFFFFE000  }
0x187: {  	_ =	swait.ge [sflag:s0], $0x2000  }
0x188: {  	[sflag:s0] =	ssyncset.done $0x0  }
0x189: {  	s13 =	simm.s32 $0x2F00;
	[sflag:s0] =	ssyncadd.s32 $0xFFFFE000  }
0x18a: {  	[spmem:s2] =	stream.indirect.scatter.add.f32 [tilespmem:s26], [sflag:$0x5], $0x80, s13, s21, $0xb8;
	[tilespmem:$0x1FC00] =	vst v63  }
0x18b: {  	_ =	swait.ge [sflag:s19], $0x2000  }
0x18c: {  	[sflag:s19] =	ssyncset.done $0x0  }
0x18d: {  	[sflag:s19] =	ssyncadd.s32 $0xFFFFE000  }
0x18e: {  	_ =	swait.ge [sflag:s1], $0x2000  }
0x18f: {  	[sflag:s1] =	ssyncset.done $0x0  }
0x190: {  	s14 =	simm.s32 $0x2F80;
	[sflag:s1] =	ssyncadd.s32 $0xFFFFE000  }
0x191: {  	[spmem:s2] =	stream.indirect.scatter.add.f32 [tilespmem:s29], [sflag:$0x5], $0x80, s14, s21, $0xb8;
	[tilespmem:$0x1FC00] =	vst v63  }
0x192: {  	_ =	swait.ge [sflag:s19], $0x2000  }
0x193: {  	s13 =	stileid.u32;
	[sflag:s19] =	ssyncset.done $0x0  }
0x194: {  	s12 =	sshll.u32 s13, $0x6;
	[sflag:s19] =	ssyncadd.s32 $0xFFFFE000  }
0x195: {  	s12 =	sor.u32 $0x1C05, s12;
	s14 =	sshrl.u32 s5, $0x3;
	[bflag:$0x0] =	sbarrier.arrive $0xFFFF  }
0x196: {  	[hbm:s24], [sflag:s12] =	dma.local [spmem:s14], $0x2780  }
0x197: {  	_ =	swait.ge [sflag:s19], $0x2780  }
0x198: {  	s3 =	sadd.s32 $0x1, s3;
	s14 =	rddreg [dreg:$0x4]  }
0x199: {  	p0 =	sne.s32 s3, s14  }
.Ltmp4:
0x19a: {  	_ = 	snop;
	(pc) =	sbr.rel @p0 .LBB2_1-.Ltmp4, $3  }
0x19b: {  	_ =	sdelay $0x1  }
0x19c: {  	[sflag:s19] =	ssyncset.done $0x0  }
0x19d: {  	[sflag:s19] =	ssyncadd.s32 $0xFFFFD880  }
0x19e: {  	_ =	sfence.sel $0x180000  }
0x19f: {  	[bflag:$0x0] =	sbarrier.arrive $0xFFFF  }
0x1a0: {  	_ =	strace $0x9000004D  }
0x1a1: {  	s0 =	stileid.u32;
	[bflag:$0x2] =	sbarrier.arrive $0xFFFF  }
0x1a2: {  	p0 =	sne.s32 s0, $0x0;
	s0 =	rddreg [dreg:$0x2]  }
0x1a3: {  	s0 =	sadd.s32 @!p0 $0x100000, s0  }
0x1a4: {  	[sflag:s0] =	ssyncadd.tile.s32 @!p0 $0x1;
	_ =	shalt  }
.Lfunc_end2:
_tile_overlayer_lowered:
.L_overlay_start_2:
0x1a5: {  	(tag) =	ssettag $0x2  }
0x1a6: {  	s0 =	rddreg [dreg:$0x0];
	s2 =	stileid.u32  }
0x1a7: {  	s1 =	rddreg [dreg:$0x1];
	p0 =	sne.s32 s2, $0x0  }
0x1a8: {  	s3 =	rddreg [dreg:$0x2];
	[bflag:$0x3] =	sbarrier.arrive $0xFFFF;
	s2 =	simm.s32 @!p0 $0x1C05  }
0x1a9: {  	[timem:s3], [sflag:s2] =	dma.local @!p0 [hbm:s0], s1  }
0x1aa: {  	s0 =	simm.s32 @!p0 $0x5  }
0x1ab: {  	_ =	swait.ge @!p0 [sflag:s0], s1  }
0x1ac: {  	s1 =	ssub.s32 @!p0 $0x0, s1;
	[sflag:s0] =	ssyncset.done @!p0 $0x0  }
0x1ad: {  	[sflag:s0] =	ssyncadd.s32 @!p0 s1  }
0x1ae: {  	[bflag:$0x3] =	sbarrier.arrive $0xFFFF  }
0x1af: {  	_ =	shalt  }

// kernel: kernel.18.cloned.1.call-start
scs
__scs_entry_jumppad:
0x0: {  	(pc) =	sbr.rel $0x88, $3  }
0x1: {  	(tag) =	ssettag $0x0;
	lr =	simm.s32 $0x1  }
0x2: {  	[smem:$0x3F94] =	sst lr;
	_ =	strace $0xD0000000  }
0x3: {  	_ = 	snop  }
0x4: {  	_ = 	snop  }
0x5: {  	_ = 	snop  }
0x6: {  	_ = 	snop  }
0x7: {  	_ = 	snop  }
__scs_overlays_trampoline_lowered:
0x8: {  	[smem:$0x3FA3] =	sst s0  }
0x9: {  	[smem:$0x3FA4] =	sst s1  }
0xa: {  	[smem:$0x3FA5] =	sst s2  }
0xb: {  	[smem:$0x3FA6] =	sst s3  }
0xc: {  	[smem:$0x3FA7] =	sst s4  }
0xd: {  	[smem:$0x3FA8] =	sst s5  }
0xe: {  	[smem:$0x3FA9] =	sst s6  }
0xf: {  	[smem:$0x3FAA] =	sst s7  }
0x10: {  	[smem:$0x3FAB] =	sst s8  }
0x11: {  	[smem:$0x3FAC] =	sst s9;
	s0 =	simm.s32 @!p0 $0x0  }
0x12: {  	s1 =	sld [smem:$0x3F92];
	s0 =	simm.s32 @p0 $0x1  }
0x13: {  	[smem:$0x3FAD] =	sst s0;
	s0 =	simm.s32 @!p1 $0x0  }
0x14: {  	s2 =	sld [smem:$0x3F91];
	s0 =	simm.s32 @p1 $0x1  }
0x15: {  	[smem:$0x3FAE] =	sst s0;
	s0 =	simm.s32 @!p2 $0x0  }
0x16: {  	s3 =	sld [smem:$0x3FDB];
	s0 =	simm.s32 @p2 $0x1  }
0x17: {  	s4 =	simm.s32 $0x1BF5;
	[smem:$0x3FB0] =	sst s0  }
0x18: {  	s0 =	sld [smem:$0x3F93];
	_ =	swait.ge [sflag:s4], $0x0  }
0x19: {  	s7 =	sld [smem:$0x3F94]  }
0x1a: {  	s8 =	sadd.s32 $0xFFFFE003, lr  }
0x1b: {  	s9 =	sadd.s32 $0xFFFFFEF7, lr;
	s5 =	simm.s32 $0xFFFFFFFF;
	p2 =	slt.u32 s8, $0xFFFFF086  }
0x1c: {  	p1 =	slt.u32 s9, $0xF7A;
	s5 =	simm.s32 @!p2 $0x0  }
0x1d: {  	s5 =	simm.s32 @p1 $0x1;
	p0 =	seq.s32 s7, s2  }
0x1e: {  	s7 =	smul.u32 @!p0 $0xF7A, s2;
	p2 =	seq.s32 @!p0 s5, $0x0  }
0x1f: {  	s9 =	smul.u32 $0xF7A, s1;
	s8 =	simm.s32 @!p0 $0x1BF5;
	p2 =	por !p2, p0  }
0x20: {  	[sflag:s8] =	ssyncset.s32 @!p0 $0xFFFFF086;
	s6 =	sadd.s32 @!p0 s3, s7;
	s7 =	simm.s32 @!p0 $0x108  }
0x21: {  	s3 =	sadd.s32 s3, s9;
	s6 =	sadd.s32 @!p0 $0x88, s6;
	s7 =	simm.s32 @p2 $0x1082  }
0x22: {  	[simem:s7], [sflag:s8] =	dma.local @!p0 [hbm:s6], $0xF7A  }
0x23: {  	s9 =	sor.u32 $0xD0000000, s2;
	s6 =	simm.s32 $0x108;
	_ =	swait.ge @!p0 [sflag:s8], $0x0  }
0x24: {  	s3 =	sadd.s32 $0x88, s3;
	s6 =	simm.s32 @!p1 $0x1082;
	[sflag:s4] =	ssyncset.s32 $0xFFFFF086  }
0x25: {  	[simem:s6], [sflag:s4] =	dma.local [hbm:s3], $0xF7A  }
0x26: {  	[smem:$0x3F94] =	sst s1;
	(tag) =	ssettag s2;
	_ =	strace s9  }
0x27: {  	s1 =	sld [smem:$0x3FA4]  }
0x28: {  	s2 =	sld [smem:$0x3FA5]  }
0x29: {  	s4 =	sld [smem:$0x3FA7]  }
0x2a: {  	p0 =	seq.s32 s5, $0x0;
	s5 =	sld [smem:$0x3FA8]  }
0x2b: {  	s6 =	sld [smem:$0x3FA9]  }
0x2c: {  	s7 =	sld [smem:$0x3FAA]  }
0x2d: {  	s3 =	simm.s32 $0x108;
	s8 =	sld [smem:$0x3FAB]  }
0x2e: {  	s3 =	simm.s32 @!p0 $0x1082;
	s9 =	sld [smem:$0x3FAC]  }
0x2f: {  	lr =	sadd.s32 s0, s3;
	s0 =	sld [smem:$0x3FA3]  }
0x30: {  	s3 =	sld [smem:$0x3FA6]  }
0x31: {  	[smem:$0x3FAF] =	sst s10  }
0x32: {  	s10 =	sld [smem:$0x3FAD];
	_ =	sdelay $0x3  }
0x33: {  	p0 =	seq.s32 s10, $0x1;
	s10 =	sld [smem:$0x3FAF];
	_ =	sdelay $0x3  }
0x34: {  	[smem:$0x3FAF] =	sst s10  }
0x35: {  	s10 =	sld [smem:$0x3FAE];
	_ =	sdelay $0x3  }
0x36: {  	p1 =	seq.s32 s10, $0x1;
	s10 =	sld [smem:$0x3FAF];
	_ =	sdelay $0x3  }
0x37: {  	[smem:$0x3FAF] =	sst s10  }
0x38: {  	s10 =	sld [smem:$0x3FB0]  }
0x39: {  	_ = 	snop;
	(pc) =	sbr.ind lr, $3  }
0x3a: {  	_ = 	snop  }
0x3b: {  	_ = 	snop  }
0x3c: {  	p2 =	seq.s32 s10, $0x1;
	s10 =	sld [smem:$0x3FAF]  }
0x3d: {  	_ =	shalt  }
0x3e: {  	_ =	shalt  }
0x3f: {  	_ =	shalt  }
0x40: {  	_ =	shalt  }
0x41: {  	_ =	shalt  }
0x42: {  	_ =	shalt  }
0x43: {  	_ =	shalt  }
0x44: {  	_ =	shalt  }
0x45: {  	_ =	shalt  }
0x46: {  	_ =	shalt  }
0x47: {  	_ =	shalt  }
0x48: {  	_ =	shalt  }
0x49: {  	_ =	shalt  }
0x4a: {  	_ =	shalt  }
0x4b: {  	_ =	shalt  }
0x4c: {  	_ =	shalt  }
0x4d: {  	_ =	shalt  }
0x4e: {  	_ =	shalt  }
0x4f: {  	_ =	shalt  }
0x50: {  	_ =	shalt  }
0x51: {  	_ =	shalt  }
0x52: {  	_ =	shalt  }
0x53: {  	_ =	shalt  }
0x54: {  	_ =	shalt  }
0x55: {  	_ =	shalt  }
0x56: {  	_ =	shalt  }
0x57: {  	_ =	shalt  }
0x58: {  	_ =	shalt  }
0x59: {  	_ =	shalt  }
0x5a: {  	_ =	shalt  }
0x5b: {  	_ =	shalt  }
0x5c: {  	_ =	shalt  }
0x5d: {  	_ =	shalt  }
0x5e: {  	_ =	shalt  }
0x5f: {  	_ =	shalt  }
0x60: {  	_ =	shalt  }
0x61: {  	_ =	shalt  }
0x62: {  	_ =	shalt  }
0x63: {  	_ =	shalt  }
0x64: {  	_ =	shalt  }
0x65: {  	_ =	shalt  }
0x66: {  	_ =	shalt  }
0x67: {  	_ =	shalt  }
0x68: {  	_ =	shalt  }
0x69: {  	_ =	shalt  }
0x6a: {  	_ =	shalt  }
0x6b: {  	_ =	shalt  }
0x6c: {  	_ =	shalt  }
0x6d: {  	_ =	shalt  }
0x6e: {  	_ =	shalt  }
0x6f: {  	_ =	shalt  }
0x70: {  	_ =	shalt  }
0x71: {  	_ =	shalt  }
0x72: {  	_ =	shalt  }
0x73: {  	_ =	shalt  }
0x74: {  	_ =	shalt  }
0x75: {  	_ =	shalt  }
0x76: {  	_ =	shalt  }
0x77: {  	_ =	shalt  }
0x78: {  	_ =	shalt  }
0x79: {  	_ =	shalt  }
0x7a: {  	_ =	shalt  }
0x7b: {  	_ =	shalt  }
0x7c: {  	_ =	shalt  }
0x7d: {  	_ =	shalt  }
0x7e: {  	_ =	shalt  }
0x7f: {  	_ =	shalt  }
0x80: {  	_ =	shalt  }
0x81: {  	_ =	shalt  }
0x82: {  	_ =	shalt  }
0x83: {  	_ =	shalt  }
0x84: {  	_ =	shalt  }
0x85: {  	_ =	shalt  }
0x86: {  	_ =	shalt  }
0x87: {  	_ =	shalt  }
.Lfunc_end0:
.L_simem_size_0:
called_computation.3_lowered:
.L_overlay_start_0:
0x88: {  	s2 =	sld [smem:$0x3FD9]  }
0x89: {  	s3 =	sld [smem:$0x3FFE];
	_ =	sdelay $0x1  }
0x8a: {  	s1 =	srdreg.scid  }
0x8b: {  	s0 =	sand.u32 $0x1, s1  }
0x8c: {  	s16 =	sshll.u32 s0, $0xA;
	s2 =	sadd.s32 s3, s2  }
0x8d: {  	s2 =	sadd.s32 s2, s16  }
0x8e: {  	[smem:$0x3FBB] =	sst s2  }
0x8f: {  	_ = 	snop  }
0x90: {  	(tm) =	ssettm $0x1  }
0x91: {  	s17 =	sld [smem:$0x3FFB];
	_ =	sdelay $0x3  }
0x92: {  	_ =	strace s17  }
0x93: {  	s2 =	sld [smem:$0x3FFC];
	_ =	sdelay $0x3  }
0x94: {  	_ =	strace s2  }
0x95: {  	s2 =	sld [smem:$0x3FFD];
	_ =	sdelay $0x3  }
0x96: {  	_ =	strace s2  }
0x97: {  	_ =	strace $0x8FFFFFFF  }
0x98: {  	s18 =	sld [smem:$0x3FDB];
	_ =	sdelay $0x1  }
0x99: {  	s19 =	simm.s32 $_scs_section_size  }
0x9a: {  	s4 =	simm.s32 $_size__tile_overlayer_lowered;
	s5 =	simm.s32 $_tile_overlayer_lowered  }
0x9b: {  	s22 =	simm.s32 $0x1BFF;
	s21 =	sshll.u32 s5, $0x1;
	s2 =	sadd.s32 s19, s18  }
0x9c: {  	s6 =	simm.s32 $0x0;
	s20 =	sshll.u32 s4, $0x1;
	s4 =	sadd.s32 s21, s2  }
0x9d: {  	[timem:s6], [sflag:s22] =	dma.local [hbm:s4], s20  }
0x9e: {  	_ =	swait.ge [sflag:s22], s20  }
0x9f: {  	s3 =	ssub.s32 $0x0, s20;
	[sflag:s22] =	ssyncset.done $0x0  }
0xa0: {  	[sflag:s22] =	ssyncadd.s32 s3;
	_ =	sdelay $0x1  }
0xa1: {  	s23 =	simm.s32 $0x1B8B  }
0xa2: {  	_ =	swait.ge [sflag:s23], $0x1  }
0xa3: {  	[sflag:s23] =	ssyncset.done $0x0  }
0xa4: {  	s25 =	simm.s32 $0x1B8E;
	s24 =	sld [smem:$0x3FFE];
	[sflag:s23] =	ssyncadd.s32 $0xFFFFFFFF  }
0xa5: {  	s26 =	simm.s32 $execute0_lowered;
	[smem:$0x3FD2] =	sst s25  }
0xa6: {  	s4 =	sshll.u32 s26, $0x1;
	_ =	strace $0x8000004F;
	[dreg:$0x1] =	wrdreg $0xFFFFFFFF  }
0xa7: {  	s28 =	simm.s32 $_size_execute0_lowered;
	s2 =	sadd.s32 s2, s4;
	[dreg:$0x0] =	wrdreg $0x0  }
0xa8: {  	s4 =	sshll.u32 s28, $0x1;
	[dreg:$0x2] =	wrdreg s2  }
0xa9: {  	[dreg:$0x3] =	wrdreg s4  }
0xaa: {  	[dreg:$0x4] =	wrdreg $0xC0  }
0xab: {  	_ =	task [dreg:s6], $0x5FFFF  }
0xac: {  	[dreg:$0x1] =	wrdreg $0xFFFFFFFF  }
0xad: {  	[dreg:$0x0] =	wrdreg $0x60  }
0xae: {  	[dreg:$0x2] =	wrdreg s24  }
0xaf: {  	[dreg:$0x3] =	wrdreg $0xC0000  }
0xb0: {  	[dreg:$0x4] =	wrdreg $0x9  }
0xb1: {  	_ =	task.clear_ibuf [dreg:s6], $0x5FFFF;
	_ =	strace $0x9000004F  }
0xb2: {  	s29 =	simm.s32 $0x9;
	_ =	strace $0x80000051  }
0xb3: {  	_ =	swait.ge [sflag:s29], $0x1  }
0xb4: {  	[sflag:s29] =	ssyncadd.s32 $0xFFFFFFFF  }
0xb5: {  	_ =	strace $0x90000051  }
0xb6: {  	_ =	sfence  }
0xb7: {  	s30 =	sld [smem:$0x0];
	_ =	sdelay $0x2  }
0xb8: {  	s31 =	sshll.u32 s1, $0xD;
	s1 =	sshrl.u32 s1, $0x2  }
0xb9: {  	s3 =	sand.u32 $0x4000, s31;
	s1 =	sadd.s32 s1, s30  }
0xba: {  	s0 =	sor.u32 s3, s0;
	s1 =	sshll.u32 s1, $0x11  }
0xbb: {  	s0 =	sor.u32 s1, s0  }
0xbc: {  	s0 =	sadd.s32 $0x8F2B, s0  }
0xbd: {  	[sflag:s0] =	ssyncadd.remote.s32 $0x1  }
0xbe: {  	_ =	sfence.sel $0xFFFF  }
0xbf: {  	[dreg:$0x0] =	wrdreg $0xFFFFFFFF;
	(pc) =	sbr.abs _section_cstart, $3  }
0xc0: {  	[dreg:$0x1] =	wrdreg $0xFFFFFFFF  }
0xc1: {  	_ =	task.clear_ibuf [dreg:s6], $0x2FFFF;
	_ =	strace $0x9FFFFFFF  }
0xc2: {  	(tm) =	ssettm $0x7FFFFFFF  }
0xc3: {  	_ =	shalt  }
tec
execute0_lowered:
.L_overlay_start_1:
0x0: {  	(tag) =	ssettag $0x1  }
0x1: {  	s0 =	rddreg [dreg:$0x0]  }
0x2: {  	s2 =	rddreg [dreg:$0x1]  }
0x3: {  	s1 =	srdreg.scid;
	s10 =	stileid.u32  }
0x4: {  	s3 =	simm.s32 $0x0;
	s18 =	simm.s32 $0x4000;
	s19 =	simm.s32 $0x5  }
0x5: {  	s20 =	simm.s32 $0x2000;
	s21 =	simm.s32 $0x40;
	s28 =	simm.s32 $0x180  }
0x6: {  	s29 =	simm.s32 $0xA000;
	s30 =	simm.s32 $0x1;
	s31 =	simm.s32 $0x2  }
0x7: {  	s11 =	simm.s32 $0x3F80;
	s1 =	sand.u32 $0x1, s1;
	s6 =	smul.u32 $0x4F000, s10  }
0x8: {  	s4 =	sshll.u32 s10, $0x1;
	[smem:$0x7FF] =	sst s3;
	s14 =	smul.u32 $0x2780, s10  }
0x9: {  	s10 =	simm.s32 $0x3F00;
	s5 =	sor.u32 s1, s4;
	s7 =	smul.u32 $0x27800, s1  }
0xa: {  	_ =	strace $0x80000050;
	s1 =	ssub.s32 $0x2, s1;
	s5 =	smul.u32 $0xA00, s5  }
0xb: {  	s4 =	sadd.s32 $0x34E00, s0;
	s6 =	sshrl.u32 s6, $0x2;
	s9 =	sshrl.u32 s1, $0x1  }
0xc: {  	s1 =	ssub.s32 s1, s9;
	s9 =	simm.s32 $0x3E80;
	s8 =	sadd.s32 s5, s0  }
0xd: {  	s5 =	sadd.s32 s6, s2;
	s0 =	sadd.s32 s7, s0;
	s1 =	smax.u32 s1, $0x1  }
0xe: {  	s6 =	sadd.s32 $0x12000, s5;
	s7 =	sadd.s32 $0x20E00, s8;
	[dreg:$0x4] =	wrdreg s1  }
0xf: {  	s8 =	sadd.s32 $0xCE00, s8;
	s22 =	sadd.s32 $0x2000, s5;
	[dreg:$0x3] =	wrdreg s6  }
0x10: {  	s0 =	sadd.s32 $0x5C000, s0;
	s23 =	sadd.s32 $0x4000, s5;
	[dreg:$0x5] =	wrdreg s22  }
0x11: {  	s24 =	sadd.s32 $0x6000, s5;
	s25 =	sadd.s32 $0x8000, s5;
	[dreg:$0x6] =	wrdreg s23  }
0x12: {  	s26 =	sadd.s32 $0xA000, s5;
	s15 =	sadd.s32 $0xC000, s5;
	[dreg:$0x7] =	wrdreg s24  }
0x13: {  	s16 =	sadd.s32 $0xE000, s5;
	s17 =	sadd.s32 $0x10000, s5;
	[dreg:$0x8] =	wrdreg s25  }
0x14: {  	s1 =	simm.s32 $0x4;
	[dreg:$0x9] =	wrdreg s26;
	s22 =	simm.s32 $0x80  }
0x15: {  	s23 =	simm.s32 $0x6000;
	s24 =	sadd.s32 s14, s0;
	s25 =	simm.s32 $0x100  }
0x16: {  	v0 =	vimm.f32 $0.0e+00;
	s26 =	simm.s32 $0x8000;
	s0 =	simm.s32 $0x3;
	s6 =	simm.s32 $0x3E00  }
.LBB2_1:
0x17: {  	s12 =	simm.s32 $0x0;
	s13 =	simm.s32 $0x200  }
.LBB2_2:
0x18: {  	p0 =	sne.s32 s13, $0x7E00;
	[tilespmem:s12+$0x4070] =	vst v0  }
0x19: {  	[tilespmem:s12+$0x4000] =	vst v0  }
0x1a: {  	[tilespmem:s12+$0x4010] =	vst v0  }
.Ltmp0:
0x1b: {  	[tilespmem:s12+$0x4020] =	vst v0;
	(pc) =	sbr.rel @p0 .LBB2_2-.Ltmp0, $4  }
0x1c: {  	[tilespmem:s12+$0x4030] =	vst v0  }
0x1d: {  	[tilespmem:s12+$0x4040] =	vst v0  }
0x1e: {  	[tilespmem:s12+$0x4050] =	vst v0  }
0x1f: {  	[tilespmem:s12+$0x4060] =	vst v0;
	s12 =	sshra.s32 s13, $0x2;
	s13 =	sadd.s32 $0x200, s13  }
0x20: {  	[tilespmem:s12+$0x4070] =	vst v0  }
0x21: {  	[tilespmem:s12+$0x4000] =	vst v0  }
0x22: {  	[tilespmem:s12+$0x4010] =	vst v0  }
0x23: {  	[tilespmem:s12+$0x4020] =	vst v0  }
0x24: {  	[tilespmem:s12+$0x4030] =	vst v0  }
0x25: {  	[tilespmem:s12+$0x4040] =	vst v0  }
0x26: {  	[tilespmem:s12+$0x4050] =	vst v0  }
0x27: {  	[tilespmem:s12+$0x4060] =	vst v0  }
0x28: {  	[spmem:s5] =	stream.linear.scatter [tilespmem:s18], [sflag:$0x5], $0x2000, $0x38;
	[tilespmem:$0x1FC00] =	vst v63  }
0x29: {  	_ =	swait.ge [sflag:s19], $0x2000  }
0x2a: {  	[sflag:s19] =	ssyncset.done $0x0  }
0x2b: {  	s13 =	rddreg [dreg:$0x5];
	[sflag:s19] =	ssyncadd.s32 $0xFFFFE000  }
0x2c: {  	[spmem:s13] =	stream.linear.scatter [tilespmem:s18], [sflag:$0x5], $0x2000, $0x38;
	[tilespmem:$0x1FC00] =	vst v63  }
0x2d: {  	_ =	swait.ge [sflag:s19], $0x2000  }
0x2e: {  	[sflag:s19] =	ssyncset.done $0x0  }
0x2f: {  	s14 =	rddreg [dreg:$0x6];
	[sflag:s19] =	ssyncadd.s32 $0xFFFFE000  }
0x30: {  	[spmem:s14] =	stream.linear.scatter [tilespmem:s18], [sflag:$0x5], $0x2000, $0x38;
	[tilespmem:$0x1FC00] =	vst v63  }
0x31: {  	_ =	swait.ge [sflag:s19], $0x2000  }
0x32: {  	[sflag:s19] =	ssyncset.done $0x0  }
0x33: {  	s13 =	rddreg [dreg:$0x7];
	[sflag:s19] =	ssyncadd.s32 $0xFFFFE000  }
0x34: {  	[spmem:s13] =	stream.linear.scatter [tilespmem:s18], [sflag:$0x5], $0x2000, $0x38;
	[tilespmem:$0x1FC00] =	vst v63  }
0x35: {  	_ =	swait.ge [sflag:s19], $0x2000  }
0x36: {  	[sflag:s19] =	ssyncset.done $0x0  }
0x37: {  	s14 =	rddreg [dreg:$0x8];
	[sflag:s19] =	ssyncadd.s32 $0xFFFFE000  }
0x38: {  	[spmem:s14] =	stream.linear.scatter [tilespmem:s18], [sflag:$0x5], $0x2000, $0x38;
	[tilespmem:$0x1FC00] =	vst v63  }
0x39: {  	_ =	swait.ge [sflag:s19], $0x2000  }
0x3a: {  	[sflag:s19] =	ssyncset.done $0x0  }
0x3b: {  	s13 =	rddreg [dreg:$0x9];
	[sflag:s19] =	ssyncadd.s32 $0xFFFFE000  }
0x3c: {  	[spmem:s13] =	stream.linear.scatter [tilespmem:s18], [sflag:$0x5], $0x2000, $0x38;
	[tilespmem:$0x1FC00] =	vst v63  }
0x3d: {  	_ =	swait.ge [sflag:s19], $0x2000  }
0x3e: {  	[sflag:s19] =	ssyncset.done $0x0  }
0x3f: {  	[sflag:s19] =	ssyncadd.s32 $0xFFFFE000  }
0x40: {  	[spmem:s15] =	stream.linear.scatter [tilespmem:s18], [sflag:$0x5], $0x2000, $0x38;
	[tilespmem:$0x1FC00] =	vst v63  }
0x41: {  	_ =	swait.ge [sflag:s19], $0x2000  }
0x42: {  	[sflag:s19] =	ssyncset.done $0x0  }
0x43: {  	[sflag:s19] =	ssyncadd.s32 $0xFFFFE000  }
0x44: {  	[spmem:s16] =	stream.linear.scatter [tilespmem:s18], [sflag:$0x5], $0x2000, $0x38;
	[tilespmem:$0x1FC00] =	vst v63  }
0x45: {  	_ =	swait.ge [sflag:s19], $0x2000  }
0x46: {  	[sflag:s19] =	ssyncset.done $0x0  }
0x47: {  	[sflag:s19] =	ssyncadd.s32 $0xFFFFE000  }
0x48: {  	[spmem:s17] =	stream.linear.scatter [tilespmem:s18], [sflag:$0x5], $0x2000, $0x38;
	[tilespmem:$0x1FC00] =	vst v63  }
0x49: {  	_ =	swait.ge [sflag:s19], $0x2000  }
0x4a: {  	[sflag:s19] =	ssyncset.done $0x0  }
0x4b: {  	s14 =	rddreg [dreg:$0x3];
	[sflag:s19] =	ssyncadd.s32 $0xFFFFE000  }
0x4c: {  	[spmem:s14] =	stream.linear.scatter [tilespmem:s18], [sflag:$0x5], $0x1C00, $0x38;
	[tilespmem:$0x1FC00] =	vst v63  }
0x4d: {  	_ =	swait.ge [sflag:s19], $0x1C00  }
0x4e: {  	[sflag:s19] =	ssyncset.done $0x0  }
0x4f: {  	[sflag:s19] =	ssyncadd.s32 $0xFFFFE400  }
0x50: {  	s13 =	simm.s32 $0x0;
	[bflag:$0x0] =	sbarrier.arrive $0xFFFF  }
0x51: {  	[tilespmem:s13], [sflag:$0x5] =	stream.linear.gather [hbm4b:s7+s13], $0x2000, $0x38;
	[tilespmem:$0x1FC00] =	vst v63  }
0x52: {  	_ =	swait.ge [sflag:s19], $0x2000  }
0x53: {  	[sflag:s19] =	ssyncset.done $0x0  }
0x54: {  	[sflag:s19] =	ssyncadd.s32 $0xFFFFE000  }
0x55: {  	[tilespmem:s20], [sflag:$0x5] =	stream.linear.gather [hbm4b:s8+s13], $0x2000, $0x38;
	[tilespmem:$0x1FC00] =	vst v63  }
0x56: {  	_ =	swait.ge [sflag:s19], $0x2000  }
0x57: {  	[sflag:s19] =	ssyncset.done $0x0  }
0x58: {  	[sflag:s19] =	ssyncadd.s32 $0xFFFFE000  }
0x59: {  	[tilespmem:s18], [sflag:$0x1] =	stream.indirect.gather [hbm4b:s4+s21], $0x80, s13, s21, $0xb8;
	[tilespmem:$0x1FC00] =	vst v63  }
0x5a: {  	_ = 	snop  }
0x5b: {  	[tilespmem:s23], [sflag:$0x2] =	stream.indirect.gather [hbm4b:s4+s21], $0x80, s22, s21, $0xb8;
	[tilespmem:$0x1FC00] =	vst v63  }
0x5c: {  	_ = 	snop  }
0x5d: {  	[tilespmem:s26], [sflag:$0x3] =	stream.indirect.gather [hbm4b:s4+s21], $0x80, s25, s21, $0xb8;
	[tilespmem:$0x1FC00] =	vst v63  }
0x5e: {  	_ = 	snop  }
0x5f: {  	[tilespmem:s29], [sflag:$0x4] =	stream.indirect.gather [hbm4b:s4+s21], $0x80, s28, s21, $0xb8;
	[tilespmem:$0x1FC00] =	vst v63  }
0x60: {  	_ =	swait.ge [sflag:s30], $0x2000  }
0x61: {  	[sflag:s30] =	ssyncset.done $0x0  }
0x62: {  	s14 =	simm.s32 $0x2000;
	[sflag:s30] =	ssyncadd.s32 $0xFFFFE000  }
0x63: {  	[spmem:s2] =	stream.indirect.scatter.add.f32 [tilespmem:s18], [sflag:$0x5], $0x80, s14, s21, $0xb8;
	[tilespmem:$0x1FC00] =	vst v63  }
0x64: {  	_ =	swait.ge [sflag:s19], $0x2000  }
0x65: {  	[sflag:s19] =	ssyncset.done $0x0  }
0x66: {  	s13 =	simm.s32 $0x200;
	[sflag:s19] =	ssyncadd.s32 $0xFFFFE000  }
0x67: {  	[tilespmem:s18], [sflag:$0x1] =	stream.indirect.gather [hbm4b:s4+s21], $0x80, s13, s21, $0xb8;
	[tilespmem:$0x1FC00] =	vst v63  }
0x68: {  	_ =	swait.ge [sflag:s31], $0x2000  }
0x69: {  	[sflag:s31] =	ssyncset.done $0x0  }
0x6a: {  	s14 =	simm.s32 $0x2080;
	[sflag:s31] =	ssyncadd.s32 $0xFFFFE000  }
0x6b: {  	[spmem:s2] =	stream.indirect.scatter.add.f32 [tilespmem:s23], [sflag:$0x5], $0x80, s14, s21, $0xb8;
	[tilespmem:$0x1FC00] =	vst v63  }
0x6c: {  	_ =	swait.ge [sflag:s19], $0x2000  }
0x6d: {  	[sflag:s19] =	ssyncset.done $0x0  }
0x6e: {  	s13 =	simm.s32 $0x280;
	[sflag:s19] =	ssyncadd.s32 $0xFFFFE000  }
0x6f: {  	[tilespmem:s23], [sflag:$0x2] =	stream.indirect.gather [hbm4b:s4+s21], $0x80, s13, s21, $0xb8;
	[tilespmem:$0x1FC00] =	vst v63  }
0x70: {  	_ =	swait.ge [sflag:s0], $0x2000  }
0x71: {  	[sflag:s0] =	ssyncset.done $0x0  }
0x72: {  	s14 =	simm.s32 $0x2100;
	[sflag:s0] =	ssyncadd.s32 $0xFFFFE000  }
0x73: {  	[spmem:s2] =	stream.indirect.scatter.add.f32 [tilespmem:s26], [sflag:$0x5], $0x80, s14, s21, $0xb8;
	[tilespmem:$0x1FC00] =	vst v63  }
0x74: {  	_ =	swait.ge [sflag:s19], $0x2000  }
0x75: {  	[sflag:s19] =	ssyncset.done $0x0  }
0x76: {  	s13 =	simm.s32 $0x300;
	[sflag:s19] =	ssyncadd.s32 $0xFFFFE000  }
0x77: {  	[tilespmem:s26], [sflag:$0x3] =	stream.indirect.gather [hbm4b:s4+s21], $0x80, s13, s21, $0xb8;
	[tilespmem:$0x1FC00] =	vst v63  }
0x78: {  	_ =	swait.ge [sflag:s1], $0x2000  }
0x79: {  	[sflag:s1] =	ssyncset.done $0x0  }
0x7a: {  	s14 =	simm.s32 $0x2180;
	[sflag:s1] =	ssyncadd.s32 $0xFFFFE000  }
0x7b: {  	[spmem:s2] =	stream.indirect.scatter.add.f32 [tilespmem:s29], [sflag:$0x5], $0x80, s14, s21, $0xb8;
	[tilespmem:$0x1FC00] =	vst v63  }
0x7c: {  	_ =	swait.ge [sflag:s19], $0x2000  }
0x7d: {  	[sflag:s19] =	ssyncset.done $0x0  }
0x7e: {  	s12 =	simm.s32 $0x800;
	s13 =	simm.s32 $0x380;
	[sflag:s19] =	ssyncadd.s32 $0xFFFFE000  }
.LBB2_4:
0x7f: {  	[tilespmem:s29], [sflag:$0x4] =	stream.indirect.gather [hbm4b:s4+s21], $0x80, s13, s21, $0xb8;
	[tilespmem:$0x1FC00] =	vst v63  }
0x80: {  	s13 =	smov.u32 s12  }
0x81: {  	p0 =	sne.s32 s12, $0x7000;
	s12 =	sadd.s32 $0x800, s12;
	_ =	swait.ge [sflag:s30], $0x2000  }
0x82: {  	s13 =	sshra.s32 s13, $0x2;
	[sflag:s30] =	ssyncset.done $0x0  }
0x83: {  	s14 =	sadd.s32 $0x2000, s13;
	[sflag:s30] =	ssyncadd.s32 $0xFFFFE000  }
0x84: {  	[spmem:s2] =	stream.indirect.scatter.add.f32 [tilespmem:s18], [sflag:$0x5], $0x80, s14, s21, $0xb8;
	[tilespmem:$0x1FC00] =	vst v63  }
0x85: {  	_ =	swait.ge [sflag:s19], $0x2000  }
0x86: {  	[sflag:s19] =	ssyncset.done $0x0  }
0x87: {  	s14 =	sadd.s32 $0x200, s13;
	[sflag:s19] =	ssyncadd.s32 $0xFFFFE000  }
0x88: {  	[tilespmem:s18], [sflag:$0x1] =	stream.indirect.gather [hbm4b:s4+s21], $0x80, s14, s21, $0xb8;
	[tilespmem:$0x1FC00] =	vst v63  }
0x89: {  	_ =	swait.ge [sflag:s31], $0x2000  }
0x8a: {  	[sflag:s31] =	ssyncset.done $0x0  }
0x8b: {  	s14 =	sadd.s32 $0x2080, s13;
	[sflag:s31] =	ssyncadd.s32 $0xFFFFE000  }
0x8c: {  	[spmem:s2] =	stream.indirect.scatter.add.f32 [tilespmem:s23], [sflag:$0x5], $0x80, s14, s21, $0xb8;
	[tilespmem:$0x1FC00] =	vst v63  }
0x8d: {  	_ =	swait.ge [sflag:s19], $0x2000  }
0x8e: {  	[sflag:s19] =	ssyncset.done $0x0  }
0x8f: {  	s14 =	sadd.s32 $0x280, s13;
	[sflag:s19] =	ssyncadd.s32 $0xFFFFE000  }
0x90: {  	[tilespmem:s23], [sflag:$0x2] =	stream.indirect.gather [hbm4b:s4+s21], $0x80, s14, s21, $0xb8;
	[tilespmem:$0x1FC00] =	vst v63  }
0x91: {  	_ =	swait.ge [sflag:s0], $0x2000  }
0x92: {  	[sflag:s0] =	ssyncset.done $0x0  }
0x93: {  	s14 =	sadd.s32 $0x2100, s13;
	[sflag:s0] =	ssyncadd.s32 $0xFFFFE000  }
0x94: {  	[spmem:s2] =	stream.indirect.scatter.add.f32 [tilespmem:s26], [sflag:$0x5], $0x80, s14, s21, $0xb8;
	[tilespmem:$0x1FC00] =	vst v63  }
0x95: {  	_ =	swait.ge [sflag:s19], $0x2000  }
0x96: {  	[sflag:s19] =	ssyncset.done $0x0  }
0x97: {  	s14 =	sadd.s32 $0x300, s13;
	[sflag:s19] =	ssyncadd.s32 $0xFFFFE000  }
0x98: {  	[tilespmem:s26], [sflag:$0x3] =	stream.indirect.gather [hbm4b:s4+s21], $0x80, s14, s21, $0xb8;
	[tilespmem:$0x1FC00] =	vst v63  }
0x99: {  	_ =	swait.ge [sflag:s1], $0x2000  }
0x9a: {  	[sflag:s1] =	ssyncset.done $0x0  }
.Ltmp1:
0x9b: {  	s14 =	sadd.s32 $0x2180, s13;
	[sflag:s1] =	ssyncadd.s32 $0xFFFFE000;
	(pc) =	sbr.rel @p0 .LBB2_4-.Ltmp1, $4  }
0x9c: {  	[spmem:s2] =	stream.indirect.scatter.add.f32 [tilespmem:s29], [sflag:$0x5], $0x80, s14, s21, $0xb8;
	[tilespmem:$0x1FC00] =	vst v63  }
0x9d: {  	_ =	swait.ge [sflag:s19], $0x2000  }
0x9e: {  	[sflag:s19] =	ssyncset.done $0x0  }
0x9f: {  	s13 =	sadd.s32 $0x380, s13;
	[sflag:s19] =	ssyncadd.s32 $0xFFFFE000  }
0xa0: {  	[tilespmem:s29], [sflag:$0x4] =	stream.indirect.gather [hbm4b:s4+s21], $0x80, s13, s21, $0xb8;
	[tilespmem:$0x1FC00] =	vst v63  }
0xa1: {  	_ =	swait.ge [sflag:s30], $0x2000  }
0xa2: {  	[sflag:s30] =	ssyncset.done $0x0  }
0xa3: {  	[sflag:s30] =	ssyncadd.s32 $0xFFFFE000  }
0xa4: {  	[spmem:s2] =	stream.indirect.scatter.add.f32 [tilespmem:s18], [sflag:$0x5], $0x80, s6, s21, $0xb8;
	[tilespmem:$0x1FC00] =	vst v63  }
0xa5: {  	_ =	swait.ge [sflag:s19], $0x2000  }
0xa6: {  	[sflag:s19] =	ssyncset.done $0x0  }
0xa7: {  	[sflag:s19] =	ssyncadd.s32 $0xFFFFE000  }
0xa8: {  	_ =	swait.ge [sflag:s31], $0x2000  }
0xa9: {  	[sflag:s31] =	ssyncset.done $0x0  }
0xaa: {  	[sflag:s31] =	ssyncadd.s32 $0xFFFFE000  }
0xab: {  	[spmem:s2] =	stream.indirect.scatter.add.f32 [tilespmem:s23], [sflag:$0x5], $0x80, s9, s21, $0xb8;
	[tilespmem:$0x1FC00] =	vst v63  }
0xac: {  	_ =	swait.ge [sflag:s19], $0x2000  }
0xad: {  	[sflag:s19] =	ssyncset.done $0x0  }
0xae: {  	[sflag:s19] =	ssyncadd.s32 $0xFFFFE000  }
0xaf: {  	_ =	swait.ge [sflag:s0], $0x2000  }
0xb0: {  	[sflag:s0] =	ssyncset.done $0x0  }
0xb1: {  	[sflag:s0] =	ssyncadd.s32 $0xFFFFE000  }
0xb2: {  	[spmem:s2] =	stream.indirect.scatter.add.f32 [tilespmem:s26], [sflag:$0x5], $0x80, s10, s21, $0xb8;
	[tilespmem:$0x1FC00] =	vst v63  }
0xb3: {  	_ =	swait.ge [sflag:s19], $0x2000  }
0xb4: {  	[sflag:s19] =	ssyncset.done $0x0  }
0xb5: {  	[sflag:s19] =	ssyncadd.s32 $0xFFFFE000  }
0xb6: {  	_ =	swait.ge [sflag:s1], $0x2000  }
0xb7: {  	[sflag:s1] =	ssyncset.done $0x0  }
0xb8: {  	[sflag:s1] =	ssyncadd.s32 $0xFFFFE000  }
0xb9: {  	[spmem:s2] =	stream.indirect.scatter.add.f32 [tilespmem:s29], [sflag:$0x5], $0x80, s11, s21, $0xb8;
	[tilespmem:$0x1FC00] =	vst v63  }
0xba: {  	_ =	swait.ge [sflag:s19], $0x2000  }
0xbb: {  	[sflag:s19] =	ssyncset.done $0x0  }
0xbc: {  	s12 =	sadd.s32 $0x400, s7;
	s13 =	simm.s32 $0x0;
	[sflag:s19] =	ssyncadd.s32 $0xFFFFE000  }
0xbd: {  	[tilespmem:s13], [sflag:$0x5] =	stream.linear.gather [hbm4b:s12+s13], $0x2000, $0x38;
	[tilespmem:$0x1FC00] =	vst v63  }
0xbe: {  	_ =	swait.ge [sflag:s19], $0x2000  }
0xbf: {  	[sflag:s19] =	ssyncset.done $0x0  }
0xc0: {  	s14 =	sadd.s32 $0x400, s8;
	[sflag:s19] =	ssyncadd.s32 $0xFFFFE000  }
0xc1: {  	[tilespmem:s20], [sflag:$0x5] =	stream.linear.gather [hbm4b:s14+s13], $0x2000, $0x38;
	[tilespmem:$0x1FC00] =	vst v63  }
0xc2: {  	_ =	swait.ge [sflag:s19], $0x2000  }
0xc3: {  	[sflag:s19] =	ssyncset.done $0x0  }
0xc4: {  	[sflag:s19] =	ssyncadd.s32 $0xFFFFE000  }
0xc5: {  	[tilespmem:s18], [sflag:$0x1] =	stream.indirect.gather [hbm4b:s4+s21], $0x80, s13, s21, $0xb8;
	[tilespmem:$0x1FC00] =	vst v63  }
0xc6: {  	_ = 	snop  }
0xc7: {  	[tilespmem:s23], [sflag:$0x2] =	stream.indirect.gather [hbm4b:s4+s21], $0x80, s22, s21, $0xb8;
	[tilespmem:$0x1FC00] =	vst v63  }
0xc8: {  	_ = 	snop  }
0xc9: {  	[tilespmem:s26], [sflag:$0x3] =	stream.indirect.gather [hbm4b:s4+s21], $0x80, s25, s21, $0xb8;
	[tilespmem:$0x1FC00] =	vst v63  }
0xca: {  	_ = 	snop  }
0xcb: {  	[tilespmem:s29], [sflag:$0x4] =	stream.indirect.gather [hbm4b:s4+s21], $0x80, s28, s21, $0xb8;
	[tilespmem:$0x1FC00] =	vst v63  }
0xcc: {  	_ =	swait.ge [sflag:s30], $0x2000  }
0xcd: {  	[sflag:s30] =	ssyncset.done $0x0  }
0xce: {  	s14 =	simm.s32 $0x2000;
	[sflag:s30] =	ssyncadd.s32 $0xFFFFE000  }
0xcf: {  	[spmem:s2] =	stream.indirect.scatter.add.f32 [tilespmem:s18], [sflag:$0x5], $0x80, s14, s21, $0xb8;
	[tilespmem:$0x1FC00] =	vst v63  }
0xd0: {  	_ =	swait.ge [sflag:s19], $0x2000  }
0xd1: {  	[sflag:s19] =	ssyncset.done $0x0  }
0xd2: {  	s13 =	simm.s32 $0x200;
	[sflag:s19] =	ssyncadd.s32 $0xFFFFE000  }
0xd3: {  	[tilespmem:s18], [sflag:$0x1] =	stream.indirect.gather [hbm4b:s4+s21], $0x80, s13, s21, $0xb8;
	[tilespmem:$0x1FC00] =	vst v63  }
0xd4: {  	_ =	swait.ge [sflag:s31], $0x2000  }
0xd5: {  	[sflag:s31] =	ssyncset.done $0x0  }
0xd6: {  	s14 =	simm.s32 $0x2080;
	[sflag:s31] =	ssyncadd.s32 $0xFFFFE000  }
0xd7: {  	[spmem:s2] =	stream.indirect.scatter.add.f32 [tilespmem:s23], [sflag:$0x5], $0x80, s14, s21, $0xb8;
	[tilespmem:$0x1FC00] =	vst v63  }
0xd8: {  	_ =	swait.ge [sflag:s19], $0x2000  }
0xd9: {  	[sflag:s19] =	ssyncset.done $0x0  }
0xda: {  	s13 =	simm.s32 $0x280;
	[sflag:s19] =	ssyncadd.s32 $0xFFFFE000  }
0xdb: {  	[tilespmem:s23], [sflag:$0x2] =	stream.indirect.gather [hbm4b:s4+s21], $0x80, s13, s21, $0xb8;
	[tilespmem:$0x1FC00] =	vst v63  }
0xdc: {  	_ =	swait.ge [sflag:s0], $0x2000  }
0xdd: {  	[sflag:s0] =	ssyncset.done $0x0  }
0xde: {  	s14 =	simm.s32 $0x2100;
	[sflag:s0] =	ssyncadd.s32 $0xFFFFE000  }
0xdf: {  	[spmem:s2] =	stream.indirect.scatter.add.f32 [tilespmem:s26], [sflag:$0x5], $0x80, s14, s21, $0xb8;
	[tilespmem:$0x1FC00] =	vst v63  }
0xe0: {  	_ =	swait.ge [sflag:s19], $0x2000  }
0xe1: {  	[sflag:s19] =	ssyncset.done $0x0  }
0xe2: {  	s13 =	simm.s32 $0x300;
	[sflag:s19] =	ssyncadd.s32 $0xFFFFE000  }
0xe3: {  	[tilespmem:s26], [sflag:$0x3] =	stream.indirect.gather [hbm4b:s4+s21], $0x80, s13, s21, $0xb8;
	[tilespmem:$0x1FC00] =	vst v63  }
0xe4: {  	_ =	swait.ge [sflag:s1], $0x2000  }
0xe5: {  	[sflag:s1] =	ssyncset.done $0x0  }
0xe6: {  	s14 =	simm.s32 $0x2180;
	[sflag:s1] =	ssyncadd.s32 $0xFFFFE000  }
0xe7: {  	[spmem:s2] =	stream.indirect.scatter.add.f32 [tilespmem:s29], [sflag:$0x5], $0x80, s14, s21, $0xb8;
	[tilespmem:$0x1FC00] =	vst v63  }
0xe8: {  	_ =	swait.ge [sflag:s19], $0x2000  }
0xe9: {  	[sflag:s19] =	ssyncset.done $0x0  }
0xea: {  	s12 =	simm.s32 $0x800;
	s13 =	simm.s32 $0x380;
	[sflag:s19] =	ssyncadd.s32 $0xFFFFE000  }
.LBB2_6:
0xeb: {  	[tilespmem:s29], [sflag:$0x4] =	stream.indirect.gather [hbm4b:s4+s21], $0x80, s13, s21, $0xb8;
	[tilespmem:$0x1FC00] =	vst v63  }
0xec: {  	s13 =	smov.u32 s12  }
0xed: {  	p0 =	sne.s32 s12, $0x7000;
	s12 =	sadd.s32 $0x800, s12;
	_ =	swait.ge [sflag:s30], $0x2000  }
0xee: {  	s13 =	sshra.s32 s13, $0x2;
	[sflag:s30] =	ssyncset.done $0x0  }
0xef: {  	s14 =	sadd.s32 $0x2000, s13;
	[sflag:s30] =	ssyncadd.s32 $0xFFFFE000  }
0xf0: {  	[spmem:s2] =	stream.indirect.scatter.add.f32 [tilespmem:s18], [sflag:$0x5], $0x80, s14, s21, $0xb8;
	[tilespmem:$0x1FC00] =	vst v63  }
0xf1: {  	_ =	swait.ge [sflag:s19], $0x2000  }
0xf2: {  	[sflag:s19] =	ssyncset.done $0x0  }
0xf3: {  	s14 =	sadd.s32 $0x200, s13;
	[sflag:s19] =	ssyncadd.s32 $0xFFFFE000  }
0xf4: {  	[tilespmem:s18], [sflag:$0x1] =	stream.indirect.gather [hbm4b:s4+s21], $0x80, s14, s21, $0xb8;
	[tilespmem:$0x1FC00] =	vst v63  }
0xf5: {  	_ =	swait.ge [sflag:s31], $0x2000  }
0xf6: {  	[sflag:s31] =	ssyncset.done $0x0  }
0xf7: {  	s14 =	sadd.s32 $0x2080, s13;
	[sflag:s31] =	ssyncadd.s32 $0xFFFFE000  }
0xf8: {  	[spmem:s2] =	stream.indirect.scatter.add.f32 [tilespmem:s23], [sflag:$0x5], $0x80, s14, s21, $0xb8;
	[tilespmem:$0x1FC00] =	vst v63  }
0xf9: {  	_ =	swait.ge [sflag:s19], $0x2000  }
0xfa: {  	[sflag:s19] =	ssyncset.done $0x0  }
0xfb: {  	s14 =	sadd.s32 $0x280, s13;
	[sflag:s19] =	ssyncadd.s32 $0xFFFFE000  }
0xfc: {  	[tilespmem:s23], [sflag:$0x2] =	stream.indirect.gather [hbm4b:s4+s21], $0x80, s14, s21, $0xb8;
	[tilespmem:$0x1FC00] =	vst v63  }
0xfd: {  	_ =	swait.ge [sflag:s0], $0x2000  }
0xfe: {  	[sflag:s0] =	ssyncset.done $0x0  }
0xff: {  	s14 =	sadd.s32 $0x2100, s13;
	[sflag:s0] =	ssyncadd.s32 $0xFFFFE000  }
0x100: {  	[spmem:s2] =	stream.indirect.scatter.add.f32 [tilespmem:s26], [sflag:$0x5], $0x80, s14, s21, $0xb8;
	[tilespmem:$0x1FC00] =	vst v63  }
0x101: {  	_ =	swait.ge [sflag:s19], $0x2000  }
0x102: {  	[sflag:s19] =	ssyncset.done $0x0  }
0x103: {  	s14 =	sadd.s32 $0x300, s13;
	[sflag:s19] =	ssyncadd.s32 $0xFFFFE000  }
0x104: {  	[tilespmem:s26], [sflag:$0x3] =	stream.indirect.gather [hbm4b:s4+s21], $0x80, s14, s21, $0xb8;
	[tilespmem:$0x1FC00] =	vst v63  }
0x105: {  	_ =	swait.ge [sflag:s1], $0x2000  }
0x106: {  	[sflag:s1] =	ssyncset.done $0x0  }
.Ltmp2:
0x107: {  	s14 =	sadd.s32 $0x2180, s13;
	[sflag:s1] =	ssyncadd.s32 $0xFFFFE000;
	(pc) =	sbr.rel @p0 .LBB2_6-.Ltmp2, $4  }
0x108: {  	[spmem:s2] =	stream.indirect.scatter.add.f32 [tilespmem:s29], [sflag:$0x5], $0x80, s14, s21, $0xb8;
	[tilespmem:$0x1FC00] =	vst v63  }
0x109: {  	_ =	swait.ge [sflag:s19], $0x2000  }
0x10a: {  	[sflag:s19] =	ssyncset.done $0x0  }
0x10b: {  	s13 =	sadd.s32 $0x380, s13;
	[sflag:s19] =	ssyncadd.s32 $0xFFFFE000  }
0x10c: {  	[tilespmem:s29], [sflag:$0x4] =	stream.indirect.gather [hbm4b:s4+s21], $0x80, s13, s21, $0xb8;
	[tilespmem:$0x1FC00] =	vst v63  }
0x10d: {  	_ =	swait.ge [sflag:s30], $0x2000  }
0x10e: {  	[sflag:s30] =	ssyncset.done $0x0  }
0x10f: {  	[sflag:s30] =	ssyncadd.s32 $0xFFFFE000  }
0x110: {  	[spmem:s2] =	stream.indirect.scatter.add.f32 [tilespmem:s18], [sflag:$0x5], $0x80, s6, s21, $0xb8;
	[tilespmem:$0x1FC00] =	vst v63  }
0x111: {  	_ =	swait.ge [sflag:s19], $0x2000  }
0x112: {  	[sflag:s19] =	ssyncset.done $0x0  }
0x113: {  	[sflag:s19] =	ssyncadd.s32 $0xFFFFE000  }
0x114: {  	_ =	swait.ge [sflag:s31], $0x2000  }
0x115: {  	[sflag:s31] =	ssyncset.done $0x0  }
0x116: {  	[sflag:s31] =	ssyncadd.s32 $0xFFFFE000  }
0x117: {  	[spmem:s2] =	stream.indirect.scatter.add.f32 [tilespmem:s23], [sflag:$0x5], $0x80, s9, s21, $0xb8;
	[tilespmem:$0x1FC00] =	vst v63  }
0x118: {  	_ =	swait.ge [sflag:s19], $0x2000  }
0x119: {  	[sflag:s19] =	ssyncset.done $0x0  }
0x11a: {  	[sflag:s19] =	ssyncadd.s32 $0xFFFFE000  }
0x11b: {  	_ =	swait.ge [sflag:s0], $0x2000  }
0x11c: {  	[sflag:s0] =	ssyncset.done $0x0  }
0x11d: {  	[sflag:s0] =	ssyncadd.s32 $0xFFFFE000  }
0x11e: {  	[spmem:s2] =	stream.indirect.scatter.add.f32 [tilespmem:s26], [sflag:$0x5], $0x80, s10, s21, $0xb8;
	[tilespmem:$0x1FC00] =	vst v63  }
0x11f: {  	_ =	swait.ge [sflag:s19], $0x2000  }
0x120: {  	[sflag:s19] =	ssyncset.done $0x0  }
0x121: {  	[sflag:s19] =	ssyncadd.s32 $0xFFFFE000  }
0x122: {  	_ =	swait.ge [sflag:s1], $0x2000  }
0x123: {  	[sflag:s1] =	ssyncset.done $0x0  }
0x124: {  	[sflag:s1] =	ssyncadd.s32 $0xFFFFE000  }
0x125: {  	[spmem:s2] =	stream.indirect.scatter.add.f32 [tilespmem:s29], [sflag:$0x5], $0x80, s11, s21, $0xb8;
	[tilespmem:$0x1FC00] =	vst v63  }
0x126: {  	_ =	swait.ge [sflag:s19], $0x2000  }
0x127: {  	[sflag:s19] =	ssyncset.done $0x0  }
0x128: {  	s12 =	sadd.s32 $0x800, s7;
	s13 =	simm.s32 $0x0;
	[sflag:s19] =	ssyncadd.s32 $0xFFFFE000  }
0x129: {  	[tilespmem:s13], [sflag:$0x5] =	stream.linear.gather [hbm4b:s12+s13], $0x1000, $0x38;
	[tilespmem:$0x1FC00] =	vst v63  }
0x12a: {  	_ =	swait.ge [sflag:s19], $0x1000  }
0x12b: {  	[sflag:s19] =	ssyncset.done $0x0  }
0x12c: {  	s14 =	sadd.s32 $0x800, s8;
	[sflag:s19] =	ssyncadd.s32 $0xFFFFF000  }
0x12d: {  	[tilespmem:s20], [sflag:$0x5] =	stream.linear.gather [hbm4b:s14+s13], $0x1000, $0x38;
	[tilespmem:$0x1FC00] =	vst v63  }
0x12e: {  	_ =	swait.ge [sflag:s19], $0x1000  }
0x12f: {  	[sflag:s19] =	ssyncset.done $0x0  }
0x130: {  	[sflag:s19] =	ssyncadd.s32 $0xFFFFF000  }
0x131: {  	[tilespmem:s18], [sflag:$0x1] =	stream.indirect.gather [hbm4b:s4+s21], $0x80, s13, s21, $0xb8;
	[tilespmem:$0x1FC00] =	vst v63  }
0x132: {  	_ = 	snop  }
0x133: {  	[tilespmem:s23], [sflag:$0x2] =	stream.indirect.gather [hbm4b:s4+s21], $0x80, s22, s21, $0xb8;
	[tilespmem:$0x1FC00] =	vst v63  }
0x134: {  	_ = 	snop  }
0x135: {  	[tilespmem:s26], [sflag:$0x3] =	stream.indirect.gather [hbm4b:s4+s21], $0x80, s25, s21, $0xb8;
	[tilespmem:$0x1FC00] =	vst v63  }
0x136: {  	_ = 	snop  }
0x137: {  	[tilespmem:s29], [sflag:$0x4] =	stream.indirect.gather [hbm4b:s4+s21], $0x80, s28, s21, $0xb8;
	[tilespmem:$0x1FC00] =	vst v63  }
0x138: {  	_ =	swait.ge [sflag:s30], $0x2000  }
0x139: {  	[sflag:s30] =	ssyncset.done $0x0  }
0x13a: {  	s14 =	simm.s32 $0x2000;
	[sflag:s30] =	ssyncadd.s32 $0xFFFFE000  }
0x13b: {  	[spmem:s2] =	stream.indirect.scatter.add.f32 [tilespmem:s18], [sflag:$0x5], $0x80, s14, s21, $0xb8;
	[tilespmem:$0x1FC00] =	vst v63  }
0x13c: {  	_ =	swait.ge [sflag:s19], $0x2000  }
0x13d: {  	[sflag:s19] =	ssyncset.done $0x0  }
0x13e: {  	s13 =	simm.s32 $0x200;
	[sflag:s19] =	ssyncadd.s32 $0xFFFFE000  }
0x13f: {  	[tilespmem:s18], [sflag:$0x1] =	stream.indirect.gather [hbm4b:s4+s21], $0x80, s13, s21, $0xb8;
	[tilespmem:$0x1FC00] =	vst v63  }
0x140: {  	_ =	swait.ge [sflag:s31], $0x2000  }
0x141: {  	[sflag:s31] =	ssyncset.done $0x0  }
0x142: {  	s14 =	simm.s32 $0x2080;
	[sflag:s31] =	ssyncadd.s32 $0xFFFFE000  }
0x143: {  	[spmem:s2] =	stream.indirect.scatter.add.f32 [tilespmem:s23], [sflag:$0x5], $0x80, s14, s21, $0xb8;
	[tilespmem:$0x1FC00] =	vst v63  }
0x144: {  	_ =	swait.ge [sflag:s19], $0x2000  }
0x145: {  	[sflag:s19] =	ssyncset.done $0x0  }
0x146: {  	s13 =	simm.s32 $0x280;
	[sflag:s19] =	ssyncadd.s32 $0xFFFFE000  }
0x147: {  	[tilespmem:s23], [sflag:$0x2] =	stream.indirect.gather [hbm4b:s4+s21], $0x80, s13, s21, $0xb8;
	[tilespmem:$0x1FC00] =	vst v63  }
0x148: {  	_ =	swait.ge [sflag:s0], $0x2000  }
0x149: {  	[sflag:s0] =	ssyncset.done $0x0  }
0x14a: {  	s14 =	simm.s32 $0x2100;
	[sflag:s0] =	ssyncadd.s32 $0xFFFFE000  }
0x14b: {  	[spmem:s2] =	stream.indirect.scatter.add.f32 [tilespmem:s26], [sflag:$0x5], $0x80, s14, s21, $0xb8;
	[tilespmem:$0x1FC00] =	vst v63  }
0x14c: {  	_ =	swait.ge [sflag:s19], $0x2000  }
0x14d: {  	[sflag:s19] =	ssyncset.done $0x0  }
0x14e: {  	s13 =	simm.s32 $0x300;
	[sflag:s19] =	ssyncadd.s32 $0xFFFFE000  }
0x14f: {  	[tilespmem:s26], [sflag:$0x3] =	stream.indirect.gather [hbm4b:s4+s21], $0x80, s13, s21, $0xb8;
	[tilespmem:$0x1FC00] =	vst v63  }
0x150: {  	_ =	swait.ge [sflag:s1], $0x2000  }
0x151: {  	[sflag:s1] =	ssyncset.done $0x0  }
0x152: {  	s14 =	simm.s32 $0x2180;
	[sflag:s1] =	ssyncadd.s32 $0xFFFFE000  }
0x153: {  	[spmem:s2] =	stream.indirect.scatter.add.f32 [tilespmem:s29], [sflag:$0x5], $0x80, s14, s21, $0xb8;
	[tilespmem:$0x1FC00] =	vst v63  }
0x154: {  	_ =	swait.ge [sflag:s19], $0x2000  }
0x155: {  	[sflag:s19] =	ssyncset.done $0x0  }
0x156: {  	s12 =	simm.s32 $0x800;
	s13 =	simm.s32 $0x380;
	[sflag:s19] =	ssyncadd.s32 $0xFFFFE000  }
.LBB2_8:
0x157: {  	[tilespmem:s29], [sflag:$0x4] =	stream.indirect.gather [hbm4b:s4+s21], $0x80, s13, s21, $0xb8;
	[tilespmem:$0x1FC00] =	vst v63  }
0x158: {  	s13 =	smov.u32 s12  }
0x159: {  	p0 =	sne.s32 s12, $0x3000;
	s12 =	sadd.s32 $0x800, s12;
	_ =	swait.ge [sflag:s30], $0x2000  }
0x15a: {  	s13 =	sshra.s32 s13, $0x2;
	[sflag:s30] =	ssyncset.done $0x0  }
0x15b: {  	s14 =	sadd.s32 $0x2000, s13;
	[sflag:s30] =	ssyncadd.s32 $0xFFFFE000  }
0x15c: {  	[spmem:s2] =	stream.indirect.scatter.add.f32 [tilespmem:s18], [sflag:$0x5], $0x80, s14, s21, $0xb8;
	[tilespmem:$0x1FC00] =	vst v63  }
0x15d: {  	_ =	swait.ge [sflag:s19], $0x2000  }
0x15e: {  	[sflag:s19] =	ssyncset.done $0x0  }
0x15f: {  	s14 =	sadd.s32 $0x200, s13;
	[sflag:s19] =	ssyncadd.s32 $0xFFFFE000  }
0x160: {  	[tilespmem:s18], [sflag:$0x1] =	stream.indirect.gather [hbm4b:s4+s21], $0x80, s14, s21, $0xb8;
	[tilespmem:$0x1FC00] =	vst v63  }
0x161: {  	_ =	swait.ge [sflag:s31], $0x2000  }
0x162: {  	[sflag:s31] =	ssyncset.done $0x0  }
0x163: {  	s14 =	sadd.s32 $0x2080, s13;
	[sflag:s31] =	ssyncadd.s32 $0xFFFFE000  }
0x164: {  	[spmem:s2] =	stream.indirect.scatter.add.f32 [tilespmem:s23], [sflag:$0x5], $0x80, s14, s21, $0xb8;
	[tilespmem:$0x1FC00] =	vst v63  }
0x165: {  	_ =	swait.ge [sflag:s19], $0x2000  }
0x166: {  	[sflag:s19] =	ssyncset.done $0x0  }
0x167: {  	s14 =	sadd.s32 $0x280, s13;
	[sflag:s19] =	ssyncadd.s32 $0xFFFFE000  }
0x168: {  	[tilespmem:s23], [sflag:$0x2] =	stream.indirect.gather [hbm4b:s4+s21], $0x80, s14, s21, $0xb8;
	[tilespmem:$0x1FC00] =	vst v63  }
0x169: {  	_ =	swait.ge [sflag:s0], $0x2000  }
0x16a: {  	[sflag:s0] =	ssyncset.done $0x0  }
0x16b: {  	s14 =	sadd.s32 $0x2100, s13;
	[sflag:s0] =	ssyncadd.s32 $0xFFFFE000  }
0x16c: {  	[spmem:s2] =	stream.indirect.scatter.add.f32 [tilespmem:s26], [sflag:$0x5], $0x80, s14, s21, $0xb8;
	[tilespmem:$0x1FC00] =	vst v63  }
0x16d: {  	_ =	swait.ge [sflag:s19], $0x2000  }
0x16e: {  	[sflag:s19] =	ssyncset.done $0x0  }
0x16f: {  	s14 =	sadd.s32 $0x300, s13;
	[sflag:s19] =	ssyncadd.s32 $0xFFFFE000  }
0x170: {  	[tilespmem:s26], [sflag:$0x3] =	stream.indirect.gather [hbm4b:s4+s21], $0x80, s14, s21, $0xb8;
	[tilespmem:$0x1FC00] =	vst v63  }
0x171: {  	_ =	swait.ge [sflag:s1], $0x2000  }
0x172: {  	[sflag:s1] =	ssyncset.done $0x0  }
.Ltmp3:
0x173: {  	s14 =	sadd.s32 $0x2180, s13;
	[sflag:s1] =	ssyncadd.s32 $0xFFFFE000;
	(pc) =	sbr.rel @p0 .LBB2_8-.Ltmp3, $4  }
0x174: {  	[spmem:s2] =	stream.indirect.scatter.add.f32 [tilespmem:s29], [sflag:$0x5], $0x80, s14, s21, $0xb8;
	[tilespmem:$0x1FC00] =	vst v63  }
0x175: {  	_ =	swait.ge [sflag:s19], $0x2000  }
0x176: {  	[sflag:s19] =	ssyncset.done $0x0  }
0x177: {  	s13 =	sadd.s32 $0x380, s13;
	[sflag:s19] =	ssyncadd.s32 $0xFFFFE000  }
0x178: {  	[tilespmem:s29], [sflag:$0x4] =	stream.indirect.gather [hbm4b:s4+s21], $0x80, s13, s21, $0xb8;
	[tilespmem:$0x1FC00] =	vst v63  }
0x179: {  	_ =	swait.ge [sflag:s30], $0x2000  }
0x17a: {  	[sflag:s30] =	ssyncset.done $0x0  }
0x17b: {  	s12 =	simm.s32 $0x2E00;
	[sflag:s30] =	ssyncadd.s32 $0xFFFFE000  }
0x17c: {  	[spmem:s2] =	stream.indirect.scatter.add.f32 [tilespmem:s18], [sflag:$0x5], $0x80, s12, s21, $0xb8;
	[tilespmem:$0x1FC00] =	vst v63  }
0x17d: {  	_ =	swait.ge [sflag:s19], $0x2000  }
0x17e: {  	[sflag:s19] =	ssyncset.done $0x0  }
0x17f: {  	[sflag:s19] =	ssyncadd.s32 $0xFFFFE000  }
0x180: {  	_ =	swait.ge [sflag:s31], $0x2000  }
0x181: {  	[sflag:s31] =	ssyncset.done $0x0  }
0x182: {  	s14 =	simm.s32 $0x2E80;
	[sflag:s31] =	ssyncadd.s32 $0xFFFFE000  }
0x183: {  	[spmem:s2] =	stream.indirect.scatter.add.f32 [tilespmem:s23], [sflag:$0x5], $0x80, s14, s21, $0xb8;
	[tilespmem:$0x1FC00] =	vst v63  }
0x184: {  	_ =	swait.ge [sflag:s19], $0x2000  }
0x185: {  	[sflag:s19] =	ssyncset.done $0x0  }
0x186: {  	[sflag:s19] =	ssyncadd.s32 $0xFFFFE000  }
0x187: {  	_ =	swait.ge [sflag:s0], $0x2000  }
0x188: {  	[sflag:s0] =	ssyncset.done $0x0  }
0x189: {  	s13 =	simm.s32 $0x2F00;
	[sflag:s0] =	ssyncadd.s32 $0xFFFFE000  }
0x18a: {  	[spmem:s2] =	stream.indirect.scatter.add.f32 [tilespmem:s26], [sflag:$0x5], $0x80, s13, s21, $0xb8;
	[tilespmem:$0x1FC00] =	vst v63  }
0x18b: {  	_ =	swait.ge [sflag:s19], $0x2000  }
0x18c: {  	[sflag:s19] =	ssyncset.done $0x0  }
0x18d: {  	[sflag:s19] =	ssyncadd.s32 $0xFFFFE000  }
0x18e: {  	_ =	swait.ge [sflag:s1], $0x2000  }
0x18f: {  	[sflag:s1] =	ssyncset.done $0x0  }
0x190: {  	s14 =	simm.s32 $0x2F80;
	[sflag:s1] =	ssyncadd.s32 $0xFFFFE000  }
0x191: {  	[spmem:s2] =	stream.indirect.scatter.add.f32 [tilespmem:s29], [sflag:$0x5], $0x80, s14, s21, $0xb8;
	[tilespmem:$0x1FC00] =	vst v63  }
0x192: {  	_ =	swait.ge [sflag:s19], $0x2000  }
0x193: {  	s13 =	stileid.u32;
	[sflag:s19] =	ssyncset.done $0x0  }
0x194: {  	s12 =	sshll.u32 s13, $0x6;
	[sflag:s19] =	ssyncadd.s32 $0xFFFFE000  }
0x195: {  	s12 =	sor.u32 $0x1C05, s12;
	s14 =	sshrl.u32 s5, $0x3;
	[bflag:$0x0] =	sbarrier.arrive $0xFFFF  }
0x196: {  	[hbm:s24], [sflag:s12] =	dma.local [spmem:s14], $0x2780  }
0x197: {  	_ =	swait.ge [sflag:s19], $0x2780  }
0x198: {  	s3 =	sadd.s32 $0x1, s3;
	s14 =	rddreg [dreg:$0x4]  }
0x199: {  	p0 =	sne.s32 s3, s14  }
.Ltmp4:
0x19a: {  	_ = 	snop;
	(pc) =	sbr.rel @p0 .LBB2_1-.Ltmp4, $3  }
0x19b: {  	_ =	sdelay $0x1  }
0x19c: {  	[sflag:s19] =	ssyncset.done $0x0  }
0x19d: {  	[sflag:s19] =	ssyncadd.s32 $0xFFFFD880  }
0x19e: {  	_ =	sfence.sel $0x180000  }
0x19f: {  	[bflag:$0x0] =	sbarrier.arrive $0xFFFF  }
0x1a0: {  	_ =	strace $0x90000050  }
0x1a1: {  	s0 =	stileid.u32;
	[bflag:$0x2] =	sbarrier.arrive $0xFFFF  }
0x1a2: {  	p0 =	sne.s32 s0, $0x0;
	s0 =	rddreg [dreg:$0x2]  }
0x1a3: {  	s0 =	sadd.s32 @!p0 $0x100000, s0  }
0x1a4: {  	[sflag:s0] =	ssyncadd.tile.s32 @!p0 $0x1;
	_ =	shalt  }
.Lfunc_end2:
_tile_overlayer_lowered:
.L_overlay_start_2:
0x1a5: {  	(tag) =	ssettag $0x2  }
0x1a6: {  	s0 =	rddreg [dreg:$0x0];
	s2 =	stileid.u32  }
0x1a7: {  	s1 =	rddreg [dreg:$0x1];
	p0 =	sne.s32 s2, $0x0  }
0x1a8: {  	s3 =	rddreg [dreg:$0x2];
	[bflag:$0x3] =	sbarrier.arrive $0xFFFF;
	s2 =	simm.s32 @!p0 $0x1C05  }
0x1a9: {  	[timem:s3], [sflag:s2] =	dma.local @!p0 [hbm:s0], s1  }
0x1aa: {  	s0 =	simm.s32 @!p0 $0x5  }
0x1ab: {  	_ =	swait.ge @!p0 [sflag:s0], s1  }
0x1ac: {  	s1 =	ssub.s32 @!p0 $0x0, s1;
	[sflag:s0] =	ssyncset.done @!p0 $0x0  }
0x1ad: {  	[sflag:s0] =	ssyncadd.s32 @!p0 s1  }
0x1ae: {  	[bflag:$0x3] =	sbarrier.arrive $0xFFFF  }
0x1af: {  	_ =	shalt  }

// kernel: kernel.9.cloned.1.call-start
scs
__scs_entry_jumppad:
0x0: {  	(pc) =	sbr.rel $0x88, $3  }
0x1: {  	(tag) =	ssettag $0x0;
	lr =	simm.s32 $0x1  }
0x2: {  	[smem:$0x3F94] =	sst lr;
	_ =	strace $0xD0000000  }
0x3: {  	_ = 	snop  }
0x4: {  	_ = 	snop  }
0x5: {  	_ = 	snop  }
0x6: {  	_ = 	snop  }
0x7: {  	_ = 	snop  }
__scs_overlays_trampoline_lowered:
0x8: {  	[smem:$0x3FA3] =	sst s0  }
0x9: {  	[smem:$0x3FA4] =	sst s1  }
0xa: {  	[smem:$0x3FA5] =	sst s2  }
0xb: {  	[smem:$0x3FA6] =	sst s3  }
0xc: {  	[smem:$0x3FA7] =	sst s4  }
0xd: {  	[smem:$0x3FA8] =	sst s5  }
0xe: {  	[smem:$0x3FA9] =	sst s6  }
0xf: {  	[smem:$0x3FAA] =	sst s7  }
0x10: {  	[smem:$0x3FAB] =	sst s8  }
0x11: {  	[smem:$0x3FAC] =	sst s9;
	s0 =	simm.s32 @!p0 $0x0  }
0x12: {  	s1 =	sld [smem:$0x3F92];
	s0 =	simm.s32 @p0 $0x1  }
0x13: {  	[smem:$0x3FAD] =	sst s0;
	s0 =	simm.s32 @!p1 $0x0  }
0x14: {  	s2 =	sld [smem:$0x3F91];
	s0 =	simm.s32 @p1 $0x1  }
0x15: {  	[smem:$0x3FAE] =	sst s0;
	s0 =	simm.s32 @!p2 $0x0  }
0x16: {  	s3 =	sld [smem:$0x3FDB];
	s0 =	simm.s32 @p2 $0x1  }
0x17: {  	s4 =	simm.s32 $0x1BF5;
	[smem:$0x3FB0] =	sst s0  }
0x18: {  	s0 =	sld [smem:$0x3F93];
	_ =	swait.ge [sflag:s4], $0x0  }
0x19: {  	s7 =	sld [smem:$0x3F94]  }
0x1a: {  	s8 =	sadd.s32 $0xFFFFE003, lr  }
0x1b: {  	s9 =	sadd.s32 $0xFFFFFEF7, lr;
	s5 =	simm.s32 $0xFFFFFFFF;
	p2 =	slt.u32 s8, $0xFFFFF086  }
0x1c: {  	p1 =	slt.u32 s9, $0xF7A;
	s5 =	simm.s32 @!p2 $0x0  }
0x1d: {  	s5 =	simm.s32 @p1 $0x1;
	p0 =	seq.s32 s7, s2  }
0x1e: {  	s7 =	smul.u32 @!p0 $0xF7A, s2;
	p2 =	seq.s32 @!p0 s5, $0x0  }
0x1f: {  	s9 =	smul.u32 $0xF7A, s1;
	s8 =	simm.s32 @!p0 $0x1BF5;
	p2 =	por !p2, p0  }
0x20: {  	[sflag:s8] =	ssyncset.s32 @!p0 $0xFFFFF086;
	s6 =	sadd.s32 @!p0 s3, s7;
	s7 =	simm.s32 @!p0 $0x108  }
0x21: {  	s3 =	sadd.s32 s3, s9;
	s6 =	sadd.s32 @!p0 $0x88, s6;
	s7 =	simm.s32 @p2 $0x1082  }
0x22: {  	[simem:s7], [sflag:s8] =	dma.local @!p0 [hbm:s6], $0xF7A  }
0x23: {  	s9 =	sor.u32 $0xD0000000, s2;
	s6 =	simm.s32 $0x108;
	_ =	swait.ge @!p0 [sflag:s8], $0x0  }
0x24: {  	s3 =	sadd.s32 $0x88, s3;
	s6 =	simm.s32 @!p1 $0x1082;
	[sflag:s4] =	ssyncset.s32 $0xFFFFF086  }
0x25: {  	[simem:s6], [sflag:s4] =	dma.local [hbm:s3], $0xF7A  }
0x26: {  	[smem:$0x3F94] =	sst s1;
	(tag) =	ssettag s2;
	_ =	strace s9  }
0x27: {  	s1 =	sld [smem:$0x3FA4]  }
0x28: {  	s2 =	sld [smem:$0x3FA5]  }
0x29: {  	s4 =	sld [smem:$0x3FA7]  }
0x2a: {  	p0 =	seq.s32 s5, $0x0;
	s5 =	sld [smem:$0x3FA8]  }
0x2b: {  	s6 =	sld [smem:$0x3FA9]  }
0x2c: {  	s7 =	sld [smem:$0x3FAA]  }
0x2d: {  	s3 =	simm.s32 $0x108;
	s8 =	sld [smem:$0x3FAB]  }
0x2e: {  	s3 =	simm.s32 @!p0 $0x1082;
	s9 =	sld [smem:$0x3FAC]  }
0x2f: {  	lr =	sadd.s32 s0, s3;
	s0 =	sld [smem:$0x3FA3]  }
0x30: {  	s3 =	sld [smem:$0x3FA6]  }
0x31: {  	[smem:$0x3FAF] =	sst s10  }
0x32: {  	s10 =	sld [smem:$0x3FAD];
	_ =	sdelay $0x3  }
0x33: {  	p0 =	seq.s32 s10, $0x1;
	s10 =	sld [smem:$0x3FAF];
	_ =	sdelay $0x3  }
0x34: {  	[smem:$0x3FAF] =	sst s10  }
0x35: {  	s10 =	sld [smem:$0x3FAE];
	_ =	sdelay $0x3  }
0x36: {  	p1 =	seq.s32 s10, $0x1;
	s10 =	sld [smem:$0x3FAF];
	_ =	sdelay $0x3  }
0x37: {  	[smem:$0x3FAF] =	sst s10  }
0x38: {  	s10 =	sld [smem:$0x3FB0]  }
0x39: {  	_ = 	snop;
	(pc) =	sbr.ind lr, $3  }
0x3a: {  	_ = 	snop  }
0x3b: {  	_ = 	snop  }
0x3c: {  	p2 =	seq.s32 s10, $0x1;
	s10 =	sld [smem:$0x3FAF]  }
0x3d: {  	_ =	shalt  }
0x3e: {  	_ =	shalt  }
0x3f: {  	_ =	shalt  }
0x40: {  	_ =	shalt  }
0x41: {  	_ =	shalt  }
0x42: {  	_ =	shalt  }
0x43: {  	_ =	shalt  }
0x44: {  	_ =	shalt  }
0x45: {  	_ =	shalt  }
0x46: {  	_ =	shalt  }
0x47: {  	_ =	shalt  }
0x48: {  	_ =	shalt  }
0x49: {  	_ =	shalt  }
0x4a: {  	_ =	shalt  }
0x4b: {  	_ =	shalt  }
0x4c: {  	_ =	shalt  }
0x4d: {  	_ =	shalt  }
0x4e: {  	_ =	shalt  }
0x4f: {  	_ =	shalt  }
0x50: {  	_ =	shalt  }
0x51: {  	_ =	shalt  }
0x52: {  	_ =	shalt  }
0x53: {  	_ =	shalt  }
0x54: {  	_ =	shalt  }
0x55: {  	_ =	shalt  }
0x56: {  	_ =	shalt  }
0x57: {  	_ =	shalt  }
0x58: {  	_ =	shalt  }
0x59: {  	_ =	shalt  }
0x5a: {  	_ =	shalt  }
0x5b: {  	_ =	shalt  }
0x5c: {  	_ =	shalt  }
0x5d: {  	_ =	shalt  }
0x5e: {  	_ =	shalt  }
0x5f: {  	_ =	shalt  }
0x60: {  	_ =	shalt  }
0x61: {  	_ =	shalt  }
0x62: {  	_ =	shalt  }
0x63: {  	_ =	shalt  }
0x64: {  	_ =	shalt  }
0x65: {  	_ =	shalt  }
0x66: {  	_ =	shalt  }
0x67: {  	_ =	shalt  }
0x68: {  	_ =	shalt  }
0x69: {  	_ =	shalt  }
0x6a: {  	_ =	shalt  }
0x6b: {  	_ =	shalt  }
0x6c: {  	_ =	shalt  }
0x6d: {  	_ =	shalt  }
0x6e: {  	_ =	shalt  }
0x6f: {  	_ =	shalt  }
0x70: {  	_ =	shalt  }
0x71: {  	_ =	shalt  }
0x72: {  	_ =	shalt  }
0x73: {  	_ =	shalt  }
0x74: {  	_ =	shalt  }
0x75: {  	_ =	shalt  }
0x76: {  	_ =	shalt  }
0x77: {  	_ =	shalt  }
0x78: {  	_ =	shalt  }
0x79: {  	_ =	shalt  }
0x7a: {  	_ =	shalt  }
0x7b: {  	_ =	shalt  }
0x7c: {  	_ =	shalt  }
0x7d: {  	_ =	shalt  }
0x7e: {  	_ =	shalt  }
0x7f: {  	_ =	shalt  }
0x80: {  	_ =	shalt  }
0x81: {  	_ =	shalt  }
0x82: {  	_ =	shalt  }
0x83: {  	_ =	shalt  }
0x84: {  	_ =	shalt  }
0x85: {  	_ =	shalt  }
0x86: {  	_ =	shalt  }
0x87: {  	_ =	shalt  }
.Lfunc_end0:
.L_simem_size_0:
called_computation_lowered:
.L_overlay_start_0:
0x88: {  	s2 =	sld [smem:$0x3FD9]  }
0x89: {  	s3 =	sld [smem:$0x3FFE];
	_ =	sdelay $0x1  }
0x8a: {  	s1 =	srdreg.scid  }
0x8b: {  	s0 =	sand.u32 $0x1, s1  }
0x8c: {  	s17 =	sshll.u32 s0, $0xA;
	s2 =	sadd.s32 s3, s2  }
0x8d: {  	s2 =	sadd.s32 s2, s17  }
0x8e: {  	[smem:$0x3FBB] =	sst s2  }
0x8f: {  	_ = 	snop  }
0x90: {  	s2 =	sld [smem:$0x3FD0];
	(tm) =	ssettm $0x1  }
0x91: {  	s18 =	sld [smem:$0x3FFB];
	_ =	sdelay $0x3  }
0x92: {  	_ =	strace s18  }
0x93: {  	s3 =	sld [smem:$0x3FFC];
	_ =	sdelay $0x3  }
0x94: {  	_ =	strace s3  }
0x95: {  	s3 =	sld [smem:$0x3FFD];
	_ =	sdelay $0x3  }
0x96: {  	_ =	strace s3  }
0x97: {  	_ =	strace $0x8FFFFFFF  }
0x98: {  	s19 =	sld [smem:$0x3FDB];
	_ =	sdelay $0x1  }
0x99: {  	s4 =	simm.s32 $_scs_section_size  }
0x9a: {  	s5 =	simm.s32 $_size__tile_overlayer_lowered;
	s6 =	simm.s32 $_tile_overlayer_lowered  }
0x9b: {  	s22 =	simm.s32 $0x1BFF;
	s21 =	sshll.u32 s6, $0x1;
	s3 =	sadd.s32 s4, s19  }
0x9c: {  	s7 =	simm.s32 $0x0;
	s20 =	sshll.u32 s5, $0x1;
	s5 =	sadd.s32 s21, s3  }
0x9d: {  	[timem:s7], [sflag:s22] =	dma.local [hbm:s5], s20  }
0x9e: {  	_ =	swait.ge [sflag:s22], s20  }
0x9f: {  	s4 =	ssub.s32 $0x0, s20;
	[sflag:s22] =	ssyncset.done $0x0  }
0xa0: {  	[sflag:s22] =	ssyncadd.s32 s4;
	_ =	sdelay $0x1  }
0xa1: {  	s23 =	simm.s32 $0x1B8B  }
0xa2: {  	_ =	swait.ge [sflag:s23], $0x1  }
0xa3: {  	[sflag:s23] =	ssyncset.done $0x0  }
0xa4: {  	s25 =	simm.s32 $0x1B8E;
	s24 =	sld [smem:$0x3FFE];
	[sflag:s23] =	ssyncadd.s32 $0xFFFFFFFF  }
0xa5: {  	s26 =	simm.s32 $execute0_lowered;
	[smem:$0x3FD2] =	sst s25  }
0xa6: {  	s5 =	sshll.u32 s26, $0x1;
	_ =	strace $0x80000046;
	[dreg:$0x1] =	wrdreg $0xFFFFFFFF  }
0xa7: {  	s28 =	simm.s32 $_size_execute0_lowered;
	s3 =	sadd.s32 s3, s5;
	[dreg:$0x0] =	wrdreg $0x0  }
0xa8: {  	s5 =	sshll.u32 s28, $0x1;
	[dreg:$0x2] =	wrdreg s3  }
0xa9: {  	[dreg:$0x3] =	wrdreg s5  }
0xaa: {  	[dreg:$0x4] =	wrdreg $0xC0  }
0xab: {  	_ =	task [dreg:s7], $0x5FFFF  }
0xac: {  	[dreg:$0x1] =	wrdreg $0xFFFFFFFF  }
0xad: {  	[dreg:$0x0] =	wrdreg $0x60  }
0xae: {  	[dreg:$0x2] =	wrdreg s2  }
0xaf: {  	[dreg:$0x3] =	wrdreg s24  }
0xb0: {  	[dreg:$0x4] =	wrdreg $0x9  }
0xb1: {  	_ =	task.clear_ibuf [dreg:s7], $0x5FFFF;
	_ =	strace $0x90000046  }
0xb2: {  	s29 =	simm.s32 $0x9;
	_ =	strace $0x80000048  }
0xb3: {  	_ =	swait.ge [sflag:s29], $0x1  }
0xb4: {  	[sflag:s29] =	ssyncadd.s32 $0xFFFFFFFF  }
0xb5: {  	_ =	strace $0x90000048  }
0xb6: {  	_ =	sfence  }
0xb7: {  	s30 =	sld [smem:$0x0];
	_ =	sdelay $0x2  }
0xb8: {  	s31 =	sshll.u32 s1, $0xD;
	s1 =	sshrl.u32 s1, $0x2  }
0xb9: {  	s3 =	sand.u32 $0x4000, s31;
	s1 =	sadd.s32 s1, s30  }
0xba: {  	s0 =	sor.u32 s3, s0;
	s1 =	sshll.u32 s1, $0x11  }
0xbb: {  	s0 =	sor.u32 s1, s0  }
0xbc: {  	s0 =	sadd.s32 $0x8F2B, s0  }
0xbd: {  	[sflag:s0] =	ssyncadd.remote.s32 $0x1  }
0xbe: {  	_ =	sfence.sel $0xFFFF  }
0xbf: {  	[dreg:$0x0] =	wrdreg $0xFFFFFFFF;
	(pc) =	sbr.abs _section_cstart, $3  }
0xc0: {  	[dreg:$0x1] =	wrdreg $0xFFFFFFFF  }
0xc1: {  	_ =	task.clear_ibuf [dreg:s7], $0x2FFFF;
	_ =	strace $0x9FFFFFFF  }
0xc2: {  	(tm) =	ssettm $0x7FFFFFFF  }
0xc3: {  	_ =	shalt  }
tec
execute0_lowered:
.L_overlay_start_1:
0x0: {  	(tag) =	ssettag $0x1  }
0x1: {  	s3 =	rddreg [dreg:$0x0]  }
0x2: {  	s4 =	rddreg [dreg:$0x1]  }
0x3: {  	s0 =	rddreg [dreg:$0x2];
	s2 =	simm.s32 $0x0;
	s5 =	srdreg.scid  }
0x4: {  	s1 =	stileid.u32;
	s10 =	simm.s32 $0x0;
	s5 =	sand.u32 $0x1, s5  }
0x5: {  	s6 =	sshrl.u32 s1, $0x2;
	s7 =	sshll.u32 s1, $0x8;
	[smem:$0x7FF] =	sst s2  }
0x6: {  	s8 =	sshll.u32 s5, $0x7;
	s7 =	sand.u32 $0x300, s7;
	s9 =	smul.u32 $0x13C00, s6  }
0x7: {  	s6 =	smul.u32 $0x14000, s6;
	s5 =	ssub.s32 $0x2, s5;
	s7 =	sor.u32 s8, s7  }
0x8: {  	_ =	strace $0x80000047;
	s31 =	sshrl.u32 s5, $0x1;
	s8 =	sor.u32 s9, s7  }
0x9: {  	s6 =	sor.u32 s6, s7;
	s5 =	ssub.s32 s5, s31;
	s7 =	simm.s32 $0x400  }
0xa: {  	s9 =	simm.s32 $0x2800;
	s8 =	sshrl.u32 s8, $0x3;
	s6 =	sshrl.u32 s6, $0x3  }
0xb: {  	s5 =	smax.u32 s5, $0x1;
	s4 =	sadd.s32 s8, s4;
	s3 =	sadd.s32 s3, s6  }
0xc: {  	v0 =	vimm.f32 $0.0e+00;
	v1 =	vimm.f32 $1.000000000e+00;
	s6 =	simm.s32 $0x80;
	s8 =	simm.s32 $0x1;
	s4 =	sadd.s32 $0x3000, s4  }
.LBB2_1:
0xd: {  	[tilespmem:s2], [sflag:$0x1] =	stream.strided.gather [hbm4b:s3+s6], $0x2800, s7, s6, $0x38;
	[tilespmem:$0x4F80] =	vst v63  }
0xe: {  	_ =	swait.ge [sflag:s8], $0x2800  }
0xf: {  	[sflag:s8] =	ssyncset.done $0x0  }
0x10: {  	s11 =	simm.s32 $0x0;
	[sflag:s8] =	ssyncadd.s32 $0xFFFFD800  }
.LBB2_2:
0x11: {  	p0 =	sne.s32 s11, $0x9DC0  }
.Ltmp0:
0x12: {  	_ = 	snop;
	(pc) =	sbr.rel @p0 .LBB2_2-.Ltmp0, $3  }
0x13: {  	_ =	sdelay $0x1  }
0x14: {  	s12 =	sshra.s32 s11, $0x2  }
0x15: {  	s11 =	sadd.s32 $0x40, s11;
	[tilespmem:s12+$0x2800] =	vst v0  }
0x16: {  	s12 =	simm.s32 $0x0;
	s11 =	simm.s32 $0x40  }
.LBB2_4:
0x17: {  	p0 =	sne.s32 s11, $0x9FC0;
	v2 =	vld [tilespmem:s12+$0x0];
	_ =	sdelay $0x3  }
.Ltmp1:
0x18: {  	(pc) =	sbr.rel @p0 .LBB2_4-.Ltmp1, $2  }
0x19: {  	_ =	sdelay $0x2  }
0x1a: {  	s12 =	sshra.s32 s11, $0x2;
	s11 =	sadd.s32 $0x40, s11;
	[tilespmem:v2+s9+$0x0] =	vst.idx.add.f32.msk $0xffff, v1  }
0x1b: {  	v2 =	vld [tilespmem:s12+$0x0];
	_ =	sdelay $0x5  }
0x1c: {  	s10 =	sadd.s32 $0x1, s10  }
0x1d: {  	p0 =	sne.s32 s10, s5  }
.Ltmp2:
0x1e: {  	[tilespmem:v2+s9+$0x0] =	vst.idx.add.f32.msk $0xffff, v1;
	(pc) =	sbr.rel @p0 .LBB2_1-.Ltmp2, $4  }
0x1f: {  	[hbm4b:s4+s6] =	stream.strided.scatter [tilespmem:s9], [sflag:$0x1], $0x2780, s7, s6, $0x38;
	[tilespmem:$0x4F80] =	vst v63  }
0x20: {  	_ =	swait.ge [sflag:s8], $0x2780  }
0x21: {  	[sflag:s8] =	ssyncset.done $0x0  }
0x22: {  	[sflag:s8] =	ssyncadd.s32 $0xFFFFD880  }
0x23: {  	_ =	sfence.sel $0x180000  }
0x24: {  	[bflag:$0x0] =	sbarrier.arrive $0xFFFF  }
0x25: {  	p0 =	sne.s32 s1, $0x0;
	_ =	strace $0x90000047  }
0x26: {  	s0 =	sadd.s32 @!p0 $0x100000, s0;
	[bflag:$0x2] =	sbarrier.arrive $0xFFFF  }
0x27: {  	[sflag:s0] =	ssyncadd.tile.s32 @!p0 $0x1;
	_ =	shalt  }
.Lfunc_end2:
_tile_overlayer_lowered:
.L_overlay_start_2:
0x28: {  	(tag) =	ssettag $0x2  }
0x29: {  	s0 =	rddreg [dreg:$0x0];
	s2 =	stileid.u32  }
0x2a: {  	s1 =	rddreg [dreg:$0x1];
	p0 =	sne.s32 s2, $0x0  }
0x2b: {  	s3 =	rddreg [dreg:$0x2];
	[bflag:$0x3] =	sbarrier.arrive $0xFFFF;
	s2 =	simm.s32 @!p0 $0x1C01  }
0x2c: {  	[timem:s3], [sflag:s2] =	dma.local @!p0 [hbm:s0], s1  }
0x2d: {  	s0 =	simm.s32 @!p0 $0x1  }
0x2e: {  	_ =	swait.ge @!p0 [sflag:s0], s1  }
0x2f: {  	s1 =	ssub.s32 @!p0 $0x0, s1;
	[sflag:s0] =	ssyncset.done @!p0 $0x0  }
0x30: {  	[sflag:s0] =	ssyncadd.s32 @!p0 s1  }
0x31: {  	[bflag:$0x3] =	sbarrier.arrive $0xFFFF  }
0x32: {  	_ =	shalt  }

</sc_bundles>
